<compile_context>
chip_gen: v7x
topology: tpu7x:2x2x1
jax: 0.10.2.dev20260603
libtpu: 0.0.44.dev20260713+nightly
codegen_flags: <defaults>
</compile_context>

<pallas_src>
import functools

import jax
import jax.numpy as jnp
from jax import lax
from jax.experimental import pallas as pl
from jax.experimental.pallas import tpu as pltpu
from jax.experimental.pallas import tpu_sc as plsc

_NC = 2
_NS = 16
_NW = _NC * _NS
_EU = 128


def _units_per_tile(e, nbuf):
    units = -(-e // _EU)
    nu = -(-units // _NW)
    return -(-nu // nbuf) * nbuf


def _make_seg_sum(n, e, dp, nbuf, name):
    nu = _units_per_tile(e, nbuf)
    npad = -(-n // _EU) * _EU
    rpt = npad // _NS
    mesh = plsc.VectorSubcoreMesh(core_axis_name="c", subcore_axis_name="s")

    @functools.partial(
        pl.kernel,
        out_type=jax.ShapeDtypeStruct((_NC, npad, dp), jnp.float32),
        mesh=mesh,
        scratch_types=(
            [pltpu.VMEM((nu, _EU), jnp.int32),
             pltpu.VMEM((nu, _EU), jnp.int32)]
            + [pltpu.VMEM((_EU, dp), jnp.float32) for _ in range(nbuf)]
            + [pltpu.SemaphoreType.DMA for _ in range(2 * nbuf)]
            + [pltpu.VMEM_SHARED((npad, dp), jnp.float32)]
        ),
        compiler_params=pltpu.CompilerParams(use_tc_tiling_on_sc=False),
        name=name,
    )
    def seg_sum(feat_hbm, eidx_hbm, zero_hbm, out_hbm, sidx, didx,
                *rest):
        rows = rest[:nbuf]
        gsem = rest[nbuf:2 * nbuf]
        ssem = rest[2 * nbuf:3 * nbuf]
        acc = rest[3 * nbuf]
        c = lax.axis_index("c")
        s = lax.axis_index("s")
        w = s * _NC + c
        pltpu.sync_copy(zero_hbm, acc.at[pl.ds(s * rpt, rpt)])
        pltpu.sync_copy(eidx_hbm.at[0, pl.ds(w * nu, nu)], sidx)
        pltpu.sync_copy(eidx_hbm.at[1, pl.ds(w * nu, nu)], didx)
        plsc.subcore_barrier()

        def gather(j, r):
            pltpu.async_copy(feat_hbm.at[sidx.at[j]], rows[r], gsem[r])

        def scatter(j, r):
            pltpu.async_copy(rows[r], acc.at[didx.at[j]], ssem[r], add=True)

        def wait_g(r):
            pltpu.make_async_copy(feat_hbm.at[sidx.at[0]], rows[r],
                                  gsem[r]).wait()

        def wait_s(r):
            pltpu.make_async_copy(rows[r], acc.at[didx.at[0]], ssem[r]).wait()

        for r in range(nbuf):
            gather(r, r)
        nblk = nu // nbuf

        def body(b, carry):
            j0 = b * nbuf
            for r in range(nbuf):
                wait_g(r)
                scatter(j0 + r, r)
            for r in range(nbuf):
                wait_s(r)
                gather(j0 + nbuf + r, r)
            return carry

        lax.fori_loop(0, nblk - 1, body, 0)
        j0 = (nblk - 1) * nbuf
        for r in range(nbuf):
            wait_g(r)
            scatter(j0 + r, r)
        for r in range(nbuf):
            wait_s(r)
        plsc.subcore_barrier()
        pltpu.sync_copy(acc.at[pl.ds(s * rpt, rpt)],
                        out_hbm.at[c, pl.ds(s * rpt, rpt)])

    return seg_sum


def _tc_dense(x, sum1a, sum1b, w1l, w1r, w2lp, w2rp, b1, b2p, n, blk):
    d = x.shape[1]
    grid = (n // blk,)

    dh = d // 2

    def body(x_ref, sa_ref, sb_ref, w1l_ref, w1r_ref, w2l_ref, w2r_ref,
             b1_ref, b2_ref, y2_ref, hr_ref, rc_ref):
        sa = sa_ref[0] + sa_ref[1]
        sb = sb_ref[0] + sb_ref[1]
        agg = jnp.concatenate([sa[:, :dh], sb], axis=1)
        cnt = sa[:, dh:dh + 1]
        recip = 1.0 / jnp.maximum(cnt, 1.0)
        aggm = agg * recip
        h = aggm @ w1l_ref[...].T + x_ref[...] @ w1r_ref[...].T + b1_ref[...]
        h = jnp.maximum(h, 0.0)
        y2_ref[...] = h @ w2l_ref[...].T
        hr_ref[...] = h @ w2r_ref[...].T + b2_ref[...]
        rc_ref[...] = jnp.broadcast_to(recip, (blk, 16))

    dpa, dpb = sum1a.shape[2], sum1b.shape[2]
    return pl.pallas_call(
        body,
        grid=grid,
        in_specs=[
            pl.BlockSpec((blk, d), lambda i: (i, 0)),
            pl.BlockSpec((2, blk, dpa), lambda i: (0, i, 0)),
            pl.BlockSpec((2, blk, dpb), lambda i: (0, i, 0)),
            pl.BlockSpec(w1l.shape, lambda i: (0, 0)),
            pl.BlockSpec(w1r.shape, lambda i: (0, 0)),
            pl.BlockSpec(w2lp.shape, lambda i: (0, 0)),
            pl.BlockSpec(w2rp.shape, lambda i: (0, 0)),
            pl.BlockSpec(b1.shape, lambda i: (0, 0)),
            pl.BlockSpec(b2p.shape, lambda i: (0, 0)),
        ],
        out_specs=[
            pl.BlockSpec((blk, 16), lambda i: (i, 0)),
            pl.BlockSpec((blk, 16), lambda i: (i, 0)),
            pl.BlockSpec((blk, 16), lambda i: (i, 0)),
        ],
        out_shape=[
            jax.ShapeDtypeStruct((n, 16), jnp.float32),
            jax.ShapeDtypeStruct((n, 16), jnp.float32),
            jax.ShapeDtypeStruct((n, 16), jnp.float32),
        ],
    )(x, sum1a, sum1b, w1l, w1r, w2lp, w2rp, b1, b2p)


def _tc_combine(sum2, rc16, hr, n, o):

    def body(s2_ref, rc_ref, hr_ref, o_ref):
        o_ref[...] = ((s2_ref[0] + s2_ref[1]) * rc_ref[...] + hr_ref[...])[:, :o]

    return pl.pallas_call(
        body,
        grid=(1,),
        in_specs=[
            pl.BlockSpec((2, n, 16), lambda i: (0, 0, 0)),
            pl.BlockSpec((n, 16), lambda i: (0, 0)),
            pl.BlockSpec((n, 16), lambda i: (0, 0)),
        ],
        out_specs=pl.BlockSpec((n, o), lambda i: (0, 0)),
        out_shape=jax.ShapeDtypeStruct((n, o), jnp.float32),
    )(sum2, rc16, hr)


def kernel(x, edge_index, W1l, b1, W1r, W2l, b2, W2r):
    n, d = x.shape
    e = edge_index.shape[1]
    o = W2l.shape[0]

    nbufa, nbufb, nbuf2 = 5, 8, 10
    dh = d // 2
    dpa = dh + 16

    nu = _units_per_tile(e, nbufa)
    assert nu == _units_per_tile(e, nbufb) == _units_per_tile(e, nbuf2)
    tot = nu * _NW * _EU
    npad = -(-n // _EU) * _EU
    ar = jnp.arange(tot - e, dtype=jnp.int32)
    eidx = jnp.concatenate(
        [edge_index, jnp.stack([ar % n, n + ar % (npad - n)])],
        axis=1).reshape(2, -1, _EU)

    xxa = jnp.concatenate([x[:, :dh], jnp.ones((n, 1), jnp.float32),
                           jnp.zeros((n, 15), jnp.float32)], axis=1)
    xxb = x[:, dh:]
    npad = -(-n // _EU) * _EU
    zeroa = jnp.zeros((npad // _NS, dpa), jnp.float32)
    zerob = jnp.zeros((npad // _NS, dh), jnp.float32)
    zero2 = jnp.zeros((npad // _NS, 16), jnp.float32)
    w2lp = jnp.zeros((16, d), jnp.float32).at[:o].set(W2l)
    w2rp = jnp.zeros((16, d), jnp.float32).at[:o].set(W2r)
    b2p = jnp.zeros((1, 16), jnp.float32).at[0, :o].set(b2)
    b1r = b1.reshape(1, d)

    seg1a = _make_seg_sum(n, e, dpa, nbufa, "sage_seg_sum_l1a")
    seg1b = _make_seg_sum(n, e, dh, nbufb, "sage_seg_sum_l1b")
    seg2 = _make_seg_sum(n, e, 16, nbuf2, "sage_seg_sum_l2")

    sum1a = seg1a(xxa, eidx, zeroa)
    zerob, _ = lax.optimization_barrier((zerob, sum1a))
    sum1b = seg1b(xxb, eidx, zerob)
    y2, hr, rc16 = _tc_dense(x, sum1a, sum1b, W1l, W1r, w2lp, w2rp, b1r, b2p,
                             n, 1000)
    sum2 = seg2(y2, eidx, zero2)
    return _tc_combine(sum2, rc16, hr, n, o)

# --- scband reference (transcript-rebuilt; emitter-appended) ---
"""Pipeline reference for scband-student-graph-sage-38250978738252 (READ-ONLY COPY).

The authoritative reference and input builder live on the scoring server;
editing this copy changes nothing except your own understanding.
"""

import jax, jax.numpy as jnp
import numpy as np

N = 10000
E = 320000
D = 128
H = 128
O = 2


def setup_inputs(seed: int = 0) -> dict:
    key = jax.random.key(seed)
    ks = jax.random.split(key, 8)
    x = jax.random.normal(ks[0], (N, D), dtype=jnp.float32)
    edge_index = jax.random.randint(ks[1], (2, E), 0, N, dtype=jnp.int32)
    W1l = jax.random.normal(ks[2], (H, D), dtype=jnp.float32) * (1.0 / np.sqrt(D))
    b1 = jnp.zeros((H,), dtype=jnp.float32)
    W1r = jax.random.normal(ks[3], (H, D), dtype=jnp.float32) * (1.0 / np.sqrt(D))
    W2l = jax.random.normal(ks[4], (O, H), dtype=jnp.float32) * (1.0 / np.sqrt(H))
    b2 = jnp.zeros((O,), dtype=jnp.float32)
    W2r = jax.random.normal(ks[5], (O, H), dtype=jnp.float32) * (1.0 / np.sqrt(H))
    return {"x": x, "edge_index": edge_index, "W1l": W1l, "b1": b1, "W1r": W1r,
            "W2l": W2l, "b2": b2, "W2r": W2r}


def _sage_conv(x, src, dst, Wl, bl, Wr, n_nodes):
    # PyG SAGEConv with mean aggregation:
    #   out = lin_l(mean_{j in N(i)} x_j) + lin_r(x_i)
    msgs = x[src]  # gather source node features per edge
    agg = jax.ops.segment_sum(msgs, dst, num_segments=n_nodes)
    cnt = jax.ops.segment_sum(jnp.ones((src.shape[0],), dtype=x.dtype), dst,
                              num_segments=n_nodes)
    agg = agg / jnp.clip(cnt, 1.0, None)[:, None]
    return agg @ Wl.T + bl + x @ Wr.T


def reference(x, edge_index, W1l, b1, W1r, W2l, b2, W2r):
    src = edge_index[0]
    dst = edge_index[1]
    n = x.shape[0]
    h = _sage_conv(x, src, dst, W1l, b1, W1r, n)
    h = jax.nn.relu(h)
    out = _sage_conv(h, src, dst, W2l, b2, W2r, n)
    return out

if __name__ == "__main__":
    import jax
    _d = setup_inputs()
    print(jax.jit(kernel)(*tuple(_d.values())))

</pallas_src>

<mosaic_0001>
#map = affine_map<(d0, d1) -> (0, 0)>
#map1 = affine_map<(d0, d1) -> (0, 0, 0)>
module attributes {stable_mosaic.version = 14 : i64} {
  func.func @sage_seg_sum_l2(%arg0: i32, %arg1: i32, %arg2: memref<10000x16xf32, #tpu.memory_space<hbm>>, %arg3: memref<2x2560x128xi32, #tpu.memory_space<hbm>>, %arg4: memref<632x16xf32, #tpu.memory_space<hbm>>, %arg5: memref<2x10112x16xf32, #tpu.memory_space<hbm>>, %arg6: memref<80x128xi32, #tpu.memory_space<vmem>>, %arg7: memref<80x128xi32, #tpu.memory_space<vmem>>, %arg8: memref<128x16xf32, #tpu.memory_space<vmem>>, %arg9: memref<128x16xf32, #tpu.memory_space<vmem>>, %arg10: memref<128x16xf32, #tpu.memory_space<vmem>>, %arg11: memref<128x16xf32, #tpu.memory_space<vmem>>, %arg12: memref<128x16xf32, #tpu.memory_space<vmem>>, %arg13: memref<128x16xf32, #tpu.memory_space<vmem>>, %arg14: memref<128x16xf32, #tpu.memory_space<vmem>>, %arg15: memref<128x16xf32, #tpu.memory_space<vmem>>, %arg16: memref<128x16xf32, #tpu.memory_space<vmem>>, %arg17: memref<128x16xf32, #tpu.memory_space<vmem>>, %arg18: memref<!tpu.dma_semaphore, #tpu.memory_space<semaphore_mem>>, %arg19: memref<!tpu.dma_semaphore, #tpu.memory_space<semaphore_mem>>, %arg20: memref<!tpu.dma_semaphore, #tpu.memory_space<semaphore_mem>>, %arg21: memref<!tpu.dma_semaphore, #tpu.memory_space<semaphore_mem>>, %arg22: memref<!tpu.dma_semaphore, #tpu.memory_space<semaphore_mem>>, %arg23: memref<!tpu.dma_semaphore, #tpu.memory_space<semaphore_mem>>, %arg24: memref<!tpu.dma_semaphore, #tpu.memory_space<semaphore_mem>>, %arg25: memref<!tpu.dma_semaphore, #tpu.memory_space<semaphore_mem>>, %arg26: memref<!tpu.dma_semaphore, #tpu.memory_space<semaphore_mem>>, %arg27: memref<!tpu.dma_semaphore, #tpu.memory_space<semaphore_mem>>, %arg28: memref<!tpu.dma_semaphore, #tpu.memory_space<semaphore_mem>>, %arg29: memref<!tpu.dma_semaphore, #tpu.memory_space<semaphore_mem>>, %arg30: memref<!tpu.dma_semaphore, #tpu.memory_space<semaphore_mem>>, %arg31: memref<!tpu.dma_semaphore, #tpu.memory_space<semaphore_mem>>, %arg32: memref<!tpu.dma_semaphore, #tpu.memory_space<semaphore_mem>>, %arg33: memref<!tpu.dma_semaphore, #tpu.memory_space<semaphore_mem>>, %arg34: memref<!tpu.dma_semaphore, #tpu.memory_space<semaphore_mem>>, %arg35: memref<!tpu.dma_semaphore, #tpu.memory_space<semaphore_mem>>, %arg36: memref<!tpu.dma_semaphore, #tpu.memory_space<semaphore_mem>>, %arg37: memref<!tpu.dma_semaphore, #tpu.memory_space<semaphore_mem>>, %arg38: memref<10112x16xf32, #tpu.memory_space<vmem_shared>>) attributes {dimension_semantics = [#tpu.dimension_semantics<core_parallel>, #tpu.dimension_semantics<subcore_parallel>], iteration_bounds = array<i64: 2, 16>, scalar_prefetch = 0 : i64, scratch_operands = 33 : i64, tpu.core_type = #tpu.core_type<sc_vector_subcore>, window_params = [{transform_indices = #map}, {transform_indices = #map1}, {transform_indices = #map}, {transform_indices = #map1}]} {
    %mul3A = arith.constant 2 : i32
    %mul3A_0 = arith.muli %arg1, %mul3A : i32
    %add3A = arith.addi %mul3A_0, %arg0 : i32
    %mul3A_1 = arith.constant 632 : i32
    %mul3A_2 = arith.muli %arg1, %mul3A_1 : i32
    "tpu.region"() ({
      %run_scoped3A_296 = tpu.sem_alloc : memref<!tpu.dma_semaphore, #tpu.memory_space<semaphore_mem>>
      %dma_start3A_297 = arith.constant 0 : i32
      %dma_start3A_298 = tpu.memref_slice %arg38[%mul3A_2, %dma_start3A_297] : memref<10112x16xf32, #tpu.memory_space<vmem_shared>> -> memref<632x16xf32, #tpu.memory_space<vmem_shared>>
      tpu.enqueue_dma source(%arg4 : memref<632x16xf32, #tpu.memory_space<hbm>>) target(%dma_start3A_298 : memref<632x16xf32, #tpu.memory_space<vmem_shared>>) target_semaphore(%run_scoped3A_296 : memref<!tpu.dma_semaphore, #tpu.memory_space<semaphore_mem>>)
      %dma_wait3A_299 = arith.constant 0 : i32
      %dma_wait3A_300 = tpu.memref_slice %arg38[%mul3A_2, %dma_wait3A_299] : memref<10112x16xf32, #tpu.memory_space<vmem_shared>> -> memref<632x16xf32, #tpu.memory_space<vmem_shared>>
      tpu.wait_dma2 semaphore(%run_scoped3A_296 : memref<!tpu.dma_semaphore, #tpu.memory_space<semaphore_mem>>) src(%arg4 : memref<632x16xf32, #tpu.memory_space<hbm>>) dst(%dma_wait3A_300 : memref<632x16xf32, #tpu.memory_space<vmem_shared>>)
      tpu.yield
    }) : () -> ()
    %mul3A_3 = arith.constant 80 : i32
    %mul3A_4 = arith.muli %add3A, %mul3A_3 : i32
    %run_scoped3A = arith.constant 0 : i32
    "tpu.region"() ({
      %run_scoped3A_296 = tpu.sem_alloc : memref<!tpu.dma_semaphore, #tpu.memory_space<semaphore_mem>>
      %dma_start3A_297 = arith.constant 0 : i32
      %dma_start3A_298 = tpu.memref_slice %arg3[%run_scoped3A, %mul3A_4, %dma_start3A_297] : memref<2x2560x128xi32, #tpu.memory_space<hbm>> -> memref<1x80x128xi32, #tpu.memory_space<hbm>>
      %dma_start3A_299 = tpu.memref_squeeze %dma_start3A_298 : memref<1x80x128xi32, #tpu.memory_space<hbm>> -> memref<80x128xi32, #tpu.memory_space<hbm>>
      %dma_start3A_300 = arith.constant 0 : i32
      %dma_start3A_301 = tpu.memref_slice %arg3[%run_scoped3A, %mul3A_4, %dma_start3A_300] : memref<2x2560x128xi32, #tpu.memory_space<hbm>> -> memref<1x80x128xi32, #tpu.memory_space<hbm>>
      %dma_start3A_302 = tpu.memref_squeeze %dma_start3A_301 : memref<1x80x128xi32, #tpu.memory_space<hbm>> -> memref<80x128xi32, #tpu.memory_space<hbm>>
      tpu.enqueue_dma source(%dma_start3A_302 : memref<80x128xi32, #tpu.memory_space<hbm>>) target(%arg6 : memref<80x128xi32, #tpu.memory_space<vmem>>) target_semaphore(%run_scoped3A_296 : memref<!tpu.dma_semaphore, #tpu.memory_space<semaphore_mem>>)
      %dma_wait3A_303 = arith.constant 0 : i32
      %dma_wait3A_304 = tpu.memref_slice %arg3[%run_scoped3A, %mul3A_4, %dma_wait3A_303] : memref<2x2560x128xi32, #tpu.memory_space<hbm>> -> memref<1x80x128xi32, #tpu.memory_space<hbm>>
      %dma_wait3A_305 = tpu.memref_squeeze %dma_wait3A_304 : memref<1x80x128xi32, #tpu.memory_space<hbm>> -> memref<80x128xi32, #tpu.memory_space<hbm>>
      %dma_wait3A_306 = arith.constant 0 : i32
      %dma_wait3A_307 = tpu.memref_slice %arg3[%run_scoped3A, %mul3A_4, %dma_wait3A_306] : memref<2x2560x128xi32, #tpu.memory_space<hbm>> -> memref<1x80x128xi32, #tpu.memory_space<hbm>>
      %dma_wait3A_308 = tpu.memref_squeeze %dma_wait3A_307 : memref<1x80x128xi32, #tpu.memory_space<hbm>> -> memref<80x128xi32, #tpu.memory_space<hbm>>
      tpu.wait_dma2 semaphore(%run_scoped3A_296 : memref<!tpu.dma_semaphore, #tpu.memory_space<semaphore_mem>>) src(%dma_wait3A_308 : memref<80x128xi32, #tpu.memory_space<hbm>>) dst(%arg6 : memref<80x128xi32, #tpu.memory_space<vmem>>)
      tpu.yield
    }) : () -> ()
    %mul3A_5 = arith.constant 80 : i32
    %mul3A_6 = arith.muli %add3A, %mul3A_5 : i32
    %run_scoped3A_7 = arith.constant 1 : i32
    "tpu.region"() ({
      %run_scoped3A_296 = tpu.sem_alloc : memref<!tpu.dma_semaphore, #tpu.memory_space<semaphore_mem>>
      %dma_start3A_297 = arith.constant 0 : i32
      %dma_start3A_298 = tpu.memref_slice %arg3[%run_scoped3A_7, %mul3A_6, %dma_start3A_297] : memref<2x2560x128xi32, #tpu.memory_space<hbm>> -> memref<1x80x128xi32, #tpu.memory_space<hbm>>
      %dma_start3A_299 = tpu.memref_squeeze %dma_start3A_298 : memref<1x80x128xi32, #tpu.memory_space<hbm>> -> memref<80x128xi32, #tpu.memory_space<hbm>>
      %dma_start3A_300 = arith.constant 0 : i32
      %dma_start3A_301 = tpu.memref_slice %arg3[%run_scoped3A_7, %mul3A_6, %dma_start3A_300] : memref<2x2560x128xi32, #tpu.memory_space<hbm>> -> memref<1x80x128xi32, #tpu.memory_space<hbm>>
      %dma_start3A_302 = tpu.memref_squeeze %dma_start3A_301 : memref<1x80x128xi32, #tpu.memory_space<hbm>> -> memref<80x128xi32, #tpu.memory_space<hbm>>
      tpu.enqueue_dma source(%dma_start3A_302 : memref<80x128xi32, #tpu.memory_space<hbm>>) target(%arg7 : memref<80x128xi32, #tpu.memory_space<vmem>>) target_semaphore(%run_scoped3A_296 : memref<!tpu.dma_semaphore, #tpu.memory_space<semaphore_mem>>)
      %dma_wait3A_303 = arith.constant 0 : i32
      %dma_wait3A_304 = tpu.memref_slice %arg3[%run_scoped3A_7, %mul3A_6, %dma_wait3A_303] : memref<2x2560x128xi32, #tpu.memory_space<hbm>> -> memref<1x80x128xi32, #tpu.memory_space<hbm>>
      %dma_wait3A_305 = tpu.memref_squeeze %dma_wait3A_304 : memref<1x80x128xi32, #tpu.memory_space<hbm>> -> memref<80x128xi32, #tpu.memory_space<hbm>>
      %dma_wait3A_306 = arith.constant 0 : i32
      %dma_wait3A_307 = tpu.memref_slice %arg3[%run_scoped3A_7, %mul3A_6, %dma_wait3A_306] : memref<2x2560x128xi32, #tpu.memory_space<hbm>> -> memref<1x80x128xi32, #tpu.memory_space<hbm>>
      %dma_wait3A_308 = tpu.memref_squeeze %dma_wait3A_307 : memref<1x80x128xi32, #tpu.memory_space<hbm>> -> memref<80x128xi32, #tpu.memory_space<hbm>>
      tpu.wait_dma2 semaphore(%run_scoped3A_296 : memref<!tpu.dma_semaphore, #tpu.memory_space<semaphore_mem>>) src(%dma_wait3A_308 : memref<80x128xi32, #tpu.memory_space<hbm>>) dst(%arg7 : memref<80x128xi32, #tpu.memory_space<vmem>>)
      tpu.yield
    }) : () -> ()
    %barrier3A = arith.constant 0 : index
    tpu.barrier barrier_id(%barrier3A)
    %dma_start3A = arith.constant 0 : i32
    %dma_start3A_8 = arith.constant 0 : i32
    %dma_start3A_9 = tpu.memref_slice %arg6[%dma_start3A, %dma_start3A_8] : memref<80x128xi32, #tpu.memory_space<vmem>> -> memref<1x128xi32, #tpu.memory_space<vmem>>
    %dma_start3A_10 = tpu.memref_squeeze %dma_start3A_9 : memref<1x128xi32, #tpu.memory_space<vmem>> -> memref<128xi32, #tpu.memory_space<vmem>>
    %dma_start3A_11 = arith.constant 0 : i32
    %dma_start3A_12 = arith.constant 0 : i32
    %dma_start3A_13 = tpu.memref_slice %arg2[%dma_start3A_11, %dma_start3A_12] : memref<10000x16xf32, #tpu.memory_space<hbm>> -> memref<10000x16xf32, #tpu.memory_space<hbm>>
    tpu.enqueue_indirect_dma source(%dma_start3A_13 : memref<10000x16xf32, #tpu.memory_space<hbm>>) target(%arg8 : memref<128x16xf32, #tpu.memory_space<vmem>>) offsets(%dma_start3A_10 : memref<128xi32, #tpu.memory_space<vmem>>) semaphore(%arg18 : memref<!tpu.dma_semaphore, #tpu.memory_space<semaphore_mem>>)
    %dma_start3A_14 = arith.constant 1 : i32
    %dma_start3A_15 = arith.constant 0 : i32
    %dma_start3A_16 = tpu.memref_slice %arg6[%dma_start3A_14, %dma_start3A_15] : memref<80x128xi32, #tpu.memory_space<vmem>> -> memref<1x128xi32, #tpu.memory_space<vmem>>
    %dma_start3A_17 = tpu.memref_squeeze %dma_start3A_16 : memref<1x128xi32, #tpu.memory_space<vmem>> -> memref<128xi32, #tpu.memory_space<vmem>>
    %dma_start3A_18 = arith.constant 0 : i32
    %dma_start3A_19 = arith.constant 0 : i32
    %dma_start3A_20 = tpu.memref_slice %arg2[%dma_start3A_18, %dma_start3A_19] : memref<10000x16xf32, #tpu.memory_space<hbm>> -> memref<10000x16xf32, #tpu.memory_space<hbm>>
    tpu.enqueue_indirect_dma source(%dma_start3A_20 : memref<10000x16xf32, #tpu.memory_space<hbm>>) target(%arg9 : memref<128x16xf32, #tpu.memory_space<vmem>>) offsets(%dma_start3A_17 : memref<128xi32, #tpu.memory_space<vmem>>) semaphore(%arg19 : memref<!tpu.dma_semaphore, #tpu.memory_space<semaphore_mem>>)
    %dma_start3A_21 = arith.constant 2 : i32
    %dma_start3A_22 = arith.constant 0 : i32
    %dma_start3A_23 = tpu.memref_slice %arg6[%dma_start3A_21, %dma_start3A_22] : memref<80x128xi32, #tpu.memory_space<vmem>> -> memref<1x128xi32, #tpu.memory_space<vmem>>
    %dma_start3A_24 = tpu.memref_squeeze %dma_start3A_23 : memref<1x128xi32, #tpu.memory_space<vmem>> -> memref<128xi32, #tpu.memory_space<vmem>>
    %dma_start3A_25 = arith.constant 0 : i32
    %dma_start3A_26 = arith.constant 0 : i32
    %dma_start3A_27 = tpu.memref_slice %arg2[%dma_start3A_25, %dma_start3A_26] : memref<10000x16xf32, #tpu.memory_space<hbm>> -> memref<10000x16xf32, #tpu.memory_space<hbm>>
    tpu.enqueue_indirect_dma source(%dma_start3A_27 : memref<10000x16xf32, #tpu.memory_space<hbm>>) target(%arg10 : memref<128x16xf32, #tpu.memory_space<vmem>>) offsets(%dma_start3A_24 : memref<128xi32, #tpu.memory_space<vmem>>) semaphore(%arg20 : memref<!tpu.dma_semaphore, #tpu.memory_space<semaphore_mem>>)
    %dma_start3A_28 = arith.constant 3 : i32
    %dma_start3A_29 = arith.constant 0 : i32
    %dma_start3A_30 = tpu.memref_slice %arg6[%dma_start3A_28, %dma_start3A_29] : memref<80x128xi32, #tpu.memory_space<vmem>> -> memref<1x128xi32, #tpu.memory_space<vmem>>
    %dma_start3A_31 = tpu.memref_squeeze %dma_start3A_30 : memref<1x128xi32, #tpu.memory_space<vmem>> -> memref<128xi32, #tpu.memory_space<vmem>>
    %dma_start3A_32 = arith.constant 0 : i32
    %dma_start3A_33 = arith.constant 0 : i32
    %dma_start3A_34 = tpu.memref_slice %arg2[%dma_start3A_32, %dma_start3A_33] : memref<10000x16xf32, #tpu.memory_space<hbm>> -> memref<10000x16xf32, #tpu.memory_space<hbm>>
    tpu.enqueue_indirect_dma source(%dma_start3A_34 : memref<10000x16xf32, #tpu.memory_space<hbm>>) target(%arg11 : memref<128x16xf32, #tpu.memory_space<vmem>>) offsets(%dma_start3A_31 : memref<128xi32, #tpu.memory_space<vmem>>) semaphore(%arg21 : memref<!tpu.dma_semaphore, #tpu.memory_space<semaphore_mem>>)
    %dma_start3A_35 = arith.constant 4 : i32
    %dma_start3A_36 = arith.constant 0 : i32
    %dma_start3A_37 = tpu.memref_slice %arg6[%dma_start3A_35, %dma_start3A_36] : memref<80x128xi32, #tpu.memory_space<vmem>> -> memref<1x128xi32, #tpu.memory_space<vmem>>
    %dma_start3A_38 = tpu.memref_squeeze %dma_start3A_37 : memref<1x128xi32, #tpu.memory_space<vmem>> -> memref<128xi32, #tpu.memory_space<vmem>>
    %dma_start3A_39 = arith.constant 0 : i32
    %dma_start3A_40 = arith.constant 0 : i32
    %dma_start3A_41 = tpu.memref_slice %arg2[%dma_start3A_39, %dma_start3A_40] : memref<10000x16xf32, #tpu.memory_space<hbm>> -> memref<10000x16xf32, #tpu.memory_space<hbm>>
    tpu.enqueue_indirect_dma source(%dma_start3A_41 : memref<10000x16xf32, #tpu.memory_space<hbm>>) target(%arg12 : memref<128x16xf32, #tpu.memory_space<vmem>>) offsets(%dma_start3A_38 : memref<128xi32, #tpu.memory_space<vmem>>) semaphore(%arg22 : memref<!tpu.dma_semaphore, #tpu.memory_space<semaphore_mem>>)
    %dma_start3A_42 = arith.constant 5 : i32
    %dma_start3A_43 = arith.constant 0 : i32
    %dma_start3A_44 = tpu.memref_slice %arg6[%dma_start3A_42, %dma_start3A_43] : memref<80x128xi32, #tpu.memory_space<vmem>> -> memref<1x128xi32, #tpu.memory_space<vmem>>
    %dma_start3A_45 = tpu.memref_squeeze %dma_start3A_44 : memref<1x128xi32, #tpu.memory_space<vmem>> -> memref<128xi32, #tpu.memory_space<vmem>>
    %dma_start3A_46 = arith.constant 0 : i32
    %dma_start3A_47 = arith.constant 0 : i32
    %dma_start3A_48 = tpu.memref_slice %arg2[%dma_start3A_46, %dma_start3A_47] : memref<10000x16xf32, #tpu.memory_space<hbm>> -> memref<10000x16xf32, #tpu.memory_space<hbm>>
    tpu.enqueue_indirect_dma source(%dma_start3A_48 : memref<10000x16xf32, #tpu.memory_space<hbm>>) target(%arg13 : memref<128x16xf32, #tpu.memory_space<vmem>>) offsets(%dma_start3A_45 : memref<128xi32, #tpu.memory_space<vmem>>) semaphore(%arg23 : memref<!tpu.dma_semaphore, #tpu.memory_space<semaphore_mem>>)
    %dma_start3A_49 = arith.constant 6 : i32
    %dma_start3A_50 = arith.constant 0 : i32
    %dma_start3A_51 = tpu.memref_slice %arg6[%dma_start3A_49, %dma_start3A_50] : memref<80x128xi32, #tpu.memory_space<vmem>> -> memref<1x128xi32, #tpu.memory_space<vmem>>
    %dma_start3A_52 = tpu.memref_squeeze %dma_start3A_51 : memref<1x128xi32, #tpu.memory_space<vmem>> -> memref<128xi32, #tpu.memory_space<vmem>>
    %dma_start3A_53 = arith.constant 0 : i32
    %dma_start3A_54 = arith.constant 0 : i32
    %dma_start3A_55 = tpu.memref_slice %arg2[%dma_start3A_53, %dma_start3A_54] : memref<10000x16xf32, #tpu.memory_space<hbm>> -> memref<10000x16xf32, #tpu.memory_space<hbm>>
    tpu.enqueue_indirect_dma source(%dma_start3A_55 : memref<10000x16xf32, #tpu.memory_space<hbm>>) target(%arg14 : memref<128x16xf32, #tpu.memory_space<vmem>>) offsets(%dma_start3A_52 : memref<128xi32, #tpu.memory_space<vmem>>) semaphore(%arg24 : memref<!tpu.dma_semaphore, #tpu.memory_space<semaphore_mem>>)
    %dma_start3A_56 = arith.constant 7 : i32
    %dma_start3A_57 = arith.constant 0 : i32
    %dma_start3A_58 = tpu.memref_slice %arg6[%dma_start3A_56, %dma_start3A_57] : memref<80x128xi32, #tpu.memory_space<vmem>> -> memref<1x128xi32, #tpu.memory_space<vmem>>
    %dma_start3A_59 = tpu.memref_squeeze %dma_start3A_58 : memref<1x128xi32, #tpu.memory_space<vmem>> -> memref<128xi32, #tpu.memory_space<vmem>>
    %dma_start3A_60 = arith.constant 0 : i32
    %dma_start3A_61 = arith.constant 0 : i32
    %dma_start3A_62 = tpu.memref_slice %arg2[%dma_start3A_60, %dma_start3A_61] : memref<10000x16xf32, #tpu.memory_space<hbm>> -> memref<10000x16xf32, #tpu.memory_space<hbm>>
    tpu.enqueue_indirect_dma source(%dma_start3A_62 : memref<10000x16xf32, #tpu.memory_space<hbm>>) target(%arg15 : memref<128x16xf32, #tpu.memory_space<vmem>>) offsets(%dma_start3A_59 : memref<128xi32, #tpu.memory_space<vmem>>) semaphore(%arg25 : memref<!tpu.dma_semaphore, #tpu.memory_space<semaphore_mem>>)
    %dma_start3A_63 = arith.constant 8 : i32
    %dma_start3A_64 = arith.constant 0 : i32
    %dma_start3A_65 = tpu.memref_slice %arg6[%dma_start3A_63, %dma_start3A_64] : memref<80x128xi32, #tpu.memory_space<vmem>> -> memref<1x128xi32, #tpu.memory_space<vmem>>
    %dma_start3A_66 = tpu.memref_squeeze %dma_start3A_65 : memref<1x128xi32, #tpu.memory_space<vmem>> -> memref<128xi32, #tpu.memory_space<vmem>>
    %dma_start3A_67 = arith.constant 0 : i32
    %dma_start3A_68 = arith.constant 0 : i32
    %dma_start3A_69 = tpu.memref_slice %arg2[%dma_start3A_67, %dma_start3A_68] : memref<10000x16xf32, #tpu.memory_space<hbm>> -> memref<10000x16xf32, #tpu.memory_space<hbm>>
    tpu.enqueue_indirect_dma source(%dma_start3A_69 : memref<10000x16xf32, #tpu.memory_space<hbm>>) target(%arg16 : memref<128x16xf32, #tpu.memory_space<vmem>>) offsets(%dma_start3A_66 : memref<128xi32, #tpu.memory_space<vmem>>) semaphore(%arg26 : memref<!tpu.dma_semaphore, #tpu.memory_space<semaphore_mem>>)
    %dma_start3A_70 = arith.constant 9 : i32
    %dma_start3A_71 = arith.constant 0 : i32
    %dma_start3A_72 = tpu.memref_slice %arg6[%dma_start3A_70, %dma_start3A_71] : memref<80x128xi32, #tpu.memory_space<vmem>> -> memref<1x128xi32, #tpu.memory_space<vmem>>
    %dma_start3A_73 = tpu.memref_squeeze %dma_start3A_72 : memref<1x128xi32, #tpu.memory_space<vmem>> -> memref<128xi32, #tpu.memory_space<vmem>>
    %dma_start3A_74 = arith.constant 0 : i32
    %dma_start3A_75 = arith.constant 0 : i32
    %dma_start3A_76 = tpu.memref_slice %arg2[%dma_start3A_74, %dma_start3A_75] : memref<10000x16xf32, #tpu.memory_space<hbm>> -> memref<10000x16xf32, #tpu.memory_space<hbm>>
    tpu.enqueue_indirect_dma source(%dma_start3A_76 : memref<10000x16xf32, #tpu.memory_space<hbm>>) target(%arg17 : memref<128x16xf32, #tpu.memory_space<vmem>>) offsets(%dma_start3A_73 : memref<128xi32, #tpu.memory_space<vmem>>) semaphore(%arg27 : memref<!tpu.dma_semaphore, #tpu.memory_space<semaphore_mem>>)
    %scan3A = arith.constant 0 : i32
    %scan3A_77 = arith.constant 0 : i32
    %scan3A_78 = arith.constant 7 : i32
    %scan3A_79 = arith.addi %scan3A_77, %scan3A_78 : i32
    %scan3A_80 = arith.constant 1 : i32
    scf.for %scan3A_296 = %scan3A_77 to %scan3A_79 step %scan3A_80  : i32 {
      %mul3A_297 = arith.constant 10 : i32
      %mul3A_298 = arith.muli %scan3A_296, %mul3A_297 : i32
      %dma_wait3A_299 = arith.constant 0 : i32
      %dma_wait3A_300 = arith.constant 0 : i32
      %dma_wait3A_301 = tpu.memref_slice %arg6[%dma_wait3A_299, %dma_wait3A_300] : memref<80x128xi32, #tpu.memory_space<vmem>> -> memref<1x128xi32, #tpu.memory_space<vmem>>
      %dma_wait3A_302 = tpu.memref_squeeze %dma_wait3A_301 : memref<1x128xi32, #tpu.memory_space<vmem>> -> memref<128xi32, #tpu.memory_space<vmem>>
      %dma_wait3A_303 = arith.constant 0 : i32
      %dma_wait3A_304 = arith.constant 0 : i32
      %dma_wait3A_305 = tpu.memref_slice %arg2[%dma_wait3A_303, %dma_wait3A_304] : memref<10000x16xf32, #tpu.memory_space<hbm>> -> memref<10000x16xf32, #tpu.memory_space<hbm>>
      tpu.wait_indirect_dma semaphore(%arg18 : memref<!tpu.dma_semaphore, #tpu.memory_space<semaphore_mem>>) src(%dma_wait3A_305 : memref<10000x16xf32, #tpu.memory_space<hbm>>) dst(%arg8 : memref<128x16xf32, #tpu.memory_space<vmem>>)
      %add3A_306 = arith.constant 0 : i32
      %add3A_307 = arith.addi %mul3A_298, %add3A_306 : i32
      %dma_start3A_308 = arith.constant 0 : i32
      %dma_start3A_309 = tpu.memref_slice %arg7[%add3A_307, %dma_start3A_308] : memref<80x128xi32, #tpu.memory_space<vmem>> -> memref<1x128xi32, #tpu.memory_space<vmem>>
      %dma_start3A_310 = tpu.memref_squeeze %dma_start3A_309 : memref<1x128xi32, #tpu.memory_space<vmem>> -> memref<128xi32, #tpu.memory_space<vmem>>
      %dma_start3A_311 = arith.constant 0 : i32
      %dma_start3A_312 = arith.constant 0 : i32
      %dma_start3A_313 = tpu.memref_slice %arg38[%dma_start3A_311, %dma_start3A_312] : memref<10112x16xf32, #tpu.memory_space<vmem_shared>> -> memref<10112x16xf32, #tpu.memory_space<vmem_shared>>
      tpu.enqueue_indirect_dma source(%arg8 : memref<128x16xf32, #tpu.memory_space<vmem>>) target(%dma_start3A_313 : memref<10112x16xf32, #tpu.memory_space<vmem_shared>>) offsets(%dma_start3A_310 : memref<128xi32, #tpu.memory_space<vmem>>) semaphore(%arg28 : memref<!tpu.dma_semaphore, #tpu.memory_space<semaphore_mem>>) {add = true}
      %dma_wait3A_314 = arith.constant 0 : i32
      %dma_wait3A_315 = arith.constant 0 : i32
      %dma_wait3A_316 = tpu.memref_slice %arg6[%dma_wait3A_314, %dma_wait3A_315] : memref<80x128xi32, #tpu.memory_space<vmem>> -> memref<1x128xi32, #tpu.memory_space<vmem>>
      %dma_wait3A_317 = tpu.memref_squeeze %dma_wait3A_316 : memref<1x128xi32, #tpu.memory_space<vmem>> -> memref<128xi32, #tpu.memory_space<vmem>>
      %dma_wait3A_318 = arith.constant 0 : i32
      %dma_wait3A_319 = arith.constant 0 : i32
      %dma_wait3A_320 = tpu.memref_slice %arg2[%dma_wait3A_318, %dma_wait3A_319] : memref<10000x16xf32, #tpu.memory_space<hbm>> -> memref<10000x16xf32, #tpu.memory_space<hbm>>
      tpu.wait_indirect_dma semaphore(%arg19 : memref<!tpu.dma_semaphore, #tpu.memory_space<semaphore_mem>>) src(%dma_wait3A_320 : memref<10000x16xf32, #tpu.memory_space<hbm>>) dst(%arg9 : memref<128x16xf32, #tpu.memory_space<vmem>>)
      %add3A_321 = arith.constant 1 : i32
      %add3A_322 = arith.addi %mul3A_298, %add3A_321 : i32
      %dma_start3A_323 = arith.constant 0 : i32
      %dma_start3A_324 = tpu.memref_slice %arg7[%add3A_322, %dma_start3A_323] : memref<80x128xi32, #tpu.memory_space<vmem>> -> memref<1x128xi32, #tpu.memory_space<vmem>>
      %dma_start3A_325 = tpu.memref_squeeze %dma_start3A_324 : memref<1x128xi32, #tpu.memory_space<vmem>> -> memref<128xi32, #tpu.memory_space<vmem>>
      %dma_start3A_326 = arith.constant 0 : i32
      %dma_start3A_327 = arith.constant 0 : i32
      %dma_start3A_328 = tpu.memref_slice %arg38[%dma_start3A_326, %dma_start3A_327] : memref<10112x16xf32, #tpu.memory_space<vmem_shared>> -> memref<10112x16xf32, #tpu.memory_space<vmem_shared>>
      tpu.enqueue_indirect_dma source(%arg9 : memref<128x16xf32, #tpu.memory_space<vmem>>) target(%dma_start3A_328 : memref<10112x16xf32, #tpu.memory_space<vmem_shared>>) offsets(%dma_start3A_325 : memref<128xi32, #tpu.memory_space<vmem>>) semaphore(%arg29 : memref<!tpu.dma_semaphore, #tpu.memory_space<semaphore_mem>>) {add = true}
      %dma_wait3A_329 = arith.constant 0 : i32
      %dma_wait3A_330 = arith.constant 0 : i32
      %dma_wait3A_331 = tpu.memref_slice %arg6[%dma_wait3A_329, %dma_wait3A_330] : memref<80x128xi32, #tpu.memory_space<vmem>> -> memref<1x128xi32, #tpu.memory_space<vmem>>
      %dma_wait3A_332 = tpu.memref_squeeze %dma_wait3A_331 : memref<1x128xi32, #tpu.memory_space<vmem>> -> memref<128xi32, #tpu.memory_space<vmem>>
      %dma_wait3A_333 = arith.constant 0 : i32
      %dma_wait3A_334 = arith.constant 0 : i32
      %dma_wait3A_335 = tpu.memref_slice %arg2[%dma_wait3A_333, %dma_wait3A_334] : memref<10000x16xf32, #tpu.memory_space<hbm>> -> memref<10000x16xf32, #tpu.memory_space<hbm>>
      tpu.wait_indirect_dma semaphore(%arg20 : memref<!tpu.dma_semaphore, #tpu.memory_space<semaphore_mem>>) src(%dma_wait3A_335 : memref<10000x16xf32, #tpu.memory_space<hbm>>) dst(%arg10 : memref<128x16xf32, #tpu.memory_space<vmem>>)
      %add3A_336 = arith.constant 2 : i32
      %add3A_337 = arith.addi %mul3A_298, %add3A_336 : i32
      %dma_start3A_338 = arith.constant 0 : i32
      %dma_start3A_339 = tpu.memref_slice %arg7[%add3A_337, %dma_start3A_338] : memref<80x128xi32, #tpu.memory_space<vmem>> -> memref<1x128xi32, #tpu.memory_space<vmem>>
      %dma_start3A_340 = tpu.memref_squeeze %dma_start3A_339 : memref<1x128xi32, #tpu.memory_space<vmem>> -> memref<128xi32, #tpu.memory_space<vmem>>
      %dma_start3A_341 = arith.constant 0 : i32
      %dma_start3A_342 = arith.constant 0 : i32
      %dma_start3A_343 = tpu.memref_slice %arg38[%dma_start3A_341, %dma_start3A_342] : memref<10112x16xf32, #tpu.memory_space<vmem_shared>> -> memref<10112x16xf32, #tpu.memory_space<vmem_shared>>
      tpu.enqueue_indirect_dma source(%arg10 : memref<128x16xf32, #tpu.memory_space<vmem>>) target(%dma_start3A_343 : memref<10112x16xf32, #tpu.memory_space<vmem_shared>>) offsets(%dma_start3A_340 : memref<128xi32, #tpu.memory_space<vmem>>) semaphore(%arg30 : memref<!tpu.dma_semaphore, #tpu.memory_space<semaphore_mem>>) {add = true}
      %dma_wait3A_344 = arith.constant 0 : i32
      %dma_wait3A_345 = arith.constant 0 : i32
      %dma_wait3A_346 = tpu.memref_slice %arg6[%dma_wait3A_344, %dma_wait3A_345] : memref<80x128xi32, #tpu.memory_space<vmem>> -> memref<1x128xi32, #tpu.memory_space<vmem>>
      %dma_wait3A_347 = tpu.memref_squeeze %dma_wait3A_346 : memref<1x128xi32, #tpu.memory_space<vmem>> -> memref<128xi32, #tpu.memory_space<vmem>>
      %dma_wait3A_348 = arith.constant 0 : i32
      %dma_wait3A_349 = arith.constant 0 : i32
      %dma_wait3A_350 = tpu.memref_slice %arg2[%dma_wait3A_348, %dma_wait3A_349] : memref<10000x16xf32, #tpu.memory_space<hbm>> -> memref<10000x16xf32, #tpu.memory_space<hbm>>
      tpu.wait_indirect_dma semaphore(%arg21 : memref<!tpu.dma_semaphore, #tpu.memory_space<semaphore_mem>>) src(%dma_wait3A_350 : memref<10000x16xf32, #tpu.memory_space<hbm>>) dst(%arg11 : memref<128x16xf32, #tpu.memory_space<vmem>>)
      %add3A_351 = arith.constant 3 : i32
      %add3A_352 = arith.addi %mul3A_298, %add3A_351 : i32
      %dma_start3A_353 = arith.constant 0 : i32
      %dma_start3A_354 = tpu.memref_slice %arg7[%add3A_352, %dma_start3A_353] : memref<80x128xi32, #tpu.memory_space<vmem>> -> memref<1x128xi32, #tpu.memory_space<vmem>>
      %dma_start3A_355 = tpu.memref_squeeze %dma_start3A_354 : memref<1x128xi32, #tpu.memory_space<vmem>> -> memref<128xi32, #tpu.memory_space<vmem>>
      %dma_start3A_356 = arith.constant 0 : i32
      %dma_start3A_357 = arith.constant 0 : i32
      %dma_start3A_358 = tpu.memref_slice %arg38[%dma_start3A_356, %dma_start3A_357] : memref<10112x16xf32, #tpu.memory_space<vmem_shared>> -> memref<10112x16xf32, #tpu.memory_space<vmem_shared>>
      tpu.enqueue_indirect_dma source(%arg11 : memref<128x16xf32, #tpu.memory_space<vmem>>) target(%dma_start3A_358 : memref<10112x16xf32, #tpu.memory_space<vmem_shared>>) offsets(%dma_start3A_355 : memref<128xi32, #tpu.memory_space<vmem>>) semaphore(%arg31 : memref<!tpu.dma_semaphore, #tpu.memory_space<semaphore_mem>>) {add = true}
      %dma_wait3A_359 = arith.constant 0 : i32
      %dma_wait3A_360 = arith.constant 0 : i32
      %dma_wait3A_361 = tpu.memref_slice %arg6[%dma_wait3A_359, %dma_wait3A_360] : memref<80x128xi32, #tpu.memory_space<vmem>> -> memref<1x128xi32, #tpu.memory_space<vmem>>
      %dma_wait3A_362 = tpu.memref_squeeze %dma_wait3A_361 : memref<1x128xi32, #tpu.memory_space<vmem>> -> memref<128xi32, #tpu.memory_space<vmem>>
      %dma_wait3A_363 = arith.constant 0 : i32
      %dma_wait3A_364 = arith.constant 0 : i32
      %dma_wait3A_365 = tpu.memref_slice %arg2[%dma_wait3A_363, %dma_wait3A_364] : memref<10000x16xf32, #tpu.memory_space<hbm>> -> memref<10000x16xf32, #tpu.memory_space<hbm>>
      tpu.wait_indirect_dma semaphore(%arg22 : memref<!tpu.dma_semaphore, #tpu.memory_space<semaphore_mem>>) src(%dma_wait3A_365 : memref<10000x16xf32, #tpu.memory_space<hbm>>) dst(%arg12 : memref<128x16xf32, #tpu.memory_space<vmem>>)
      %add3A_366 = arith.constant 4 : i32
      %add3A_367 = arith.addi %mul3A_298, %add3A_366 : i32
      %dma_start3A_368 = arith.constant 0 : i32
      %dma_start3A_369 = tpu.memref_slice %arg7[%add3A_367, %dma_start3A_368] : memref<80x128xi32, #tpu.memory_space<vmem>> -> memref<1x128xi32, #tpu.memory_space<vmem>>
      %dma_start3A_370 = tpu.memref_squeeze %dma_start3A_369 : memref<1x128xi32, #tpu.memory_space<vmem>> -> memref<128xi32, #tpu.memory_space<vmem>>
      %dma_start3A_371 = arith.constant 0 : i32
      %dma_start3A_372 = arith.constant 0 : i32
      %dma_start3A_373 = tpu.memref_slice %arg38[%dma_start3A_371, %dma_start3A_372] : memref<10112x16xf32, #tpu.memory_space<vmem_shared>> -> memref<10112x16xf32, #tpu.memory_space<vmem_shared>>
      tpu.enqueue_indirect_dma source(%arg12 : memref<128x16xf32, #tpu.memory_space<vmem>>) target(%dma_start3A_373 : memref<10112x16xf32, #tpu.memory_space<vmem_shared>>) offsets(%dma_start3A_370 : memref<128xi32, #tpu.memory_space<vmem>>) semaphore(%arg32 : memref<!tpu.dma_semaphore, #tpu.memory_space<semaphore_mem>>) {add = true}
      %dma_wait3A_374 = arith.constant 0 : i32
      %dma_wait3A_375 = arith.constant 0 : i32
      %dma_wait3A_376 = tpu.memref_slice %arg6[%dma_wait3A_374, %dma_wait3A_375] : memref<80x128xi32, #tpu.memory_space<vmem>> -> memref<1x128xi32, #tpu.memory_space<vmem>>
      %dma_wait3A_377 = tpu.memref_squeeze %dma_wait3A_376 : memref<1x128xi32, #tpu.memory_space<vmem>> -> memref<128xi32, #tpu.memory_space<vmem>>
      %dma_wait3A_378 = arith.constant 0 : i32
      %dma_wait3A_379 = arith.constant 0 : i32
      %dma_wait3A_380 = tpu.memref_slice %arg2[%dma_wait3A_378, %dma_wait3A_379] : memref<10000x16xf32, #tpu.memory_space<hbm>> -> memref<10000x16xf32, #tpu.memory_space<hbm>>
      tpu.wait_indirect_dma semaphore(%arg23 : memref<!tpu.dma_semaphore, #tpu.memory_space<semaphore_mem>>) src(%dma_wait3A_380 : memref<10000x16xf32, #tpu.memory_space<hbm>>) dst(%arg13 : memref<128x16xf32, #tpu.memory_space<vmem>>)
      %add3A_381 = arith.constant 5 : i32
      %add3A_382 = arith.addi %mul3A_298, %add3A_381 : i32
      %dma_start3A_383 = arith.constant 0 : i32
      %dma_start3A_384 = tpu.memref_slice %arg7[%add3A_382, %dma_start3A_383] : memref<80x128xi32, #tpu.memory_space<vmem>> -> memref<1x128xi32, #tpu.memory_space<vmem>>
      %dma_start3A_385 = tpu.memref_squeeze %dma_start3A_384 : memref<1x128xi32, #tpu.memory_space<vmem>> -> memref<128xi32, #tpu.memory_space<vmem>>
      %dma_start3A_386 = arith.constant 0 : i32
      %dma_start3A_387 = arith.constant 0 : i32
      %dma_start3A_388 = tpu.memref_slice %arg38[%dma_start3A_386, %dma_start3A_387] : memref<10112x16xf32, #tpu.memory_space<vmem_shared>> -> memref<10112x16xf32, #tpu.memory_space<vmem_shared>>
      tpu.enqueue_indirect_dma source(%arg13 : memref<128x16xf32, #tpu.memory_space<vmem>>) target(%dma_start3A_388 : memref<10112x16xf32, #tpu.memory_space<vmem_shared>>) offsets(%dma_start3A_385 : memref<128xi32, #tpu.memory_space<vmem>>) semaphore(%arg33 : memref<!tpu.dma_semaphore, #tpu.memory_space<semaphore_mem>>) {add = true}
      %dma_wait3A_389 = arith.constant 0 : i32
      %dma_wait3A_390 = arith.constant 0 : i32
      %dma_wait3A_391 = tpu.memref_slice %arg6[%dma_wait3A_389, %dma_wait3A_390] : memref<80x128xi32, #tpu.memory_space<vmem>> -> memref<1x128xi32, #tpu.memory_space<vmem>>
      %dma_wait3A_392 = tpu.memref_squeeze %dma_wait3A_391 : memref<1x128xi32, #tpu.memory_space<vmem>> -> memref<128xi32, #tpu.memory_space<vmem>>
      %dma_wait3A_393 = arith.constant 0 : i32
      %dma_wait3A_394 = arith.constant 0 : i32
      %dma_wait3A_395 = tpu.memref_slice %arg2[%dma_wait3A_393, %dma_wait3A_394] : memref<10000x16xf32, #tpu.memory_space<hbm>> -> memref<10000x16xf32, #tpu.memory_space<hbm>>
      tpu.wait_indirect_dma semaphore(%arg24 : memref<!tpu.dma_semaphore, #tpu.memory_space<semaphore_mem>>) src(%dma_wait3A_395 : memref<10000x16xf32, #tpu.memory_space<hbm>>) dst(%arg14 : memref<128x16xf32, #tpu.memory_space<vmem>>)
      %add3A_396 = arith.constant 6 : i32
      %add3A_397 = arith.addi %mul3A_298, %add3A_396 : i32
      %dma_start3A_398 = arith.constant 0 : i32
      %dma_start3A_399 = tpu.memref_slice %arg7[%add3A_397, %dma_start3A_398] : memref<80x128xi32, #tpu.memory_space<vmem>> -> memref<1x128xi32, #tpu.memory_space<vmem>>
      %dma_start3A_400 = tpu.memref_squeeze %dma_start3A_399 : memref<1x128xi32, #tpu.memory_space<vmem>> -> memref<128xi32, #tpu.memory_space<vmem>>
      %dma_start3A_401 = arith.constant 0 : i32
      %dma_start3A_402 = arith.constant 0 : i32
      %dma_start3A_403 = tpu.memref_slice %arg38[%dma_start3A_401, %dma_start3A_402] : memref<10112x16xf32, #tpu.memory_space<vmem_shared>> -> memref<10112x16xf32, #tpu.memory_space<vmem_shared>>
      tpu.enqueue_indirect_dma source(%arg14 : memref<128x16xf32, #tpu.memory_space<vmem>>) target(%dma_start3A_403 : memref<10112x16xf32, #tpu.memory_space<vmem_shared>>) offsets(%dma_start3A_400 : memref<128xi32, #tpu.memory_space<vmem>>) semaphore(%arg34 : memref<!tpu.dma_semaphore, #tpu.memory_space<semaphore_mem>>) {add = true}
      %dma_wait3A_404 = arith.constant 0 : i32
      %dma_wait3A_405 = arith.constant 0 : i32
      %dma_wait3A_406 = tpu.memref_slice %arg6[%dma_wait3A_404, %dma_wait3A_405] : memref<80x128xi32, #tpu.memory_space<vmem>> -> memref<1x128xi32, #tpu.memory_space<vmem>>
      %dma_wait3A_407 = tpu.memref_squeeze %dma_wait3A_406 : memref<1x128xi32, #tpu.memory_space<vmem>> -> memref<128xi32, #tpu.memory_space<vmem>>
      %dma_wait3A_408 = arith.constant 0 : i32
      %dma_wait3A_409 = arith.constant 0 : i32
      %dma_wait3A_410 = tpu.memref_slice %arg2[%dma_wait3A_408, %dma_wait3A_409] : memref<10000x16xf32, #tpu.memory_space<hbm>> -> memref<10000x16xf32, #tpu.memory_space<hbm>>
      tpu.wait_indirect_dma semaphore(%arg25 : memref<!tpu.dma_semaphore, #tpu.memory_space<semaphore_mem>>) src(%dma_wait3A_410 : memref<10000x16xf32, #tpu.memory_space<hbm>>) dst(%arg15 : memref<128x16xf32, #tpu.memory_space<vmem>>)
      %add3A_411 = arith.constant 7 : i32
      %add3A_412 = arith.addi %mul3A_298, %add3A_411 : i32
      %dma_start3A_413 = arith.constant 0 : i32
      %dma_start3A_414 = tpu.memref_slice %arg7[%add3A_412, %dma_start3A_413] : memref<80x128xi32, #tpu.memory_space<vmem>> -> memref<1x128xi32, #tpu.memory_space<vmem>>
      %dma_start3A_415 = tpu.memref_squeeze %dma_start3A_414 : memref<1x128xi32, #tpu.memory_space<vmem>> -> memref<128xi32, #tpu.memory_space<vmem>>
      %dma_start3A_416 = arith.constant 0 : i32
      %dma_start3A_417 = arith.constant 0 : i32
      %dma_start3A_418 = tpu.memref_slice %arg38[%dma_start3A_416, %dma_start3A_417] : memref<10112x16xf32, #tpu.memory_space<vmem_shared>> -> memref<10112x16xf32, #tpu.memory_space<vmem_shared>>
      tpu.enqueue_indirect_dma source(%arg15 : memref<128x16xf32, #tpu.memory_space<vmem>>) target(%dma_start3A_418 : memref<10112x16xf32, #tpu.memory_space<vmem_shared>>) offsets(%dma_start3A_415 : memref<128xi32, #tpu.memory_space<vmem>>) semaphore(%arg35 : memref<!tpu.dma_semaphore, #tpu.memory_space<semaphore_mem>>) {add = true}
      %dma_wait3A_419 = arith.constant 0 : i32
      %dma_wait3A_420 = arith.constant 0 : i32
      %dma_wait3A_421 = tpu.memref_slice %arg6[%dma_wait3A_419, %dma_wait3A_420] : memref<80x128xi32, #tpu.memory_space<vmem>> -> memref<1x128xi32, #tpu.memory_space<vmem>>
      %dma_wait3A_422 = tpu.memref_squeeze %dma_wait3A_421 : memref<1x128xi32, #tpu.memory_space<vmem>> -> memref<128xi32, #tpu.memory_space<vmem>>
      %dma_wait3A_423 = arith.constant 0 : i32
      %dma_wait3A_424 = arith.constant 0 : i32
      %dma_wait3A_425 = tpu.memref_slice %arg2[%dma_wait3A_423, %dma_wait3A_424] : memref<10000x16xf32, #tpu.memory_space<hbm>> -> memref<10000x16xf32, #tpu.memory_space<hbm>>
      tpu.wait_indirect_dma semaphore(%arg26 : memref<!tpu.dma_semaphore, #tpu.memory_space<semaphore_mem>>) src(%dma_wait3A_425 : memref<10000x16xf32, #tpu.memory_space<hbm>>) dst(%arg16 : memref<128x16xf32, #tpu.memory_space<vmem>>)
      %add3A_426 = arith.constant 8 : i32
      %add3A_427 = arith.addi %mul3A_298, %add3A_426 : i32
      %dma_start3A_428 = arith.constant 0 : i32
      %dma_start3A_429 = tpu.memref_slice %arg7[%add3A_427, %dma_start3A_428] : memref<80x128xi32, #tpu.memory_space<vmem>> -> memref<1x128xi32, #tpu.memory_space<vmem>>
      %dma_start3A_430 = tpu.memref_squeeze %dma_start3A_429 : memref<1x128xi32, #tpu.memory_space<vmem>> -> memref<128xi32, #tpu.memory_space<vmem>>
      %dma_start3A_431 = arith.constant 0 : i32
      %dma_start3A_432 = arith.constant 0 : i32
      %dma_start3A_433 = tpu.memref_slice %arg38[%dma_start3A_431, %dma_start3A_432] : memref<10112x16xf32, #tpu.memory_space<vmem_shared>> -> memref<10112x16xf32, #tpu.memory_space<vmem_shared>>
      tpu.enqueue_indirect_dma source(%arg16 : memref<128x16xf32, #tpu.memory_space<vmem>>) target(%dma_start3A_433 : memref<10112x16xf32, #tpu.memory_space<vmem_shared>>) offsets(%dma_start3A_430 : memref<128xi32, #tpu.memory_space<vmem>>) semaphore(%arg36 : memref<!tpu.dma_semaphore, #tpu.memory_space<semaphore_mem>>) {add = true}
      %dma_wait3A_434 = arith.constant 0 : i32
      %dma_wait3A_435 = arith.constant 0 : i32
      %dma_wait3A_436 = tpu.memref_slice %arg6[%dma_wait3A_434, %dma_wait3A_435] : memref<80x128xi32, #tpu.memory_space<vmem>> -> memref<1x128xi32, #tpu.memory_space<vmem>>
      %dma_wait3A_437 = tpu.memref_squeeze %dma_wait3A_436 : memref<1x128xi32, #tpu.memory_space<vmem>> -> memref<128xi32, #tpu.memory_space<vmem>>
      %dma_wait3A_438 = arith.constant 0 : i32
      %dma_wait3A_439 = arith.constant 0 : i32
      %dma_wait3A_440 = tpu.memref_slice %arg2[%dma_wait3A_438, %dma_wait3A_439] : memref<10000x16xf32, #tpu.memory_space<hbm>> -> memref<10000x16xf32, #tpu.memory_space<hbm>>
      tpu.wait_indirect_dma semaphore(%arg27 : memref<!tpu.dma_semaphore, #tpu.memory_space<semaphore_mem>>) src(%dma_wait3A_440 : memref<10000x16xf32, #tpu.memory_space<hbm>>) dst(%arg17 : memref<128x16xf32, #tpu.memory_space<vmem>>)
      %add3A_441 = arith.constant 9 : i32
      %add3A_442 = arith.addi %mul3A_298, %add3A_441 : i32
      %dma_start3A_443 = arith.constant 0 : i32
      %dma_start3A_444 = tpu.memref_slice %arg7[%add3A_442, %dma_start3A_443] : memref<80x128xi32, #tpu.memory_space<vmem>> -> memref<1x128xi32, #tpu.memory_space<vmem>>
      %dma_start3A_445 = tpu.memref_squeeze %dma_start3A_444 : memref<1x128xi32, #tpu.memory_space<vmem>> -> memref<128xi32, #tpu.memory_space<vmem>>
      %dma_start3A_446 = arith.constant 0 : i32
      %dma_start3A_447 = arith.constant 0 : i32
      %dma_start3A_448 = tpu.memref_slice %arg38[%dma_start3A_446, %dma_start3A_447] : memref<10112x16xf32, #tpu.memory_space<vmem_shared>> -> memref<10112x16xf32, #tpu.memory_space<vmem_shared>>
      tpu.enqueue_indirect_dma source(%arg17 : memref<128x16xf32, #tpu.memory_space<vmem>>) target(%dma_start3A_448 : memref<10112x16xf32, #tpu.memory_space<vmem_shared>>) offsets(%dma_start3A_445 : memref<128xi32, #tpu.memory_space<vmem>>) semaphore(%arg37 : memref<!tpu.dma_semaphore, #tpu.memory_space<semaphore_mem>>) {add = true}
      %dma_wait3A_449 = arith.constant 0 : i32
      %dma_wait3A_450 = arith.constant 0 : i32
      %dma_wait3A_451 = tpu.memref_slice %arg7[%dma_wait3A_449, %dma_wait3A_450] : memref<80x128xi32, #tpu.memory_space<vmem>> -> memref<1x128xi32, #tpu.memory_space<vmem>>
      %dma_wait3A_452 = tpu.memref_squeeze %dma_wait3A_451 : memref<1x128xi32, #tpu.memory_space<vmem>> -> memref<128xi32, #tpu.memory_space<vmem>>
      %dma_wait3A_453 = arith.constant 0 : i32
      %dma_wait3A_454 = arith.constant 0 : i32
      %dma_wait3A_455 = tpu.memref_slice %arg38[%dma_wait3A_453, %dma_wait3A_454] : memref<10112x16xf32, #tpu.memory_space<vmem_shared>> -> memref<10112x16xf32, #tpu.memory_space<vmem_shared>>
      tpu.wait_indirect_dma semaphore(%arg28 : memref<!tpu.dma_semaphore, #tpu.memory_space<semaphore_mem>>) src(%arg8 : memref<128x16xf32, #tpu.memory_space<vmem>>) dst(%dma_wait3A_455 : memref<10112x16xf32, #tpu.memory_space<vmem_shared>>)
      %add3A_456 = arith.constant 10 : i32
      %add3A_457 = arith.addi %mul3A_298, %add3A_456 : i32
      %add3A_458 = arith.constant 0 : i32
      %add3A_459 = arith.addi %add3A_457, %add3A_458 : i32
      %dma_start3A_460 = arith.constant 0 : i32
      %dma_start3A_461 = tpu.memref_slice %arg6[%add3A_459, %dma_start3A_460] : memref<80x128xi32, #tpu.memory_space<vmem>> -> memref<1x128xi32, #tpu.memory_space<vmem>>
      %dma_start3A_462 = tpu.memref_squeeze %dma_start3A_461 : memref<1x128xi32, #tpu.memory_space<vmem>> -> memref<128xi32, #tpu.memory_space<vmem>>
      %dma_start3A_463 = arith.constant 0 : i32
      %dma_start3A_464 = arith.constant 0 : i32
      %dma_start3A_465 = tpu.memref_slice %arg2[%dma_start3A_463, %dma_start3A_464] : memref<10000x16xf32, #tpu.memory_space<hbm>> -> memref<10000x16xf32, #tpu.memory_space<hbm>>
      tpu.enqueue_indirect_dma source(%dma_start3A_465 : memref<10000x16xf32, #tpu.memory_space<hbm>>) target(%arg8 : memref<128x16xf32, #tpu.memory_space<vmem>>) offsets(%dma_start3A_462 : memref<128xi32, #tpu.memory_space<vmem>>) semaphore(%arg18 : memref<!tpu.dma_semaphore, #tpu.memory_space<semaphore_mem>>)
      %dma_wait3A_466 = arith.constant 0 : i32
      %dma_wait3A_467 = arith.constant 0 : i32
      %dma_wait3A_468 = tpu.memref_slice %arg7[%dma_wait3A_466, %dma_wait3A_467] : memref<80x128xi32, #tpu.memory_space<vmem>> -> memref<1x128xi32, #tpu.memory_space<vmem>>
      %dma_wait3A_469 = tpu.memref_squeeze %dma_wait3A_468 : memref<1x128xi32, #tpu.memory_space<vmem>> -> memref<128xi32, #tpu.memory_space<vmem>>
      %dma_wait3A_470 = arith.constant 0 : i32
      %dma_wait3A_471 = arith.constant 0 : i32
      %dma_wait3A_472 = tpu.memref_slice %arg38[%dma_wait3A_470, %dma_wait3A_471] : memref<10112x16xf32, #tpu.memory_space<vmem_shared>> -> memref<10112x16xf32, #tpu.memory_space<vmem_shared>>
      tpu.wait_indirect_dma semaphore(%arg29 : memref<!tpu.dma_semaphore, #tpu.memory_space<semaphore_mem>>) src(%arg9 : memref<128x16xf32, #tpu.memory_space<vmem>>) dst(%dma_wait3A_472 : memref<10112x16xf32, #tpu.memory_space<vmem_shared>>)
      %add3A_473 = arith.constant 10 : i32
      %add3A_474 = arith.addi %mul3A_298, %add3A_473 : i32
      %add3A_475 = arith.constant 1 : i32
      %add3A_476 = arith.addi %add3A_474, %add3A_475 : i32
      %dma_start3A_477 = arith.constant 0 : i32
      %dma_start3A_478 = tpu.memref_slice %arg6[%add3A_476, %dma_start3A_477] : memref<80x128xi32, #tpu.memory_space<vmem>> -> memref<1x128xi32, #tpu.memory_space<vmem>>
      %dma_start3A_479 = tpu.memref_squeeze %dma_start3A_478 : memref<1x128xi32, #tpu.memory_space<vmem>> -> memref<128xi32, #tpu.memory_space<vmem>>
      %dma_start3A_480 = arith.constant 0 : i32
      %dma_start3A_481 = arith.constant 0 : i32
      %dma_start3A_482 = tpu.memref_slice %arg2[%dma_start3A_480, %dma_start3A_481] : memref<10000x16xf32, #tpu.memory_space<hbm>> -> memref<10000x16xf32, #tpu.memory_space<hbm>>
      tpu.enqueue_indirect_dma source(%dma_start3A_482 : memref<10000x16xf32, #tpu.memory_space<hbm>>) target(%arg9 : memref<128x16xf32, #tpu.memory_space<vmem>>) offsets(%dma_start3A_479 : memref<128xi32, #tpu.memory_space<vmem>>) semaphore(%arg19 : memref<!tpu.dma_semaphore, #tpu.memory_space<semaphore_mem>>)
      %dma_wait3A_483 = arith.constant 0 : i32
      %dma_wait3A_484 = arith.constant 0 : i32
      %dma_wait3A_485 = tpu.memref_slice %arg7[%dma_wait3A_483, %dma_wait3A_484] : memref<80x128xi32, #tpu.memory_space<vmem>> -> memref<1x128xi32, #tpu.memory_space<vmem>>
      %dma_wait3A_486 = tpu.memref_squeeze %dma_wait3A_485 : memref<1x128xi32, #tpu.memory_space<vmem>> -> memref<128xi32, #tpu.memory_space<vmem>>
      %dma_wait3A_487 = arith.constant 0 : i32
      %dma_wait3A_488 = arith.constant 0 : i32
      %dma_wait3A_489 = tpu.memref_slice %arg38[%dma_wait3A_487, %dma_wait3A_488] : memref<10112x16xf32, #tpu.memory_space<vmem_shared>> -> memref<10112x16xf32, #tpu.memory_space<vmem_shared>>
      tpu.wait_indirect_dma semaphore(%arg30 : memref<!tpu.dma_semaphore, #tpu.memory_space<semaphore_mem>>) src(%arg10 : memref<128x16xf32, #tpu.memory_space<vmem>>) dst(%dma_wait3A_489 : memref<10112x16xf32, #tpu.memory_space<vmem_shared>>)
      %add3A_490 = arith.constant 10 : i32
      %add3A_491 = arith.addi %mul3A_298, %add3A_490 : i32
      %add3A_492 = arith.constant 2 : i32
      %add3A_493 = arith.addi %add3A_491, %add3A_492 : i32
      %dma_start3A_494 = arith.constant 0 : i32
      %dma_start3A_495 = tpu.memref_slice %arg6[%add3A_493, %dma_start3A_494] : memref<80x128xi32, #tpu.memory_space<vmem>> -> memref<1x128xi32, #tpu.memory_space<vmem>>
      %dma_start3A_496 = tpu.memref_squeeze %dma_start3A_495 : memref<1x128xi32, #tpu.memory_space<vmem>> -> memref<128xi32, #tpu.memory_space<vmem>>
      %dma_start3A_497 = arith.constant 0 : i32
      %dma_start3A_498 = arith.constant 0 : i32
      %dma_start3A_499 = tpu.memref_slice %arg2[%dma_start3A_497, %dma_start3A_498] : memref<10000x16xf32, #tpu.memory_space<hbm>> -> memref<10000x16xf32, #tpu.memory_space<hbm>>
      tpu.enqueue_indirect_dma source(%dma_start3A_499 : memref<10000x16xf32, #tpu.memory_space<hbm>>) target(%arg10 : memref<128x16xf32, #tpu.memory_space<vmem>>) offsets(%dma_start3A_496 : memref<128xi32, #tpu.memory_space<vmem>>) semaphore(%arg20 : memref<!tpu.dma_semaphore, #tpu.memory_space<semaphore_mem>>)
      %dma_wait3A_500 = arith.constant 0 : i32
      %dma_wait3A_501 = arith.constant 0 : i32
      %dma_wait3A_502 = tpu.memref_slice %arg7[%dma_wait3A_500, %dma_wait3A_501] : memref<80x128xi32, #tpu.memory_space<vmem>> -> memref<1x128xi32, #tpu.memory_space<vmem>>
      %dma_wait3A_503 = tpu.memref_squeeze %dma_wait3A_502 : memref<1x128xi32, #tpu.memory_space<vmem>> -> memref<128xi32, #tpu.memory_space<vmem>>
      %dma_wait3A_504 = arith.constant 0 : i32
      %dma_wait3A_505 = arith.constant 0 : i32
      %dma_wait3A_506 = tpu.memref_slice %arg38[%dma_wait3A_504, %dma_wait3A_505] : memref<10112x16xf32, #tpu.memory_space<vmem_shared>> -> memref<10112x16xf32, #tpu.memory_space<vmem_shared>>
      tpu.wait_indirect_dma semaphore(%arg31 : memref<!tpu.dma_semaphore, #tpu.memory_space<semaphore_mem>>) src(%arg11 : memref<128x16xf32, #tpu.memory_space<vmem>>) dst(%dma_wait3A_506 : memref<10112x16xf32, #tpu.memory_space<vmem_shared>>)
      %add3A_507 = arith.constant 10 : i32
      %add3A_508 = arith.addi %mul3A_298, %add3A_507 : i32
      %add3A_509 = arith.constant 3 : i32
      %add3A_510 = arith.addi %add3A_508, %add3A_509 : i32
      %dma_start3A_511 = arith.constant 0 : i32
      %dma_start3A_512 = tpu.memref_slice %arg6[%add3A_510, %dma_start3A_511] : memref<80x128xi32, #tpu.memory_space<vmem>> -> memref<1x128xi32, #tpu.memory_space<vmem>>
      %dma_start3A_513 = tpu.memref_squeeze %dma_start3A_512 : memref<1x128xi32, #tpu.memory_space<vmem>> -> memref<128xi32, #tpu.memory_space<vmem>>
      %dma_start3A_514 = arith.constant 0 : i32
      %dma_start3A_515 = arith.constant 0 : i32
      %dma_start3A_516 = tpu.memref_slice %arg2[%dma_start3A_514, %dma_start3A_515] : memref<10000x16xf32, #tpu.memory_space<hbm>> -> memref<10000x16xf32, #tpu.memory_space<hbm>>
      tpu.enqueue_indirect_dma source(%dma_start3A_516 : memref<10000x16xf32, #tpu.memory_space<hbm>>) target(%arg11 : memref<128x16xf32, #tpu.memory_space<vmem>>) offsets(%dma_start3A_513 : memref<128xi32, #tpu.memory_space<vmem>>) semaphore(%arg21 : memref<!tpu.dma_semaphore, #tpu.memory_space<semaphore_mem>>)
      %dma_wait3A_517 = arith.constant 0 : i32
      %dma_wait3A_518 = arith.constant 0 : i32
      %dma_wait3A_519 = tpu.memref_slice %arg7[%dma_wait3A_517, %dma_wait3A_518] : memref<80x128xi32, #tpu.memory_space<vmem>> -> memref<1x128xi32, #tpu.memory_space<vmem>>
      %dma_wait3A_520 = tpu.memref_squeeze %dma_wait3A_519 : memref<1x128xi32, #tpu.memory_space<vmem>> -> memref<128xi32, #tpu.memory_space<vmem>>
      %dma_wait3A_521 = arith.constant 0 : i32
      %dma_wait3A_522 = arith.constant 0 : i32
      %dma_wait3A_523 = tpu.memref_slice %arg38[%dma_wait3A_521, %dma_wait3A_522] : memref<10112x16xf32, #tpu.memory_space<vmem_shared>> -> memref<10112x16xf32, #tpu.memory_space<vmem_shared>>
      tpu.wait_indirect_dma semaphore(%arg32 : memref<!tpu.dma_semaphore, #tpu.memory_space<semaphore_mem>>) src(%arg12 : memref<128x16xf32, #tpu.memory_space<vmem>>) dst(%dma_wait3A_523 : memref<10112x16xf32, #tpu.memory_space<vmem_shared>>)
      %add3A_524 = arith.constant 10 : i32
      %add3A_525 = arith.addi %mul3A_298, %add3A_524 : i32
      %add3A_526 = arith.constant 4 : i32
      %add3A_527 = arith.addi %add3A_525, %add3A_526 : i32
      %dma_start3A_528 = arith.constant 0 : i32
      %dma_start3A_529 = tpu.memref_slice %arg6[%add3A_527, %dma_start3A_528] : memref<80x128xi32, #tpu.memory_space<vmem>> -> memref<1x128xi32, #tpu.memory_space<vmem>>
      %dma_start3A_530 = tpu.memref_squeeze %dma_start3A_529 : memref<1x128xi32, #tpu.memory_space<vmem>> -> memref<128xi32, #tpu.memory_space<vmem>>
      %dma_start3A_531 = arith.constant 0 : i32
      %dma_start3A_532 = arith.constant 0 : i32
      %dma_start3A_533 = tpu.memref_slice %arg2[%dma_start3A_531, %dma_start3A_532] : memref<10000x16xf32, #tpu.memory_space<hbm>> -> memref<10000x16xf32, #tpu.memory_space<hbm>>
      tpu.enqueue_indirect_dma source(%dma_start3A_533 : memref<10000x16xf32, #tpu.memory_space<hbm>>) target(%arg12 : memref<128x16xf32, #tpu.memory_space<vmem>>) offsets(%dma_start3A_530 : memref<128xi32, #tpu.memory_space<vmem>>) semaphore(%arg22 : memref<!tpu.dma_semaphore, #tpu.memory_space<semaphore_mem>>)
      %dma_wait3A_534 = arith.constant 0 : i32
      %dma_wait3A_535 = arith.constant 0 : i32
      %dma_wait3A_536 = tpu.memref_slice %arg7[%dma_wait3A_534, %dma_wait3A_535] : memref<80x128xi32, #tpu.memory_space<vmem>> -> memref<1x128xi32, #tpu.memory_space<vmem>>
      %dma_wait3A_537 = tpu.memref_squeeze %dma_wait3A_536 : memref<1x128xi32, #tpu.memory_space<vmem>> -> memref<128xi32, #tpu.memory_space<vmem>>
      %dma_wait3A_538 = arith.constant 0 : i32
      %dma_wait3A_539 = arith.constant 0 : i32
      %dma_wait3A_540 = tpu.memref_slice %arg38[%dma_wait3A_538, %dma_wait3A_539] : memref<10112x16xf32, #tpu.memory_space<vmem_shared>> -> memref<10112x16xf32, #tpu.memory_space<vmem_shared>>
      tpu.wait_indirect_dma semaphore(%arg33 : memref<!tpu.dma_semaphore, #tpu.memory_space<semaphore_mem>>) src(%arg13 : memref<128x16xf32, #tpu.memory_space<vmem>>) dst(%dma_wait3A_540 : memref<10112x16xf32, #tpu.memory_space<vmem_shared>>)
      %add3A_541 = arith.constant 10 : i32
      %add3A_542 = arith.addi %mul3A_298, %add3A_541 : i32
      %add3A_543 = arith.constant 5 : i32
      %add3A_544 = arith.addi %add3A_542, %add3A_543 : i32
      %dma_start3A_545 = arith.constant 0 : i32
      %dma_start3A_546 = tpu.memref_slice %arg6[%add3A_544, %dma_start3A_545] : memref<80x128xi32, #tpu.memory_space<vmem>> -> memref<1x128xi32, #tpu.memory_space<vmem>>
      %dma_start3A_547 = tpu.memref_squeeze %dma_start3A_546 : memref<1x128xi32, #tpu.memory_space<vmem>> -> memref<128xi32, #tpu.memory_space<vmem>>
      %dma_start3A_548 = arith.constant 0 : i32
      %dma_start3A_549 = arith.constant 0 : i32
      %dma_start3A_550 = tpu.memref_slice %arg2[%dma_start3A_548, %dma_start3A_549] : memref<10000x16xf32, #tpu.memory_space<hbm>> -> memref<10000x16xf32, #tpu.memory_space<hbm>>
      tpu.enqueue_indirect_dma source(%dma_start3A_550 : memref<10000x16xf32, #tpu.memory_space<hbm>>) target(%arg13 : memref<128x16xf32, #tpu.memory_space<vmem>>) offsets(%dma_start3A_547 : memref<128xi32, #tpu.memory_space<vmem>>) semaphore(%arg23 : memref<!tpu.dma_semaphore, #tpu.memory_space<semaphore_mem>>)
      %dma_wait3A_551 = arith.constant 0 : i32
      %dma_wait3A_552 = arith.constant 0 : i32
      %dma_wait3A_553 = tpu.memref_slice %arg7[%dma_wait3A_551, %dma_wait3A_552] : memref<80x128xi32, #tpu.memory_space<vmem>> -> memref<1x128xi32, #tpu.memory_space<vmem>>
      %dma_wait3A_554 = tpu.memref_squeeze %dma_wait3A_553 : memref<1x128xi32, #tpu.memory_space<vmem>> -> memref<128xi32, #tpu.memory_space<vmem>>
      %dma_wait3A_555 = arith.constant 0 : i32
      %dma_wait3A_556 = arith.constant 0 : i32
      %dma_wait3A_557 = tpu.memref_slice %arg38[%dma_wait3A_555, %dma_wait3A_556] : memref<10112x16xf32, #tpu.memory_space<vmem_shared>> -> memref<10112x16xf32, #tpu.memory_space<vmem_shared>>
      tpu.wait_indirect_dma semaphore(%arg34 : memref<!tpu.dma_semaphore, #tpu.memory_space<semaphore_mem>>) src(%arg14 : memref<128x16xf32, #tpu.memory_space<vmem>>) dst(%dma_wait3A_557 : memref<10112x16xf32, #tpu.memory_space<vmem_shared>>)
      %add3A_558 = arith.constant 10 : i32
      %add3A_559 = arith.addi %mul3A_298, %add3A_558 : i32
      %add3A_560 = arith.constant 6 : i32
      %add3A_561 = arith.addi %add3A_559, %add3A_560 : i32
      %dma_start3A_562 = arith.constant 0 : i32
      %dma_start3A_563 = tpu.memref_slice %arg6[%add3A_561, %dma_start3A_562] : memref<80x128xi32, #tpu.memory_space<vmem>> -> memref<1x128xi32, #tpu.memory_space<vmem>>
      %dma_start3A_564 = tpu.memref_squeeze %dma_start3A_563 : memref<1x128xi32, #tpu.memory_space<vmem>> -> memref<128xi32, #tpu.memory_space<vmem>>
      %dma_start3A_565 = arith.constant 0 : i32
      %dma_start3A_566 = arith.constant 0 : i32
      %dma_start3A_567 = tpu.memref_slice %arg2[%dma_start3A_565, %dma_start3A_566] : memref<10000x16xf32, #tpu.memory_space<hbm>> -> memref<10000x16xf32, #tpu.memory_space<hbm>>
      tpu.enqueue_indirect_dma source(%dma_start3A_567 : memref<10000x16xf32, #tpu.memory_space<hbm>>) target(%arg14 : memref<128x16xf32, #tpu.memory_space<vmem>>) offsets(%dma_start3A_564 : memref<128xi32, #tpu.memory_space<vmem>>) semaphore(%arg24 : memref<!tpu.dma_semaphore, #tpu.memory_space<semaphore_mem>>)
      %dma_wait3A_568 = arith.constant 0 : i32
      %dma_wait3A_569 = arith.constant 0 : i32
      %dma_wait3A_570 = tpu.memref_slice %arg7[%dma_wait3A_568, %dma_wait3A_569] : memref<80x128xi32, #tpu.memory_space<vmem>> -> memref<1x128xi32, #tpu.memory_space<vmem>>
      %dma_wait3A_571 = tpu.memref_squeeze %dma_wait3A_570 : memref<1x128xi32, #tpu.memory_space<vmem>> -> memref<128xi32, #tpu.memory_space<vmem>>
      %dma_wait3A_572 = arith.constant 0 : i32
      %dma_wait3A_573 = arith.constant 0 : i32
      %dma_wait3A_574 = tpu.memref_slice %arg38[%dma_wait3A_572, %dma_wait3A_573] : memref<10112x16xf32, #tpu.memory_space<vmem_shared>> -> memref<10112x16xf32, #tpu.memory_space<vmem_shared>>
      tpu.wait_indirect_dma semaphore(%arg35 : memref<!tpu.dma_semaphore, #tpu.memory_space<semaphore_mem>>) src(%arg15 : memref<128x16xf32, #tpu.memory_space<vmem>>) dst(%dma_wait3A_574 : memref<10112x16xf32, #tpu.memory_space<vmem_shared>>)
      %add3A_575 = arith.constant 10 : i32
      %add3A_576 = arith.addi %mul3A_298, %add3A_575 : i32
      %add3A_577 = arith.constant 7 : i32
      %add3A_578 = arith.addi %add3A_576, %add3A_577 : i32
      %dma_start3A_579 = arith.constant 0 : i32
      %dma_start3A_580 = tpu.memref_slice %arg6[%add3A_578, %dma_start3A_579] : memref<80x128xi32, #tpu.memory_space<vmem>> -> memref<1x128xi32, #tpu.memory_space<vmem>>
      %dma_start3A_581 = tpu.memref_squeeze %dma_start3A_580 : memref<1x128xi32, #tpu.memory_space<vmem>> -> memref<128xi32, #tpu.memory_space<vmem>>
      %dma_start3A_582 = arith.constant 0 : i32
      %dma_start3A_583 = arith.constant 0 : i32
      %dma_start3A_584 = tpu.memref_slice %arg2[%dma_start3A_582, %dma_start3A_583] : memref<10000x16xf32, #tpu.memory_space<hbm>> -> memref<10000x16xf32, #tpu.memory_space<hbm>>
      tpu.enqueue_indirect_dma source(%dma_start3A_584 : memref<10000x16xf32, #tpu.memory_space<hbm>>) target(%arg15 : memref<128x16xf32, #tpu.memory_space<vmem>>) offsets(%dma_start3A_581 : memref<128xi32, #tpu.memory_space<vmem>>) semaphore(%arg25 : memref<!tpu.dma_semaphore, #tpu.memory_space<semaphore_mem>>)
      %dma_wait3A_585 = arith.constant 0 : i32
      %dma_wait3A_586 = arith.constant 0 : i32
      %dma_wait3A_587 = tpu.memref_slice %arg7[%dma_wait3A_585, %dma_wait3A_586] : memref<80x128xi32, #tpu.memory_space<vmem>> -> memref<1x128xi32, #tpu.memory_space<vmem>>
      %dma_wait3A_588 = tpu.memref_squeeze %dma_wait3A_587 : memref<1x128xi32, #tpu.memory_space<vmem>> -> memref<128xi32, #tpu.memory_space<vmem>>
      %dma_wait3A_589 = arith.constant 0 : i32
      %dma_wait3A_590 = arith.constant 0 : i32
      %dma_wait3A_591 = tpu.memref_slice %arg38[%dma_wait3A_589, %dma_wait3A_590] : memref<10112x16xf32, #tpu.memory_space<vmem_shared>> -> memref<10112x16xf32, #tpu.memory_space<vmem_shared>>
      tpu.wait_indirect_dma semaphore(%arg36 : memref<!tpu.dma_semaphore, #tpu.memory_space<semaphore_mem>>) src(%arg16 : memref<128x16xf32, #tpu.memory_space<vmem>>) dst(%dma_wait3A_591 : memref<10112x16xf32, #tpu.memory_space<vmem_shared>>)
      %add3A_592 = arith.constant 10 : i32
      %add3A_593 = arith.addi %mul3A_298, %add3A_592 : i32
      %add3A_594 = arith.constant 8 : i32
      %add3A_595 = arith.addi %add3A_593, %add3A_594 : i32
      %dma_start3A_596 = arith.constant 0 : i32
      %dma_start3A_597 = tpu.memref_slice %arg6[%add3A_595, %dma_start3A_596] : memref<80x128xi32, #tpu.memory_space<vmem>> -> memref<1x128xi32, #tpu.memory_space<vmem>>
      %dma_start3A_598 = tpu.memref_squeeze %dma_start3A_597 : memref<1x128xi32, #tpu.memory_space<vmem>> -> memref<128xi32, #tpu.memory_space<vmem>>
      %dma_start3A_599 = arith.constant 0 : i32
      %dma_start3A_600 = arith.constant 0 : i32
      %dma_start3A_601 = tpu.memref_slice %arg2[%dma_start3A_599, %dma_start3A_600] : memref<10000x16xf32, #tpu.memory_space<hbm>> -> memref<10000x16xf32, #tpu.memory_space<hbm>>
      tpu.enqueue_indirect_dma source(%dma_start3A_601 : memref<10000x16xf32, #tpu.memory_space<hbm>>) target(%arg16 : memref<128x16xf32, #tpu.memory_space<vmem>>) offsets(%dma_start3A_598 : memref<128xi32, #tpu.memory_space<vmem>>) semaphore(%arg26 : memref<!tpu.dma_semaphore, #tpu.memory_space<semaphore_mem>>)
      %dma_wait3A_602 = arith.constant 0 : i32
      %dma_wait3A_603 = arith.constant 0 : i32
      %dma_wait3A_604 = tpu.memref_slice %arg7[%dma_wait3A_602, %dma_wait3A_603] : memref<80x128xi32, #tpu.memory_space<vmem>> -> memref<1x128xi32, #tpu.memory_space<vmem>>
      %dma_wait3A_605 = tpu.memref_squeeze %dma_wait3A_604 : memref<1x128xi32, #tpu.memory_space<vmem>> -> memref<128xi32, #tpu.memory_space<vmem>>
      %dma_wait3A_606 = arith.constant 0 : i32
      %dma_wait3A_607 = arith.constant 0 : i32
      %dma_wait3A_608 = tpu.memref_slice %arg38[%dma_wait3A_606, %dma_wait3A_607] : memref<10112x16xf32, #tpu.memory_space<vmem_shared>> -> memref<10112x16xf32, #tpu.memory_space<vmem_shared>>
      tpu.wait_indirect_dma semaphore(%arg37 : memref<!tpu.dma_semaphore, #tpu.memory_space<semaphore_mem>>) src(%arg17 : memref<128x16xf32, #tpu.memory_space<vmem>>) dst(%dma_wait3A_608 : memref<10112x16xf32, #tpu.memory_space<vmem_shared>>)
      %add3A_609 = arith.constant 10 : i32
      %add3A_610 = arith.addi %mul3A_298, %add3A_609 : i32
      %add3A_611 = arith.constant 9 : i32
      %add3A_612 = arith.addi %add3A_610, %add3A_611 : i32
      %dma_start3A_613 = arith.constant 0 : i32
      %dma_start3A_614 = tpu.memref_slice %arg6[%add3A_612, %dma_start3A_613] : memref<80x128xi32, #tpu.memory_space<vmem>> -> memref<1x128xi32, #tpu.memory_space<vmem>>
      %dma_start3A_615 = tpu.memref_squeeze %dma_start3A_614 : memref<1x128xi32, #tpu.memory_space<vmem>> -> memref<128xi32, #tpu.memory_space<vmem>>
      %dma_start3A_616 = arith.constant 0 : i32
      %dma_start3A_617 = arith.constant 0 : i32
      %dma_start3A_618 = tpu.memref_slice %arg2[%dma_start3A_616, %dma_start3A_617] : memref<10000x16xf32, #tpu.memory_space<hbm>> -> memref<10000x16xf32, #tpu.memory_space<hbm>>
      tpu.enqueue_indirect_dma source(%dma_start3A_618 : memref<10000x16xf32, #tpu.memory_space<hbm>>) target(%arg17 : memref<128x16xf32, #tpu.memory_space<vmem>>) offsets(%dma_start3A_615 : memref<128xi32, #tpu.memory_space<vmem>>) semaphore(%arg27 : memref<!tpu.dma_semaphore, #tpu.memory_space<semaphore_mem>>)
    }
    %scan3A_81 = arith.constant 7 : i32
    %dma_wait3A = arith.constant 0 : i32
    %dma_wait3A_82 = arith.constant 0 : i32
    %dma_wait3A_83 = tpu.memref_slice %arg6[%dma_wait3A, %dma_wait3A_82] : memref<80x128xi32, #tpu.memory_space<vmem>> -> memref<1x128xi32, #tpu.memory_space<vmem>>
    %dma_wait3A_84 = tpu.memref_squeeze %dma_wait3A_83 : memref<1x128xi32, #tpu.memory_space<vmem>> -> memref<128xi32, #tpu.memory_space<vmem>>
    %dma_wait3A_85 = arith.constant 0 : i32
    %dma_wait3A_86 = arith.constant 0 : i32
    %dma_wait3A_87 = tpu.memref_slice %arg2[%dma_wait3A_85, %dma_wait3A_86] : memref<10000x16xf32, #tpu.memory_space<hbm>> -> memref<10000x16xf32, #tpu.memory_space<hbm>>
    tpu.wait_indirect_dma semaphore(%arg18 : memref<!tpu.dma_semaphore, #tpu.memory_space<semaphore_mem>>) src(%dma_wait3A_87 : memref<10000x16xf32, #tpu.memory_space<hbm>>) dst(%arg8 : memref<128x16xf32, #tpu.memory_space<vmem>>)
    %dma_start3A_88 = arith.constant 70 : i32
    %dma_start3A_89 = arith.constant 0 : i32
    %dma_start3A_90 = tpu.memref_slice %arg7[%dma_start3A_88, %dma_start3A_89] : memref<80x128xi32, #tpu.memory_space<vmem>> -> memref<1x128xi32, #tpu.memory_space<vmem>>
    %dma_start3A_91 = tpu.memref_squeeze %dma_start3A_90 : memref<1x128xi32, #tpu.memory_space<vmem>> -> memref<128xi32, #tpu.memory_space<vmem>>
    %dma_start3A_92 = arith.constant 0 : i32
    %dma_start3A_93 = arith.constant 0 : i32
    %dma_start3A_94 = tpu.memref_slice %arg38[%dma_start3A_92, %dma_start3A_93] : memref<10112x16xf32, #tpu.memory_space<vmem_shared>> -> memref<10112x16xf32, #tpu.memory_space<vmem_shared>>
    tpu.enqueue_indirect_dma source(%arg8 : memref<128x16xf32, #tpu.memory_space<vmem>>) target(%dma_start3A_94 : memref<10112x16xf32, #tpu.memory_space<vmem_shared>>) offsets(%dma_start3A_91 : memref<128xi32, #tpu.memory_space<vmem>>) semaphore(%arg28 : memref<!tpu.dma_semaphore, #tpu.memory_space<semaphore_mem>>) {add = true}
    %dma_wait3A_95 = arith.constant 0 : i32
    %dma_wait3A_96 = arith.constant 0 : i32
    %dma_wait3A_97 = tpu.memref_slice %arg6[%dma_wait3A_95, %dma_wait3A_96] : memref<80x128xi32, #tpu.memory_space<vmem>> -> memref<1x128xi32, #tpu.memory_space<vmem>>
    %dma_wait3A_98 = tpu.memref_squeeze %dma_wait3A_97 : memref<1x128xi32, #tpu.memory_space<vmem>> -> memref<128xi32, #tpu.memory_space<vmem>>
    %dma_wait3A_99 = arith.constant 0 : i32
    %dma_wait3A_100 = arith.constant 0 : i32
    %dma_wait3A_101 = tpu.memref_slice %arg2[%dma_wait3A_99, %dma_wait3A_100] : memref<10000x16xf32, #tpu.memory_space<hbm>> -> memref<10000x16xf32, #tpu.memory_space<hbm>>
    tpu.wait_indirect_dma semaphore(%arg19 : memref<!tpu.dma_semaphore, #tpu.memory_space<semaphore_mem>>) src(%dma_wait3A_101 : memref<10000x16xf32, #tpu.memory_space<hbm>>) dst(%arg9 : memref<128x16xf32, #tpu.memory_space<vmem>>)
    %dma_start3A_102 = arith.constant 71 : i32
    %dma_start3A_103 = arith.constant 0 : i32
    %dma_start3A_104 = tpu.memref_slice %arg7[%dma_start3A_102, %dma_start3A_103] : memref<80x128xi32, #tpu.memory_space<vmem>> -> memref<1x128xi32, #tpu.memory_space<vmem>>
    %dma_start3A_105 = tpu.memref_squeeze %dma_start3A_104 : memref<1x128xi32, #tpu.memory_space<vmem>> -> memref<128xi32, #tpu.memory_space<vmem>>
    %dma_start3A_106 = arith.constant 0 : i32
    %dma_start3A_107 = arith.constant 0 : i32
    %dma_start3A_108 = tpu.memref_slice %arg38[%dma_start3A_106, %dma_start3A_107] : memref<10112x16xf32, #tpu.memory_space<vmem_shared>> -> memref<10112x16xf32, #tpu.memory_space<vmem_shared>>
    tpu.enqueue_indirect_dma source(%arg9 : memref<128x16xf32, #tpu.memory_space<vmem>>) target(%dma_start3A_108 : memref<10112x16xf32, #tpu.memory_space<vmem_shared>>) offsets(%dma_start3A_105 : memref<128xi32, #tpu.memory_space<vmem>>) semaphore(%arg29 : memref<!tpu.dma_semaphore, #tpu.memory_space<semaphore_mem>>) {add = true}
    %dma_wait3A_109 = arith.constant 0 : i32
    %dma_wait3A_110 = arith.constant 0 : i32
    %dma_wait3A_111 = tpu.memref_slice %arg6[%dma_wait3A_109, %dma_wait3A_110] : memref<80x128xi32, #tpu.memory_space<vmem>> -> memref<1x128xi32, #tpu.memory_space<vmem>>
    %dma_wait3A_112 = tpu.memref_squeeze %dma_wait3A_111 : memref<1x128xi32, #tpu.memory_space<vmem>> -> memref<128xi32, #tpu.memory_space<vmem>>
    %dma_wait3A_113 = arith.constant 0 : i32
    %dma_wait3A_114 = arith.constant 0 : i32
    %dma_wait3A_115 = tpu.memref_slice %arg2[%dma_wait3A_113, %dma_wait3A_114] : memref<10000x16xf32, #tpu.memory_space<hbm>> -> memref<10000x16xf32, #tpu.memory_space<hbm>>
    tpu.wait_indirect_dma semaphore(%arg20 : memref<!tpu.dma_semaphore, #tpu.memory_space<semaphore_mem>>) src(%dma_wait3A_115 : memref<10000x16xf32, #tpu.memory_space<hbm>>) dst(%arg10 : memref<128x16xf32, #tpu.memory_space<vmem>>)
    %dma_start3A_116 = arith.constant 72 : i32
    %dma_start3A_117 = arith.constant 0 : i32
    %dma_start3A_118 = tpu.memref_slice %arg7[%dma_start3A_116, %dma_start3A_117] : memref<80x128xi32, #tpu.memory_space<vmem>> -> memref<1x128xi32, #tpu.memory_space<vmem>>
    %dma_start3A_119 = tpu.memref_squeeze %dma_start3A_118 : memref<1x128xi32, #tpu.memory_space<vmem>> -> memref<128xi32, #tpu.memory_space<vmem>>
    %dma_start3A_120 = arith.constant 0 : i32
    %dma_start3A_121 = arith.constant 0 : i32
    %dma_start3A_122 = tpu.memref_slice %arg38[%dma_start3A_120, %dma_start3A_121] : memref<10112x16xf32, #tpu.memory_space<vmem_shared>> -> memref<10112x16xf32, #tpu.memory_space<vmem_shared>>
    tpu.enqueue_indirect_dma source(%arg10 : memref<128x16xf32, #tpu.memory_space<vmem>>) target(%dma_start3A_122 : memref<10112x16xf32, #tpu.memory_space<vmem_shared>>) offsets(%dma_start3A_119 : memref<128xi32, #tpu.memory_space<vmem>>) semaphore(%arg30 : memref<!tpu.dma_semaphore, #tpu.memory_space<semaphore_mem>>) {add = true}
    %dma_wait3A_123 = arith.constant 0 : i32
    %dma_wait3A_124 = arith.constant 0 : i32
    %dma_wait3A_125 = tpu.memref_slice %arg6[%dma_wait3A_123, %dma_wait3A_124] : memref<80x128xi32, #tpu.memory_space<vmem>> -> memref<1x128xi32, #tpu.memory_space<vmem>>
    %dma_wait3A_126 = tpu.memref_squeeze %dma_wait3A_125 : memref<1x128xi32, #tpu.memory_space<vmem>> -> memref<128xi32, #tpu.memory_space<vmem>>
    %dma_wait3A_127 = arith.constant 0 : i32
    %dma_wait3A_128 = arith.constant 0 : i32
    %dma_wait3A_129 = tpu.memref_slice %arg2[%dma_wait3A_127, %dma_wait3A_128] : memref<10000x16xf32, #tpu.memory_space<hbm>> -> memref<10000x16xf32, #tpu.memory_space<hbm>>
    tpu.wait_indirect_dma semaphore(%arg21 : memref<!tpu.dma_semaphore, #tpu.memory_space<semaphore_mem>>) src(%dma_wait3A_129 : memref<10000x16xf32, #tpu.memory_space<hbm>>) dst(%arg11 : memref<128x16xf32, #tpu.memory_space<vmem>>)
    %dma_start3A_130 = arith.constant 73 : i32
    %dma_start3A_131 = arith.constant 0 : i32
    %dma_start3A_132 = tpu.memref_slice %arg7[%dma_start3A_130, %dma_start3A_131] : memref<80x128xi32, #tpu.memory_space<vmem>> -> memref<1x128xi32, #tpu.memory_space<vmem>>
    %dma_start3A_133 = tpu.memref_squeeze %dma_start3A_132 : memref<1x128xi32, #tpu.memory_space<vmem>> -> memref<128xi32, #tpu.memory_space<vmem>>
    %dma_start3A_134 = arith.constant 0 : i32
    %dma_start3A_135 = arith.constant 0 : i32
    %dma_start3A_136 = tpu.memref_slice %arg38[%dma_start3A_134, %dma_start3A_135] : memref<10112x16xf32, #tpu.memory_space<vmem_shared>> -> memref<10112x16xf32, #tpu.memory_space<vmem_shared>>
    tpu.enqueue_indirect_dma source(%arg11 : memref<128x16xf32, #tpu.memory_space<vmem>>) target(%dma_start3A_136 : memref<10112x16xf32, #tpu.memory_space<vmem_shared>>) offsets(%dma_start3A_133 : memref<128xi32, #tpu.memory_space<vmem>>) semaphore(%arg31 : memref<!tpu.dma_semaphore, #tpu.memory_space<semaphore_mem>>) {add = true}
    %dma_wait3A_137 = arith.constant 0 : i32
    %dma_wait3A_138 = arith.constant 0 : i32
    %dma_wait3A_139 = tpu.memref_slice %arg6[%dma_wait3A_137, %dma_wait3A_138] : memref<80x128xi32, #tpu.memory_space<vmem>> -> memref<1x128xi32, #tpu.memory_space<vmem>>
    %dma_wait3A_140 = tpu.memref_squeeze %dma_wait3A_139 : memref<1x128xi32, #tpu.memory_space<vmem>> -> memref<128xi32, #tpu.memory_space<vmem>>
    %dma_wait3A_141 = arith.constant 0 : i32
    %dma_wait3A_142 = arith.constant 0 : i32
    %dma_wait3A_143 = tpu.memref_slice %arg2[%dma_wait3A_141, %dma_wait3A_142] : memref<10000x16xf32, #tpu.memory_space<hbm>> -> memref<10000x16xf32, #tpu.memory_space<hbm>>
    tpu.wait_indirect_dma semaphore(%arg22 : memref<!tpu.dma_semaphore, #tpu.memory_space<semaphore_mem>>) src(%dma_wait3A_143 : memref<10000x16xf32, #tpu.memory_space<hbm>>) dst(%arg12 : memref<128x16xf32, #tpu.memory_space<vmem>>)
    %dma_start3A_144 = arith.constant 74 : i32
    %dma_start3A_145 = arith.constant 0 : i32
    %dma_start3A_146 = tpu.memref_slice %arg7[%dma_start3A_144, %dma_start3A_145] : memref<80x128xi32, #tpu.memory_space<vmem>> -> memref<1x128xi32, #tpu.memory_space<vmem>>
    %dma_start3A_147 = tpu.memref_squeeze %dma_start3A_146 : memref<1x128xi32, #tpu.memory_space<vmem>> -> memref<128xi32, #tpu.memory_space<vmem>>
    %dma_start3A_148 = arith.constant 0 : i32
    %dma_start3A_149 = arith.constant 0 : i32
    %dma_start3A_150 = tpu.memref_slice %arg38[%dma_start3A_148, %dma_start3A_149] : memref<10112x16xf32, #tpu.memory_space<vmem_shared>> -> memref<10112x16xf32, #tpu.memory_space<vmem_shared>>
    tpu.enqueue_indirect_dma source(%arg12 : memref<128x16xf32, #tpu.memory_space<vmem>>) target(%dma_start3A_150 : memref<10112x16xf32, #tpu.memory_space<vmem_shared>>) offsets(%dma_start3A_147 : memref<128xi32, #tpu.memory_space<vmem>>) semaphore(%arg32 : memref<!tpu.dma_semaphore, #tpu.memory_space<semaphore_mem>>) {add = true}
    %dma_wait3A_151 = arith.constant 0 : i32
    %dma_wait3A_152 = arith.constant 0 : i32
    %dma_wait3A_153 = tpu.memref_slice %arg6[%dma_wait3A_151, %dma_wait3A_152] : memref<80x128xi32, #tpu.memory_space<vmem>> -> memref<1x128xi32, #tpu.memory_space<vmem>>
    %dma_wait3A_154 = tpu.memref_squeeze %dma_wait3A_153 : memref<1x128xi32, #tpu.memory_space<vmem>> -> memref<128xi32, #tpu.memory_space<vmem>>
    %dma_wait3A_155 = arith.constant 0 : i32
    %dma_wait3A_156 = arith.constant 0 : i32
    %dma_wait3A_157 = tpu.memref_slice %arg2[%dma_wait3A_155, %dma_wait3A_156] : memref<10000x16xf32, #tpu.memory_space<hbm>> -> memref<10000x16xf32, #tpu.memory_space<hbm>>
    tpu.wait_indirect_dma semaphore(%arg23 : memref<!tpu.dma_semaphore, #tpu.memory_space<semaphore_mem>>) src(%dma_wait3A_157 : memref<10000x16xf32, #tpu.memory_space<hbm>>) dst(%arg13 : memref<128x16xf32, #tpu.memory_space<vmem>>)
    %dma_start3A_158 = arith.constant 75 : i32
    %dma_start3A_159 = arith.constant 0 : i32
    %dma_start3A_160 = tpu.memref_slice %arg7[%dma_start3A_158, %dma_start3A_159] : memref<80x128xi32, #tpu.memory_space<vmem>> -> memref<1x128xi32, #tpu.memory_space<vmem>>
    %dma_start3A_161 = tpu.memref_squeeze %dma_start3A_160 : memref<1x128xi32, #tpu.memory_space<vmem>> -> memref<128xi32, #tpu.memory_space<vmem>>
    %dma_start3A_162 = arith.constant 0 : i32
    %dma_start3A_163 = arith.constant 0 : i32
    %dma_start3A_164 = tpu.memref_slice %arg38[%dma_start3A_162, %dma_start3A_163] : memref<10112x16xf32, #tpu.memory_space<vmem_shared>> -> memref<10112x16xf32, #tpu.memory_space<vmem_shared>>
    tpu.enqueue_indirect_dma source(%arg13 : memref<128x16xf32, #tpu.memory_space<vmem>>) target(%dma_start3A_164 : memref<10112x16xf32, #tpu.memory_space<vmem_shared>>) offsets(%dma_start3A_161 : memref<128xi32, #tpu.memory_space<vmem>>) semaphore(%arg33 : memref<!tpu.dma_semaphore, #tpu.memory_space<semaphore_mem>>) {add = true}
    %dma_wait3A_165 = arith.constant 0 : i32
    %dma_wait3A_166 = arith.constant 0 : i32
    %dma_wait3A_167 = tpu.memref_slice %arg6[%dma_wait3A_165, %dma_wait3A_166] : memref<80x128xi32, #tpu.memory_space<vmem>> -> memref<1x128xi32, #tpu.memory_space<vmem>>
    %dma_wait3A_168 = tpu.memref_squeeze %dma_wait3A_167 : memref<1x128xi32, #tpu.memory_space<vmem>> -> memref<128xi32, #tpu.memory_space<vmem>>
    %dma_wait3A_169 = arith.constant 0 : i32
    %dma_wait3A_170 = arith.constant 0 : i32
    %dma_wait3A_171 = tpu.memref_slice %arg2[%dma_wait3A_169, %dma_wait3A_170] : memref<10000x16xf32, #tpu.memory_space<hbm>> -> memref<10000x16xf32, #tpu.memory_space<hbm>>
    tpu.wait_indirect_dma semaphore(%arg24 : memref<!tpu.dma_semaphore, #tpu.memory_space<semaphore_mem>>) src(%dma_wait3A_171 : memref<10000x16xf32, #tpu.memory_space<hbm>>) dst(%arg14 : memref<128x16xf32, #tpu.memory_space<vmem>>)
    %dma_start3A_172 = arith.constant 76 : i32
    %dma_start3A_173 = arith.constant 0 : i32
    %dma_start3A_174 = tpu.memref_slice %arg7[%dma_start3A_172, %dma_start3A_173] : memref<80x128xi32, #tpu.memory_space<vmem>> -> memref<1x128xi32, #tpu.memory_space<vmem>>
    %dma_start3A_175 = tpu.memref_squeeze %dma_start3A_174 : memref<1x128xi32, #tpu.memory_space<vmem>> -> memref<128xi32, #tpu.memory_space<vmem>>
    %dma_start3A_176 = arith.constant 0 : i32
    %dma_start3A_177 = arith.constant 0 : i32
    %dma_start3A_178 = tpu.memref_slice %arg38[%dma_start3A_176, %dma_start3A_177] : memref<10112x16xf32, #tpu.memory_space<vmem_shared>> -> memref<10112x16xf32, #tpu.memory_space<vmem_shared>>
    tpu.enqueue_indirect_dma source(%arg14 : memref<128x16xf32, #tpu.memory_space<vmem>>) target(%dma_start3A_178 : memref<10112x16xf32, #tpu.memory_space<vmem_shared>>) offsets(%dma_start3A_175 : memref<128xi32, #tpu.memory_space<vmem>>) semaphore(%arg34 : memref<!tpu.dma_semaphore, #tpu.memory_space<semaphore_mem>>) {add = true}
    %dma_wait3A_179 = arith.constant 0 : i32
    %dma_wait3A_180 = arith.constant 0 : i32
    %dma_wait3A_181 = tpu.memref_slice %arg6[%dma_wait3A_179, %dma_wait3A_180] : memref<80x128xi32, #tpu.memory_space<vmem>> -> memref<1x128xi32, #tpu.memory_space<vmem>>
    %dma_wait3A_182 = tpu.memref_squeeze %dma_wait3A_181 : memref<1x128xi32, #tpu.memory_space<vmem>> -> memref<128xi32, #tpu.memory_space<vmem>>
    %dma_wait3A_183 = arith.constant 0 : i32
    %dma_wait3A_184 = arith.constant 0 : i32
    %dma_wait3A_185 = tpu.memref_slice %arg2[%dma_wait3A_183, %dma_wait3A_184] : memref<10000x16xf32, #tpu.memory_space<hbm>> -> memref<10000x16xf32, #tpu.memory_space<hbm>>
    tpu.wait_indirect_dma semaphore(%arg25 : memref<!tpu.dma_semaphore, #tpu.memory_space<semaphore_mem>>) src(%dma_wait3A_185 : memref<10000x16xf32, #tpu.memory_space<hbm>>) dst(%arg15 : memref<128x16xf32, #tpu.memory_space<vmem>>)
    %dma_start3A_186 = arith.constant 77 : i32
    %dma_start3A_187 = arith.constant 0 : i32
    %dma_start3A_188 = tpu.memref_slice %arg7[%dma_start3A_186, %dma_start3A_187] : memref<80x128xi32, #tpu.memory_space<vmem>> -> memref<1x128xi32, #tpu.memory_space<vmem>>
    %dma_start3A_189 = tpu.memref_squeeze %dma_start3A_188 : memref<1x128xi32, #tpu.memory_space<vmem>> -> memref<128xi32, #tpu.memory_space<vmem>>
    %dma_start3A_190 = arith.constant 0 : i32
    %dma_start3A_191 = arith.constant 0 : i32
    %dma_start3A_192 = tpu.memref_slice %arg38[%dma_start3A_190, %dma_start3A_191] : memref<10112x16xf32, #tpu.memory_space<vmem_shared>> -> memref<10112x16xf32, #tpu.memory_space<vmem_shared>>
    tpu.enqueue_indirect_dma source(%arg15 : memref<128x16xf32, #tpu.memory_space<vmem>>) target(%dma_start3A_192 : memref<10112x16xf32, #tpu.memory_space<vmem_shared>>) offsets(%dma_start3A_189 : memref<128xi32, #tpu.memory_space<vmem>>) semaphore(%arg35 : memref<!tpu.dma_semaphore, #tpu.memory_space<semaphore_mem>>) {add = true}
    %dma_wait3A_193 = arith.constant 0 : i32
    %dma_wait3A_194 = arith.constant 0 : i32
    %dma_wait3A_195 = tpu.memref_slice %arg6[%dma_wait3A_193, %dma_wait3A_194] : memref<80x128xi32, #tpu.memory_space<vmem>> -> memref<1x128xi32, #tpu.memory_space<vmem>>
    %dma_wait3A_196 = tpu.memref_squeeze %dma_wait3A_195 : memref<1x128xi32, #tpu.memory_space<vmem>> -> memref<128xi32, #tpu.memory_space<vmem>>
    %dma_wait3A_197 = arith.constant 0 : i32
    %dma_wait3A_198 = arith.constant 0 : i32
    %dma_wait3A_199 = tpu.memref_slice %arg2[%dma_wait3A_197, %dma_wait3A_198] : memref<10000x16xf32, #tpu.memory_space<hbm>> -> memref<10000x16xf32, #tpu.memory_space<hbm>>
    tpu.wait_indirect_dma semaphore(%arg26 : memref<!tpu.dma_semaphore, #tpu.memory_space<semaphore_mem>>) src(%dma_wait3A_199 : memref<10000x16xf32, #tpu.memory_space<hbm>>) dst(%arg16 : memref<128x16xf32, #tpu.memory_space<vmem>>)
    %dma_start3A_200 = arith.constant 78 : i32
    %dma_start3A_201 = arith.constant 0 : i32
    %dma_start3A_202 = tpu.memref_slice %arg7[%dma_start3A_200, %dma_start3A_201] : memref<80x128xi32, #tpu.memory_space<vmem>> -> memref<1x128xi32, #tpu.memory_space<vmem>>
    %dma_start3A_203 = tpu.memref_squeeze %dma_start3A_202 : memref<1x128xi32, #tpu.memory_space<vmem>> -> memref<128xi32, #tpu.memory_space<vmem>>
    %dma_start3A_204 = arith.constant 0 : i32
    %dma_start3A_205 = arith.constant 0 : i32
    %dma_start3A_206 = tpu.memref_slice %arg38[%dma_start3A_204, %dma_start3A_205] : memref<10112x16xf32, #tpu.memory_space<vmem_shared>> -> memref<10112x16xf32, #tpu.memory_space<vmem_shared>>
    tpu.enqueue_indirect_dma source(%arg16 : memref<128x16xf32, #tpu.memory_space<vmem>>) target(%dma_start3A_206 : memref<10112x16xf32, #tpu.memory_space<vmem_shared>>) offsets(%dma_start3A_203 : memref<128xi32, #tpu.memory_space<vmem>>) semaphore(%arg36 : memref<!tpu.dma_semaphore, #tpu.memory_space<semaphore_mem>>) {add = true}
    %dma_wait3A_207 = arith.constant 0 : i32
    %dma_wait3A_208 = arith.constant 0 : i32
    %dma_wait3A_209 = tpu.memref_slice %arg6[%dma_wait3A_207, %dma_wait3A_208] : memref<80x128xi32, #tpu.memory_space<vmem>> -> memref<1x128xi32, #tpu.memory_space<vmem>>
    %dma_wait3A_210 = tpu.memref_squeeze %dma_wait3A_209 : memref<1x128xi32, #tpu.memory_space<vmem>> -> memref<128xi32, #tpu.memory_space<vmem>>
    %dma_wait3A_211 = arith.constant 0 : i32
    %dma_wait3A_212 = arith.constant 0 : i32
    %dma_wait3A_213 = tpu.memref_slice %arg2[%dma_wait3A_211, %dma_wait3A_212] : memref<10000x16xf32, #tpu.memory_space<hbm>> -> memref<10000x16xf32, #tpu.memory_space<hbm>>
    tpu.wait_indirect_dma semaphore(%arg27 : memref<!tpu.dma_semaphore, #tpu.memory_space<semaphore_mem>>) src(%dma_wait3A_213 : memref<10000x16xf32, #tpu.memory_space<hbm>>) dst(%arg17 : memref<128x16xf32, #tpu.memory_space<vmem>>)
    %dma_start3A_214 = arith.constant 79 : i32
    %dma_start3A_215 = arith.constant 0 : i32
    %dma_start3A_216 = tpu.memref_slice %arg7[%dma_start3A_214, %dma_start3A_215] : memref<80x128xi32, #tpu.memory_space<vmem>> -> memref<1x128xi32, #tpu.memory_space<vmem>>
    %dma_start3A_217 = tpu.memref_squeeze %dma_start3A_216 : memref<1x128xi32, #tpu.memory_space<vmem>> -> memref<128xi32, #tpu.memory_space<vmem>>
    %dma_start3A_218 = arith.constant 0 : i32
    %dma_start3A_219 = arith.constant 0 : i32
    %dma_start3A_220 = tpu.memref_slice %arg38[%dma_start3A_218, %dma_start3A_219] : memref<10112x16xf32, #tpu.memory_space<vmem_shared>> -> memref<10112x16xf32, #tpu.memory_space<vmem_shared>>
    tpu.enqueue_indirect_dma source(%arg17 : memref<128x16xf32, #tpu.memory_space<vmem>>) target(%dma_start3A_220 : memref<10112x16xf32, #tpu.memory_space<vmem_shared>>) offsets(%dma_start3A_217 : memref<128xi32, #tpu.memory_space<vmem>>) semaphore(%arg37 : memref<!tpu.dma_semaphore, #tpu.memory_space<semaphore_mem>>) {add = true}
    %dma_wait3A_221 = arith.constant 0 : i32
    %dma_wait3A_222 = arith.constant 0 : i32
    %dma_wait3A_223 = tpu.memref_slice %arg7[%dma_wait3A_221, %dma_wait3A_222] : memref<80x128xi32, #tpu.memory_space<vmem>> -> memref<1x128xi32, #tpu.memory_space<vmem>>
    %dma_wait3A_224 = tpu.memref_squeeze %dma_wait3A_223 : memref<1x128xi32, #tpu.memory_space<vmem>> -> memref<128xi32, #tpu.memory_space<vmem>>
    %dma_wait3A_225 = arith.constant 0 : i32
    %dma_wait3A_226 = arith.constant 0 : i32
    %dma_wait3A_227 = tpu.memref_slice %arg38[%dma_wait3A_225, %dma_wait3A_226] : memref<10112x16xf32, #tpu.memory_space<vmem_shared>> -> memref<10112x16xf32, #tpu.memory_space<vmem_shared>>
    tpu.wait_indirect_dma semaphore(%arg28 : memref<!tpu.dma_semaphore, #tpu.memory_space<semaphore_mem>>) src(%arg8 : memref<128x16xf32, #tpu.memory_space<vmem>>) dst(%dma_wait3A_227 : memref<10112x16xf32, #tpu.memory_space<vmem_shared>>)
    %dma_wait3A_228 = arith.constant 0 : i32
    %dma_wait3A_229 = arith.constant 0 : i32
    %dma_wait3A_230 = tpu.memref_slice %arg7[%dma_wait3A_228, %dma_wait3A_229] : memref<80x128xi32, #tpu.memory_space<vmem>> -> memref<1x128xi32, #tpu.memory_space<vmem>>
    %dma_wait3A_231 = tpu.memref_squeeze %dma_wait3A_230 : memref<1x128xi32, #tpu.memory_space<vmem>> -> memref<128xi32, #tpu.memory_space<vmem>>
    %dma_wait3A_232 = arith.constant 0 : i32
    %dma_wait3A_233 = arith.constant 0 : i32
    %dma_wait3A_234 = tpu.memref_slice %arg38[%dma_wait3A_232, %dma_wait3A_233] : memref<10112x16xf32, #tpu.memory_space<vmem_shared>> -> memref<10112x16xf32, #tpu.memory_space<vmem_shared>>
    tpu.wait_indirect_dma semaphore(%arg29 : memref<!tpu.dma_semaphore, #tpu.memory_space<semaphore_mem>>) src(%arg9 : memref<128x16xf32, #tpu.memory_space<vmem>>) dst(%dma_wait3A_234 : memref<10112x16xf32, #tpu.memory_space<vmem_shared>>)
    %dma_wait3A_235 = arith.constant 0 : i32
    %dma_wait3A_236 = arith.constant 0 : i32
    %dma_wait3A_237 = tpu.memref_slice %arg7[%dma_wait3A_235, %dma_wait3A_236] : memref<80x128xi32, #tpu.memory_space<vmem>> -> memref<1x128xi32, #tpu.memory_space<vmem>>
    %dma_wait3A_238 = tpu.memref_squeeze %dma_wait3A_237 : memref<1x128xi32, #tpu.memory_space<vmem>> -> memref<128xi32, #tpu.memory_space<vmem>>
    %dma_wait3A_239 = arith.constant 0 : i32
    %dma_wait3A_240 = arith.constant 0 : i32
    %dma_wait3A_241 = tpu.memref_slice %arg38[%dma_wait3A_239, %dma_wait3A_240] : memref<10112x16xf32, #tpu.memory_space<vmem_shared>> -> memref<10112x16xf32, #tpu.memory_space<vmem_shared>>
    tpu.wait_indirect_dma semaphore(%arg30 : memref<!tpu.dma_semaphore, #tpu.memory_space<semaphore_mem>>) src(%arg10 : memref<128x16xf32, #tpu.memory_space<vmem>>) dst(%dma_wait3A_241 : memref<10112x16xf32, #tpu.memory_space<vmem_shared>>)
    %dma_wait3A_242 = arith.constant 0 : i32
    %dma_wait3A_243 = arith.constant 0 : i32
    %dma_wait3A_244 = tpu.memref_slice %arg7[%dma_wait3A_242, %dma_wait3A_243] : memref<80x128xi32, #tpu.memory_space<vmem>> -> memref<1x128xi32, #tpu.memory_space<vmem>>
    %dma_wait3A_245 = tpu.memref_squeeze %dma_wait3A_244 : memref<1x128xi32, #tpu.memory_space<vmem>> -> memref<128xi32, #tpu.memory_space<vmem>>
    %dma_wait3A_246 = arith.constant 0 : i32
    %dma_wait3A_247 = arith.constant 0 : i32
    %dma_wait3A_248 = tpu.memref_slice %arg38[%dma_wait3A_246, %dma_wait3A_247] : memref<10112x16xf32, #tpu.memory_space<vmem_shared>> -> memref<10112x16xf32, #tpu.memory_space<vmem_shared>>
    tpu.wait_indirect_dma semaphore(%arg31 : memref<!tpu.dma_semaphore, #tpu.memory_space<semaphore_mem>>) src(%arg11 : memref<128x16xf32, #tpu.memory_space<vmem>>) dst(%dma_wait3A_248 : memref<10112x16xf32, #tpu.memory_space<vmem_shared>>)
    %dma_wait3A_249 = arith.constant 0 : i32
    %dma_wait3A_250 = arith.constant 0 : i32
    %dma_wait3A_251 = tpu.memref_slice %arg7[%dma_wait3A_249, %dma_wait3A_250] : memref<80x128xi32, #tpu.memory_space<vmem>> -> memref<1x128xi32, #tpu.memory_space<vmem>>
    %dma_wait3A_252 = tpu.memref_squeeze %dma_wait3A_251 : memref<1x128xi32, #tpu.memory_space<vmem>> -> memref<128xi32, #tpu.memory_space<vmem>>
    %dma_wait3A_253 = arith.constant 0 : i32
    %dma_wait3A_254 = arith.constant 0 : i32
    %dma_wait3A_255 = tpu.memref_slice %arg38[%dma_wait3A_253, %dma_wait3A_254] : memref<10112x16xf32, #tpu.memory_space<vmem_shared>> -> memref<10112x16xf32, #tpu.memory_space<vmem_shared>>
    tpu.wait_indirect_dma semaphore(%arg32 : memref<!tpu.dma_semaphore, #tpu.memory_space<semaphore_mem>>) src(%arg12 : memref<128x16xf32, #tpu.memory_space<vmem>>) dst(%dma_wait3A_255 : memref<10112x16xf32, #tpu.memory_space<vmem_shared>>)
    %dma_wait3A_256 = arith.constant 0 : i32
    %dma_wait3A_257 = arith.constant 0 : i32
    %dma_wait3A_258 = tpu.memref_slice %arg7[%dma_wait3A_256, %dma_wait3A_257] : memref<80x128xi32, #tpu.memory_space<vmem>> -> memref<1x128xi32, #tpu.memory_space<vmem>>
    %dma_wait3A_259 = tpu.memref_squeeze %dma_wait3A_258 : memref<1x128xi32, #tpu.memory_space<vmem>> -> memref<128xi32, #tpu.memory_space<vmem>>
    %dma_wait3A_260 = arith.constant 0 : i32
    %dma_wait3A_261 = arith.constant 0 : i32
    %dma_wait3A_262 = tpu.memref_slice %arg38[%dma_wait3A_260, %dma_wait3A_261] : memref<10112x16xf32, #tpu.memory_space<vmem_shared>> -> memref<10112x16xf32, #tpu.memory_space<vmem_shared>>
    tpu.wait_indirect_dma semaphore(%arg33 : memref<!tpu.dma_semaphore, #tpu.memory_space<semaphore_mem>>) src(%arg13 : memref<128x16xf32, #tpu.memory_space<vmem>>) dst(%dma_wait3A_262 : memref<10112x16xf32, #tpu.memory_space<vmem_shared>>)
    %dma_wait3A_263 = arith.constant 0 : i32
    %dma_wait3A_264 = arith.constant 0 : i32
    %dma_wait3A_265 = tpu.memref_slice %arg7[%dma_wait3A_263, %dma_wait3A_264] : memref<80x128xi32, #tpu.memory_space<vmem>> -> memref<1x128xi32, #tpu.memory_space<vmem>>
    %dma_wait3A_266 = tpu.memref_squeeze %dma_wait3A_265 : memref<1x128xi32, #tpu.memory_space<vmem>> -> memref<128xi32, #tpu.memory_space<vmem>>
    %dma_wait3A_267 = arith.constant 0 : i32
    %dma_wait3A_268 = arith.constant 0 : i32
    %dma_wait3A_269 = tpu.memref_slice %arg38[%dma_wait3A_267, %dma_wait3A_268] : memref<10112x16xf32, #tpu.memory_space<vmem_shared>> -> memref<10112x16xf32, #tpu.memory_space<vmem_shared>>
    tpu.wait_indirect_dma semaphore(%arg34 : memref<!tpu.dma_semaphore, #tpu.memory_space<semaphore_mem>>) src(%arg14 : memref<128x16xf32, #tpu.memory_space<vmem>>) dst(%dma_wait3A_269 : memref<10112x16xf32, #tpu.memory_space<vmem_shared>>)
    %dma_wait3A_270 = arith.constant 0 : i32
    %dma_wait3A_271 = arith.constant 0 : i32
    %dma_wait3A_272 = tpu.memref_slice %arg7[%dma_wait3A_270, %dma_wait3A_271] : memref<80x128xi32, #tpu.memory_space<vmem>> -> memref<1x128xi32, #tpu.memory_space<vmem>>
    %dma_wait3A_273 = tpu.memref_squeeze %dma_wait3A_272 : memref<1x128xi32, #tpu.memory_space<vmem>> -> memref<128xi32, #tpu.memory_space<vmem>>
    %dma_wait3A_274 = arith.constant 0 : i32
    %dma_wait3A_275 = arith.constant 0 : i32
    %dma_wait3A_276 = tpu.memref_slice %arg38[%dma_wait3A_274, %dma_wait3A_275] : memref<10112x16xf32, #tpu.memory_space<vmem_shared>> -> memref<10112x16xf32, #tpu.memory_space<vmem_shared>>
    tpu.wait_indirect_dma semaphore(%arg35 : memref<!tpu.dma_semaphore, #tpu.memory_space<semaphore_mem>>) src(%arg15 : memref<128x16xf32, #tpu.memory_space<vmem>>) dst(%dma_wait3A_276 : memref<10112x16xf32, #tpu.memory_space<vmem_shared>>)
    %dma_wait3A_277 = arith.constant 0 : i32
    %dma_wait3A_278 = arith.constant 0 : i32
    %dma_wait3A_279 = tpu.memref_slice %arg7[%dma_wait3A_277, %dma_wait3A_278] : memref<80x128xi32, #tpu.memory_space<vmem>> -> memref<1x128xi32, #tpu.memory_space<vmem>>
    %dma_wait3A_280 = tpu.memref_squeeze %dma_wait3A_279 : memref<1x128xi32, #tpu.memory_space<vmem>> -> memref<128xi32, #tpu.memory_space<vmem>>
    %dma_wait3A_281 = arith.constant 0 : i32
    %dma_wait3A_282 = arith.constant 0 : i32
    %dma_wait3A_283 = tpu.memref_slice %arg38[%dma_wait3A_281, %dma_wait3A_282] : memref<10112x16xf32, #tpu.memory_space<vmem_shared>> -> memref<10112x16xf32, #tpu.memory_space<vmem_shared>>
    tpu.wait_indirect_dma semaphore(%arg36 : memref<!tpu.dma_semaphore, #tpu.memory_space<semaphore_mem>>) src(%arg16 : memref<128x16xf32, #tpu.memory_space<vmem>>) dst(%dma_wait3A_283 : memref<10112x16xf32, #tpu.memory_space<vmem_shared>>)
    %dma_wait3A_284 = arith.constant 0 : i32
    %dma_wait3A_285 = arith.constant 0 : i32
    %dma_wait3A_286 = tpu.memref_slice %arg7[%dma_wait3A_284, %dma_wait3A_285] : memref<80x128xi32, #tpu.memory_space<vmem>> -> memref<1x128xi32, #tpu.memory_space<vmem>>
    %dma_wait3A_287 = tpu.memref_squeeze %dma_wait3A_286 : memref<1x128xi32, #tpu.memory_space<vmem>> -> memref<128xi32, #tpu.memory_space<vmem>>
    %dma_wait3A_288 = arith.constant 0 : i32
    %dma_wait3A_289 = arith.constant 0 : i32
    %dma_wait3A_290 = tpu.memref_slice %arg38[%dma_wait3A_288, %dma_wait3A_289] : memref<10112x16xf32, #tpu.memory_space<vmem_shared>> -> memref<10112x16xf32, #tpu.memory_space<vmem_shared>>
    tpu.wait_indirect_dma semaphore(%arg37 : memref<!tpu.dma_semaphore, #tpu.memory_space<semaphore_mem>>) src(%arg17 : memref<128x16xf32, #tpu.memory_space<vmem>>) dst(%dma_wait3A_290 : memref<10112x16xf32, #tpu.memory_space<vmem_shared>>)
    %barrier3A_291 = arith.constant 0 : index
    tpu.barrier barrier_id(%barrier3A_291)
    %mul3A_292 = arith.constant 632 : i32
    %mul3A_293 = arith.muli %arg1, %mul3A_292 : i32
    %mul3A_294 = arith.constant 632 : i32
    %mul3A_295 = arith.muli %arg1, %mul3A_294 : i32
    "tpu.region"() ({
      %run_scoped3A_296 = tpu.sem_alloc : memref<!tpu.dma_semaphore, #tpu.memory_space<semaphore_mem>>
      %dma_start3A_297 = arith.constant 0 : i32
      %dma_start3A_298 = tpu.memref_slice %arg5[%arg0, %mul3A_295, %dma_start3A_297] : memref<2x10112x16xf32, #tpu.memory_space<hbm>> -> memref<1x632x16xf32, #tpu.memory_space<hbm>>
      %dma_start3A_299 = tpu.memref_squeeze %dma_start3A_298 : memref<1x632x16xf32, #tpu.memory_space<hbm>> -> memref<632x16xf32, #tpu.memory_space<hbm>>
      %dma_start3A_300 = arith.constant 0 : i32
      %dma_start3A_301 = tpu.memref_slice %arg38[%mul3A_293, %dma_start3A_300] : memref<10112x16xf32, #tpu.memory_space<vmem_shared>> -> memref<632x16xf32, #tpu.memory_space<vmem_shared>>
      tpu.enqueue_dma source(%dma_start3A_301 : memref<632x16xf32, #tpu.memory_space<vmem_shared>>) target(%dma_start3A_299 : memref<632x16xf32, #tpu.memory_space<hbm>>) target_semaphore(%run_scoped3A_296 : memref<!tpu.dma_semaphore, #tpu.memory_space<semaphore_mem>>)
      %dma_wait3A_302 = arith.constant 0 : i32
      %dma_wait3A_303 = tpu.memref_slice %arg5[%arg0, %mul3A_295, %dma_wait3A_302] : memref<2x10112x16xf32, #tpu.memory_space<hbm>> -> memref<1x632x16xf32, #tpu.memory_space<hbm>>
      %dma_wait3A_304 = tpu.memref_squeeze %dma_wait3A_303 : memref<1x632x16xf32, #tpu.memory_space<hbm>> -> memref<632x16xf32, #tpu.memory_space<hbm>>
      %dma_wait3A_305 = arith.constant 0 : i32
      %dma_wait3A_306 = tpu.memref_slice %arg38[%mul3A_293, %dma_wait3A_305] : memref<10112x16xf32, #tpu.memory_space<vmem_shared>> -> memref<632x16xf32, #tpu.memory_space<vmem_shared>>
      tpu.wait_dma2 semaphore(%run_scoped3A_296 : memref<!tpu.dma_semaphore, #tpu.memory_space<semaphore_mem>>) src(%dma_wait3A_306 : memref<632x16xf32, #tpu.memory_space<vmem_shared>>) dst(%dma_wait3A_304 : memref<632x16xf32, #tpu.memory_space<hbm>>)
      tpu.yield
    }) : () -> ()
    return
  }
}

#map = affine_map<(d0, d1) -> (0, 0)>
#map1 = affine_map<(d0, d1) -> (0, 0, 0)>
module attributes {stable_mosaic.version = 14 : i64} {
  func.func @sage_seg_sum_l1b(%arg0: i32, %arg1: i32, %arg2: memref<10000x64xf32, #tpu.memory_space<hbm>>, %arg3: memref<2x2560x128xi32, #tpu.memory_space<hbm>>, %arg4: memref<632x64xf32, #tpu.memory_space<hbm>>, %arg5: memref<2x10112x64xf32, #tpu.memory_space<hbm>>, %arg6: memref<80x128xi32, #tpu.memory_space<vmem>>, %arg7: memref<80x128xi32, #tpu.memory_space<vmem>>, %arg8: memref<128x64xf32, #tpu.memory_space<vmem>>, %arg9: memref<128x64xf32, #tpu.memory_space<vmem>>, %arg10: memref<128x64xf32, #tpu.memory_space<vmem>>, %arg11: memref<128x64xf32, #tpu.memory_space<vmem>>, %arg12: memref<128x64xf32, #tpu.memory_space<vmem>>, %arg13: memref<128x64xf32, #tpu.memory_space<vmem>>, %arg14: memref<128x64xf32, #tpu.memory_space<vmem>>, %arg15: memref<128x64xf32, #tpu.memory_space<vmem>>, %arg16: memref<!tpu.dma_semaphore, #tpu.memory_space<semaphore_mem>>, %arg17: memref<!tpu.dma_semaphore, #tpu.memory_space<semaphore_mem>>, %arg18: memref<!tpu.dma_semaphore, #tpu.memory_space<semaphore_mem>>, %arg19: memref<!tpu.dma_semaphore, #tpu.memory_space<semaphore_mem>>, %arg20: memref<!tpu.dma_semaphore, #tpu.memory_space<semaphore_mem>>, %arg21: memref<!tpu.dma_semaphore, #tpu.memory_space<semaphore_mem>>, %arg22: memref<!tpu.dma_semaphore, #tpu.memory_space<semaphore_mem>>, %arg23: memref<!tpu.dma_semaphore, #tpu.memory_space<semaphore_mem>>, %arg24: memref<!tpu.dma_semaphore, #tpu.memory_space<semaphore_mem>>, %arg25: memref<!tpu.dma_semaphore, #tpu.memory_space<semaphore_mem>>, %arg26: memref<!tpu.dma_semaphore, #tpu.memory_space<semaphore_mem>>, %arg27: memref<!tpu.dma_semaphore, #tpu.memory_space<semaphore_mem>>, %arg28: memref<!tpu.dma_semaphore, #tpu.memory_space<semaphore_mem>>, %arg29: memref<!tpu.dma_semaphore, #tpu.memory_space<semaphore_mem>>, %arg30: memref<!tpu.dma_semaphore, #tpu.memory_space<semaphore_mem>>, %arg31: memref<!tpu.dma_semaphore, #tpu.memory_space<semaphore_mem>>, %arg32: memref<10112x64xf32, #tpu.memory_space<vmem_shared>>) attributes {dimension_semantics = [#tpu.dimension_semantics<core_parallel>, #tpu.dimension_semantics<subcore_parallel>], iteration_bounds = array<i64: 2, 16>, scalar_prefetch = 0 : i64, scratch_operands = 27 : i64, tpu.core_type = #tpu.core_type<sc_vector_subcore>, window_params = [{transform_indices = #map}, {transform_indices = #map1}, {transform_indices = #map}, {transform_indices = #map1}]} {
    %mul3A = arith.constant 2 : i32
    %mul3A_0 = arith.muli %arg1, %mul3A : i32
    %add3A = arith.addi %mul3A_0, %arg0 : i32
    %mul3A_1 = arith.constant 632 : i32
    %mul3A_2 = arith.muli %arg1, %mul3A_1 : i32
    "tpu.region"() ({
      %run_scoped3A_240 = tpu.sem_alloc : memref<!tpu.dma_semaphore, #tpu.memory_space<semaphore_mem>>
      %dma_start3A_241 = arith.constant 0 : i32
      %dma_start3A_242 = tpu.memref_slice %arg32[%mul3A_2, %dma_start3A_241] : memref<10112x64xf32, #tpu.memory_space<vmem_shared>> -> memref<632x64xf32, #tpu.memory_space<vmem_shared>>
      tpu.enqueue_dma source(%arg4 : memref<632x64xf32, #tpu.memory_space<hbm>>) target(%dma_start3A_242 : memref<632x64xf32, #tpu.memory_space<vmem_shared>>) target_semaphore(%run_scoped3A_240 : memref<!tpu.dma_semaphore, #tpu.memory_space<semaphore_mem>>)
      %dma_wait3A_243 = arith.constant 0 : i32
      %dma_wait3A_244 = tpu.memref_slice %arg32[%mul3A_2, %dma_wait3A_243] : memref<10112x64xf32, #tpu.memory_space<vmem_shared>> -> memref<632x64xf32, #tpu.memory_space<vmem_shared>>
      tpu.wait_dma2 semaphore(%run_scoped3A_240 : memref<!tpu.dma_semaphore, #tpu.memory_space<semaphore_mem>>) src(%arg4 : memref<632x64xf32, #tpu.memory_space<hbm>>) dst(%dma_wait3A_244 : memref<632x64xf32, #tpu.memory_space<vmem_shared>>)
      tpu.yield
    }) : () -> ()
    %mul3A_3 = arith.constant 80 : i32
    %mul3A_4 = arith.muli %add3A, %mul3A_3 : i32
    %run_scoped3A = arith.constant 0 : i32
    "tpu.region"() ({
      %run_scoped3A_240 = tpu.sem_alloc : memref<!tpu.dma_semaphore, #tpu.memory_space<semaphore_mem>>
      %dma_start3A_241 = arith.constant 0 : i32
      %dma_start3A_242 = tpu.memref_slice %arg3[%run_scoped3A, %mul3A_4, %dma_start3A_241] : memref<2x2560x128xi32, #tpu.memory_space<hbm>> -> memref<1x80x128xi32, #tpu.memory_space<hbm>>
      %dma_start3A_243 = tpu.memref_squeeze %dma_start3A_242 : memref<1x80x128xi32, #tpu.memory_space<hbm>> -> memref<80x128xi32, #tpu.memory_space<hbm>>
      %dma_start3A_244 = arith.constant 0 : i32
      %dma_start3A_245 = tpu.memref_slice %arg3[%run_scoped3A, %mul3A_4, %dma_start3A_244] : memref<2x2560x128xi32, #tpu.memory_space<hbm>> -> memref<1x80x128xi32, #tpu.memory_space<hbm>>
      %dma_start3A_246 = tpu.memref_squeeze %dma_start3A_245 : memref<1x80x128xi32, #tpu.memory_space<hbm>> -> memref<80x128xi32, #tpu.memory_space<hbm>>
      tpu.enqueue_dma source(%dma_start3A_246 : memref<80x128xi32, #tpu.memory_space<hbm>>) target(%arg6 : memref<80x128xi32, #tpu.memory_space<vmem>>) target_semaphore(%run_scoped3A_240 : memref<!tpu.dma_semaphore, #tpu.memory_space<semaphore_mem>>)
      %dma_wait3A_247 = arith.constant 0 : i32
      %dma_wait3A_248 = tpu.memref_slice %arg3[%run_scoped3A, %mul3A_4, %dma_wait3A_247] : memref<2x2560x128xi32, #tpu.memory_space<hbm>> -> memref<1x80x128xi32, #tpu.memory_space<hbm>>
      %dma_wait3A_249 = tpu.memref_squeeze %dma_wait3A_248 : memref<1x80x128xi32, #tpu.memory_space<hbm>> -> memref<80x128xi32, #tpu.memory_space<hbm>>
      %dma_wait3A_250 = arith.constant 0 : i32
      %dma_wait3A_251 = tpu.memref_slice %arg3[%run_scoped3A, %mul3A_4, %dma_wait3A_250] : memref<2x2560x128xi32, #tpu.memory_space<hbm>> -> memref<1x80x128xi32, #tpu.memory_space<hbm>>
      %dma_wait3A_252 = tpu.memref_squeeze %dma_wait3A_251 : memref<1x80x128xi32, #tpu.memory_space<hbm>> -> memref<80x128xi32, #tpu.memory_space<hbm>>
      tpu.wait_dma2 semaphore(%run_scoped3A_240 : memref<!tpu.dma_semaphore, #tpu.memory_space<semaphore_mem>>) src(%dma_wait3A_252 : memref<80x128xi32, #tpu.memory_space<hbm>>) dst(%arg6 : memref<80x128xi32, #tpu.memory_space<vmem>>)
      tpu.yield
    }) : () -> ()
    %mul3A_5 = arith.constant 80 : i32
    %mul3A_6 = arith.muli %add3A, %mul3A_5 : i32
    %run_scoped3A_7 = arith.constant 1 : i32
    "tpu.region"() ({
      %run_scoped3A_240 = tpu.sem_alloc : memref<!tpu.dma_semaphore, #tpu.memory_space<semaphore_mem>>
      %dma_start3A_241 = arith.constant 0 : i32
      %dma_start3A_242 = tpu.memref_slice %arg3[%run_scoped3A_7, %mul3A_6, %dma_start3A_241] : memref<2x2560x128xi32, #tpu.memory_space<hbm>> -> memref<1x80x128xi32, #tpu.memory_space<hbm>>
      %dma_start3A_243 = tpu.memref_squeeze %dma_start3A_242 : memref<1x80x128xi32, #tpu.memory_space<hbm>> -> memref<80x128xi32, #tpu.memory_space<hbm>>
      %dma_start3A_244 = arith.constant 0 : i32
      %dma_start3A_245 = tpu.memref_slice %arg3[%run_scoped3A_7, %mul3A_6, %dma_start3A_244] : memref<2x2560x128xi32, #tpu.memory_space<hbm>> -> memref<1x80x128xi32, #tpu.memory_space<hbm>>
      %dma_start3A_246 = tpu.memref_squeeze %dma_start3A_245 : memref<1x80x128xi32, #tpu.memory_space<hbm>> -> memref<80x128xi32, #tpu.memory_space<hbm>>
      tpu.enqueue_dma source(%dma_start3A_246 : memref<80x128xi32, #tpu.memory_space<hbm>>) target(%arg7 : memref<80x128xi32, #tpu.memory_space<vmem>>) target_semaphore(%run_scoped3A_240 : memref<!tpu.dma_semaphore, #tpu.memory_space<semaphore_mem>>)
      %dma_wait3A_247 = arith.constant 0 : i32
      %dma_wait3A_248 = tpu.memref_slice %arg3[%run_scoped3A_7, %mul3A_6, %dma_wait3A_247] : memref<2x2560x128xi32, #tpu.memory_space<hbm>> -> memref<1x80x128xi32, #tpu.memory_space<hbm>>
      %dma_wait3A_249 = tpu.memref_squeeze %dma_wait3A_248 : memref<1x80x128xi32, #tpu.memory_space<hbm>> -> memref<80x128xi32, #tpu.memory_space<hbm>>
      %dma_wait3A_250 = arith.constant 0 : i32
      %dma_wait3A_251 = tpu.memref_slice %arg3[%run_scoped3A_7, %mul3A_6, %dma_wait3A_250] : memref<2x2560x128xi32, #tpu.memory_space<hbm>> -> memref<1x80x128xi32, #tpu.memory_space<hbm>>
      %dma_wait3A_252 = tpu.memref_squeeze %dma_wait3A_251 : memref<1x80x128xi32, #tpu.memory_space<hbm>> -> memref<80x128xi32, #tpu.memory_space<hbm>>
      tpu.wait_dma2 semaphore(%run_scoped3A_240 : memref<!tpu.dma_semaphore, #tpu.memory_space<semaphore_mem>>) src(%dma_wait3A_252 : memref<80x128xi32, #tpu.memory_space<hbm>>) dst(%arg7 : memref<80x128xi32, #tpu.memory_space<vmem>>)
      tpu.yield
    }) : () -> ()
    %barrier3A = arith.constant 0 : index
    tpu.barrier barrier_id(%barrier3A)
    %dma_start3A = arith.constant 0 : i32
    %dma_start3A_8 = arith.constant 0 : i32
    %dma_start3A_9 = tpu.memref_slice %arg6[%dma_start3A, %dma_start3A_8] : memref<80x128xi32, #tpu.memory_space<vmem>> -> memref<1x128xi32, #tpu.memory_space<vmem>>
    %dma_start3A_10 = tpu.memref_squeeze %dma_start3A_9 : memref<1x128xi32, #tpu.memory_space<vmem>> -> memref<128xi32, #tpu.memory_space<vmem>>
    %dma_start3A_11 = arith.constant 0 : i32
    %dma_start3A_12 = arith.constant 0 : i32
    %dma_start3A_13 = tpu.memref_slice %arg2[%dma_start3A_11, %dma_start3A_12] : memref<10000x64xf32, #tpu.memory_space<hbm>> -> memref<10000x64xf32, #tpu.memory_space<hbm>>
    tpu.enqueue_indirect_dma source(%dma_start3A_13 : memref<10000x64xf32, #tpu.memory_space<hbm>>) target(%arg8 : memref<128x64xf32, #tpu.memory_space<vmem>>) offsets(%dma_start3A_10 : memref<128xi32, #tpu.memory_space<vmem>>) semaphore(%arg16 : memref<!tpu.dma_semaphore, #tpu.memory_space<semaphore_mem>>)
    %dma_start3A_14 = arith.constant 1 : i32
    %dma_start3A_15 = arith.constant 0 : i32
    %dma_start3A_16 = tpu.memref_slice %arg6[%dma_start3A_14, %dma_start3A_15] : memref<80x128xi32, #tpu.memory_space<vmem>> -> memref<1x128xi32, #tpu.memory_space<vmem>>
    %dma_start3A_17 = tpu.memref_squeeze %dma_start3A_16 : memref<1x128xi32, #tpu.memory_space<vmem>> -> memref<128xi32, #tpu.memory_space<vmem>>
    %dma_start3A_18 = arith.constant 0 : i32
    %dma_start3A_19 = arith.constant 0 : i32
    %dma_start3A_20 = tpu.memref_slice %arg2[%dma_start3A_18, %dma_start3A_19] : memref<10000x64xf32, #tpu.memory_space<hbm>> -> memref<10000x64xf32, #tpu.memory_space<hbm>>
    tpu.enqueue_indirect_dma source(%dma_start3A_20 : memref<10000x64xf32, #tpu.memory_space<hbm>>) target(%arg9 : memref<128x64xf32, #tpu.memory_space<vmem>>) offsets(%dma_start3A_17 : memref<128xi32, #tpu.memory_space<vmem>>) semaphore(%arg17 : memref<!tpu.dma_semaphore, #tpu.memory_space<semaphore_mem>>)
    %dma_start3A_21 = arith.constant 2 : i32
    %dma_start3A_22 = arith.constant 0 : i32
    %dma_start3A_23 = tpu.memref_slice %arg6[%dma_start3A_21, %dma_start3A_22] : memref<80x128xi32, #tpu.memory_space<vmem>> -> memref<1x128xi32, #tpu.memory_space<vmem>>
    %dma_start3A_24 = tpu.memref_squeeze %dma_start3A_23 : memref<1x128xi32, #tpu.memory_space<vmem>> -> memref<128xi32, #tpu.memory_space<vmem>>
    %dma_start3A_25 = arith.constant 0 : i32
    %dma_start3A_26 = arith.constant 0 : i32
    %dma_start3A_27 = tpu.memref_slice %arg2[%dma_start3A_25, %dma_start3A_26] : memref<10000x64xf32, #tpu.memory_space<hbm>> -> memref<10000x64xf32, #tpu.memory_space<hbm>>
    tpu.enqueue_indirect_dma source(%dma_start3A_27 : memref<10000x64xf32, #tpu.memory_space<hbm>>) target(%arg10 : memref<128x64xf32, #tpu.memory_space<vmem>>) offsets(%dma_start3A_24 : memref<128xi32, #tpu.memory_space<vmem>>) semaphore(%arg18 : memref<!tpu.dma_semaphore, #tpu.memory_space<semaphore_mem>>)
    %dma_start3A_28 = arith.constant 3 : i32
    %dma_start3A_29 = arith.constant 0 : i32
    %dma_start3A_30 = tpu.memref_slice %arg6[%dma_start3A_28, %dma_start3A_29] : memref<80x128xi32, #tpu.memory_space<vmem>> -> memref<1x128xi32, #tpu.memory_space<vmem>>
    %dma_start3A_31 = tpu.memref_squeeze %dma_start3A_30 : memref<1x128xi32, #tpu.memory_space<vmem>> -> memref<128xi32, #tpu.memory_space<vmem>>
    %dma_start3A_32 = arith.constant 0 : i32
    %dma_start3A_33 = arith.constant 0 : i32
    %dma_start3A_34 = tpu.memref_slice %arg2[%dma_start3A_32, %dma_start3A_33] : memref<10000x64xf32, #tpu.memory_space<hbm>> -> memref<10000x64xf32, #tpu.memory_space<hbm>>
    tpu.enqueue_indirect_dma source(%dma_start3A_34 : memref<10000x64xf32, #tpu.memory_space<hbm>>) target(%arg11 : memref<128x64xf32, #tpu.memory_space<vmem>>) offsets(%dma_start3A_31 : memref<128xi32, #tpu.memory_space<vmem>>) semaphore(%arg19 : memref<!tpu.dma_semaphore, #tpu.memory_space<semaphore_mem>>)
    %dma_start3A_35 = arith.constant 4 : i32
    %dma_start3A_36 = arith.constant 0 : i32
    %dma_start3A_37 = tpu.memref_slice %arg6[%dma_start3A_35, %dma_start3A_36] : memref<80x128xi32, #tpu.memory_space<vmem>> -> memref<1x128xi32, #tpu.memory_space<vmem>>
    %dma_start3A_38 = tpu.memref_squeeze %dma_start3A_37 : memref<1x128xi32, #tpu.memory_space<vmem>> -> memref<128xi32, #tpu.memory_space<vmem>>
    %dma_start3A_39 = arith.constant 0 : i32
    %dma_start3A_40 = arith.constant 0 : i32
    %dma_start3A_41 = tpu.memref_slice %arg2[%dma_start3A_39, %dma_start3A_40] : memref<10000x64xf32, #tpu.memory_space<hbm>> -> memref<10000x64xf32, #tpu.memory_space<hbm>>
    tpu.enqueue_indirect_dma source(%dma_start3A_41 : memref<10000x64xf32, #tpu.memory_space<hbm>>) target(%arg12 : memref<128x64xf32, #tpu.memory_space<vmem>>) offsets(%dma_start3A_38 : memref<128xi32, #tpu.memory_space<vmem>>) semaphore(%arg20 : memref<!tpu.dma_semaphore, #tpu.memory_space<semaphore_mem>>)
    %dma_start3A_42 = arith.constant 5 : i32
    %dma_start3A_43 = arith.constant 0 : i32
    %dma_start3A_44 = tpu.memref_slice %arg6[%dma_start3A_42, %dma_start3A_43] : memref<80x128xi32, #tpu.memory_space<vmem>> -> memref<1x128xi32, #tpu.memory_space<vmem>>
    %dma_start3A_45 = tpu.memref_squeeze %dma_start3A_44 : memref<1x128xi32, #tpu.memory_space<vmem>> -> memref<128xi32, #tpu.memory_space<vmem>>
    %dma_start3A_46 = arith.constant 0 : i32
    %dma_start3A_47 = arith.constant 0 : i32
    %dma_start3A_48 = tpu.memref_slice %arg2[%dma_start3A_46, %dma_start3A_47] : memref<10000x64xf32, #tpu.memory_space<hbm>> -> memref<10000x64xf32, #tpu.memory_space<hbm>>
    tpu.enqueue_indirect_dma source(%dma_start3A_48 : memref<10000x64xf32, #tpu.memory_space<hbm>>) target(%arg13 : memref<128x64xf32, #tpu.memory_space<vmem>>) offsets(%dma_start3A_45 : memref<128xi32, #tpu.memory_space<vmem>>) semaphore(%arg21 : memref<!tpu.dma_semaphore, #tpu.memory_space<semaphore_mem>>)
    %dma_start3A_49 = arith.constant 6 : i32
    %dma_start3A_50 = arith.constant 0 : i32
    %dma_start3A_51 = tpu.memref_slice %arg6[%dma_start3A_49, %dma_start3A_50] : memref<80x128xi32, #tpu.memory_space<vmem>> -> memref<1x128xi32, #tpu.memory_space<vmem>>
    %dma_start3A_52 = tpu.memref_squeeze %dma_start3A_51 : memref<1x128xi32, #tpu.memory_space<vmem>> -> memref<128xi32, #tpu.memory_space<vmem>>
    %dma_start3A_53 = arith.constant 0 : i32
    %dma_start3A_54 = arith.constant 0 : i32
    %dma_start3A_55 = tpu.memref_slice %arg2[%dma_start3A_53, %dma_start3A_54] : memref<10000x64xf32, #tpu.memory_space<hbm>> -> memref<10000x64xf32, #tpu.memory_space<hbm>>
    tpu.enqueue_indirect_dma source(%dma_start3A_55 : memref<10000x64xf32, #tpu.memory_space<hbm>>) target(%arg14 : memref<128x64xf32, #tpu.memory_space<vmem>>) offsets(%dma_start3A_52 : memref<128xi32, #tpu.memory_space<vmem>>) semaphore(%arg22 : memref<!tpu.dma_semaphore, #tpu.memory_space<semaphore_mem>>)
    %dma_start3A_56 = arith.constant 7 : i32
    %dma_start3A_57 = arith.constant 0 : i32
    %dma_start3A_58 = tpu.memref_slice %arg6[%dma_start3A_56, %dma_start3A_57] : memref<80x128xi32, #tpu.memory_space<vmem>> -> memref<1x128xi32, #tpu.memory_space<vmem>>
    %dma_start3A_59 = tpu.memref_squeeze %dma_start3A_58 : memref<1x128xi32, #tpu.memory_space<vmem>> -> memref<128xi32, #tpu.memory_space<vmem>>
    %dma_start3A_60 = arith.constant 0 : i32
    %dma_start3A_61 = arith.constant 0 : i32
    %dma_start3A_62 = tpu.memref_slice %arg2[%dma_start3A_60, %dma_start3A_61] : memref<10000x64xf32, #tpu.memory_space<hbm>> -> memref<10000x64xf32, #tpu.memory_space<hbm>>
    tpu.enqueue_indirect_dma source(%dma_start3A_62 : memref<10000x64xf32, #tpu.memory_space<hbm>>) target(%arg15 : memref<128x64xf32, #tpu.memory_space<vmem>>) offsets(%dma_start3A_59 : memref<128xi32, #tpu.memory_space<vmem>>) semaphore(%arg23 : memref<!tpu.dma_semaphore, #tpu.memory_space<semaphore_mem>>)
    %scan3A = arith.constant 0 : i32
    %scan3A_63 = arith.constant 0 : i32
    %scan3A_64 = arith.constant 9 : i32
    %scan3A_65 = arith.addi %scan3A_63, %scan3A_64 : i32
    %scan3A_66 = arith.constant 1 : i32
    scf.for %scan3A_240 = %scan3A_63 to %scan3A_65 step %scan3A_66  : i32 {
      %mul3A_241 = arith.constant 8 : i32
      %mul3A_242 = arith.muli %scan3A_240, %mul3A_241 : i32
      %dma_wait3A_243 = arith.constant 0 : i32
      %dma_wait3A_244 = arith.constant 0 : i32
      %dma_wait3A_245 = tpu.memref_slice %arg6[%dma_wait3A_243, %dma_wait3A_244] : memref<80x128xi32, #tpu.memory_space<vmem>> -> memref<1x128xi32, #tpu.memory_space<vmem>>
      %dma_wait3A_246 = tpu.memref_squeeze %dma_wait3A_245 : memref<1x128xi32, #tpu.memory_space<vmem>> -> memref<128xi32, #tpu.memory_space<vmem>>
      %dma_wait3A_247 = arith.constant 0 : i32
      %dma_wait3A_248 = arith.constant 0 : i32
      %dma_wait3A_249 = tpu.memref_slice %arg2[%dma_wait3A_247, %dma_wait3A_248] : memref<10000x64xf32, #tpu.memory_space<hbm>> -> memref<10000x64xf32, #tpu.memory_space<hbm>>
      tpu.wait_indirect_dma semaphore(%arg16 : memref<!tpu.dma_semaphore, #tpu.memory_space<semaphore_mem>>) src(%dma_wait3A_249 : memref<10000x64xf32, #tpu.memory_space<hbm>>) dst(%arg8 : memref<128x64xf32, #tpu.memory_space<vmem>>)
      %add3A_250 = arith.constant 0 : i32
      %add3A_251 = arith.addi %mul3A_242, %add3A_250 : i32
      %dma_start3A_252 = arith.constant 0 : i32
      %dma_start3A_253 = tpu.memref_slice %arg7[%add3A_251, %dma_start3A_252] : memref<80x128xi32, #tpu.memory_space<vmem>> -> memref<1x128xi32, #tpu.memory_space<vmem>>
      %dma_start3A_254 = tpu.memref_squeeze %dma_start3A_253 : memref<1x128xi32, #tpu.memory_space<vmem>> -> memref<128xi32, #tpu.memory_space<vmem>>
      %dma_start3A_255 = arith.constant 0 : i32
      %dma_start3A_256 = arith.constant 0 : i32
      %dma_start3A_257 = tpu.memref_slice %arg32[%dma_start3A_255, %dma_start3A_256] : memref<10112x64xf32, #tpu.memory_space<vmem_shared>> -> memref<10112x64xf32, #tpu.memory_space<vmem_shared>>
      tpu.enqueue_indirect_dma source(%arg8 : memref<128x64xf32, #tpu.memory_space<vmem>>) target(%dma_start3A_257 : memref<10112x64xf32, #tpu.memory_space<vmem_shared>>) offsets(%dma_start3A_254 : memref<128xi32, #tpu.memory_space<vmem>>) semaphore(%arg24 : memref<!tpu.dma_semaphore, #tpu.memory_space<semaphore_mem>>) {add = true}
      %dma_wait3A_258 = arith.constant 0 : i32
      %dma_wait3A_259 = arith.constant 0 : i32
      %dma_wait3A_260 = tpu.memref_slice %arg6[%dma_wait3A_258, %dma_wait3A_259] : memref<80x128xi32, #tpu.memory_space<vmem>> -> memref<1x128xi32, #tpu.memory_space<vmem>>
      %dma_wait3A_261 = tpu.memref_squeeze %dma_wait3A_260 : memref<1x128xi32, #tpu.memory_space<vmem>> -> memref<128xi32, #tpu.memory_space<vmem>>
      %dma_wait3A_262 = arith.constant 0 : i32
      %dma_wait3A_263 = arith.constant 0 : i32
      %dma_wait3A_264 = tpu.memref_slice %arg2[%dma_wait3A_262, %dma_wait3A_263] : memref<10000x64xf32, #tpu.memory_space<hbm>> -> memref<10000x64xf32, #tpu.memory_space<hbm>>
      tpu.wait_indirect_dma semaphore(%arg17 : memref<!tpu.dma_semaphore, #tpu.memory_space<semaphore_mem>>) src(%dma_wait3A_264 : memref<10000x64xf32, #tpu.memory_space<hbm>>) dst(%arg9 : memref<128x64xf32, #tpu.memory_space<vmem>>)
      %add3A_265 = arith.constant 1 : i32
      %add3A_266 = arith.addi %mul3A_242, %add3A_265 : i32
      %dma_start3A_267 = arith.constant 0 : i32
      %dma_start3A_268 = tpu.memref_slice %arg7[%add3A_266, %dma_start3A_267] : memref<80x128xi32, #tpu.memory_space<vmem>> -> memref<1x128xi32, #tpu.memory_space<vmem>>
      %dma_start3A_269 = tpu.memref_squeeze %dma_start3A_268 : memref<1x128xi32, #tpu.memory_space<vmem>> -> memref<128xi32, #tpu.memory_space<vmem>>
      %dma_start3A_270 = arith.constant 0 : i32
      %dma_start3A_271 = arith.constant 0 : i32
      %dma_start3A_272 = tpu.memref_slice %arg32[%dma_start3A_270, %dma_start3A_271] : memref<10112x64xf32, #tpu.memory_space<vmem_shared>> -> memref<10112x64xf32, #tpu.memory_space<vmem_shared>>
      tpu.enqueue_indirect_dma source(%arg9 : memref<128x64xf32, #tpu.memory_space<vmem>>) target(%dma_start3A_272 : memref<10112x64xf32, #tpu.memory_space<vmem_shared>>) offsets(%dma_start3A_269 : memref<128xi32, #tpu.memory_space<vmem>>) semaphore(%arg25 : memref<!tpu.dma_semaphore, #tpu.memory_space<semaphore_mem>>) {add = true}
      %dma_wait3A_273 = arith.constant 0 : i32
      %dma_wait3A_274 = arith.constant 0 : i32
      %dma_wait3A_275 = tpu.memref_slice %arg6[%dma_wait3A_273, %dma_wait3A_274] : memref<80x128xi32, #tpu.memory_space<vmem>> -> memref<1x128xi32, #tpu.memory_space<vmem>>
      %dma_wait3A_276 = tpu.memref_squeeze %dma_wait3A_275 : memref<1x128xi32, #tpu.memory_space<vmem>> -> memref<128xi32, #tpu.memory_space<vmem>>
      %dma_wait3A_277 = arith.constant 0 : i32
      %dma_wait3A_278 = arith.constant 0 : i32
      %dma_wait3A_279 = tpu.memref_slice %arg2[%dma_wait3A_277, %dma_wait3A_278] : memref<10000x64xf32, #tpu.memory_space<hbm>> -> memref<10000x64xf32, #tpu.memory_space<hbm>>
      tpu.wait_indirect_dma semaphore(%arg18 : memref<!tpu.dma_semaphore, #tpu.memory_space<semaphore_mem>>) src(%dma_wait3A_279 : memref<10000x64xf32, #tpu.memory_space<hbm>>) dst(%arg10 : memref<128x64xf32, #tpu.memory_space<vmem>>)
      %add3A_280 = arith.constant 2 : i32
      %add3A_281 = arith.addi %mul3A_242, %add3A_280 : i32
      %dma_start3A_282 = arith.constant 0 : i32
      %dma_start3A_283 = tpu.memref_slice %arg7[%add3A_281, %dma_start3A_282] : memref<80x128xi32, #tpu.memory_space<vmem>> -> memref<1x128xi32, #tpu.memory_space<vmem>>
      %dma_start3A_284 = tpu.memref_squeeze %dma_start3A_283 : memref<1x128xi32, #tpu.memory_space<vmem>> -> memref<128xi32, #tpu.memory_space<vmem>>
      %dma_start3A_285 = arith.constant 0 : i32
      %dma_start3A_286 = arith.constant 0 : i32
      %dma_start3A_287 = tpu.memref_slice %arg32[%dma_start3A_285, %dma_start3A_286] : memref<10112x64xf32, #tpu.memory_space<vmem_shared>> -> memref<10112x64xf32, #tpu.memory_space<vmem_shared>>
      tpu.enqueue_indirect_dma source(%arg10 : memref<128x64xf32, #tpu.memory_space<vmem>>) target(%dma_start3A_287 : memref<10112x64xf32, #tpu.memory_space<vmem_shared>>) offsets(%dma_start3A_284 : memref<128xi32, #tpu.memory_space<vmem>>) semaphore(%arg26 : memref<!tpu.dma_semaphore, #tpu.memory_space<semaphore_mem>>) {add = true}
      %dma_wait3A_288 = arith.constant 0 : i32
      %dma_wait3A_289 = arith.constant 0 : i32
      %dma_wait3A_290 = tpu.memref_slice %arg6[%dma_wait3A_288, %dma_wait3A_289] : memref<80x128xi32, #tpu.memory_space<vmem>> -> memref<1x128xi32, #tpu.memory_space<vmem>>
      %dma_wait3A_291 = tpu.memref_squeeze %dma_wait3A_290 : memref<1x128xi32, #tpu.memory_space<vmem>> -> memref<128xi32, #tpu.memory_space<vmem>>
      %dma_wait3A_292 = arith.constant 0 : i32
      %dma_wait3A_293 = arith.constant 0 : i32
      %dma_wait3A_294 = tpu.memref_slice %arg2[%dma_wait3A_292, %dma_wait3A_293] : memref<10000x64xf32, #tpu.memory_space<hbm>> -> memref<10000x64xf32, #tpu.memory_space<hbm>>
      tpu.wait_indirect_dma semaphore(%arg19 : memref<!tpu.dma_semaphore, #tpu.memory_space<semaphore_mem>>) src(%dma_wait3A_294 : memref<10000x64xf32, #tpu.memory_space<hbm>>) dst(%arg11 : memref<128x64xf32, #tpu.memory_space<vmem>>)
      %add3A_295 = arith.constant 3 : i32
      %add3A_296 = arith.addi %mul3A_242, %add3A_295 : i32
      %dma_start3A_297 = arith.constant 0 : i32
      %dma_start3A_298 = tpu.memref_slice %arg7[%add3A_296, %dma_start3A_297] : memref<80x128xi32, #tpu.memory_space<vmem>> -> memref<1x128xi32, #tpu.memory_space<vmem>>
      %dma_start3A_299 = tpu.memref_squeeze %dma_start3A_298 : memref<1x128xi32, #tpu.memory_space<vmem>> -> memref<128xi32, #tpu.memory_space<vmem>>
      %dma_start3A_300 = arith.constant 0 : i32
      %dma_start3A_301 = arith.constant 0 : i32
      %dma_start3A_302 = tpu.memref_slice %arg32[%dma_start3A_300, %dma_start3A_301] : memref<10112x64xf32, #tpu.memory_space<vmem_shared>> -> memref<10112x64xf32, #tpu.memory_space<vmem_shared>>
      tpu.enqueue_indirect_dma source(%arg11 : memref<128x64xf32, #tpu.memory_space<vmem>>) target(%dma_start3A_302 : memref<10112x64xf32, #tpu.memory_space<vmem_shared>>) offsets(%dma_start3A_299 : memref<128xi32, #tpu.memory_space<vmem>>) semaphore(%arg27 : memref<!tpu.dma_semaphore, #tpu.memory_space<semaphore_mem>>) {add = true}
      %dma_wait3A_303 = arith.constant 0 : i32
      %dma_wait3A_304 = arith.constant 0 : i32
      %dma_wait3A_305 = tpu.memref_slice %arg6[%dma_wait3A_303, %dma_wait3A_304] : memref<80x128xi32, #tpu.memory_space<vmem>> -> memref<1x128xi32, #tpu.memory_space<vmem>>
      %dma_wait3A_306 = tpu.memref_squeeze %dma_wait3A_305 : memref<1x128xi32, #tpu.memory_space<vmem>> -> memref<128xi32, #tpu.memory_space<vmem>>
      %dma_wait3A_307 = arith.constant 0 : i32
      %dma_wait3A_308 = arith.constant 0 : i32
      %dma_wait3A_309 = tpu.memref_slice %arg2[%dma_wait3A_307, %dma_wait3A_308] : memref<10000x64xf32, #tpu.memory_space<hbm>> -> memref<10000x64xf32, #tpu.memory_space<hbm>>
      tpu.wait_indirect_dma semaphore(%arg20 : memref<!tpu.dma_semaphore, #tpu.memory_space<semaphore_mem>>) src(%dma_wait3A_309 : memref<10000x64xf32, #tpu.memory_space<hbm>>) dst(%arg12 : memref<128x64xf32, #tpu.memory_space<vmem>>)
      %add3A_310 = arith.constant 4 : i32
      %add3A_311 = arith.addi %mul3A_242, %add3A_310 : i32
      %dma_start3A_312 = arith.constant 0 : i32
      %dma_start3A_313 = tpu.memref_slice %arg7[%add3A_311, %dma_start3A_312] : memref<80x128xi32, #tpu.memory_space<vmem>> -> memref<1x128xi32, #tpu.memory_space<vmem>>
      %dma_start3A_314 = tpu.memref_squeeze %dma_start3A_313 : memref<1x128xi32, #tpu.memory_space<vmem>> -> memref<128xi32, #tpu.memory_space<vmem>>
      %dma_start3A_315 = arith.constant 0 : i32
      %dma_start3A_316 = arith.constant 0 : i32
      %dma_start3A_317 = tpu.memref_slice %arg32[%dma_start3A_315, %dma_start3A_316] : memref<10112x64xf32, #tpu.memory_space<vmem_shared>> -> memref<10112x64xf32, #tpu.memory_space<vmem_shared>>
      tpu.enqueue_indirect_dma source(%arg12 : memref<128x64xf32, #tpu.memory_space<vmem>>) target(%dma_start3A_317 : memref<10112x64xf32, #tpu.memory_space<vmem_shared>>) offsets(%dma_start3A_314 : memref<128xi32, #tpu.memory_space<vmem>>) semaphore(%arg28 : memref<!tpu.dma_semaphore, #tpu.memory_space<semaphore_mem>>) {add = true}
      %dma_wait3A_318 = arith.constant 0 : i32
      %dma_wait3A_319 = arith.constant 0 : i32
      %dma_wait3A_320 = tpu.memref_slice %arg6[%dma_wait3A_318, %dma_wait3A_319] : memref<80x128xi32, #tpu.memory_space<vmem>> -> memref<1x128xi32, #tpu.memory_space<vmem>>
      %dma_wait3A_321 = tpu.memref_squeeze %dma_wait3A_320 : memref<1x128xi32, #tpu.memory_space<vmem>> -> memref<128xi32, #tpu.memory_space<vmem>>
      %dma_wait3A_322 = arith.constant 0 : i32
      %dma_wait3A_323 = arith.constant 0 : i32
      %dma_wait3A_324 = tpu.memref_slice %arg2[%dma_wait3A_322, %dma_wait3A_323] : memref<10000x64xf32, #tpu.memory_space<hbm>> -> memref<10000x64xf32, #tpu.memory_space<hbm>>
      tpu.wait_indirect_dma semaphore(%arg21 : memref<!tpu.dma_semaphore, #tpu.memory_space<semaphore_mem>>) src(%dma_wait3A_324 : memref<10000x64xf32, #tpu.memory_space<hbm>>) dst(%arg13 : memref<128x64xf32, #tpu.memory_space<vmem>>)
      %add3A_325 = arith.constant 5 : i32
      %add3A_326 = arith.addi %mul3A_242, %add3A_325 : i32
      %dma_start3A_327 = arith.constant 0 : i32
      %dma_start3A_328 = tpu.memref_slice %arg7[%add3A_326, %dma_start3A_327] : memref<80x128xi32, #tpu.memory_space<vmem>> -> memref<1x128xi32, #tpu.memory_space<vmem>>
      %dma_start3A_329 = tpu.memref_squeeze %dma_start3A_328 : memref<1x128xi32, #tpu.memory_space<vmem>> -> memref<128xi32, #tpu.memory_space<vmem>>
      %dma_start3A_330 = arith.constant 0 : i32
      %dma_start3A_331 = arith.constant 0 : i32
      %dma_start3A_332 = tpu.memref_slice %arg32[%dma_start3A_330, %dma_start3A_331] : memref<10112x64xf32, #tpu.memory_space<vmem_shared>> -> memref<10112x64xf32, #tpu.memory_space<vmem_shared>>
      tpu.enqueue_indirect_dma source(%arg13 : memref<128x64xf32, #tpu.memory_space<vmem>>) target(%dma_start3A_332 : memref<10112x64xf32, #tpu.memory_space<vmem_shared>>) offsets(%dma_start3A_329 : memref<128xi32, #tpu.memory_space<vmem>>) semaphore(%arg29 : memref<!tpu.dma_semaphore, #tpu.memory_space<semaphore_mem>>) {add = true}
      %dma_wait3A_333 = arith.constant 0 : i32
      %dma_wait3A_334 = arith.constant 0 : i32
      %dma_wait3A_335 = tpu.memref_slice %arg6[%dma_wait3A_333, %dma_wait3A_334] : memref<80x128xi32, #tpu.memory_space<vmem>> -> memref<1x128xi32, #tpu.memory_space<vmem>>
      %dma_wait3A_336 = tpu.memref_squeeze %dma_wait3A_335 : memref<1x128xi32, #tpu.memory_space<vmem>> -> memref<128xi32, #tpu.memory_space<vmem>>
      %dma_wait3A_337 = arith.constant 0 : i32
      %dma_wait3A_338 = arith.constant 0 : i32
      %dma_wait3A_339 = tpu.memref_slice %arg2[%dma_wait3A_337, %dma_wait3A_338] : memref<10000x64xf32, #tpu.memory_space<hbm>> -> memref<10000x64xf32, #tpu.memory_space<hbm>>
      tpu.wait_indirect_dma semaphore(%arg22 : memref<!tpu.dma_semaphore, #tpu.memory_space<semaphore_mem>>) src(%dma_wait3A_339 : memref<10000x64xf32, #tpu.memory_space<hbm>>) dst(%arg14 : memref<128x64xf32, #tpu.memory_space<vmem>>)
      %add3A_340 = arith.constant 6 : i32
      %add3A_341 = arith.addi %mul3A_242, %add3A_340 : i32
      %dma_start3A_342 = arith.constant 0 : i32
      %dma_start3A_343 = tpu.memref_slice %arg7[%add3A_341, %dma_start3A_342] : memref<80x128xi32, #tpu.memory_space<vmem>> -> memref<1x128xi32, #tpu.memory_space<vmem>>
      %dma_start3A_344 = tpu.memref_squeeze %dma_start3A_343 : memref<1x128xi32, #tpu.memory_space<vmem>> -> memref<128xi32, #tpu.memory_space<vmem>>
      %dma_start3A_345 = arith.constant 0 : i32
      %dma_start3A_346 = arith.constant 0 : i32
      %dma_start3A_347 = tpu.memref_slice %arg32[%dma_start3A_345, %dma_start3A_346] : memref<10112x64xf32, #tpu.memory_space<vmem_shared>> -> memref<10112x64xf32, #tpu.memory_space<vmem_shared>>
      tpu.enqueue_indirect_dma source(%arg14 : memref<128x64xf32, #tpu.memory_space<vmem>>) target(%dma_start3A_347 : memref<10112x64xf32, #tpu.memory_space<vmem_shared>>) offsets(%dma_start3A_344 : memref<128xi32, #tpu.memory_space<vmem>>) semaphore(%arg30 : memref<!tpu.dma_semaphore, #tpu.memory_space<semaphore_mem>>) {add = true}
      %dma_wait3A_348 = arith.constant 0 : i32
      %dma_wait3A_349 = arith.constant 0 : i32
      %dma_wait3A_350 = tpu.memref_slice %arg6[%dma_wait3A_348, %dma_wait3A_349] : memref<80x128xi32, #tpu.memory_space<vmem>> -> memref<1x128xi32, #tpu.memory_space<vmem>>
      %dma_wait3A_351 = tpu.memref_squeeze %dma_wait3A_350 : memref<1x128xi32, #tpu.memory_space<vmem>> -> memref<128xi32, #tpu.memory_space<vmem>>
      %dma_wait3A_352 = arith.constant 0 : i32
      %dma_wait3A_353 = arith.constant 0 : i32
      %dma_wait3A_354 = tpu.memref_slice %arg2[%dma_wait3A_352, %dma_wait3A_353] : memref<10000x64xf32, #tpu.memory_space<hbm>> -> memref<10000x64xf32, #tpu.memory_space<hbm>>
      tpu.wait_indirect_dma semaphore(%arg23 : memref<!tpu.dma_semaphore, #tpu.memory_space<semaphore_mem>>) src(%dma_wait3A_354 : memref<10000x64xf32, #tpu.memory_space<hbm>>) dst(%arg15 : memref<128x64xf32, #tpu.memory_space<vmem>>)
      %add3A_355 = arith.constant 7 : i32
      %add3A_356 = arith.addi %mul3A_242, %add3A_355 : i32
      %dma_start3A_357 = arith.constant 0 : i32
      %dma_start3A_358 = tpu.memref_slice %arg7[%add3A_356, %dma_start3A_357] : memref<80x128xi32, #tpu.memory_space<vmem>> -> memref<1x128xi32, #tpu.memory_space<vmem>>
      %dma_start3A_359 = tpu.memref_squeeze %dma_start3A_358 : memref<1x128xi32, #tpu.memory_space<vmem>> -> memref<128xi32, #tpu.memory_space<vmem>>
      %dma_start3A_360 = arith.constant 0 : i32
      %dma_start3A_361 = arith.constant 0 : i32
      %dma_start3A_362 = tpu.memref_slice %arg32[%dma_start3A_360, %dma_start3A_361] : memref<10112x64xf32, #tpu.memory_space<vmem_shared>> -> memref<10112x64xf32, #tpu.memory_space<vmem_shared>>
      tpu.enqueue_indirect_dma source(%arg15 : memref<128x64xf32, #tpu.memory_space<vmem>>) target(%dma_start3A_362 : memref<10112x64xf32, #tpu.memory_space<vmem_shared>>) offsets(%dma_start3A_359 : memref<128xi32, #tpu.memory_space<vmem>>) semaphore(%arg31 : memref<!tpu.dma_semaphore, #tpu.memory_space<semaphore_mem>>) {add = true}
      %dma_wait3A_363 = arith.constant 0 : i32
      %dma_wait3A_364 = arith.constant 0 : i32
      %dma_wait3A_365 = tpu.memref_slice %arg7[%dma_wait3A_363, %dma_wait3A_364] : memref<80x128xi32, #tpu.memory_space<vmem>> -> memref<1x128xi32, #tpu.memory_space<vmem>>
      %dma_wait3A_366 = tpu.memref_squeeze %dma_wait3A_365 : memref<1x128xi32, #tpu.memory_space<vmem>> -> memref<128xi32, #tpu.memory_space<vmem>>
      %dma_wait3A_367 = arith.constant 0 : i32
      %dma_wait3A_368 = arith.constant 0 : i32
      %dma_wait3A_369 = tpu.memref_slice %arg32[%dma_wait3A_367, %dma_wait3A_368] : memref<10112x64xf32, #tpu.memory_space<vmem_shared>> -> memref<10112x64xf32, #tpu.memory_space<vmem_shared>>
      tpu.wait_indirect_dma semaphore(%arg24 : memref<!tpu.dma_semaphore, #tpu.memory_space<semaphore_mem>>) src(%arg8 : memref<128x64xf32, #tpu.memory_space<vmem>>) dst(%dma_wait3A_369 : memref<10112x64xf32, #tpu.memory_space<vmem_shared>>)
      %add3A_370 = arith.constant 8 : i32
      %add3A_371 = arith.addi %mul3A_242, %add3A_370 : i32
      %add3A_372 = arith.constant 0 : i32
      %add3A_373 = arith.addi %add3A_371, %add3A_372 : i32
      %dma_start3A_374 = arith.constant 0 : i32
      %dma_start3A_375 = tpu.memref_slice %arg6[%add3A_373, %dma_start3A_374] : memref<80x128xi32, #tpu.memory_space<vmem>> -> memref<1x128xi32, #tpu.memory_space<vmem>>
      %dma_start3A_376 = tpu.memref_squeeze %dma_start3A_375 : memref<1x128xi32, #tpu.memory_space<vmem>> -> memref<128xi32, #tpu.memory_space<vmem>>
      %dma_start3A_377 = arith.constant 0 : i32
      %dma_start3A_378 = arith.constant 0 : i32
      %dma_start3A_379 = tpu.memref_slice %arg2[%dma_start3A_377, %dma_start3A_378] : memref<10000x64xf32, #tpu.memory_space<hbm>> -> memref<10000x64xf32, #tpu.memory_space<hbm>>
      tpu.enqueue_indirect_dma source(%dma_start3A_379 : memref<10000x64xf32, #tpu.memory_space<hbm>>) target(%arg8 : memref<128x64xf32, #tpu.memory_space<vmem>>) offsets(%dma_start3A_376 : memref<128xi32, #tpu.memory_space<vmem>>) semaphore(%arg16 : memref<!tpu.dma_semaphore, #tpu.memory_space<semaphore_mem>>)
      %dma_wait3A_380 = arith.constant 0 : i32
      %dma_wait3A_381 = arith.constant 0 : i32
      %dma_wait3A_382 = tpu.memref_slice %arg7[%dma_wait3A_380, %dma_wait3A_381] : memref<80x128xi32, #tpu.memory_space<vmem>> -> memref<1x128xi32, #tpu.memory_space<vmem>>
      %dma_wait3A_383 = tpu.memref_squeeze %dma_wait3A_382 : memref<1x128xi32, #tpu.memory_space<vmem>> -> memref<128xi32, #tpu.memory_space<vmem>>
      %dma_wait3A_384 = arith.constant 0 : i32
      %dma_wait3A_385 = arith.constant 0 : i32
      %dma_wait3A_386 = tpu.memref_slice %arg32[%dma_wait3A_384, %dma_wait3A_385] : memref<10112x64xf32, #tpu.memory_space<vmem_shared>> -> memref<10112x64xf32, #tpu.memory_space<vmem_shared>>
      tpu.wait_indirect_dma semaphore(%arg25 : memref<!tpu.dma_semaphore, #tpu.memory_space<semaphore_mem>>) src(%arg9 : memref<128x64xf32, #tpu.memory_space<vmem>>) dst(%dma_wait3A_386 : memref<10112x64xf32, #tpu.memory_space<vmem_shared>>)
      %add3A_387 = arith.constant 8 : i32
      %add3A_388 = arith.addi %mul3A_242, %add3A_387 : i32
      %add3A_389 = arith.constant 1 : i32
      %add3A_390 = arith.addi %add3A_388, %add3A_389 : i32
      %dma_start3A_391 = arith.constant 0 : i32
      %dma_start3A_392 = tpu.memref_slice %arg6[%add3A_390, %dma_start3A_391] : memref<80x128xi32, #tpu.memory_space<vmem>> -> memref<1x128xi32, #tpu.memory_space<vmem>>
      %dma_start3A_393 = tpu.memref_squeeze %dma_start3A_392 : memref<1x128xi32, #tpu.memory_space<vmem>> -> memref<128xi32, #tpu.memory_space<vmem>>
      %dma_start3A_394 = arith.constant 0 : i32
      %dma_start3A_395 = arith.constant 0 : i32
      %dma_start3A_396 = tpu.memref_slice %arg2[%dma_start3A_394, %dma_start3A_395] : memref<10000x64xf32, #tpu.memory_space<hbm>> -> memref<10000x64xf32, #tpu.memory_space<hbm>>
      tpu.enqueue_indirect_dma source(%dma_start3A_396 : memref<10000x64xf32, #tpu.memory_space<hbm>>) target(%arg9 : memref<128x64xf32, #tpu.memory_space<vmem>>) offsets(%dma_start3A_393 : memref<128xi32, #tpu.memory_space<vmem>>) semaphore(%arg17 : memref<!tpu.dma_semaphore, #tpu.memory_space<semaphore_mem>>)
      %dma_wait3A_397 = arith.constant 0 : i32
      %dma_wait3A_398 = arith.constant 0 : i32
      %dma_wait3A_399 = tpu.memref_slice %arg7[%dma_wait3A_397, %dma_wait3A_398] : memref<80x128xi32, #tpu.memory_space<vmem>> -> memref<1x128xi32, #tpu.memory_space<vmem>>
      %dma_wait3A_400 = tpu.memref_squeeze %dma_wait3A_399 : memref<1x128xi32, #tpu.memory_space<vmem>> -> memref<128xi32, #tpu.memory_space<vmem>>
      %dma_wait3A_401 = arith.constant 0 : i32
      %dma_wait3A_402 = arith.constant 0 : i32
      %dma_wait3A_403 = tpu.memref_slice %arg32[%dma_wait3A_401, %dma_wait3A_402] : memref<10112x64xf32, #tpu.memory_space<vmem_shared>> -> memref<10112x64xf32, #tpu.memory_space<vmem_shared>>
      tpu.wait_indirect_dma semaphore(%arg26 : memref<!tpu.dma_semaphore, #tpu.memory_space<semaphore_mem>>) src(%arg10 : memref<128x64xf32, #tpu.memory_space<vmem>>) dst(%dma_wait3A_403 : memref<10112x64xf32, #tpu.memory_space<vmem_shared>>)
      %add3A_404 = arith.constant 8 : i32
      %add3A_405 = arith.addi %mul3A_242, %add3A_404 : i32
      %add3A_406 = arith.constant 2 : i32
      %add3A_407 = arith.addi %add3A_405, %add3A_406 : i32
      %dma_start3A_408 = arith.constant 0 : i32
      %dma_start3A_409 = tpu.memref_slice %arg6[%add3A_407, %dma_start3A_408] : memref<80x128xi32, #tpu.memory_space<vmem>> -> memref<1x128xi32, #tpu.memory_space<vmem>>
      %dma_start3A_410 = tpu.memref_squeeze %dma_start3A_409 : memref<1x128xi32, #tpu.memory_space<vmem>> -> memref<128xi32, #tpu.memory_space<vmem>>
      %dma_start3A_411 = arith.constant 0 : i32
      %dma_start3A_412 = arith.constant 0 : i32
      %dma_start3A_413 = tpu.memref_slice %arg2[%dma_start3A_411, %dma_start3A_412] : memref<10000x64xf32, #tpu.memory_space<hbm>> -> memref<10000x64xf32, #tpu.memory_space<hbm>>
      tpu.enqueue_indirect_dma source(%dma_start3A_413 : memref<10000x64xf32, #tpu.memory_space<hbm>>) target(%arg10 : memref<128x64xf32, #tpu.memory_space<vmem>>) offsets(%dma_start3A_410 : memref<128xi32, #tpu.memory_space<vmem>>) semaphore(%arg18 : memref<!tpu.dma_semaphore, #tpu.memory_space<semaphore_mem>>)
      %dma_wait3A_414 = arith.constant 0 : i32
      %dma_wait3A_415 = arith.constant 0 : i32
      %dma_wait3A_416 = tpu.memref_slice %arg7[%dma_wait3A_414, %dma_wait3A_415] : memref<80x128xi32, #tpu.memory_space<vmem>> -> memref<1x128xi32, #tpu.memory_space<vmem>>
      %dma_wait3A_417 = tpu.memref_squeeze %dma_wait3A_416 : memref<1x128xi32, #tpu.memory_space<vmem>> -> memref<128xi32, #tpu.memory_space<vmem>>
      %dma_wait3A_418 = arith.constant 0 : i32
      %dma_wait3A_419 = arith.constant 0 : i32
      %dma_wait3A_420 = tpu.memref_slice %arg32[%dma_wait3A_418, %dma_wait3A_419] : memref<10112x64xf32, #tpu.memory_space<vmem_shared>> -> memref<10112x64xf32, #tpu.memory_space<vmem_shared>>
      tpu.wait_indirect_dma semaphore(%arg27 : memref<!tpu.dma_semaphore, #tpu.memory_space<semaphore_mem>>) src(%arg11 : memref<128x64xf32, #tpu.memory_space<vmem>>) dst(%dma_wait3A_420 : memref<10112x64xf32, #tpu.memory_space<vmem_shared>>)
      %add3A_421 = arith.constant 8 : i32
      %add3A_422 = arith.addi %mul3A_242, %add3A_421 : i32
      %add3A_423 = arith.constant 3 : i32
      %add3A_424 = arith.addi %add3A_422, %add3A_423 : i32
      %dma_start3A_425 = arith.constant 0 : i32
      %dma_start3A_426 = tpu.memref_slice %arg6[%add3A_424, %dma_start3A_425] : memref<80x128xi32, #tpu.memory_space<vmem>> -> memref<1x128xi32, #tpu.memory_space<vmem>>
      %dma_start3A_427 = tpu.memref_squeeze %dma_start3A_426 : memref<1x128xi32, #tpu.memory_space<vmem>> -> memref<128xi32, #tpu.memory_space<vmem>>
      %dma_start3A_428 = arith.constant 0 : i32
      %dma_start3A_429 = arith.constant 0 : i32
      %dma_start3A_430 = tpu.memref_slice %arg2[%dma_start3A_428, %dma_start3A_429] : memref<10000x64xf32, #tpu.memory_space<hbm>> -> memref<10000x64xf32, #tpu.memory_space<hbm>>
      tpu.enqueue_indirect_dma source(%dma_start3A_430 : memref<10000x64xf32, #tpu.memory_space<hbm>>) target(%arg11 : memref<128x64xf32, #tpu.memory_space<vmem>>) offsets(%dma_start3A_427 : memref<128xi32, #tpu.memory_space<vmem>>) semaphore(%arg19 : memref<!tpu.dma_semaphore, #tpu.memory_space<semaphore_mem>>)
      %dma_wait3A_431 = arith.constant 0 : i32
      %dma_wait3A_432 = arith.constant 0 : i32
      %dma_wait3A_433 = tpu.memref_slice %arg7[%dma_wait3A_431, %dma_wait3A_432] : memref<80x128xi32, #tpu.memory_space<vmem>> -> memref<1x128xi32, #tpu.memory_space<vmem>>
      %dma_wait3A_434 = tpu.memref_squeeze %dma_wait3A_433 : memref<1x128xi32, #tpu.memory_space<vmem>> -> memref<128xi32, #tpu.memory_space<vmem>>
      %dma_wait3A_435 = arith.constant 0 : i32
      %dma_wait3A_436 = arith.constant 0 : i32
      %dma_wait3A_437 = tpu.memref_slice %arg32[%dma_wait3A_435, %dma_wait3A_436] : memref<10112x64xf32, #tpu.memory_space<vmem_shared>> -> memref<10112x64xf32, #tpu.memory_space<vmem_shared>>
      tpu.wait_indirect_dma semaphore(%arg28 : memref<!tpu.dma_semaphore, #tpu.memory_space<semaphore_mem>>) src(%arg12 : memref<128x64xf32, #tpu.memory_space<vmem>>) dst(%dma_wait3A_437 : memref<10112x64xf32, #tpu.memory_space<vmem_shared>>)
      %add3A_438 = arith.constant 8 : i32
      %add3A_439 = arith.addi %mul3A_242, %add3A_438 : i32
      %add3A_440 = arith.constant 4 : i32
      %add3A_441 = arith.addi %add3A_439, %add3A_440 : i32
      %dma_start3A_442 = arith.constant 0 : i32
      %dma_start3A_443 = tpu.memref_slice %arg6[%add3A_441, %dma_start3A_442] : memref<80x128xi32, #tpu.memory_space<vmem>> -> memref<1x128xi32, #tpu.memory_space<vmem>>
      %dma_start3A_444 = tpu.memref_squeeze %dma_start3A_443 : memref<1x128xi32, #tpu.memory_space<vmem>> -> memref<128xi32, #tpu.memory_space<vmem>>
      %dma_start3A_445 = arith.constant 0 : i32
      %dma_start3A_446 = arith.constant 0 : i32
      %dma_start3A_447 = tpu.memref_slice %arg2[%dma_start3A_445, %dma_start3A_446] : memref<10000x64xf32, #tpu.memory_space<hbm>> -> memref<10000x64xf32, #tpu.memory_space<hbm>>
      tpu.enqueue_indirect_dma source(%dma_start3A_447 : memref<10000x64xf32, #tpu.memory_space<hbm>>) target(%arg12 : memref<128x64xf32, #tpu.memory_space<vmem>>) offsets(%dma_start3A_444 : memref<128xi32, #tpu.memory_space<vmem>>) semaphore(%arg20 : memref<!tpu.dma_semaphore, #tpu.memory_space<semaphore_mem>>)
      %dma_wait3A_448 = arith.constant 0 : i32
      %dma_wait3A_449 = arith.constant 0 : i32
      %dma_wait3A_450 = tpu.memref_slice %arg7[%dma_wait3A_448, %dma_wait3A_449] : memref<80x128xi32, #tpu.memory_space<vmem>> -> memref<1x128xi32, #tpu.memory_space<vmem>>
      %dma_wait3A_451 = tpu.memref_squeeze %dma_wait3A_450 : memref<1x128xi32, #tpu.memory_space<vmem>> -> memref<128xi32, #tpu.memory_space<vmem>>
      %dma_wait3A_452 = arith.constant 0 : i32
      %dma_wait3A_453 = arith.constant 0 : i32
      %dma_wait3A_454 = tpu.memref_slice %arg32[%dma_wait3A_452, %dma_wait3A_453] : memref<10112x64xf32, #tpu.memory_space<vmem_shared>> -> memref<10112x64xf32, #tpu.memory_space<vmem_shared>>
      tpu.wait_indirect_dma semaphore(%arg29 : memref<!tpu.dma_semaphore, #tpu.memory_space<semaphore_mem>>) src(%arg13 : memref<128x64xf32, #tpu.memory_space<vmem>>) dst(%dma_wait3A_454 : memref<10112x64xf32, #tpu.memory_space<vmem_shared>>)
      %add3A_455 = arith.constant 8 : i32
      %add3A_456 = arith.addi %mul3A_242, %add3A_455 : i32
      %add3A_457 = arith.constant 5 : i32
      %add3A_458 = arith.addi %add3A_456, %add3A_457 : i32
      %dma_start3A_459 = arith.constant 0 : i32
      %dma_start3A_460 = tpu.memref_slice %arg6[%add3A_458, %dma_start3A_459] : memref<80x128xi32, #tpu.memory_space<vmem>> -> memref<1x128xi32, #tpu.memory_space<vmem>>
      %dma_start3A_461 = tpu.memref_squeeze %dma_start3A_460 : memref<1x128xi32, #tpu.memory_space<vmem>> -> memref<128xi32, #tpu.memory_space<vmem>>
      %dma_start3A_462 = arith.constant 0 : i32
      %dma_start3A_463 = arith.constant 0 : i32
      %dma_start3A_464 = tpu.memref_slice %arg2[%dma_start3A_462, %dma_start3A_463] : memref<10000x64xf32, #tpu.memory_space<hbm>> -> memref<10000x64xf32, #tpu.memory_space<hbm>>
      tpu.enqueue_indirect_dma source(%dma_start3A_464 : memref<10000x64xf32, #tpu.memory_space<hbm>>) target(%arg13 : memref<128x64xf32, #tpu.memory_space<vmem>>) offsets(%dma_start3A_461 : memref<128xi32, #tpu.memory_space<vmem>>) semaphore(%arg21 : memref<!tpu.dma_semaphore, #tpu.memory_space<semaphore_mem>>)
      %dma_wait3A_465 = arith.constant 0 : i32
      %dma_wait3A_466 = arith.constant 0 : i32
      %dma_wait3A_467 = tpu.memref_slice %arg7[%dma_wait3A_465, %dma_wait3A_466] : memref<80x128xi32, #tpu.memory_space<vmem>> -> memref<1x128xi32, #tpu.memory_space<vmem>>
      %dma_wait3A_468 = tpu.memref_squeeze %dma_wait3A_467 : memref<1x128xi32, #tpu.memory_space<vmem>> -> memref<128xi32, #tpu.memory_space<vmem>>
      %dma_wait3A_469 = arith.constant 0 : i32
      %dma_wait3A_470 = arith.constant 0 : i32
      %dma_wait3A_471 = tpu.memref_slice %arg32[%dma_wait3A_469, %dma_wait3A_470] : memref<10112x64xf32, #tpu.memory_space<vmem_shared>> -> memref<10112x64xf32, #tpu.memory_space<vmem_shared>>
      tpu.wait_indirect_dma semaphore(%arg30 : memref<!tpu.dma_semaphore, #tpu.memory_space<semaphore_mem>>) src(%arg14 : memref<128x64xf32, #tpu.memory_space<vmem>>) dst(%dma_wait3A_471 : memref<10112x64xf32, #tpu.memory_space<vmem_shared>>)
      %add3A_472 = arith.constant 8 : i32
      %add3A_473 = arith.addi %mul3A_242, %add3A_472 : i32
      %add3A_474 = arith.constant 6 : i32
      %add3A_475 = arith.addi %add3A_473, %add3A_474 : i32
      %dma_start3A_476 = arith.constant 0 : i32
      %dma_start3A_477 = tpu.memref_slice %arg6[%add3A_475, %dma_start3A_476] : memref<80x128xi32, #tpu.memory_space<vmem>> -> memref<1x128xi32, #tpu.memory_space<vmem>>
      %dma_start3A_478 = tpu.memref_squeeze %dma_start3A_477 : memref<1x128xi32, #tpu.memory_space<vmem>> -> memref<128xi32, #tpu.memory_space<vmem>>
      %dma_start3A_479 = arith.constant 0 : i32
      %dma_start3A_480 = arith.constant 0 : i32
      %dma_start3A_481 = tpu.memref_slice %arg2[%dma_start3A_479, %dma_start3A_480] : memref<10000x64xf32, #tpu.memory_space<hbm>> -> memref<10000x64xf32, #tpu.memory_space<hbm>>
      tpu.enqueue_indirect_dma source(%dma_start3A_481 : memref<10000x64xf32, #tpu.memory_space<hbm>>) target(%arg14 : memref<128x64xf32, #tpu.memory_space<vmem>>) offsets(%dma_start3A_478 : memref<128xi32, #tpu.memory_space<vmem>>) semaphore(%arg22 : memref<!tpu.dma_semaphore, #tpu.memory_space<semaphore_mem>>)
      %dma_wait3A_482 = arith.constant 0 : i32
      %dma_wait3A_483 = arith.constant 0 : i32
      %dma_wait3A_484 = tpu.memref_slice %arg7[%dma_wait3A_482, %dma_wait3A_483] : memref<80x128xi32, #tpu.memory_space<vmem>> -> memref<1x128xi32, #tpu.memory_space<vmem>>
      %dma_wait3A_485 = tpu.memref_squeeze %dma_wait3A_484 : memref<1x128xi32, #tpu.memory_space<vmem>> -> memref<128xi32, #tpu.memory_space<vmem>>
      %dma_wait3A_486 = arith.constant 0 : i32
      %dma_wait3A_487 = arith.constant 0 : i32
      %dma_wait3A_488 = tpu.memref_slice %arg32[%dma_wait3A_486, %dma_wait3A_487] : memref<10112x64xf32, #tpu.memory_space<vmem_shared>> -> memref<10112x64xf32, #tpu.memory_space<vmem_shared>>
      tpu.wait_indirect_dma semaphore(%arg31 : memref<!tpu.dma_semaphore, #tpu.memory_space<semaphore_mem>>) src(%arg15 : memref<128x64xf32, #tpu.memory_space<vmem>>) dst(%dma_wait3A_488 : memref<10112x64xf32, #tpu.memory_space<vmem_shared>>)
      %add3A_489 = arith.constant 8 : i32
      %add3A_490 = arith.addi %mul3A_242, %add3A_489 : i32
      %add3A_491 = arith.constant 7 : i32
      %add3A_492 = arith.addi %add3A_490, %add3A_491 : i32
      %dma_start3A_493 = arith.constant 0 : i32
      %dma_start3A_494 = tpu.memref_slice %arg6[%add3A_492, %dma_start3A_493] : memref<80x128xi32, #tpu.memory_space<vmem>> -> memref<1x128xi32, #tpu.memory_space<vmem>>
      %dma_start3A_495 = tpu.memref_squeeze %dma_start3A_494 : memref<1x128xi32, #tpu.memory_space<vmem>> -> memref<128xi32, #tpu.memory_space<vmem>>
      %dma_start3A_496 = arith.constant 0 : i32
      %dma_start3A_497 = arith.constant 0 : i32
      %dma_start3A_498 = tpu.memref_slice %arg2[%dma_start3A_496, %dma_start3A_497] : memref<10000x64xf32, #tpu.memory_space<hbm>> -> memref<10000x64xf32, #tpu.memory_space<hbm>>
      tpu.enqueue_indirect_dma source(%dma_start3A_498 : memref<10000x64xf32, #tpu.memory_space<hbm>>) target(%arg15 : memref<128x64xf32, #tpu.memory_space<vmem>>) offsets(%dma_start3A_495 : memref<128xi32, #tpu.memory_space<vmem>>) semaphore(%arg23 : memref<!tpu.dma_semaphore, #tpu.memory_space<semaphore_mem>>)
    }
    %scan3A_67 = arith.constant 9 : i32
    %dma_wait3A = arith.constant 0 : i32
    %dma_wait3A_68 = arith.constant 0 : i32
    %dma_wait3A_69 = tpu.memref_slice %arg6[%dma_wait3A, %dma_wait3A_68] : memref<80x128xi32, #tpu.memory_space<vmem>> -> memref<1x128xi32, #tpu.memory_space<vmem>>
    %dma_wait3A_70 = tpu.memref_squeeze %dma_wait3A_69 : memref<1x128xi32, #tpu.memory_space<vmem>> -> memref<128xi32, #tpu.memory_space<vmem>>
    %dma_wait3A_71 = arith.constant 0 : i32
    %dma_wait3A_72 = arith.constant 0 : i32
    %dma_wait3A_73 = tpu.memref_slice %arg2[%dma_wait3A_71, %dma_wait3A_72] : memref<10000x64xf32, #tpu.memory_space<hbm>> -> memref<10000x64xf32, #tpu.memory_space<hbm>>
    tpu.wait_indirect_dma semaphore(%arg16 : memref<!tpu.dma_semaphore, #tpu.memory_space<semaphore_mem>>) src(%dma_wait3A_73 : memref<10000x64xf32, #tpu.memory_space<hbm>>) dst(%arg8 : memref<128x64xf32, #tpu.memory_space<vmem>>)
    %dma_start3A_74 = arith.constant 72 : i32
    %dma_start3A_75 = arith.constant 0 : i32
    %dma_start3A_76 = tpu.memref_slice %arg7[%dma_start3A_74, %dma_start3A_75] : memref<80x128xi32, #tpu.memory_space<vmem>> -> memref<1x128xi32, #tpu.memory_space<vmem>>
    %dma_start3A_77 = tpu.memref_squeeze %dma_start3A_76 : memref<1x128xi32, #tpu.memory_space<vmem>> -> memref<128xi32, #tpu.memory_space<vmem>>
    %dma_start3A_78 = arith.constant 0 : i32
    %dma_start3A_79 = arith.constant 0 : i32
    %dma_start3A_80 = tpu.memref_slice %arg32[%dma_start3A_78, %dma_start3A_79] : memref<10112x64xf32, #tpu.memory_space<vmem_shared>> -> memref<10112x64xf32, #tpu.memory_space<vmem_shared>>
    tpu.enqueue_indirect_dma source(%arg8 : memref<128x64xf32, #tpu.memory_space<vmem>>) target(%dma_start3A_80 : memref<10112x64xf32, #tpu.memory_space<vmem_shared>>) offsets(%dma_start3A_77 : memref<128xi32, #tpu.memory_space<vmem>>) semaphore(%arg24 : memref<!tpu.dma_semaphore, #tpu.memory_space<semaphore_mem>>) {add = true}
    %dma_wait3A_81 = arith.constant 0 : i32
    %dma_wait3A_82 = arith.constant 0 : i32
    %dma_wait3A_83 = tpu.memref_slice %arg6[%dma_wait3A_81, %dma_wait3A_82] : memref<80x128xi32, #tpu.memory_space<vmem>> -> memref<1x128xi32, #tpu.memory_space<vmem>>
    %dma_wait3A_84 = tpu.memref_squeeze %dma_wait3A_83 : memref<1x128xi32, #tpu.memory_space<vmem>> -> memref<128xi32, #tpu.memory_space<vmem>>
    %dma_wait3A_85 = arith.constant 0 : i32
    %dma_wait3A_86 = arith.constant 0 : i32
    %dma_wait3A_87 = tpu.memref_slice %arg2[%dma_wait3A_85, %dma_wait3A_86] : memref<10000x64xf32, #tpu.memory_space<hbm>> -> memref<10000x64xf32, #tpu.memory_space<hbm>>
    tpu.wait_indirect_dma semaphore(%arg17 : memref<!tpu.dma_semaphore, #tpu.memory_space<semaphore_mem>>) src(%dma_wait3A_87 : memref<10000x64xf32, #tpu.memory_space<hbm>>) dst(%arg9 : memref<128x64xf32, #tpu.memory_space<vmem>>)
    %dma_start3A_88 = arith.constant 73 : i32
    %dma_start3A_89 = arith.constant 0 : i32
    %dma_start3A_90 = tpu.memref_slice %arg7[%dma_start3A_88, %dma_start3A_89] : memref<80x128xi32, #tpu.memory_space<vmem>> -> memref<1x128xi32, #tpu.memory_space<vmem>>
    %dma_start3A_91 = tpu.memref_squeeze %dma_start3A_90 : memref<1x128xi32, #tpu.memory_space<vmem>> -> memref<128xi32, #tpu.memory_space<vmem>>
    %dma_start3A_92 = arith.constant 0 : i32
    %dma_start3A_93 = arith.constant 0 : i32
    %dma_start3A_94 = tpu.memref_slice %arg32[%dma_start3A_92, %dma_start3A_93] : memref<10112x64xf32, #tpu.memory_space<vmem_shared>> -> memref<10112x64xf32, #tpu.memory_space<vmem_shared>>
    tpu.enqueue_indirect_dma source(%arg9 : memref<128x64xf32, #tpu.memory_space<vmem>>) target(%dma_start3A_94 : memref<10112x64xf32, #tpu.memory_space<vmem_shared>>) offsets(%dma_start3A_91 : memref<128xi32, #tpu.memory_space<vmem>>) semaphore(%arg25 : memref<!tpu.dma_semaphore, #tpu.memory_space<semaphore_mem>>) {add = true}
    %dma_wait3A_95 = arith.constant 0 : i32
    %dma_wait3A_96 = arith.constant 0 : i32
    %dma_wait3A_97 = tpu.memref_slice %arg6[%dma_wait3A_95, %dma_wait3A_96] : memref<80x128xi32, #tpu.memory_space<vmem>> -> memref<1x128xi32, #tpu.memory_space<vmem>>
    %dma_wait3A_98 = tpu.memref_squeeze %dma_wait3A_97 : memref<1x128xi32, #tpu.memory_space<vmem>> -> memref<128xi32, #tpu.memory_space<vmem>>
    %dma_wait3A_99 = arith.constant 0 : i32
    %dma_wait3A_100 = arith.constant 0 : i32
    %dma_wait3A_101 = tpu.memref_slice %arg2[%dma_wait3A_99, %dma_wait3A_100] : memref<10000x64xf32, #tpu.memory_space<hbm>> -> memref<10000x64xf32, #tpu.memory_space<hbm>>
    tpu.wait_indirect_dma semaphore(%arg18 : memref<!tpu.dma_semaphore, #tpu.memory_space<semaphore_mem>>) src(%dma_wait3A_101 : memref<10000x64xf32, #tpu.memory_space<hbm>>) dst(%arg10 : memref<128x64xf32, #tpu.memory_space<vmem>>)
    %dma_start3A_102 = arith.constant 74 : i32
    %dma_start3A_103 = arith.constant 0 : i32
    %dma_start3A_104 = tpu.memref_slice %arg7[%dma_start3A_102, %dma_start3A_103] : memref<80x128xi32, #tpu.memory_space<vmem>> -> memref<1x128xi32, #tpu.memory_space<vmem>>
    %dma_start3A_105 = tpu.memref_squeeze %dma_start3A_104 : memref<1x128xi32, #tpu.memory_space<vmem>> -> memref<128xi32, #tpu.memory_space<vmem>>
    %dma_start3A_106 = arith.constant 0 : i32
    %dma_start3A_107 = arith.constant 0 : i32
    %dma_start3A_108 = tpu.memref_slice %arg32[%dma_start3A_106, %dma_start3A_107] : memref<10112x64xf32, #tpu.memory_space<vmem_shared>> -> memref<10112x64xf32, #tpu.memory_space<vmem_shared>>
    tpu.enqueue_indirect_dma source(%arg10 : memref<128x64xf32, #tpu.memory_space<vmem>>) target(%dma_start3A_108 : memref<10112x64xf32, #tpu.memory_space<vmem_shared>>) offsets(%dma_start3A_105 : memref<128xi32, #tpu.memory_space<vmem>>) semaphore(%arg26 : memref<!tpu.dma_semaphore, #tpu.memory_space<semaphore_mem>>) {add = true}
    %dma_wait3A_109 = arith.constant 0 : i32
    %dma_wait3A_110 = arith.constant 0 : i32
    %dma_wait3A_111 = tpu.memref_slice %arg6[%dma_wait3A_109, %dma_wait3A_110] : memref<80x128xi32, #tpu.memory_space<vmem>> -> memref<1x128xi32, #tpu.memory_space<vmem>>
    %dma_wait3A_112 = tpu.memref_squeeze %dma_wait3A_111 : memref<1x128xi32, #tpu.memory_space<vmem>> -> memref<128xi32, #tpu.memory_space<vmem>>
    %dma_wait3A_113 = arith.constant 0 : i32
    %dma_wait3A_114 = arith.constant 0 : i32
    %dma_wait3A_115 = tpu.memref_slice %arg2[%dma_wait3A_113, %dma_wait3A_114] : memref<10000x64xf32, #tpu.memory_space<hbm>> -> memref<10000x64xf32, #tpu.memory_space<hbm>>
    tpu.wait_indirect_dma semaphore(%arg19 : memref<!tpu.dma_semaphore, #tpu.memory_space<semaphore_mem>>) src(%dma_wait3A_115 : memref<10000x64xf32, #tpu.memory_space<hbm>>) dst(%arg11 : memref<128x64xf32, #tpu.memory_space<vmem>>)
    %dma_start3A_116 = arith.constant 75 : i32
    %dma_start3A_117 = arith.constant 0 : i32
    %dma_start3A_118 = tpu.memref_slice %arg7[%dma_start3A_116, %dma_start3A_117] : memref<80x128xi32, #tpu.memory_space<vmem>> -> memref<1x128xi32, #tpu.memory_space<vmem>>
    %dma_start3A_119 = tpu.memref_squeeze %dma_start3A_118 : memref<1x128xi32, #tpu.memory_space<vmem>> -> memref<128xi32, #tpu.memory_space<vmem>>
    %dma_start3A_120 = arith.constant 0 : i32
    %dma_start3A_121 = arith.constant 0 : i32
    %dma_start3A_122 = tpu.memref_slice %arg32[%dma_start3A_120, %dma_start3A_121] : memref<10112x64xf32, #tpu.memory_space<vmem_shared>> -> memref<10112x64xf32, #tpu.memory_space<vmem_shared>>
    tpu.enqueue_indirect_dma source(%arg11 : memref<128x64xf32, #tpu.memory_space<vmem>>) target(%dma_start3A_122 : memref<10112x64xf32, #tpu.memory_space<vmem_shared>>) offsets(%dma_start3A_119 : memref<128xi32, #tpu.memory_space<vmem>>) semaphore(%arg27 : memref<!tpu.dma_semaphore, #tpu.memory_space<semaphore_mem>>) {add = true}
    %dma_wait3A_123 = arith.constant 0 : i32
    %dma_wait3A_124 = arith.constant 0 : i32
    %dma_wait3A_125 = tpu.memref_slice %arg6[%dma_wait3A_123, %dma_wait3A_124] : memref<80x128xi32, #tpu.memory_space<vmem>> -> memref<1x128xi32, #tpu.memory_space<vmem>>
    %dma_wait3A_126 = tpu.memref_squeeze %dma_wait3A_125 : memref<1x128xi32, #tpu.memory_space<vmem>> -> memref<128xi32, #tpu.memory_space<vmem>>
    %dma_wait3A_127 = arith.constant 0 : i32
    %dma_wait3A_128 = arith.constant 0 : i32
    %dma_wait3A_129 = tpu.memref_slice %arg2[%dma_wait3A_127, %dma_wait3A_128] : memref<10000x64xf32, #tpu.memory_space<hbm>> -> memref<10000x64xf32, #tpu.memory_space<hbm>>
    tpu.wait_indirect_dma semaphore(%arg20 : memref<!tpu.dma_semaphore, #tpu.memory_space<semaphore_mem>>) src(%dma_wait3A_129 : memref<10000x64xf32, #tpu.memory_space<hbm>>) dst(%arg12 : memref<128x64xf32, #tpu.memory_space<vmem>>)
    %dma_start3A_130 = arith.constant 76 : i32
    %dma_start3A_131 = arith.constant 0 : i32
    %dma_start3A_132 = tpu.memref_slice %arg7[%dma_start3A_130, %dma_start3A_131] : memref<80x128xi32, #tpu.memory_space<vmem>> -> memref<1x128xi32, #tpu.memory_space<vmem>>
    %dma_start3A_133 = tpu.memref_squeeze %dma_start3A_132 : memref<1x128xi32, #tpu.memory_space<vmem>> -> memref<128xi32, #tpu.memory_space<vmem>>
    %dma_start3A_134 = arith.constant 0 : i32
    %dma_start3A_135 = arith.constant 0 : i32
    %dma_start3A_136 = tpu.memref_slice %arg32[%dma_start3A_134, %dma_start3A_135] : memref<10112x64xf32, #tpu.memory_space<vmem_shared>> -> memref<10112x64xf32, #tpu.memory_space<vmem_shared>>
    tpu.enqueue_indirect_dma source(%arg12 : memref<128x64xf32, #tpu.memory_space<vmem>>) target(%dma_start3A_136 : memref<10112x64xf32, #tpu.memory_space<vmem_shared>>) offsets(%dma_start3A_133 : memref<128xi32, #tpu.memory_space<vmem>>) semaphore(%arg28 : memref<!tpu.dma_semaphore, #tpu.memory_space<semaphore_mem>>) {add = true}
    %dma_wait3A_137 = arith.constant 0 : i32
    %dma_wait3A_138 = arith.constant 0 : i32
    %dma_wait3A_139 = tpu.memref_slice %arg6[%dma_wait3A_137, %dma_wait3A_138] : memref<80x128xi32, #tpu.memory_space<vmem>> -> memref<1x128xi32, #tpu.memory_space<vmem>>
    %dma_wait3A_140 = tpu.memref_squeeze %dma_wait3A_139 : memref<1x128xi32, #tpu.memory_space<vmem>> -> memref<128xi32, #tpu.memory_space<vmem>>
    %dma_wait3A_141 = arith.constant 0 : i32
    %dma_wait3A_142 = arith.constant 0 : i32
    %dma_wait3A_143 = tpu.memref_slice %arg2[%dma_wait3A_141, %dma_wait3A_142] : memref<10000x64xf32, #tpu.memory_space<hbm>> -> memref<10000x64xf32, #tpu.memory_space<hbm>>
    tpu.wait_indirect_dma semaphore(%arg21 : memref<!tpu.dma_semaphore, #tpu.memory_space<semaphore_mem>>) src(%dma_wait3A_143 : memref<10000x64xf32, #tpu.memory_space<hbm>>) dst(%arg13 : memref<128x64xf32, #tpu.memory_space<vmem>>)
    %dma_start3A_144 = arith.constant 77 : i32
    %dma_start3A_145 = arith.constant 0 : i32
    %dma_start3A_146 = tpu.memref_slice %arg7[%dma_start3A_144, %dma_start3A_145] : memref<80x128xi32, #tpu.memory_space<vmem>> -> memref<1x128xi32, #tpu.memory_space<vmem>>
    %dma_start3A_147 = tpu.memref_squeeze %dma_start3A_146 : memref<1x128xi32, #tpu.memory_space<vmem>> -> memref<128xi32, #tpu.memory_space<vmem>>
    %dma_start3A_148 = arith.constant 0 : i32
    %dma_start3A_149 = arith.constant 0 : i32
    %dma_start3A_150 = tpu.memref_slice %arg32[%dma_start3A_148, %dma_start3A_149] : memref<10112x64xf32, #tpu.memory_space<vmem_shared>> -> memref<10112x64xf32, #tpu.memory_space<vmem_shared>>
    tpu.enqueue_indirect_dma source(%arg13 : memref<128x64xf32, #tpu.memory_space<vmem>>) target(%dma_start3A_150 : memref<10112x64xf32, #tpu.memory_space<vmem_shared>>) offsets(%dma_start3A_147 : memref<128xi32, #tpu.memory_space<vmem>>) semaphore(%arg29 : memref<!tpu.dma_semaphore, #tpu.memory_space<semaphore_mem>>) {add = true}
    %dma_wait3A_151 = arith.constant 0 : i32
    %dma_wait3A_152 = arith.constant 0 : i32
    %dma_wait3A_153 = tpu.memref_slice %arg6[%dma_wait3A_151, %dma_wait3A_152] : memref<80x128xi32, #tpu.memory_space<vmem>> -> memref<1x128xi32, #tpu.memory_space<vmem>>
    %dma_wait3A_154 = tpu.memref_squeeze %dma_wait3A_153 : memref<1x128xi32, #tpu.memory_space<vmem>> -> memref<128xi32, #tpu.memory_space<vmem>>
    %dma_wait3A_155 = arith.constant 0 : i32
    %dma_wait3A_156 = arith.constant 0 : i32
    %dma_wait3A_157 = tpu.memref_slice %arg2[%dma_wait3A_155, %dma_wait3A_156] : memref<10000x64xf32, #tpu.memory_space<hbm>> -> memref<10000x64xf32, #tpu.memory_space<hbm>>
    tpu.wait_indirect_dma semaphore(%arg22 : memref<!tpu.dma_semaphore, #tpu.memory_space<semaphore_mem>>) src(%dma_wait3A_157 : memref<10000x64xf32, #tpu.memory_space<hbm>>) dst(%arg14 : memref<128x64xf32, #tpu.memory_space<vmem>>)
    %dma_start3A_158 = arith.constant 78 : i32
    %dma_start3A_159 = arith.constant 0 : i32
    %dma_start3A_160 = tpu.memref_slice %arg7[%dma_start3A_158, %dma_start3A_159] : memref<80x128xi32, #tpu.memory_space<vmem>> -> memref<1x128xi32, #tpu.memory_space<vmem>>
    %dma_start3A_161 = tpu.memref_squeeze %dma_start3A_160 : memref<1x128xi32, #tpu.memory_space<vmem>> -> memref<128xi32, #tpu.memory_space<vmem>>
    %dma_start3A_162 = arith.constant 0 : i32
    %dma_start3A_163 = arith.constant 0 : i32
    %dma_start3A_164 = tpu.memref_slice %arg32[%dma_start3A_162, %dma_start3A_163] : memref<10112x64xf32, #tpu.memory_space<vmem_shared>> -> memref<10112x64xf32, #tpu.memory_space<vmem_shared>>
    tpu.enqueue_indirect_dma source(%arg14 : memref<128x64xf32, #tpu.memory_space<vmem>>) target(%dma_start3A_164 : memref<10112x64xf32, #tpu.memory_space<vmem_shared>>) offsets(%dma_start3A_161 : memref<128xi32, #tpu.memory_space<vmem>>) semaphore(%arg30 : memref<!tpu.dma_semaphore, #tpu.memory_space<semaphore_mem>>) {add = true}
    %dma_wait3A_165 = arith.constant 0 : i32
    %dma_wait3A_166 = arith.constant 0 : i32
    %dma_wait3A_167 = tpu.memref_slice %arg6[%dma_wait3A_165, %dma_wait3A_166] : memref<80x128xi32, #tpu.memory_space<vmem>> -> memref<1x128xi32, #tpu.memory_space<vmem>>
    %dma_wait3A_168 = tpu.memref_squeeze %dma_wait3A_167 : memref<1x128xi32, #tpu.memory_space<vmem>> -> memref<128xi32, #tpu.memory_space<vmem>>
    %dma_wait3A_169 = arith.constant 0 : i32
    %dma_wait3A_170 = arith.constant 0 : i32
    %dma_wait3A_171 = tpu.memref_slice %arg2[%dma_wait3A_169, %dma_wait3A_170] : memref<10000x64xf32, #tpu.memory_space<hbm>> -> memref<10000x64xf32, #tpu.memory_space<hbm>>
    tpu.wait_indirect_dma semaphore(%arg23 : memref<!tpu.dma_semaphore, #tpu.memory_space<semaphore_mem>>) src(%dma_wait3A_171 : memref<10000x64xf32, #tpu.memory_space<hbm>>) dst(%arg15 : memref<128x64xf32, #tpu.memory_space<vmem>>)
    %dma_start3A_172 = arith.constant 79 : i32
    %dma_start3A_173 = arith.constant 0 : i32
    %dma_start3A_174 = tpu.memref_slice %arg7[%dma_start3A_172, %dma_start3A_173] : memref<80x128xi32, #tpu.memory_space<vmem>> -> memref<1x128xi32, #tpu.memory_space<vmem>>
    %dma_start3A_175 = tpu.memref_squeeze %dma_start3A_174 : memref<1x128xi32, #tpu.memory_space<vmem>> -> memref<128xi32, #tpu.memory_space<vmem>>
    %dma_start3A_176 = arith.constant 0 : i32
    %dma_start3A_177 = arith.constant 0 : i32
    %dma_start3A_178 = tpu.memref_slice %arg32[%dma_start3A_176, %dma_start3A_177] : memref<10112x64xf32, #tpu.memory_space<vmem_shared>> -> memref<10112x64xf32, #tpu.memory_space<vmem_shared>>
    tpu.enqueue_indirect_dma source(%arg15 : memref<128x64xf32, #tpu.memory_space<vmem>>) target(%dma_start3A_178 : memref<10112x64xf32, #tpu.memory_space<vmem_shared>>) offsets(%dma_start3A_175 : memref<128xi32, #tpu.memory_space<vmem>>) semaphore(%arg31 : memref<!tpu.dma_semaphore, #tpu.memory_space<semaphore_mem>>) {add = true}
    %dma_wait3A_179 = arith.constant 0 : i32
    %dma_wait3A_180 = arith.constant 0 : i32
    %dma_wait3A_181 = tpu.memref_slice %arg7[%dma_wait3A_179, %dma_wait3A_180] : memref<80x128xi32, #tpu.memory_space<vmem>> -> memref<1x128xi32, #tpu.memory_space<vmem>>
    %dma_wait3A_182 = tpu.memref_squeeze %dma_wait3A_181 : memref<1x128xi32, #tpu.memory_space<vmem>> -> memref<128xi32, #tpu.memory_space<vmem>>
    %dma_wait3A_183 = arith.constant 0 : i32
    %dma_wait3A_184 = arith.constant 0 : i32
    %dma_wait3A_185 = tpu.memref_slice %arg32[%dma_wait3A_183, %dma_wait3A_184] : memref<10112x64xf32, #tpu.memory_space<vmem_shared>> -> memref<10112x64xf32, #tpu.memory_space<vmem_shared>>
    tpu.wait_indirect_dma semaphore(%arg24 : memref<!tpu.dma_semaphore, #tpu.memory_space<semaphore_mem>>) src(%arg8 : memref<128x64xf32, #tpu.memory_space<vmem>>) dst(%dma_wait3A_185 : memref<10112x64xf32, #tpu.memory_space<vmem_shared>>)
    %dma_wait3A_186 = arith.constant 0 : i32
    %dma_wait3A_187 = arith.constant 0 : i32
    %dma_wait3A_188 = tpu.memref_slice %arg7[%dma_wait3A_186, %dma_wait3A_187] : memref<80x128xi32, #tpu.memory_space<vmem>> -> memref<1x128xi32, #tpu.memory_space<vmem>>
    %dma_wait3A_189 = tpu.memref_squeeze %dma_wait3A_188 : memref<1x128xi32, #tpu.memory_space<vmem>> -> memref<128xi32, #tpu.memory_space<vmem>>
    %dma_wait3A_190 = arith.constant 0 : i32
    %dma_wait3A_191 = arith.constant 0 : i32
    %dma_wait3A_192 = tpu.memref_slice %arg32[%dma_wait3A_190, %dma_wait3A_191] : memref<10112x64xf32, #tpu.memory_space<vmem_shared>> -> memref<10112x64xf32, #tpu.memory_space<vmem_shared>>
    tpu.wait_indirect_dma semaphore(%arg25 : memref<!tpu.dma_semaphore, #tpu.memory_space<semaphore_mem>>) src(%arg9 : memref<128x64xf32, #tpu.memory_space<vmem>>) dst(%dma_wait3A_192 : memref<10112x64xf32, #tpu.memory_space<vmem_shared>>)
    %dma_wait3A_193 = arith.constant 0 : i32
    %dma_wait3A_194 = arith.constant 0 : i32
    %dma_wait3A_195 = tpu.memref_slice %arg7[%dma_wait3A_193, %dma_wait3A_194] : memref<80x128xi32, #tpu.memory_space<vmem>> -> memref<1x128xi32, #tpu.memory_space<vmem>>
    %dma_wait3A_196 = tpu.memref_squeeze %dma_wait3A_195 : memref<1x128xi32, #tpu.memory_space<vmem>> -> memref<128xi32, #tpu.memory_space<vmem>>
    %dma_wait3A_197 = arith.constant 0 : i32
    %dma_wait3A_198 = arith.constant 0 : i32
    %dma_wait3A_199 = tpu.memref_slice %arg32[%dma_wait3A_197, %dma_wait3A_198] : memref<10112x64xf32, #tpu.memory_space<vmem_shared>> -> memref<10112x64xf32, #tpu.memory_space<vmem_shared>>
    tpu.wait_indirect_dma semaphore(%arg26 : memref<!tpu.dma_semaphore, #tpu.memory_space<semaphore_mem>>) src(%arg10 : memref<128x64xf32, #tpu.memory_space<vmem>>) dst(%dma_wait3A_199 : memref<10112x64xf32, #tpu.memory_space<vmem_shared>>)
    %dma_wait3A_200 = arith.constant 0 : i32
    %dma_wait3A_201 = arith.constant 0 : i32
    %dma_wait3A_202 = tpu.memref_slice %arg7[%dma_wait3A_200, %dma_wait3A_201] : memref<80x128xi32, #tpu.memory_space<vmem>> -> memref<1x128xi32, #tpu.memory_space<vmem>>
    %dma_wait3A_203 = tpu.memref_squeeze %dma_wait3A_202 : memref<1x128xi32, #tpu.memory_space<vmem>> -> memref<128xi32, #tpu.memory_space<vmem>>
    %dma_wait3A_204 = arith.constant 0 : i32
    %dma_wait3A_205 = arith.constant 0 : i32
    %dma_wait3A_206 = tpu.memref_slice %arg32[%dma_wait3A_204, %dma_wait3A_205] : memref<10112x64xf32, #tpu.memory_space<vmem_shared>> -> memref<10112x64xf32, #tpu.memory_space<vmem_shared>>
    tpu.wait_indirect_dma semaphore(%arg27 : memref<!tpu.dma_semaphore, #tpu.memory_space<semaphore_mem>>) src(%arg11 : memref<128x64xf32, #tpu.memory_space<vmem>>) dst(%dma_wait3A_206 : memref<10112x64xf32, #tpu.memory_space<vmem_shared>>)
    %dma_wait3A_207 = arith.constant 0 : i32
    %dma_wait3A_208 = arith.constant 0 : i32
    %dma_wait3A_209 = tpu.memref_slice %arg7[%dma_wait3A_207, %dma_wait3A_208] : memref<80x128xi32, #tpu.memory_space<vmem>> -> memref<1x128xi32, #tpu.memory_space<vmem>>
    %dma_wait3A_210 = tpu.memref_squeeze %dma_wait3A_209 : memref<1x128xi32, #tpu.memory_space<vmem>> -> memref<128xi32, #tpu.memory_space<vmem>>
    %dma_wait3A_211 = arith.constant 0 : i32
    %dma_wait3A_212 = arith.constant 0 : i32
    %dma_wait3A_213 = tpu.memref_slice %arg32[%dma_wait3A_211, %dma_wait3A_212] : memref<10112x64xf32, #tpu.memory_space<vmem_shared>> -> memref<10112x64xf32, #tpu.memory_space<vmem_shared>>
    tpu.wait_indirect_dma semaphore(%arg28 : memref<!tpu.dma_semaphore, #tpu.memory_space<semaphore_mem>>) src(%arg12 : memref<128x64xf32, #tpu.memory_space<vmem>>) dst(%dma_wait3A_213 : memref<10112x64xf32, #tpu.memory_space<vmem_shared>>)
    %dma_wait3A_214 = arith.constant 0 : i32
    %dma_wait3A_215 = arith.constant 0 : i32
    %dma_wait3A_216 = tpu.memref_slice %arg7[%dma_wait3A_214, %dma_wait3A_215] : memref<80x128xi32, #tpu.memory_space<vmem>> -> memref<1x128xi32, #tpu.memory_space<vmem>>
    %dma_wait3A_217 = tpu.memref_squeeze %dma_wait3A_216 : memref<1x128xi32, #tpu.memory_space<vmem>> -> memref<128xi32, #tpu.memory_space<vmem>>
    %dma_wait3A_218 = arith.constant 0 : i32
    %dma_wait3A_219 = arith.constant 0 : i32
    %dma_wait3A_220 = tpu.memref_slice %arg32[%dma_wait3A_218, %dma_wait3A_219] : memref<10112x64xf32, #tpu.memory_space<vmem_shared>> -> memref<10112x64xf32, #tpu.memory_space<vmem_shared>>
    tpu.wait_indirect_dma semaphore(%arg29 : memref<!tpu.dma_semaphore, #tpu.memory_space<semaphore_mem>>) src(%arg13 : memref<128x64xf32, #tpu.memory_space<vmem>>) dst(%dma_wait3A_220 : memref<10112x64xf32, #tpu.memory_space<vmem_shared>>)
    %dma_wait3A_221 = arith.constant 0 : i32
    %dma_wait3A_222 = arith.constant 0 : i32
    %dma_wait3A_223 = tpu.memref_slice %arg7[%dma_wait3A_221, %dma_wait3A_222] : memref<80x128xi32, #tpu.memory_space<vmem>> -> memref<1x128xi32, #tpu.memory_space<vmem>>
    %dma_wait3A_224 = tpu.memref_squeeze %dma_wait3A_223 : memref<1x128xi32, #tpu.memory_space<vmem>> -> memref<128xi32, #tpu.memory_space<vmem>>
    %dma_wait3A_225 = arith.constant 0 : i32
    %dma_wait3A_226 = arith.constant 0 : i32
    %dma_wait3A_227 = tpu.memref_slice %arg32[%dma_wait3A_225, %dma_wait3A_226] : memref<10112x64xf32, #tpu.memory_space<vmem_shared>> -> memref<10112x64xf32, #tpu.memory_space<vmem_shared>>
    tpu.wait_indirect_dma semaphore(%arg30 : memref<!tpu.dma_semaphore, #tpu.memory_space<semaphore_mem>>) src(%arg14 : memref<128x64xf32, #tpu.memory_space<vmem>>) dst(%dma_wait3A_227 : memref<10112x64xf32, #tpu.memory_space<vmem_shared>>)
    %dma_wait3A_228 = arith.constant 0 : i32
    %dma_wait3A_229 = arith.constant 0 : i32
    %dma_wait3A_230 = tpu.memref_slice %arg7[%dma_wait3A_228, %dma_wait3A_229] : memref<80x128xi32, #tpu.memory_space<vmem>> -> memref<1x128xi32, #tpu.memory_space<vmem>>
    %dma_wait3A_231 = tpu.memref_squeeze %dma_wait3A_230 : memref<1x128xi32, #tpu.memory_space<vmem>> -> memref<128xi32, #tpu.memory_space<vmem>>
    %dma_wait3A_232 = arith.constant 0 : i32
    %dma_wait3A_233 = arith.constant 0 : i32
    %dma_wait3A_234 = tpu.memref_slice %arg32[%dma_wait3A_232, %dma_wait3A_233] : memref<10112x64xf32, #tpu.memory_space<vmem_shared>> -> memref<10112x64xf32, #tpu.memory_space<vmem_shared>>
    tpu.wait_indirect_dma semaphore(%arg31 : memref<!tpu.dma_semaphore, #tpu.memory_space<semaphore_mem>>) src(%arg15 : memref<128x64xf32, #tpu.memory_space<vmem>>) dst(%dma_wait3A_234 : memref<10112x64xf32, #tpu.memory_space<vmem_shared>>)
    %barrier3A_235 = arith.constant 0 : index
    tpu.barrier barrier_id(%barrier3A_235)
    %mul3A_236 = arith.constant 632 : i32
    %mul3A_237 = arith.muli %arg1, %mul3A_236 : i32
    %mul3A_238 = arith.constant 632 : i32
    %mul3A_239 = arith.muli %arg1, %mul3A_238 : i32
    "tpu.region"() ({
      %run_scoped3A_240 = tpu.sem_alloc : memref<!tpu.dma_semaphore, #tpu.memory_space<semaphore_mem>>
      %dma_start3A_241 = arith.constant 0 : i32
      %dma_start3A_242 = tpu.memref_slice %arg5[%arg0, %mul3A_239, %dma_start3A_241] : memref<2x10112x64xf32, #tpu.memory_space<hbm>> -> memref<1x632x64xf32, #tpu.memory_space<hbm>>
      %dma_start3A_243 = tpu.memref_squeeze %dma_start3A_242 : memref<1x632x64xf32, #tpu.memory_space<hbm>> -> memref<632x64xf32, #tpu.memory_space<hbm>>
      %dma_start3A_244 = arith.constant 0 : i32
      %dma_start3A_245 = tpu.memref_slice %arg32[%mul3A_237, %dma_start3A_244] : memref<10112x64xf32, #tpu.memory_space<vmem_shared>> -> memref<632x64xf32, #tpu.memory_space<vmem_shared>>
      tpu.enqueue_dma source(%dma_start3A_245 : memref<632x64xf32, #tpu.memory_space<vmem_shared>>) target(%dma_start3A_243 : memref<632x64xf32, #tpu.memory_space<hbm>>) target_semaphore(%run_scoped3A_240 : memref<!tpu.dma_semaphore, #tpu.memory_space<semaphore_mem>>)
      %dma_wait3A_246 = arith.constant 0 : i32
      %dma_wait3A_247 = tpu.memref_slice %arg5[%arg0, %mul3A_239, %dma_wait3A_246] : memref<2x10112x64xf32, #tpu.memory_space<hbm>> -> memref<1x632x64xf32, #tpu.memory_space<hbm>>
      %dma_wait3A_248 = tpu.memref_squeeze %dma_wait3A_247 : memref<1x632x64xf32, #tpu.memory_space<hbm>> -> memref<632x64xf32, #tpu.memory_space<hbm>>
      %dma_wait3A_249 = arith.constant 0 : i32
      %dma_wait3A_250 = tpu.memref_slice %arg32[%mul3A_237, %dma_wait3A_249] : memref<10112x64xf32, #tpu.memory_space<vmem_shared>> -> memref<632x64xf32, #tpu.memory_space<vmem_shared>>
      tpu.wait_dma2 semaphore(%run_scoped3A_240 : memref<!tpu.dma_semaphore, #tpu.memory_space<semaphore_mem>>) src(%dma_wait3A_250 : memref<632x64xf32, #tpu.memory_space<vmem_shared>>) dst(%dma_wait3A_248 : memref<632x64xf32, #tpu.memory_space<hbm>>)
      tpu.yield
    }) : () -> ()
    return
  }
}

#map = affine_map<(d0, d1) -> (0, 0)>
#map1 = affine_map<(d0, d1) -> (0, 0, 0)>
module attributes {stable_mosaic.version = 14 : i64} {
  func.func @sage_seg_sum_l1a(%arg0: i32, %arg1: i32, %arg2: memref<10000x80xf32, #tpu.memory_space<hbm>>, %arg3: memref<2x2560x128xi32, #tpu.memory_space<hbm>>, %arg4: memref<632x80xf32, #tpu.memory_space<hbm>>, %arg5: memref<2x10112x80xf32, #tpu.memory_space<hbm>>, %arg6: memref<80x128xi32, #tpu.memory_space<vmem>>, %arg7: memref<80x128xi32, #tpu.memory_space<vmem>>, %arg8: memref<128x80xf32, #tpu.memory_space<vmem>>, %arg9: memref<128x80xf32, #tpu.memory_space<vmem>>, %arg10: memref<128x80xf32, #tpu.memory_space<vmem>>, %arg11: memref<128x80xf32, #tpu.memory_space<vmem>>, %arg12: memref<128x80xf32, #tpu.memory_space<vmem>>, %arg13: memref<!tpu.dma_semaphore, #tpu.memory_space<semaphore_mem>>, %arg14: memref<!tpu.dma_semaphore, #tpu.memory_space<semaphore_mem>>, %arg15: memref<!tpu.dma_semaphore, #tpu.memory_space<semaphore_mem>>, %arg16: memref<!tpu.dma_semaphore, #tpu.memory_space<semaphore_mem>>, %arg17: memref<!tpu.dma_semaphore, #tpu.memory_space<semaphore_mem>>, %arg18: memref<!tpu.dma_semaphore, #tpu.memory_space<semaphore_mem>>, %arg19: memref<!tpu.dma_semaphore, #tpu.memory_space<semaphore_mem>>, %arg20: memref<!tpu.dma_semaphore, #tpu.memory_space<semaphore_mem>>, %arg21: memref<!tpu.dma_semaphore, #tpu.memory_space<semaphore_mem>>, %arg22: memref<!tpu.dma_semaphore, #tpu.memory_space<semaphore_mem>>, %arg23: memref<10112x80xf32, #tpu.memory_space<vmem_shared>>) attributes {dimension_semantics = [#tpu.dimension_semantics<core_parallel>, #tpu.dimension_semantics<subcore_parallel>], iteration_bounds = array<i64: 2, 16>, scalar_prefetch = 0 : i64, scratch_operands = 18 : i64, tpu.core_type = #tpu.core_type<sc_vector_subcore>, window_params = [{transform_indices = #map}, {transform_indices = #map1}, {transform_indices = #map}, {transform_indices = #map1}]} {
    %mul3A = arith.constant 2 : i32
    %mul3A_0 = arith.muli %arg1, %mul3A : i32
    %add3A = arith.addi %mul3A_0, %arg0 : i32
    %mul3A_1 = arith.constant 632 : i32
    %mul3A_2 = arith.muli %arg1, %mul3A_1 : i32
    "tpu.region"() ({
      %run_scoped3A_156 = tpu.sem_alloc : memref<!tpu.dma_semaphore, #tpu.memory_space<semaphore_mem>>
      %dma_start3A_157 = arith.constant 0 : i32
      %dma_start3A_158 = tpu.memref_slice %arg23[%mul3A_2, %dma_start3A_157] : memref<10112x80xf32, #tpu.memory_space<vmem_shared>> -> memref<632x80xf32, #tpu.memory_space<vmem_shared>>
      tpu.enqueue_dma source(%arg4 : memref<632x80xf32, #tpu.memory_space<hbm>>) target(%dma_start3A_158 : memref<632x80xf32, #tpu.memory_space<vmem_shared>>) target_semaphore(%run_scoped3A_156 : memref<!tpu.dma_semaphore, #tpu.memory_space<semaphore_mem>>)
      %dma_wait3A_159 = arith.constant 0 : i32
      %dma_wait3A_160 = tpu.memref_slice %arg23[%mul3A_2, %dma_wait3A_159] : memref<10112x80xf32, #tpu.memory_space<vmem_shared>> -> memref<632x80xf32, #tpu.memory_space<vmem_shared>>
      tpu.wait_dma2 semaphore(%run_scoped3A_156 : memref<!tpu.dma_semaphore, #tpu.memory_space<semaphore_mem>>) src(%arg4 : memref<632x80xf32, #tpu.memory_space<hbm>>) dst(%dma_wait3A_160 : memref<632x80xf32, #tpu.memory_space<vmem_shared>>)
      tpu.yield
    }) : () -> ()
    %mul3A_3 = arith.constant 80 : i32
    %mul3A_4 = arith.muli %add3A, %mul3A_3 : i32
    %run_scoped3A = arith.constant 0 : i32
    "tpu.region"() ({
      %run_scoped3A_156 = tpu.sem_alloc : memref<!tpu.dma_semaphore, #tpu.memory_space<semaphore_mem>>
      %dma_start3A_157 = arith.constant 0 : i32
      %dma_start3A_158 = tpu.memref_slice %arg3[%run_scoped3A, %mul3A_4, %dma_start3A_157] : memref<2x2560x128xi32, #tpu.memory_space<hbm>> -> memref<1x80x128xi32, #tpu.memory_space<hbm>>
      %dma_start3A_159 = tpu.memref_squeeze %dma_start3A_158 : memref<1x80x128xi32, #tpu.memory_space<hbm>> -> memref<80x128xi32, #tpu.memory_space<hbm>>
      %dma_start3A_160 = arith.constant 0 : i32
      %dma_start3A_161 = tpu.memref_slice %arg3[%run_scoped3A, %mul3A_4, %dma_start3A_160] : memref<2x2560x128xi32, #tpu.memory_space<hbm>> -> memref<1x80x128xi32, #tpu.memory_space<hbm>>
      %dma_start3A_162 = tpu.memref_squeeze %dma_start3A_161 : memref<1x80x128xi32, #tpu.memory_space<hbm>> -> memref<80x128xi32, #tpu.memory_space<hbm>>
      tpu.enqueue_dma source(%dma_start3A_162 : memref<80x128xi32, #tpu.memory_space<hbm>>) target(%arg6 : memref<80x128xi32, #tpu.memory_space<vmem>>) target_semaphore(%run_scoped3A_156 : memref<!tpu.dma_semaphore, #tpu.memory_space<semaphore_mem>>)
      %dma_wait3A_163 = arith.constant 0 : i32
      %dma_wait3A_164 = tpu.memref_slice %arg3[%run_scoped3A, %mul3A_4, %dma_wait3A_163] : memref<2x2560x128xi32, #tpu.memory_space<hbm>> -> memref<1x80x128xi32, #tpu.memory_space<hbm>>
      %dma_wait3A_165 = tpu.memref_squeeze %dma_wait3A_164 : memref<1x80x128xi32, #tpu.memory_space<hbm>> -> memref<80x128xi32, #tpu.memory_space<hbm>>
      %dma_wait3A_166 = arith.constant 0 : i32
      %dma_wait3A_167 = tpu.memref_slice %arg3[%run_scoped3A, %mul3A_4, %dma_wait3A_166] : memref<2x2560x128xi32, #tpu.memory_space<hbm>> -> memref<1x80x128xi32, #tpu.memory_space<hbm>>
      %dma_wait3A_168 = tpu.memref_squeeze %dma_wait3A_167 : memref<1x80x128xi32, #tpu.memory_space<hbm>> -> memref<80x128xi32, #tpu.memory_space<hbm>>
      tpu.wait_dma2 semaphore(%run_scoped3A_156 : memref<!tpu.dma_semaphore, #tpu.memory_space<semaphore_mem>>) src(%dma_wait3A_168 : memref<80x128xi32, #tpu.memory_space<hbm>>) dst(%arg6 : memref<80x128xi32, #tpu.memory_space<vmem>>)
      tpu.yield
    }) : () -> ()
    %mul3A_5 = arith.constant 80 : i32
    %mul3A_6 = arith.muli %add3A, %mul3A_5 : i32
    %run_scoped3A_7 = arith.constant 1 : i32
    "tpu.region"() ({
      %run_scoped3A_156 = tpu.sem_alloc : memref<!tpu.dma_semaphore, #tpu.memory_space<semaphore_mem>>
      %dma_start3A_157 = arith.constant 0 : i32
      %dma_start3A_158 = tpu.memref_slice %arg3[%run_scoped3A_7, %mul3A_6, %dma_start3A_157] : memref<2x2560x128xi32, #tpu.memory_space<hbm>> -> memref<1x80x128xi32, #tpu.memory_space<hbm>>
      %dma_start3A_159 = tpu.memref_squeeze %dma_start3A_158 : memref<1x80x128xi32, #tpu.memory_space<hbm>> -> memref<80x128xi32, #tpu.memory_space<hbm>>
      %dma_start3A_160 = arith.constant 0 : i32
      %dma_start3A_161 = tpu.memref_slice %arg3[%run_scoped3A_7, %mul3A_6, %dma_start3A_160] : memref<2x2560x128xi32, #tpu.memory_space<hbm>> -> memref<1x80x128xi32, #tpu.memory_space<hbm>>
      %dma_start3A_162 = tpu.memref_squeeze %dma_start3A_161 : memref<1x80x128xi32, #tpu.memory_space<hbm>> -> memref<80x128xi32, #tpu.memory_space<hbm>>
      tpu.enqueue_dma source(%dma_start3A_162 : memref<80x128xi32, #tpu.memory_space<hbm>>) target(%arg7 : memref<80x128xi32, #tpu.memory_space<vmem>>) target_semaphore(%run_scoped3A_156 : memref<!tpu.dma_semaphore, #tpu.memory_space<semaphore_mem>>)
      %dma_wait3A_163 = arith.constant 0 : i32
      %dma_wait3A_164 = tpu.memref_slice %arg3[%run_scoped3A_7, %mul3A_6, %dma_wait3A_163] : memref<2x2560x128xi32, #tpu.memory_space<hbm>> -> memref<1x80x128xi32, #tpu.memory_space<hbm>>
      %dma_wait3A_165 = tpu.memref_squeeze %dma_wait3A_164 : memref<1x80x128xi32, #tpu.memory_space<hbm>> -> memref<80x128xi32, #tpu.memory_space<hbm>>
      %dma_wait3A_166 = arith.constant 0 : i32
      %dma_wait3A_167 = tpu.memref_slice %arg3[%run_scoped3A_7, %mul3A_6, %dma_wait3A_166] : memref<2x2560x128xi32, #tpu.memory_space<hbm>> -> memref<1x80x128xi32, #tpu.memory_space<hbm>>
      %dma_wait3A_168 = tpu.memref_squeeze %dma_wait3A_167 : memref<1x80x128xi32, #tpu.memory_space<hbm>> -> memref<80x128xi32, #tpu.memory_space<hbm>>
      tpu.wait_dma2 semaphore(%run_scoped3A_156 : memref<!tpu.dma_semaphore, #tpu.memory_space<semaphore_mem>>) src(%dma_wait3A_168 : memref<80x128xi32, #tpu.memory_space<hbm>>) dst(%arg7 : memref<80x128xi32, #tpu.memory_space<vmem>>)
      tpu.yield
    }) : () -> ()
    %barrier3A = arith.constant 0 : index
    tpu.barrier barrier_id(%barrier3A)
    %dma_start3A = arith.constant 0 : i32
    %dma_start3A_8 = arith.constant 0 : i32
    %dma_start3A_9 = tpu.memref_slice %arg6[%dma_start3A, %dma_start3A_8] : memref<80x128xi32, #tpu.memory_space<vmem>> -> memref<1x128xi32, #tpu.memory_space<vmem>>
    %dma_start3A_10 = tpu.memref_squeeze %dma_start3A_9 : memref<1x128xi32, #tpu.memory_space<vmem>> -> memref<128xi32, #tpu.memory_space<vmem>>
    %dma_start3A_11 = arith.constant 0 : i32
    %dma_start3A_12 = arith.constant 0 : i32
    %dma_start3A_13 = tpu.memref_slice %arg2[%dma_start3A_11, %dma_start3A_12] : memref<10000x80xf32, #tpu.memory_space<hbm>> -> memref<10000x80xf32, #tpu.memory_space<hbm>>
    tpu.enqueue_indirect_dma source(%dma_start3A_13 : memref<10000x80xf32, #tpu.memory_space<hbm>>) target(%arg8 : memref<128x80xf32, #tpu.memory_space<vmem>>) offsets(%dma_start3A_10 : memref<128xi32, #tpu.memory_space<vmem>>) semaphore(%arg13 : memref<!tpu.dma_semaphore, #tpu.memory_space<semaphore_mem>>)
    %dma_start3A_14 = arith.constant 1 : i32
    %dma_start3A_15 = arith.constant 0 : i32
    %dma_start3A_16 = tpu.memref_slice %arg6[%dma_start3A_14, %dma_start3A_15] : memref<80x128xi32, #tpu.memory_space<vmem>> -> memref<1x128xi32, #tpu.memory_space<vmem>>
    %dma_start3A_17 = tpu.memref_squeeze %dma_start3A_16 : memref<1x128xi32, #tpu.memory_space<vmem>> -> memref<128xi32, #tpu.memory_space<vmem>>
    %dma_start3A_18 = arith.constant 0 : i32
    %dma_start3A_19 = arith.constant 0 : i32
    %dma_start3A_20 = tpu.memref_slice %arg2[%dma_start3A_18, %dma_start3A_19] : memref<10000x80xf32, #tpu.memory_space<hbm>> -> memref<10000x80xf32, #tpu.memory_space<hbm>>
    tpu.enqueue_indirect_dma source(%dma_start3A_20 : memref<10000x80xf32, #tpu.memory_space<hbm>>) target(%arg9 : memref<128x80xf32, #tpu.memory_space<vmem>>) offsets(%dma_start3A_17 : memref<128xi32, #tpu.memory_space<vmem>>) semaphore(%arg14 : memref<!tpu.dma_semaphore, #tpu.memory_space<semaphore_mem>>)
    %dma_start3A_21 = arith.constant 2 : i32
    %dma_start3A_22 = arith.constant 0 : i32
    %dma_start3A_23 = tpu.memref_slice %arg6[%dma_start3A_21, %dma_start3A_22] : memref<80x128xi32, #tpu.memory_space<vmem>> -> memref<1x128xi32, #tpu.memory_space<vmem>>
    %dma_start3A_24 = tpu.memref_squeeze %dma_start3A_23 : memref<1x128xi32, #tpu.memory_space<vmem>> -> memref<128xi32, #tpu.memory_space<vmem>>
    %dma_start3A_25 = arith.constant 0 : i32
    %dma_start3A_26 = arith.constant 0 : i32
    %dma_start3A_27 = tpu.memref_slice %arg2[%dma_start3A_25, %dma_start3A_26] : memref<10000x80xf32, #tpu.memory_space<hbm>> -> memref<10000x80xf32, #tpu.memory_space<hbm>>
    tpu.enqueue_indirect_dma source(%dma_start3A_27 : memref<10000x80xf32, #tpu.memory_space<hbm>>) target(%arg10 : memref<128x80xf32, #tpu.memory_space<vmem>>) offsets(%dma_start3A_24 : memref<128xi32, #tpu.memory_space<vmem>>) semaphore(%arg15 : memref<!tpu.dma_semaphore, #tpu.memory_space<semaphore_mem>>)
    %dma_start3A_28 = arith.constant 3 : i32
    %dma_start3A_29 = arith.constant 0 : i32
    %dma_start3A_30 = tpu.memref_slice %arg6[%dma_start3A_28, %dma_start3A_29] : memref<80x128xi32, #tpu.memory_space<vmem>> -> memref<1x128xi32, #tpu.memory_space<vmem>>
    %dma_start3A_31 = tpu.memref_squeeze %dma_start3A_30 : memref<1x128xi32, #tpu.memory_space<vmem>> -> memref<128xi32, #tpu.memory_space<vmem>>
    %dma_start3A_32 = arith.constant 0 : i32
    %dma_start3A_33 = arith.constant 0 : i32
    %dma_start3A_34 = tpu.memref_slice %arg2[%dma_start3A_32, %dma_start3A_33] : memref<10000x80xf32, #tpu.memory_space<hbm>> -> memref<10000x80xf32, #tpu.memory_space<hbm>>
    tpu.enqueue_indirect_dma source(%dma_start3A_34 : memref<10000x80xf32, #tpu.memory_space<hbm>>) target(%arg11 : memref<128x80xf32, #tpu.memory_space<vmem>>) offsets(%dma_start3A_31 : memref<128xi32, #tpu.memory_space<vmem>>) semaphore(%arg16 : memref<!tpu.dma_semaphore, #tpu.memory_space<semaphore_mem>>)
    %dma_start3A_35 = arith.constant 4 : i32
    %dma_start3A_36 = arith.constant 0 : i32
    %dma_start3A_37 = tpu.memref_slice %arg6[%dma_start3A_35, %dma_start3A_36] : memref<80x128xi32, #tpu.memory_space<vmem>> -> memref<1x128xi32, #tpu.memory_space<vmem>>
    %dma_start3A_38 = tpu.memref_squeeze %dma_start3A_37 : memref<1x128xi32, #tpu.memory_space<vmem>> -> memref<128xi32, #tpu.memory_space<vmem>>
    %dma_start3A_39 = arith.constant 0 : i32
    %dma_start3A_40 = arith.constant 0 : i32
    %dma_start3A_41 = tpu.memref_slice %arg2[%dma_start3A_39, %dma_start3A_40] : memref<10000x80xf32, #tpu.memory_space<hbm>> -> memref<10000x80xf32, #tpu.memory_space<hbm>>
    tpu.enqueue_indirect_dma source(%dma_start3A_41 : memref<10000x80xf32, #tpu.memory_space<hbm>>) target(%arg12 : memref<128x80xf32, #tpu.memory_space<vmem>>) offsets(%dma_start3A_38 : memref<128xi32, #tpu.memory_space<vmem>>) semaphore(%arg17 : memref<!tpu.dma_semaphore, #tpu.memory_space<semaphore_mem>>)
    %scan3A = arith.constant 0 : i32
    %scan3A_42 = arith.constant 0 : i32
    %scan3A_43 = arith.constant 15 : i32
    %scan3A_44 = arith.addi %scan3A_42, %scan3A_43 : i32
    %scan3A_45 = arith.constant 1 : i32
    scf.for %scan3A_156 = %scan3A_42 to %scan3A_44 step %scan3A_45  : i32 {
      %mul3A_157 = arith.constant 5 : i32
      %mul3A_158 = arith.muli %scan3A_156, %mul3A_157 : i32
      %dma_wait3A_159 = arith.constant 0 : i32
      %dma_wait3A_160 = arith.constant 0 : i32
      %dma_wait3A_161 = tpu.memref_slice %arg6[%dma_wait3A_159, %dma_wait3A_160] : memref<80x128xi32, #tpu.memory_space<vmem>> -> memref<1x128xi32, #tpu.memory_space<vmem>>
      %dma_wait3A_162 = tpu.memref_squeeze %dma_wait3A_161 : memref<1x128xi32, #tpu.memory_space<vmem>> -> memref<128xi32, #tpu.memory_space<vmem>>
      %dma_wait3A_163 = arith.constant 0 : i32
      %dma_wait3A_164 = arith.constant 0 : i32
      %dma_wait3A_165 = tpu.memref_slice %arg2[%dma_wait3A_163, %dma_wait3A_164] : memref<10000x80xf32, #tpu.memory_space<hbm>> -> memref<10000x80xf32, #tpu.memory_space<hbm>>
      tpu.wait_indirect_dma semaphore(%arg13 : memref<!tpu.dma_semaphore, #tpu.memory_space<semaphore_mem>>) src(%dma_wait3A_165 : memref<10000x80xf32, #tpu.memory_space<hbm>>) dst(%arg8 : memref<128x80xf32, #tpu.memory_space<vmem>>)
      %add3A_166 = arith.constant 0 : i32
      %add3A_167 = arith.addi %mul3A_158, %add3A_166 : i32
      %dma_start3A_168 = arith.constant 0 : i32
      %dma_start3A_169 = tpu.memref_slice %arg7[%add3A_167, %dma_start3A_168] : memref<80x128xi32, #tpu.memory_space<vmem>> -> memref<1x128xi32, #tpu.memory_space<vmem>>
      %dma_start3A_170 = tpu.memref_squeeze %dma_start3A_169 : memref<1x128xi32, #tpu.memory_space<vmem>> -> memref<128xi32, #tpu.memory_space<vmem>>
      %dma_start3A_171 = arith.constant 0 : i32
      %dma_start3A_172 = arith.constant 0 : i32
      %dma_start3A_173 = tpu.memref_slice %arg23[%dma_start3A_171, %dma_start3A_172] : memref<10112x80xf32, #tpu.memory_space<vmem_shared>> -> memref<10112x80xf32, #tpu.memory_space<vmem_shared>>
      tpu.enqueue_indirect_dma source(%arg8 : memref<128x80xf32, #tpu.memory_space<vmem>>) target(%dma_start3A_173 : memref<10112x80xf32, #tpu.memory_space<vmem_shared>>) offsets(%dma_start3A_170 : memref<128xi32, #tpu.memory_space<vmem>>) semaphore(%arg18 : memref<!tpu.dma_semaphore, #tpu.memory_space<semaphore_mem>>) {add = true}
      %dma_wait3A_174 = arith.constant 0 : i32
      %dma_wait3A_175 = arith.constant 0 : i32
      %dma_wait3A_176 = tpu.memref_slice %arg6[%dma_wait3A_174, %dma_wait3A_175] : memref<80x128xi32, #tpu.memory_space<vmem>> -> memref<1x128xi32, #tpu.memory_space<vmem>>
      %dma_wait3A_177 = tpu.memref_squeeze %dma_wait3A_176 : memref<1x128xi32, #tpu.memory_space<vmem>> -> memref<128xi32, #tpu.memory_space<vmem>>
      %dma_wait3A_178 = arith.constant 0 : i32
      %dma_wait3A_179 = arith.constant 0 : i32
      %dma_wait3A_180 = tpu.memref_slice %arg2[%dma_wait3A_178, %dma_wait3A_179] : memref<10000x80xf32, #tpu.memory_space<hbm>> -> memref<10000x80xf32, #tpu.memory_space<hbm>>
      tpu.wait_indirect_dma semaphore(%arg14 : memref<!tpu.dma_semaphore, #tpu.memory_space<semaphore_mem>>) src(%dma_wait3A_180 : memref<10000x80xf32, #tpu.memory_space<hbm>>) dst(%arg9 : memref<128x80xf32, #tpu.memory_space<vmem>>)
      %add3A_181 = arith.constant 1 : i32
      %add3A_182 = arith.addi %mul3A_158, %add3A_181 : i32
      %dma_start3A_183 = arith.constant 0 : i32
      %dma_start3A_184 = tpu.memref_slice %arg7[%add3A_182, %dma_start3A_183] : memref<80x128xi32, #tpu.memory_space<vmem>> -> memref<1x128xi32, #tpu.memory_space<vmem>>
      %dma_start3A_185 = tpu.memref_squeeze %dma_start3A_184 : memref<1x128xi32, #tpu.memory_space<vmem>> -> memref<128xi32, #tpu.memory_space<vmem>>
      %dma_start3A_186 = arith.constant 0 : i32
      %dma_start3A_187 = arith.constant 0 : i32
      %dma_start3A_188 = tpu.memref_slice %arg23[%dma_start3A_186, %dma_start3A_187] : memref<10112x80xf32, #tpu.memory_space<vmem_shared>> -> memref<10112x80xf32, #tpu.memory_space<vmem_shared>>
      tpu.enqueue_indirect_dma source(%arg9 : memref<128x80xf32, #tpu.memory_space<vmem>>) target(%dma_start3A_188 : memref<10112x80xf32, #tpu.memory_space<vmem_shared>>) offsets(%dma_start3A_185 : memref<128xi32, #tpu.memory_space<vmem>>) semaphore(%arg19 : memref<!tpu.dma_semaphore, #tpu.memory_space<semaphore_mem>>) {add = true}
      %dma_wait3A_189 = arith.constant 0 : i32
      %dma_wait3A_190 = arith.constant 0 : i32
      %dma_wait3A_191 = tpu.memref_slice %arg6[%dma_wait3A_189, %dma_wait3A_190] : memref<80x128xi32, #tpu.memory_space<vmem>> -> memref<1x128xi32, #tpu.memory_space<vmem>>
      %dma_wait3A_192 = tpu.memref_squeeze %dma_wait3A_191 : memref<1x128xi32, #tpu.memory_space<vmem>> -> memref<128xi32, #tpu.memory_space<vmem>>
      %dma_wait3A_193 = arith.constant 0 : i32
      %dma_wait3A_194 = arith.constant 0 : i32
      %dma_wait3A_195 = tpu.memref_slice %arg2[%dma_wait3A_193, %dma_wait3A_194] : memref<10000x80xf32, #tpu.memory_space<hbm>> -> memref<10000x80xf32, #tpu.memory_space<hbm>>
      tpu.wait_indirect_dma semaphore(%arg15 : memref<!tpu.dma_semaphore, #tpu.memory_space<semaphore_mem>>) src(%dma_wait3A_195 : memref<10000x80xf32, #tpu.memory_space<hbm>>) dst(%arg10 : memref<128x80xf32, #tpu.memory_space<vmem>>)
      %add3A_196 = arith.constant 2 : i32
      %add3A_197 = arith.addi %mul3A_158, %add3A_196 : i32
      %dma_start3A_198 = arith.constant 0 : i32
      %dma_start3A_199 = tpu.memref_slice %arg7[%add3A_197, %dma_start3A_198] : memref<80x128xi32, #tpu.memory_space<vmem>> -> memref<1x128xi32, #tpu.memory_space<vmem>>
      %dma_start3A_200 = tpu.memref_squeeze %dma_start3A_199 : memref<1x128xi32, #tpu.memory_space<vmem>> -> memref<128xi32, #tpu.memory_space<vmem>>
      %dma_start3A_201 = arith.constant 0 : i32
      %dma_start3A_202 = arith.constant 0 : i32
      %dma_start3A_203 = tpu.memref_slice %arg23[%dma_start3A_201, %dma_start3A_202] : memref<10112x80xf32, #tpu.memory_space<vmem_shared>> -> memref<10112x80xf32, #tpu.memory_space<vmem_shared>>
      tpu.enqueue_indirect_dma source(%arg10 : memref<128x80xf32, #tpu.memory_space<vmem>>) target(%dma_start3A_203 : memref<10112x80xf32, #tpu.memory_space<vmem_shared>>) offsets(%dma_start3A_200 : memref<128xi32, #tpu.memory_space<vmem>>) semaphore(%arg20 : memref<!tpu.dma_semaphore, #tpu.memory_space<semaphore_mem>>) {add = true}
      %dma_wait3A_204 = arith.constant 0 : i32
      %dma_wait3A_205 = arith.constant 0 : i32
      %dma_wait3A_206 = tpu.memref_slice %arg6[%dma_wait3A_204, %dma_wait3A_205] : memref<80x128xi32, #tpu.memory_space<vmem>> -> memref<1x128xi32, #tpu.memory_space<vmem>>
      %dma_wait3A_207 = tpu.memref_squeeze %dma_wait3A_206 : memref<1x128xi32, #tpu.memory_space<vmem>> -> memref<128xi32, #tpu.memory_space<vmem>>
      %dma_wait3A_208 = arith.constant 0 : i32
      %dma_wait3A_209 = arith.constant 0 : i32
      %dma_wait3A_210 = tpu.memref_slice %arg2[%dma_wait3A_208, %dma_wait3A_209] : memref<10000x80xf32, #tpu.memory_space<hbm>> -> memref<10000x80xf32, #tpu.memory_space<hbm>>
      tpu.wait_indirect_dma semaphore(%arg16 : memref<!tpu.dma_semaphore, #tpu.memory_space<semaphore_mem>>) src(%dma_wait3A_210 : memref<10000x80xf32, #tpu.memory_space<hbm>>) dst(%arg11 : memref<128x80xf32, #tpu.memory_space<vmem>>)
      %add3A_211 = arith.constant 3 : i32
      %add3A_212 = arith.addi %mul3A_158, %add3A_211 : i32
      %dma_start3A_213 = arith.constant 0 : i32
      %dma_start3A_214 = tpu.memref_slice %arg7[%add3A_212, %dma_start3A_213] : memref<80x128xi32, #tpu.memory_space<vmem>> -> memref<1x128xi32, #tpu.memory_space<vmem>>
      %dma_start3A_215 = tpu.memref_squeeze %dma_start3A_214 : memref<1x128xi32, #tpu.memory_space<vmem>> -> memref<128xi32, #tpu.memory_space<vmem>>
      %dma_start3A_216 = arith.constant 0 : i32
      %dma_start3A_217 = arith.constant 0 : i32
      %dma_start3A_218 = tpu.memref_slice %arg23[%dma_start3A_216, %dma_start3A_217] : memref<10112x80xf32, #tpu.memory_space<vmem_shared>> -> memref<10112x80xf32, #tpu.memory_space<vmem_shared>>
      tpu.enqueue_indirect_dma source(%arg11 : memref<128x80xf32, #tpu.memory_space<vmem>>) target(%dma_start3A_218 : memref<10112x80xf32, #tpu.memory_space<vmem_shared>>) offsets(%dma_start3A_215 : memref<128xi32, #tpu.memory_space<vmem>>) semaphore(%arg21 : memref<!tpu.dma_semaphore, #tpu.memory_space<semaphore_mem>>) {add = true}
      %dma_wait3A_219 = arith.constant 0 : i32
      %dma_wait3A_220 = arith.constant 0 : i32
      %dma_wait3A_221 = tpu.memref_slice %arg6[%dma_wait3A_219, %dma_wait3A_220] : memref<80x128xi32, #tpu.memory_space<vmem>> -> memref<1x128xi32, #tpu.memory_space<vmem>>
      %dma_wait3A_222 = tpu.memref_squeeze %dma_wait3A_221 : memref<1x128xi32, #tpu.memory_space<vmem>> -> memref<128xi32, #tpu.memory_space<vmem>>
      %dma_wait3A_223 = arith.constant 0 : i32
      %dma_wait3A_224 = arith.constant 0 : i32
      %dma_wait3A_225 = tpu.memref_slice %arg2[%dma_wait3A_223, %dma_wait3A_224] : memref<10000x80xf32, #tpu.memory_space<hbm>> -> memref<10000x80xf32, #tpu.memory_space<hbm>>
      tpu.wait_indirect_dma semaphore(%arg17 : memref<!tpu.dma_semaphore, #tpu.memory_space<semaphore_mem>>) src(%dma_wait3A_225 : memref<10000x80xf32, #tpu.memory_space<hbm>>) dst(%arg12 : memref<128x80xf32, #tpu.memory_space<vmem>>)
      %add3A_226 = arith.constant 4 : i32
      %add3A_227 = arith.addi %mul3A_158, %add3A_226 : i32
      %dma_start3A_228 = arith.constant 0 : i32
      %dma_start3A_229 = tpu.memref_slice %arg7[%add3A_227, %dma_start3A_228] : memref<80x128xi32, #tpu.memory_space<vmem>> -> memref<1x128xi32, #tpu.memory_space<vmem>>
      %dma_start3A_230 = tpu.memref_squeeze %dma_start3A_229 : memref<1x128xi32, #tpu.memory_space<vmem>> -> memref<128xi32, #tpu.memory_space<vmem>>
      %dma_start3A_231 = arith.constant 0 : i32
      %dma_start3A_232 = arith.constant 0 : i32
      %dma_start3A_233 = tpu.memref_slice %arg23[%dma_start3A_231, %dma_start3A_232] : memref<10112x80xf32, #tpu.memory_space<vmem_shared>> -> memref<10112x80xf32, #tpu.memory_space<vmem_shared>>
      tpu.enqueue_indirect_dma source(%arg12 : memref<128x80xf32, #tpu.memory_space<vmem>>) target(%dma_start3A_233 : memref<10112x80xf32, #tpu.memory_space<vmem_shared>>) offsets(%dma_start3A_230 : memref<128xi32, #tpu.memory_space<vmem>>) semaphore(%arg22 : memref<!tpu.dma_semaphore, #tpu.memory_space<semaphore_mem>>) {add = true}
      %dma_wait3A_234 = arith.constant 0 : i32
      %dma_wait3A_235 = arith.constant 0 : i32
      %dma_wait3A_236 = tpu.memref_slice %arg7[%dma_wait3A_234, %dma_wait3A_235] : memref<80x128xi32, #tpu.memory_space<vmem>> -> memref<1x128xi32, #tpu.memory_space<vmem>>
      %dma_wait3A_237 = tpu.memref_squeeze %dma_wait3A_236 : memref<1x128xi32, #tpu.memory_space<vmem>> -> memref<128xi32, #tpu.memory_space<vmem>>
      %dma_wait3A_238 = arith.constant 0 : i32
      %dma_wait3A_239 = arith.constant 0 : i32
      %dma_wait3A_240 = tpu.memref_slice %arg23[%dma_wait3A_238, %dma_wait3A_239] : memref<10112x80xf32, #tpu.memory_space<vmem_shared>> -> memref<10112x80xf32, #tpu.memory_space<vmem_shared>>
      tpu.wait_indirect_dma semaphore(%arg18 : memref<!tpu.dma_semaphore, #tpu.memory_space<semaphore_mem>>) src(%arg8 : memref<128x80xf32, #tpu.memory_space<vmem>>) dst(%dma_wait3A_240 : memref<10112x80xf32, #tpu.memory_space<vmem_shared>>)
      %add3A_241 = arith.constant 5 : i32
      %add3A_242 = arith.addi %mul3A_158, %add3A_241 : i32
      %add3A_243 = arith.constant 0 : i32
      %add3A_244 = arith.addi %add3A_242, %add3A_243 : i32
      %dma_start3A_245 = arith.constant 0 : i32
      %dma_start3A_246 = tpu.memref_slice %arg6[%add3A_244, %dma_start3A_245] : memref<80x128xi32, #tpu.memory_space<vmem>> -> memref<1x128xi32, #tpu.memory_space<vmem>>
      %dma_start3A_247 = tpu.memref_squeeze %dma_start3A_246 : memref<1x128xi32, #tpu.memory_space<vmem>> -> memref<128xi32, #tpu.memory_space<vmem>>
      %dma_start3A_248 = arith.constant 0 : i32
      %dma_start3A_249 = arith.constant 0 : i32
      %dma_start3A_250 = tpu.memref_slice %arg2[%dma_start3A_248, %dma_start3A_249] : memref<10000x80xf32, #tpu.memory_space<hbm>> -> memref<10000x80xf32, #tpu.memory_space<hbm>>
      tpu.enqueue_indirect_dma source(%dma_start3A_250 : memref<10000x80xf32, #tpu.memory_space<hbm>>) target(%arg8 : memref<128x80xf32, #tpu.memory_space<vmem>>) offsets(%dma_start3A_247 : memref<128xi32, #tpu.memory_space<vmem>>) semaphore(%arg13 : memref<!tpu.dma_semaphore, #tpu.memory_space<semaphore_mem>>)
      %dma_wait3A_251 = arith.constant 0 : i32
      %dma_wait3A_252 = arith.constant 0 : i32
      %dma_wait3A_253 = tpu.memref_slice %arg7[%dma_wait3A_251, %dma_wait3A_252] : memref<80x128xi32, #tpu.memory_space<vmem>> -> memref<1x128xi32, #tpu.memory_space<vmem>>
      %dma_wait3A_254 = tpu.memref_squeeze %dma_wait3A_253 : memref<1x128xi32, #tpu.memory_space<vmem>> -> memref<128xi32, #tpu.memory_space<vmem>>
      %dma_wait3A_255 = arith.constant 0 : i32
      %dma_wait3A_256 = arith.constant 0 : i32
      %dma_wait3A_257 = tpu.memref_slice %arg23[%dma_wait3A_255, %dma_wait3A_256] : memref<10112x80xf32, #tpu.memory_space<vmem_shared>> -> memref<10112x80xf32, #tpu.memory_space<vmem_shared>>
      tpu.wait_indirect_dma semaphore(%arg19 : memref<!tpu.dma_semaphore, #tpu.memory_space<semaphore_mem>>) src(%arg9 : memref<128x80xf32, #tpu.memory_space<vmem>>) dst(%dma_wait3A_257 : memref<10112x80xf32, #tpu.memory_space<vmem_shared>>)
      %add3A_258 = arith.constant 5 : i32
      %add3A_259 = arith.addi %mul3A_158, %add3A_258 : i32
      %add3A_260 = arith.constant 1 : i32
      %add3A_261 = arith.addi %add3A_259, %add3A_260 : i32
      %dma_start3A_262 = arith.constant 0 : i32
      %dma_start3A_263 = tpu.memref_slice %arg6[%add3A_261, %dma_start3A_262] : memref<80x128xi32, #tpu.memory_space<vmem>> -> memref<1x128xi32, #tpu.memory_space<vmem>>
      %dma_start3A_264 = tpu.memref_squeeze %dma_start3A_263 : memref<1x128xi32, #tpu.memory_space<vmem>> -> memref<128xi32, #tpu.memory_space<vmem>>
      %dma_start3A_265 = arith.constant 0 : i32
      %dma_start3A_266 = arith.constant 0 : i32
      %dma_start3A_267 = tpu.memref_slice %arg2[%dma_start3A_265, %dma_start3A_266] : memref<10000x80xf32, #tpu.memory_space<hbm>> -> memref<10000x80xf32, #tpu.memory_space<hbm>>
      tpu.enqueue_indirect_dma source(%dma_start3A_267 : memref<10000x80xf32, #tpu.memory_space<hbm>>) target(%arg9 : memref<128x80xf32, #tpu.memory_space<vmem>>) offsets(%dma_start3A_264 : memref<128xi32, #tpu.memory_space<vmem>>) semaphore(%arg14 : memref<!tpu.dma_semaphore, #tpu.memory_space<semaphore_mem>>)
      %dma_wait3A_268 = arith.constant 0 : i32
      %dma_wait3A_269 = arith.constant 0 : i32
      %dma_wait3A_270 = tpu.memref_slice %arg7[%dma_wait3A_268, %dma_wait3A_269] : memref<80x128xi32, #tpu.memory_space<vmem>> -> memref<1x128xi32, #tpu.memory_space<vmem>>
      %dma_wait3A_271 = tpu.memref_squeeze %dma_wait3A_270 : memref<1x128xi32, #tpu.memory_space<vmem>> -> memref<128xi32, #tpu.memory_space<vmem>>
      %dma_wait3A_272 = arith.constant 0 : i32
      %dma_wait3A_273 = arith.constant 0 : i32
      %dma_wait3A_274 = tpu.memref_slice %arg23[%dma_wait3A_272, %dma_wait3A_273] : memref<10112x80xf32, #tpu.memory_space<vmem_shared>> -> memref<10112x80xf32, #tpu.memory_space<vmem_shared>>
      tpu.wait_indirect_dma semaphore(%arg20 : memref<!tpu.dma_semaphore, #tpu.memory_space<semaphore_mem>>) src(%arg10 : memref<128x80xf32, #tpu.memory_space<vmem>>) dst(%dma_wait3A_274 : memref<10112x80xf32, #tpu.memory_space<vmem_shared>>)
      %add3A_275 = arith.constant 5 : i32
      %add3A_276 = arith.addi %mul3A_158, %add3A_275 : i32
      %add3A_277 = arith.constant 2 : i32
      %add3A_278 = arith.addi %add3A_276, %add3A_277 : i32
      %dma_start3A_279 = arith.constant 0 : i32
      %dma_start3A_280 = tpu.memref_slice %arg6[%add3A_278, %dma_start3A_279] : memref<80x128xi32, #tpu.memory_space<vmem>> -> memref<1x128xi32, #tpu.memory_space<vmem>>
      %dma_start3A_281 = tpu.memref_squeeze %dma_start3A_280 : memref<1x128xi32, #tpu.memory_space<vmem>> -> memref<128xi32, #tpu.memory_space<vmem>>
      %dma_start3A_282 = arith.constant 0 : i32
      %dma_start3A_283 = arith.constant 0 : i32
      %dma_start3A_284 = tpu.memref_slice %arg2[%dma_start3A_282, %dma_start3A_283] : memref<10000x80xf32, #tpu.memory_space<hbm>> -> memref<10000x80xf32, #tpu.memory_space<hbm>>
      tpu.enqueue_indirect_dma source(%dma_start3A_284 : memref<10000x80xf32, #tpu.memory_space<hbm>>) target(%arg10 : memref<128x80xf32, #tpu.memory_space<vmem>>) offsets(%dma_start3A_281 : memref<128xi32, #tpu.memory_space<vmem>>) semaphore(%arg15 : memref<!tpu.dma_semaphore, #tpu.memory_space<semaphore_mem>>)
      %dma_wait3A_285 = arith.constant 0 : i32
      %dma_wait3A_286 = arith.constant 0 : i32
      %dma_wait3A_287 = tpu.memref_slice %arg7[%dma_wait3A_285, %dma_wait3A_286] : memref<80x128xi32, #tpu.memory_space<vmem>> -> memref<1x128xi32, #tpu.memory_space<vmem>>
      %dma_wait3A_288 = tpu.memref_squeeze %dma_wait3A_287 : memref<1x128xi32, #tpu.memory_space<vmem>> -> memref<128xi32, #tpu.memory_space<vmem>>
      %dma_wait3A_289 = arith.constant 0 : i32
      %dma_wait3A_290 = arith.constant 0 : i32
      %dma_wait3A_291 = tpu.memref_slice %arg23[%dma_wait3A_289, %dma_wait3A_290] : memref<10112x80xf32, #tpu.memory_space<vmem_shared>> -> memref<10112x80xf32, #tpu.memory_space<vmem_shared>>
      tpu.wait_indirect_dma semaphore(%arg21 : memref<!tpu.dma_semaphore, #tpu.memory_space<semaphore_mem>>) src(%arg11 : memref<128x80xf32, #tpu.memory_space<vmem>>) dst(%dma_wait3A_291 : memref<10112x80xf32, #tpu.memory_space<vmem_shared>>)
      %add3A_292 = arith.constant 5 : i32
      %add3A_293 = arith.addi %mul3A_158, %add3A_292 : i32
      %add3A_294 = arith.constant 3 : i32
      %add3A_295 = arith.addi %add3A_293, %add3A_294 : i32
      %dma_start3A_296 = arith.constant 0 : i32
      %dma_start3A_297 = tpu.memref_slice %arg6[%add3A_295, %dma_start3A_296] : memref<80x128xi32, #tpu.memory_space<vmem>> -> memref<1x128xi32, #tpu.memory_space<vmem>>
      %dma_start3A_298 = tpu.memref_squeeze %dma_start3A_297 : memref<1x128xi32, #tpu.memory_space<vmem>> -> memref<128xi32, #tpu.memory_space<vmem>>
      %dma_start3A_299 = arith.constant 0 : i32
      %dma_start3A_300 = arith.constant 0 : i32
      %dma_start3A_301 = tpu.memref_slice %arg2[%dma_start3A_299, %dma_start3A_300] : memref<10000x80xf32, #tpu.memory_space<hbm>> -> memref<10000x80xf32, #tpu.memory_space<hbm>>
      tpu.enqueue_indirect_dma source(%dma_start3A_301 : memref<10000x80xf32, #tpu.memory_space<hbm>>) target(%arg11 : memref<128x80xf32, #tpu.memory_space<vmem>>) offsets(%dma_start3A_298 : memref<128xi32, #tpu.memory_space<vmem>>) semaphore(%arg16 : memref<!tpu.dma_semaphore, #tpu.memory_space<semaphore_mem>>)
      %dma_wait3A_302 = arith.constant 0 : i32
      %dma_wait3A_303 = arith.constant 0 : i32
      %dma_wait3A_304 = tpu.memref_slice %arg7[%dma_wait3A_302, %dma_wait3A_303] : memref<80x128xi32, #tpu.memory_space<vmem>> -> memref<1x128xi32, #tpu.memory_space<vmem>>
      %dma_wait3A_305 = tpu.memref_squeeze %dma_wait3A_304 : memref<1x128xi32, #tpu.memory_space<vmem>> -> memref<128xi32, #tpu.memory_space<vmem>>
      %dma_wait3A_306 = arith.constant 0 : i32
      %dma_wait3A_307 = arith.constant 0 : i32
      %dma_wait3A_308 = tpu.memref_slice %arg23[%dma_wait3A_306, %dma_wait3A_307] : memref<10112x80xf32, #tpu.memory_space<vmem_shared>> -> memref<10112x80xf32, #tpu.memory_space<vmem_shared>>
      tpu.wait_indirect_dma semaphore(%arg22 : memref<!tpu.dma_semaphore, #tpu.memory_space<semaphore_mem>>) src(%arg12 : memref<128x80xf32, #tpu.memory_space<vmem>>) dst(%dma_wait3A_308 : memref<10112x80xf32, #tpu.memory_space<vmem_shared>>)
      %add3A_309 = arith.constant 5 : i32
      %add3A_310 = arith.addi %mul3A_158, %add3A_309 : i32
      %add3A_311 = arith.constant 4 : i32
      %add3A_312 = arith.addi %add3A_310, %add3A_311 : i32
      %dma_start3A_313 = arith.constant 0 : i32
      %dma_start3A_314 = tpu.memref_slice %arg6[%add3A_312, %dma_start3A_313] : memref<80x128xi32, #tpu.memory_space<vmem>> -> memref<1x128xi32, #tpu.memory_space<vmem>>
      %dma_start3A_315 = tpu.memref_squeeze %dma_start3A_314 : memref<1x128xi32, #tpu.memory_space<vmem>> -> memref<128xi32, #tpu.memory_space<vmem>>
      %dma_start3A_316 = arith.constant 0 : i32
      %dma_start3A_317 = arith.constant 0 : i32
      %dma_start3A_318 = tpu.memref_slice %arg2[%dma_start3A_316, %dma_start3A_317] : memref<10000x80xf32, #tpu.memory_space<hbm>> -> memref<10000x80xf32, #tpu.memory_space<hbm>>
      tpu.enqueue_indirect_dma source(%dma_start3A_318 : memref<10000x80xf32, #tpu.memory_space<hbm>>) target(%arg12 : memref<128x80xf32, #tpu.memory_space<vmem>>) offsets(%dma_start3A_315 : memref<128xi32, #tpu.memory_space<vmem>>) semaphore(%arg17 : memref<!tpu.dma_semaphore, #tpu.memory_space<semaphore_mem>>)
    }
    %scan3A_46 = arith.constant 15 : i32
    %dma_wait3A = arith.constant 0 : i32
    %dma_wait3A_47 = arith.constant 0 : i32
    %dma_wait3A_48 = tpu.memref_slice %arg6[%dma_wait3A, %dma_wait3A_47] : memref<80x128xi32, #tpu.memory_space<vmem>> -> memref<1x128xi32, #tpu.memory_space<vmem>>
    %dma_wait3A_49 = tpu.memref_squeeze %dma_wait3A_48 : memref<1x128xi32, #tpu.memory_space<vmem>> -> memref<128xi32, #tpu.memory_space<vmem>>
    %dma_wait3A_50 = arith.constant 0 : i32
    %dma_wait3A_51 = arith.constant 0 : i32
    %dma_wait3A_52 = tpu.memref_slice %arg2[%dma_wait3A_50, %dma_wait3A_51] : memref<10000x80xf32, #tpu.memory_space<hbm>> -> memref<10000x80xf32, #tpu.memory_space<hbm>>
    tpu.wait_indirect_dma semaphore(%arg13 : memref<!tpu.dma_semaphore, #tpu.memory_space<semaphore_mem>>) src(%dma_wait3A_52 : memref<10000x80xf32, #tpu.memory_space<hbm>>) dst(%arg8 : memref<128x80xf32, #tpu.memory_space<vmem>>)
    %dma_start3A_53 = arith.constant 75 : i32
    %dma_start3A_54 = arith.constant 0 : i32
    %dma_start3A_55 = tpu.memref_slice %arg7[%dma_start3A_53, %dma_start3A_54] : memref<80x128xi32, #tpu.memory_space<vmem>> -> memref<1x128xi32, #tpu.memory_space<vmem>>
    %dma_start3A_56 = tpu.memref_squeeze %dma_start3A_55 : memref<1x128xi32, #tpu.memory_space<vmem>> -> memref<128xi32, #tpu.memory_space<vmem>>
    %dma_start3A_57 = arith.constant 0 : i32
    %dma_start3A_58 = arith.constant 0 : i32
    %dma_start3A_59 = tpu.memref_slice %arg23[%dma_start3A_57, %dma_start3A_58] : memref<10112x80xf32, #tpu.memory_space<vmem_shared>> -> memref<10112x80xf32, #tpu.memory_space<vmem_shared>>
    tpu.enqueue_indirect_dma source(%arg8 : memref<128x80xf32, #tpu.memory_space<vmem>>) target(%dma_start3A_59 : memref<10112x80xf32, #tpu.memory_space<vmem_shared>>) offsets(%dma_start3A_56 : memref<128xi32, #tpu.memory_space<vmem>>) semaphore(%arg18 : memref<!tpu.dma_semaphore, #tpu.memory_space<semaphore_mem>>) {add = true}
    %dma_wait3A_60 = arith.constant 0 : i32
    %dma_wait3A_61 = arith.constant 0 : i32
    %dma_wait3A_62 = tpu.memref_slice %arg6[%dma_wait3A_60, %dma_wait3A_61] : memref<80x128xi32, #tpu.memory_space<vmem>> -> memref<1x128xi32, #tpu.memory_space<vmem>>
    %dma_wait3A_63 = tpu.memref_squeeze %dma_wait3A_62 : memref<1x128xi32, #tpu.memory_space<vmem>> -> memref<128xi32, #tpu.memory_space<vmem>>
    %dma_wait3A_64 = arith.constant 0 : i32
    %dma_wait3A_65 = arith.constant 0 : i32
    %dma_wait3A_66 = tpu.memref_slice %arg2[%dma_wait3A_64, %dma_wait3A_65] : memref<10000x80xf32, #tpu.memory_space<hbm>> -> memref<10000x80xf32, #tpu.memory_space<hbm>>
    tpu.wait_indirect_dma semaphore(%arg14 : memref<!tpu.dma_semaphore, #tpu.memory_space<semaphore_mem>>) src(%dma_wait3A_66 : memref<10000x80xf32, #tpu.memory_space<hbm>>) dst(%arg9 : memref<128x80xf32, #tpu.memory_space<vmem>>)
    %dma_start3A_67 = arith.constant 76 : i32
    %dma_start3A_68 = arith.constant 0 : i32
    %dma_start3A_69 = tpu.memref_slice %arg7[%dma_start3A_67, %dma_start3A_68] : memref<80x128xi32, #tpu.memory_space<vmem>> -> memref<1x128xi32, #tpu.memory_space<vmem>>
    %dma_start3A_70 = tpu.memref_squeeze %dma_start3A_69 : memref<1x128xi32, #tpu.memory_space<vmem>> -> memref<128xi32, #tpu.memory_space<vmem>>
    %dma_start3A_71 = arith.constant 0 : i32
    %dma_start3A_72 = arith.constant 0 : i32
    %dma_start3A_73 = tpu.memref_slice %arg23[%dma_start3A_71, %dma_start3A_72] : memref<10112x80xf32, #tpu.memory_space<vmem_shared>> -> memref<10112x80xf32, #tpu.memory_space<vmem_shared>>
    tpu.enqueue_indirect_dma source(%arg9 : memref<128x80xf32, #tpu.memory_space<vmem>>) target(%dma_start3A_73 : memref<10112x80xf32, #tpu.memory_space<vmem_shared>>) offsets(%dma_start3A_70 : memref<128xi32, #tpu.memory_space<vmem>>) semaphore(%arg19 : memref<!tpu.dma_semaphore, #tpu.memory_space<semaphore_mem>>) {add = true}
    %dma_wait3A_74 = arith.constant 0 : i32
    %dma_wait3A_75 = arith.constant 0 : i32
    %dma_wait3A_76 = tpu.memref_slice %arg6[%dma_wait3A_74, %dma_wait3A_75] : memref<80x128xi32, #tpu.memory_space<vmem>> -> memref<1x128xi32, #tpu.memory_space<vmem>>
    %dma_wait3A_77 = tpu.memref_squeeze %dma_wait3A_76 : memref<1x128xi32, #tpu.memory_space<vmem>> -> memref<128xi32, #tpu.memory_space<vmem>>
    %dma_wait3A_78 = arith.constant 0 : i32
    %dma_wait3A_79 = arith.constant 0 : i32
    %dma_wait3A_80 = tpu.memref_slice %arg2[%dma_wait3A_78, %dma_wait3A_79] : memref<10000x80xf32, #tpu.memory_space<hbm>> -> memref<10000x80xf32, #tpu.memory_space<hbm>>
    tpu.wait_indirect_dma semaphore(%arg15 : memref<!tpu.dma_semaphore, #tpu.memory_space<semaphore_mem>>) src(%dma_wait3A_80 : memref<10000x80xf32, #tpu.memory_space<hbm>>) dst(%arg10 : memref<128x80xf32, #tpu.memory_space<vmem>>)
    %dma_start3A_81 = arith.constant 77 : i32
    %dma_start3A_82 = arith.constant 0 : i32
    %dma_start3A_83 = tpu.memref_slice %arg7[%dma_start3A_81, %dma_start3A_82] : memref<80x128xi32, #tpu.memory_space<vmem>> -> memref<1x128xi32, #tpu.memory_space<vmem>>
    %dma_start3A_84 = tpu.memref_squeeze %dma_start3A_83 : memref<1x128xi32, #tpu.memory_space<vmem>> -> memref<128xi32, #tpu.memory_space<vmem>>
    %dma_start3A_85 = arith.constant 0 : i32
    %dma_start3A_86 = arith.constant 0 : i32
    %dma_start3A_87 = tpu.memref_slice %arg23[%dma_start3A_85, %dma_start3A_86] : memref<10112x80xf32, #tpu.memory_space<vmem_shared>> -> memref<10112x80xf32, #tpu.memory_space<vmem_shared>>
    tpu.enqueue_indirect_dma source(%arg10 : memref<128x80xf32, #tpu.memory_space<vmem>>) target(%dma_start3A_87 : memref<10112x80xf32, #tpu.memory_space<vmem_shared>>) offsets(%dma_start3A_84 : memref<128xi32, #tpu.memory_space<vmem>>) semaphore(%arg20 : memref<!tpu.dma_semaphore, #tpu.memory_space<semaphore_mem>>) {add = true}
    %dma_wait3A_88 = arith.constant 0 : i32
    %dma_wait3A_89 = arith.constant 0 : i32
    %dma_wait3A_90 = tpu.memref_slice %arg6[%dma_wait3A_88, %dma_wait3A_89] : memref<80x128xi32, #tpu.memory_space<vmem>> -> memref<1x128xi32, #tpu.memory_space<vmem>>
    %dma_wait3A_91 = tpu.memref_squeeze %dma_wait3A_90 : memref<1x128xi32, #tpu.memory_space<vmem>> -> memref<128xi32, #tpu.memory_space<vmem>>
    %dma_wait3A_92 = arith.constant 0 : i32
    %dma_wait3A_93 = arith.constant 0 : i32
    %dma_wait3A_94 = tpu.memref_slice %arg2[%dma_wait3A_92, %dma_wait3A_93] : memref<10000x80xf32, #tpu.memory_space<hbm>> -> memref<10000x80xf32, #tpu.memory_space<hbm>>
    tpu.wait_indirect_dma semaphore(%arg16 : memref<!tpu.dma_semaphore, #tpu.memory_space<semaphore_mem>>) src(%dma_wait3A_94 : memref<10000x80xf32, #tpu.memory_space<hbm>>) dst(%arg11 : memref<128x80xf32, #tpu.memory_space<vmem>>)
    %dma_start3A_95 = arith.constant 78 : i32
    %dma_start3A_96 = arith.constant 0 : i32
    %dma_start3A_97 = tpu.memref_slice %arg7[%dma_start3A_95, %dma_start3A_96] : memref<80x128xi32, #tpu.memory_space<vmem>> -> memref<1x128xi32, #tpu.memory_space<vmem>>
    %dma_start3A_98 = tpu.memref_squeeze %dma_start3A_97 : memref<1x128xi32, #tpu.memory_space<vmem>> -> memref<128xi32, #tpu.memory_space<vmem>>
    %dma_start3A_99 = arith.constant 0 : i32
    %dma_start3A_100 = arith.constant 0 : i32
    %dma_start3A_101 = tpu.memref_slice %arg23[%dma_start3A_99, %dma_start3A_100] : memref<10112x80xf32, #tpu.memory_space<vmem_shared>> -> memref<10112x80xf32, #tpu.memory_space<vmem_shared>>
    tpu.enqueue_indirect_dma source(%arg11 : memref<128x80xf32, #tpu.memory_space<vmem>>) target(%dma_start3A_101 : memref<10112x80xf32, #tpu.memory_space<vmem_shared>>) offsets(%dma_start3A_98 : memref<128xi32, #tpu.memory_space<vmem>>) semaphore(%arg21 : memref<!tpu.dma_semaphore, #tpu.memory_space<semaphore_mem>>) {add = true}
    %dma_wait3A_102 = arith.constant 0 : i32
    %dma_wait3A_103 = arith.constant 0 : i32
    %dma_wait3A_104 = tpu.memref_slice %arg6[%dma_wait3A_102, %dma_wait3A_103] : memref<80x128xi32, #tpu.memory_space<vmem>> -> memref<1x128xi32, #tpu.memory_space<vmem>>
    %dma_wait3A_105 = tpu.memref_squeeze %dma_wait3A_104 : memref<1x128xi32, #tpu.memory_space<vmem>> -> memref<128xi32, #tpu.memory_space<vmem>>
    %dma_wait3A_106 = arith.constant 0 : i32
    %dma_wait3A_107 = arith.constant 0 : i32
    %dma_wait3A_108 = tpu.memref_slice %arg2[%dma_wait3A_106, %dma_wait3A_107] : memref<10000x80xf32, #tpu.memory_space<hbm>> -> memref<10000x80xf32, #tpu.memory_space<hbm>>
    tpu.wait_indirect_dma semaphore(%arg17 : memref<!tpu.dma_semaphore, #tpu.memory_space<semaphore_mem>>) src(%dma_wait3A_108 : memref<10000x80xf32, #tpu.memory_space<hbm>>) dst(%arg12 : memref<128x80xf32, #tpu.memory_space<vmem>>)
    %dma_start3A_109 = arith.constant 79 : i32
    %dma_start3A_110 = arith.constant 0 : i32
    %dma_start3A_111 = tpu.memref_slice %arg7[%dma_start3A_109, %dma_start3A_110] : memref<80x128xi32, #tpu.memory_space<vmem>> -> memref<1x128xi32, #tpu.memory_space<vmem>>
    %dma_start3A_112 = tpu.memref_squeeze %dma_start3A_111 : memref<1x128xi32, #tpu.memory_space<vmem>> -> memref<128xi32, #tpu.memory_space<vmem>>
    %dma_start3A_113 = arith.constant 0 : i32
    %dma_start3A_114 = arith.constant 0 : i32
    %dma_start3A_115 = tpu.memref_slice %arg23[%dma_start3A_113, %dma_start3A_114] : memref<10112x80xf32, #tpu.memory_space<vmem_shared>> -> memref<10112x80xf32, #tpu.memory_space<vmem_shared>>
    tpu.enqueue_indirect_dma source(%arg12 : memref<128x80xf32, #tpu.memory_space<vmem>>) target(%dma_start3A_115 : memref<10112x80xf32, #tpu.memory_space<vmem_shared>>) offsets(%dma_start3A_112 : memref<128xi32, #tpu.memory_space<vmem>>) semaphore(%arg22 : memref<!tpu.dma_semaphore, #tpu.memory_space<semaphore_mem>>) {add = true}
    %dma_wait3A_116 = arith.constant 0 : i32
    %dma_wait3A_117 = arith.constant 0 : i32
    %dma_wait3A_118 = tpu.memref_slice %arg7[%dma_wait3A_116, %dma_wait3A_117] : memref<80x128xi32, #tpu.memory_space<vmem>> -> memref<1x128xi32, #tpu.memory_space<vmem>>
    %dma_wait3A_119 = tpu.memref_squeeze %dma_wait3A_118 : memref<1x128xi32, #tpu.memory_space<vmem>> -> memref<128xi32, #tpu.memory_space<vmem>>
    %dma_wait3A_120 = arith.constant 0 : i32
    %dma_wait3A_121 = arith.constant 0 : i32
    %dma_wait3A_122 = tpu.memref_slice %arg23[%dma_wait3A_120, %dma_wait3A_121] : memref<10112x80xf32, #tpu.memory_space<vmem_shared>> -> memref<10112x80xf32, #tpu.memory_space<vmem_shared>>
    tpu.wait_indirect_dma semaphore(%arg18 : memref<!tpu.dma_semaphore, #tpu.memory_space<semaphore_mem>>) src(%arg8 : memref<128x80xf32, #tpu.memory_space<vmem>>) dst(%dma_wait3A_122 : memref<10112x80xf32, #tpu.memory_space<vmem_shared>>)
    %dma_wait3A_123 = arith.constant 0 : i32
    %dma_wait3A_124 = arith.constant 0 : i32
    %dma_wait3A_125 = tpu.memref_slice %arg7[%dma_wait3A_123, %dma_wait3A_124] : memref<80x128xi32, #tpu.memory_space<vmem>> -> memref<1x128xi32, #tpu.memory_space<vmem>>
    %dma_wait3A_126 = tpu.memref_squeeze %dma_wait3A_125 : memref<1x128xi32, #tpu.memory_space<vmem>> -> memref<128xi32, #tpu.memory_space<vmem>>
    %dma_wait3A_127 = arith.constant 0 : i32
    %dma_wait3A_128 = arith.constant 0 : i32
    %dma_wait3A_129 = tpu.memref_slice %arg23[%dma_wait3A_127, %dma_wait3A_128] : memref<10112x80xf32, #tpu.memory_space<vmem_shared>> -> memref<10112x80xf32, #tpu.memory_space<vmem_shared>>
    tpu.wait_indirect_dma semaphore(%arg19 : memref<!tpu.dma_semaphore, #tpu.memory_space<semaphore_mem>>) src(%arg9 : memref<128x80xf32, #tpu.memory_space<vmem>>) dst(%dma_wait3A_129 : memref<10112x80xf32, #tpu.memory_space<vmem_shared>>)
    %dma_wait3A_130 = arith.constant 0 : i32
    %dma_wait3A_131 = arith.constant 0 : i32
    %dma_wait3A_132 = tpu.memref_slice %arg7[%dma_wait3A_130, %dma_wait3A_131] : memref<80x128xi32, #tpu.memory_space<vmem>> -> memref<1x128xi32, #tpu.memory_space<vmem>>
    %dma_wait3A_133 = tpu.memref_squeeze %dma_wait3A_132 : memref<1x128xi32, #tpu.memory_space<vmem>> -> memref<128xi32, #tpu.memory_space<vmem>>
    %dma_wait3A_134 = arith.constant 0 : i32
    %dma_wait3A_135 = arith.constant 0 : i32
    %dma_wait3A_136 = tpu.memref_slice %arg23[%dma_wait3A_134, %dma_wait3A_135] : memref<10112x80xf32, #tpu.memory_space<vmem_shared>> -> memref<10112x80xf32, #tpu.memory_space<vmem_shared>>
    tpu.wait_indirect_dma semaphore(%arg20 : memref<!tpu.dma_semaphore, #tpu.memory_space<semaphore_mem>>) src(%arg10 : memref<128x80xf32, #tpu.memory_space<vmem>>) dst(%dma_wait3A_136 : memref<10112x80xf32, #tpu.memory_space<vmem_shared>>)
    %dma_wait3A_137 = arith.constant 0 : i32
    %dma_wait3A_138 = arith.constant 0 : i32
    %dma_wait3A_139 = tpu.memref_slice %arg7[%dma_wait3A_137, %dma_wait3A_138] : memref<80x128xi32, #tpu.memory_space<vmem>> -> memref<1x128xi32, #tpu.memory_space<vmem>>
    %dma_wait3A_140 = tpu.memref_squeeze %dma_wait3A_139 : memref<1x128xi32, #tpu.memory_space<vmem>> -> memref<128xi32, #tpu.memory_space<vmem>>
    %dma_wait3A_141 = arith.constant 0 : i32
    %dma_wait3A_142 = arith.constant 0 : i32
    %dma_wait3A_143 = tpu.memref_slice %arg23[%dma_wait3A_141, %dma_wait3A_142] : memref<10112x80xf32, #tpu.memory_space<vmem_shared>> -> memref<10112x80xf32, #tpu.memory_space<vmem_shared>>
    tpu.wait_indirect_dma semaphore(%arg21 : memref<!tpu.dma_semaphore, #tpu.memory_space<semaphore_mem>>) src(%arg11 : memref<128x80xf32, #tpu.memory_space<vmem>>) dst(%dma_wait3A_143 : memref<10112x80xf32, #tpu.memory_space<vmem_shared>>)
    %dma_wait3A_144 = arith.constant 0 : i32
    %dma_wait3A_145 = arith.constant 0 : i32
    %dma_wait3A_146 = tpu.memref_slice %arg7[%dma_wait3A_144, %dma_wait3A_145] : memref<80x128xi32, #tpu.memory_space<vmem>> -> memref<1x128xi32, #tpu.memory_space<vmem>>
    %dma_wait3A_147 = tpu.memref_squeeze %dma_wait3A_146 : memref<1x128xi32, #tpu.memory_space<vmem>> -> memref<128xi32, #tpu.memory_space<vmem>>
    %dma_wait3A_148 = arith.constant 0 : i32
    %dma_wait3A_149 = arith.constant 0 : i32
    %dma_wait3A_150 = tpu.memref_slice %arg23[%dma_wait3A_148, %dma_wait3A_149] : memref<10112x80xf32, #tpu.memory_space<vmem_shared>> -> memref<10112x80xf32, #tpu.memory_space<vmem_shared>>
    tpu.wait_indirect_dma semaphore(%arg22 : memref<!tpu.dma_semaphore, #tpu.memory_space<semaphore_mem>>) src(%arg12 : memref<128x80xf32, #tpu.memory_space<vmem>>) dst(%dma_wait3A_150 : memref<10112x80xf32, #tpu.memory_space<vmem_shared>>)
    %barrier3A_151 = arith.constant 0 : index
    tpu.barrier barrier_id(%barrier3A_151)
    %mul3A_152 = arith.constant 632 : i32
    %mul3A_153 = arith.muli %arg1, %mul3A_152 : i32
    %mul3A_154 = arith.constant 632 : i32
    %mul3A_155 = arith.muli %arg1, %mul3A_154 : i32
    "tpu.region"() ({
      %run_scoped3A_156 = tpu.sem_alloc : memref<!tpu.dma_semaphore, #tpu.memory_space<semaphore_mem>>
      %dma_start3A_157 = arith.constant 0 : i32
      %dma_start3A_158 = tpu.memref_slice %arg5[%arg0, %mul3A_155, %dma_start3A_157] : memref<2x10112x80xf32, #tpu.memory_space<hbm>> -> memref<1x632x80xf32, #tpu.memory_space<hbm>>
      %dma_start3A_159 = tpu.memref_squeeze %dma_start3A_158 : memref<1x632x80xf32, #tpu.memory_space<hbm>> -> memref<632x80xf32, #tpu.memory_space<hbm>>
      %dma_start3A_160 = arith.constant 0 : i32
      %dma_start3A_161 = tpu.memref_slice %arg23[%mul3A_153, %dma_start3A_160] : memref<10112x80xf32, #tpu.memory_space<vmem_shared>> -> memref<632x80xf32, #tpu.memory_space<vmem_shared>>
      tpu.enqueue_dma source(%dma_start3A_161 : memref<632x80xf32, #tpu.memory_space<vmem_shared>>) target(%dma_start3A_159 : memref<632x80xf32, #tpu.memory_space<hbm>>) target_semaphore(%run_scoped3A_156 : memref<!tpu.dma_semaphore, #tpu.memory_space<semaphore_mem>>)
      %dma_wait3A_162 = arith.constant 0 : i32
      %dma_wait3A_163 = tpu.memref_slice %arg5[%arg0, %mul3A_155, %dma_wait3A_162] : memref<2x10112x80xf32, #tpu.memory_space<hbm>> -> memref<1x632x80xf32, #tpu.memory_space<hbm>>
      %dma_wait3A_164 = tpu.memref_squeeze %dma_wait3A_163 : memref<1x632x80xf32, #tpu.memory_space<hbm>> -> memref<632x80xf32, #tpu.memory_space<hbm>>
      %dma_wait3A_165 = arith.constant 0 : i32
      %dma_wait3A_166 = tpu.memref_slice %arg23[%mul3A_153, %dma_wait3A_165] : memref<10112x80xf32, #tpu.memory_space<vmem_shared>> -> memref<632x80xf32, #tpu.memory_space<vmem_shared>>
      tpu.wait_dma2 semaphore(%run_scoped3A_156 : memref<!tpu.dma_semaphore, #tpu.memory_space<semaphore_mem>>) src(%dma_wait3A_166 : memref<632x80xf32, #tpu.memory_space<vmem_shared>>) dst(%dma_wait3A_164 : memref<632x80xf32, #tpu.memory_space<hbm>>)
      tpu.yield
    }) : () -> ()
    return
  }
}

module attributes {stable_mosaic.version = 14 : i64} {
  func.func @body(%arg0: i32, %arg1: memref<1000x128xf32, #tpu.memory_space<vmem>>, %arg2: memref<2x1000x80xf32, #tpu.memory_space<vmem>>, %arg3: memref<2x1000x64xf32, #tpu.memory_space<vmem>>, %arg4: memref<128x128xf32, #tpu.memory_space<vmem>>, %arg5: memref<128x128xf32, #tpu.memory_space<vmem>>, %arg6: memref<16x128xf32, #tpu.memory_space<vmem>>, %arg7: memref<16x128xf32, #tpu.memory_space<vmem>>, %arg8: memref<1x128xf32, #tpu.memory_space<vmem>>, %arg9: memref<1x16xf32, #tpu.memory_space<vmem>>, %arg10: memref<1000x16xf32, #tpu.memory_space<vmem>>, %arg11: memref<1000x16xf32, #tpu.memory_space<vmem>>, %arg12: memref<1000x16xf32, #tpu.memory_space<vmem>>) attributes {dimension_semantics = [#tpu.dimension_semantics<arbitrary>], iteration_bounds = array<i64: 10>, scalar_prefetch = 0 : i64, scratch_operands = 0 : i64, tpu.core_type = #tpu.core_type<tc>, window_params = [{transform_indices = @transform_0, window_bounds = array<i64: 1000, 128>}, {transform_indices = @transform_1, window_bounds = array<i64: 2, 1000, 80>}, {transform_indices = @transform_2, window_bounds = array<i64: 2, 1000, 64>}, {pipeline_mode = #tpu.pipeline_mode<synchronous>, transform_indices = @transform_3, window_bounds = array<i64: 128, 128>}, {pipeline_mode = #tpu.pipeline_mode<synchronous>, transform_indices = @transform_4, window_bounds = array<i64: 128, 128>}, {pipeline_mode = #tpu.pipeline_mode<synchronous>, transform_indices = @transform_5, window_bounds = array<i64: 16, 128>}, {pipeline_mode = #tpu.pipeline_mode<synchronous>, transform_indices = @transform_6, window_bounds = array<i64: 16, 128>}, {pipeline_mode = #tpu.pipeline_mode<synchronous>, transform_indices = @transform_7, window_bounds = array<i64: 1, 128>}, {pipeline_mode = #tpu.pipeline_mode<synchronous>, transform_indices = @transform_8, window_bounds = array<i64: 1, 16>}, {transform_indices = @transform_9, window_bounds = array<i64: 1000, 16>}, {transform_indices = @transform_10, window_bounds = array<i64: 1000, 16>}, {transform_indices = @transform_11, window_bounds = array<i64: 1000, 16>}]} {
    %get3A = arith.constant 0 : index
    %get3A_0 = arith.constant 0 : index
    %get3A_1 = arith.constant 0 : index
    %get3A_2 = vector.load %arg2[%get3A, %get3A_0, %get3A_1] : memref<2x1000x80xf32, #tpu.memory_space<vmem>>, vector<1x1000x80xf32>
    %get3A_3 = vector.shape_cast %get3A_2 : vector<1x1000x80xf32> to vector<1000x80xf32>
    %get3A_4 = arith.constant 1 : index
    %get3A_5 = arith.constant 0 : index
    %get3A_6 = arith.constant 0 : index
    %get3A_7 = vector.load %arg2[%get3A_4, %get3A_5, %get3A_6] : memref<2x1000x80xf32, #tpu.memory_space<vmem>>, vector<1x1000x80xf32>
    %get3A_8 = vector.shape_cast %get3A_7 : vector<1x1000x80xf32> to vector<1000x80xf32>
    %add3A = arith.addf %get3A_3, %get3A_8 : vector<1000x80xf32>
    %get3A_9 = arith.constant 0 : index
    %get3A_10 = arith.constant 0 : index
    %get3A_11 = arith.constant 0 : index
    %get3A_12 = vector.load %arg3[%get3A_9, %get3A_10, %get3A_11] : memref<2x1000x64xf32, #tpu.memory_space<vmem>>, vector<1x1000x64xf32>
    %get3A_13 = vector.shape_cast %get3A_12 : vector<1x1000x64xf32> to vector<1000x64xf32>
    %get3A_14 = arith.constant 1 : index
    %get3A_15 = arith.constant 0 : index
    %get3A_16 = arith.constant 0 : index
    %get3A_17 = vector.load %arg3[%get3A_14, %get3A_15, %get3A_16] : memref<2x1000x64xf32, #tpu.memory_space<vmem>>, vector<1x1000x64xf32>
    %get3A_18 = vector.shape_cast %get3A_17 : vector<1x1000x64xf32> to vector<1000x64xf32>
    %add3A_19 = arith.addf %get3A_13, %get3A_18 : vector<1000x64xf32>
    %slice3A = vector.extract_strided_slice %add3A {offsets = [0, 0], sizes = [1000, 64], strides = [1, 1]} : vector<1000x80xf32> to vector<1000x64xf32>
    %concatenate3A = tpu.concatenate %slice3A, %add3A_19 in 1 : vector<1000x64xf32>, vector<1000x64xf32> -> vector<1000x128xf32>
    %slice3A_20 = vector.extract_strided_slice %add3A {offsets = [0, 64], sizes = [1000, 1], strides = [1, 1]} : vector<1000x80xf32> to vector<1000x1xf32>
    %max3A = arith.constant 1.000000e+00 : f32
    %max3A_21 = vector.broadcast %max3A : f32 to vector<1000x1xf32>
    %max3A_22 = arith.maximumf %slice3A_20, %max3A_21 : vector<1000x1xf32>
    %div3A = arith.constant 1.000000e+00 : f32
    %div3A_23 = vector.broadcast %div3A : f32 to vector<1000x1xf32>
    %div3A_24 = arith.divf %div3A_23, %max3A_22 : vector<1000x1xf32>
    %mul3A = vector.broadcast %div3A_24 : vector<1000x1xf32> to vector<1000x128xf32>
    %mul3A_25 = arith.mulf %concatenate3A, %mul3A : vector<1000x128xf32>
    %get3A_26 = arith.constant 0 : index
    %get3A_27 = arith.constant 0 : index
    %get3A_28 = vector.load %arg4[%get3A_26, %get3A_27] : memref<128x128xf32, #tpu.memory_space<vmem>>, vector<128x128xf32>
    %transpose3A = tpu.transpose %get3A_28, [1, 0] : vector<128x128xf32> -> vector<128x128xf32>
    %dot_general3A = arith.constant dense<0.000000e+00> : vector<1000x128xf32>
    %dot_general3A_29 = tpu.matmul %mul3A_25, %transpose3A, %dot_general3A {dimension_numbers = #tpu.dot_dimension_numbers<[1], [0], [0], [1], [0, 0, 1, 1], [], []>, transpose_lhs_hint = false} : vector<1000x128xf32>, vector<128x128xf32>, vector<1000x128xf32> -> vector<1000x128xf32>
    %get3A_30 = arith.constant 0 : index
    %get3A_31 = arith.constant 0 : index
    %get3A_32 = vector.load %arg1[%get3A_30, %get3A_31] : memref<1000x128xf32, #tpu.memory_space<vmem>>, vector<1000x128xf32>
    %get3A_33 = arith.constant 0 : index
    %get3A_34 = arith.constant 0 : index
    %get3A_35 = vector.load %arg5[%get3A_33, %get3A_34] : memref<128x128xf32, #tpu.memory_space<vmem>>, vector<128x128xf32>
    %transpose3A_36 = tpu.transpose %get3A_35, [1, 0] : vector<128x128xf32> -> vector<128x128xf32>
    %dot_general3A_37 = arith.constant dense<0.000000e+00> : vector<1000x128xf32>
    %dot_general3A_38 = tpu.matmul %get3A_32, %transpose3A_36, %dot_general3A_37 {dimension_numbers = #tpu.dot_dimension_numbers<[1], [0], [0], [1], [0, 0, 1, 1], [], []>, transpose_lhs_hint = false} : vector<1000x128xf32>, vector<128x128xf32>, vector<1000x128xf32> -> vector<1000x128xf32>
    %add3A_39 = arith.addf %dot_general3A_29, %dot_general3A_38 : vector<1000x128xf32>
    %get3A_40 = arith.constant 0 : index
    %get3A_41 = arith.constant 0 : index
    %get3A_42 = vector.load %arg8[%get3A_40, %get3A_41] : memref<1x128xf32, #tpu.memory_space<vmem>>, vector<1x128xf32>
    %add3A_43 = vector.broadcast %get3A_42 : vector<1x128xf32> to vector<1000x128xf32>
    %add3A_44 = arith.addf %add3A_39, %add3A_43 : vector<1000x128xf32>
    %max3A_45 = arith.constant 0.000000e+00 : f32
    %max3A_46 = vector.broadcast %max3A_45 : f32 to vector<1000x128xf32>
    %max3A_47 = arith.maximumf %add3A_44, %max3A_46 : vector<1000x128xf32>
    %get3A_48 = arith.constant 0 : index
    %get3A_49 = arith.constant 0 : index
    %get3A_50 = vector.load %arg6[%get3A_48, %get3A_49] : memref<16x128xf32, #tpu.memory_space<vmem>>, vector<16x128xf32>
    %transpose3A_51 = tpu.transpose %get3A_50, [1, 0] : vector<16x128xf32> -> vector<128x16xf32>
    %dot_general3A_52 = arith.constant dense<0.000000e+00> : vector<1000x16xf32>
    %dot_general3A_53 = tpu.matmul %max3A_47, %transpose3A_51, %dot_general3A_52 {dimension_numbers = #tpu.dot_dimension_numbers<[1], [0], [0], [1], [0, 0, 1, 1], [], []>, transpose_lhs_hint = false} : vector<1000x128xf32>, vector<128x16xf32>, vector<1000x16xf32> -> vector<1000x16xf32>
    %swap3A = arith.constant 0 : index
    %swap3A_54 = arith.constant 0 : index
    %swap3A_55 = vector.load %arg10[%swap3A, %swap3A_54] : memref<1000x16xf32, #tpu.memory_space<vmem>>, vector<1000x16xf32>
    tpu.vector_store %arg10[%swap3A, %swap3A_54], %dot_general3A_53 {strides = array<i32>} : memref<1000x16xf32, #tpu.memory_space<vmem>>, vector<1000x16xf32>,
    %get3A_56 = arith.constant 0 : index
    %get3A_57 = arith.constant 0 : index
    %get3A_58 = vector.load %arg7[%get3A_56, %get3A_57] : memref<16x128xf32, #tpu.memory_space<vmem>>, vector<16x128xf32>
    %transpose3A_59 = tpu.transpose %get3A_58, [1, 0] : vector<16x128xf32> -> vector<128x16xf32>
    %dot_general3A_60 = arith.constant dense<0.000000e+00> : vector<1000x16xf32>
    %dot_general3A_61 = tpu.matmul %max3A_47, %transpose3A_59, %dot_general3A_60 {dimension_numbers = #tpu.dot_dimension_numbers<[1], [0], [0], [1], [0, 0, 1, 1], [], []>, transpose_lhs_hint = false} : vector<1000x128xf32>, vector<128x16xf32>, vector<1000x16xf32> -> vector<1000x16xf32>
    %get3A_62 = arith.constant 0 : index
    %get3A_63 = arith.constant 0 : index
    %get3A_64 = vector.load %arg9[%get3A_62, %get3A_63] : memref<1x16xf32, #tpu.memory_space<vmem>>, vector<1x16xf32>
    %add3A_65 = vector.broadcast %get3A_64 : vector<1x16xf32> to vector<1000x16xf32>
    %add3A_66 = arith.addf %dot_general3A_61, %add3A_65 : vector<1000x16xf32>
    %swap3A_67 = arith.constant 0 : index
    %swap3A_68 = arith.constant 0 : index
    %swap3A_69 = vector.load %arg11[%swap3A_67, %swap3A_68] : memref<1000x16xf32, #tpu.memory_space<vmem>>, vector<1000x16xf32>
    tpu.vector_store %arg11[%swap3A_67, %swap3A_68], %add3A_66 {strides = array<i32>} : memref<1000x16xf32, #tpu.memory_space<vmem>>, vector<1000x16xf32>,
    %broadcast_in_dim3A = vector.shape_cast %div3A_24 : vector<1000x1xf32> to vector<1000x1xf32>
    %broadcast_in_dim3A_70 = vector.broadcast %broadcast_in_dim3A : vector<1000x1xf32> to vector<1000x16xf32>
    %swap3A_71 = arith.constant 0 : index
    %swap3A_72 = arith.constant 0 : index
    %swap3A_73 = vector.load %arg12[%swap3A_71, %swap3A_72] : memref<1000x16xf32, #tpu.memory_space<vmem>>, vector<1000x16xf32>
    tpu.vector_store %arg12[%swap3A_71, %swap3A_72], %broadcast_in_dim3A_70 {strides = array<i32>} : memref<1000x16xf32, #tpu.memory_space<vmem>>, vector<1000x16xf32>,
    return
  }
  func.func @transform_0(%arg0: i32) -> (i32, i32) {
    %c0_i32 = arith.constant 0 : i32
    %c0_i32_0 = arith.constant 0 : i32
    return %arg0, %c0_i32 : i32, i32
  }
  func.func @transform_1(%arg0: i32) -> (i32, i32, i32) {
    %c0_i32 = arith.constant 0 : i32
    %c0_i32_0 = arith.constant 0 : i32
    %c0_i32_1 = arith.constant 0 : i32
    return %c0_i32, %arg0, %c0_i32_0 : i32, i32, i32
  }
  func.func @transform_2(%arg0: i32) -> (i32, i32, i32) {
    %c0_i32 = arith.constant 0 : i32
    %c0_i32_0 = arith.constant 0 : i32
    %c0_i32_1 = arith.constant 0 : i32
    return %c0_i32, %arg0, %c0_i32_0 : i32, i32, i32
  }
  func.func @transform_3(%arg0: i32) -> (i32, i32) {
    %c0_i32 = arith.constant 0 : i32
    %c0_i32_0 = arith.constant 0 : i32
    %c0_i32_1 = arith.constant 0 : i32
    return %c0_i32, %c0_i32_0 : i32, i32
  }
  func.func @transform_4(%arg0: i32) -> (i32, i32) {
    %c0_i32 = arith.constant 0 : i32
    %c0_i32_0 = arith.constant 0 : i32
    %c0_i32_1 = arith.constant 0 : i32
    return %c0_i32, %c0_i32_0 : i32, i32
  }
  func.func @transform_5(%arg0: i32) -> (i32, i32) {
    %c0_i32 = arith.constant 0 : i32
    %c0_i32_0 = arith.constant 0 : i32
    %c0_i32_1 = arith.constant 0 : i32
    return %c0_i32, %c0_i32_0 : i32, i32
  }
  func.func @transform_6(%arg0: i32) -> (i32, i32) {
    %c0_i32 = arith.constant 0 : i32
    %c0_i32_0 = arith.constant 0 : i32
    %c0_i32_1 = arith.constant 0 : i32
    return %c0_i32, %c0_i32_0 : i32, i32
  }
  func.func @transform_7(%arg0: i32) -> (i32, i32) {
    %c0_i32 = arith.constant 0 : i32
    %c0_i32_0 = arith.constant 0 : i32
    %c0_i32_1 = arith.constant 0 : i32
    return %c0_i32, %c0_i32_0 : i32, i32
  }
  func.func @transform_8(%arg0: i32) -> (i32, i32) {
    %c0_i32 = arith.constant 0 : i32
    %c0_i32_0 = arith.constant 0 : i32
    %c0_i32_1 = arith.constant 0 : i32
    return %c0_i32, %c0_i32_0 : i32, i32
  }
  func.func @transform_9(%arg0: i32) -> (i32, i32) {
    %c0_i32 = arith.constant 0 : i32
    %c0_i32_0 = arith.constant 0 : i32
    return %arg0, %c0_i32 : i32, i32
  }
  func.func @transform_10(%arg0: i32) -> (i32, i32) {
    %c0_i32 = arith.constant 0 : i32
    %c0_i32_0 = arith.constant 0 : i32
    return %arg0, %c0_i32 : i32, i32
  }
  func.func @transform_11(%arg0: i32) -> (i32, i32) {
    %c0_i32 = arith.constant 0 : i32
    %c0_i32_0 = arith.constant 0 : i32
    return %arg0, %c0_i32 : i32, i32
  }
}

module attributes {stable_mosaic.version = 14 : i64} {
  func.func @body(%arg0: i32, %arg1: memref<2x10000x16xf32, #tpu.memory_space<vmem>>, %arg2: memref<10000x16xf32, #tpu.memory_space<vmem>>, %arg3: memref<10000x16xf32, #tpu.memory_space<vmem>>, %arg4: memref<10000x2xf32, #tpu.memory_space<vmem>>) attributes {dimension_semantics = [#tpu.dimension_semantics<arbitrary>], iteration_bounds = array<i64: 1>, scalar_prefetch = 0 : i64, scratch_operands = 0 : i64, tpu.core_type = #tpu.core_type<tc>, window_params = [{transform_indices = @transform_0, window_bounds = array<i64: 2, 10000, 16>}, {pipeline_mode = #tpu.pipeline_mode<synchronous>, transform_indices = @transform_1, window_bounds = array<i64: 10000, 16>}, {pipeline_mode = #tpu.pipeline_mode<synchronous>, transform_indices = @transform_2, window_bounds = array<i64: 10000, 16>}, {pipeline_mode = #tpu.pipeline_mode<synchronous>, transform_indices = @transform_3, window_bounds = array<i64: 10000, 2>}]} {
    %get3A = arith.constant 0 : index
    %get3A_0 = arith.constant 0 : index
    %get3A_1 = arith.constant 0 : index
    %get3A_2 = vector.load %arg1[%get3A, %get3A_0, %get3A_1] : memref<2x10000x16xf32, #tpu.memory_space<vmem>>, vector<1x10000x16xf32>
    %get3A_3 = vector.shape_cast %get3A_2 : vector<1x10000x16xf32> to vector<10000x16xf32>
    %get3A_4 = arith.constant 1 : index
    %get3A_5 = arith.constant 0 : index
    %get3A_6 = arith.constant 0 : index
    %get3A_7 = vector.load %arg1[%get3A_4, %get3A_5, %get3A_6] : memref<2x10000x16xf32, #tpu.memory_space<vmem>>, vector<1x10000x16xf32>
    %get3A_8 = vector.shape_cast %get3A_7 : vector<1x10000x16xf32> to vector<10000x16xf32>
    %add3A = arith.addf %get3A_3, %get3A_8 : vector<10000x16xf32>
    %get3A_9 = arith.constant 0 : index
    %get3A_10 = arith.constant 0 : index
    %get3A_11 = vector.load %arg2[%get3A_9, %get3A_10] : memref<10000x16xf32, #tpu.memory_space<vmem>>, vector<10000x16xf32>
    %mul3A = arith.mulf %add3A, %get3A_11 : vector<10000x16xf32>
    %get3A_12 = arith.constant 0 : index
    %get3A_13 = arith.constant 0 : index
    %get3A_14 = vector.load %arg3[%get3A_12, %get3A_13] : memref<10000x16xf32, #tpu.memory_space<vmem>>, vector<10000x16xf32>
    %add3A_15 = arith.addf %mul3A, %get3A_14 : vector<10000x16xf32>
    %slice3A = vector.extract_strided_slice %add3A_15 {offsets = [0, 0], sizes = [10000, 2], strides = [1, 1]} : vector<10000x16xf32> to vector<10000x2xf32>
    %swap3A = arith.constant 0 : index
    %swap3A_16 = arith.constant 0 : index
    %swap3A_17 = vector.load %arg4[%swap3A, %swap3A_16] : memref<10000x2xf32, #tpu.memory_space<vmem>>, vector<10000x2xf32>
    tpu.vector_store %arg4[%swap3A, %swap3A_16], %slice3A {strides = array<i32>} : memref<10000x2xf32, #tpu.memory_space<vmem>>, vector<10000x2xf32>,
    return
  }
  func.func @transform_0(%arg0: i32) -> (i32, i32, i32) {
    %c0_i32 = arith.constant 0 : i32
    %c0_i32_0 = arith.constant 0 : i32
    %c0_i32_1 = arith.constant 0 : i32
    %c0_i32_2 = arith.constant 0 : i32
    return %c0_i32, %c0_i32_0, %c0_i32_1 : i32, i32, i32
  }
  func.func @transform_1(%arg0: i32) -> (i32, i32) {
    %c0_i32 = arith.constant 0 : i32
    %c0_i32_0 = arith.constant 0 : i32
    %c0_i32_1 = arith.constant 0 : i32
    return %c0_i32, %c0_i32_0 : i32, i32
  }
  func.func @transform_2(%arg0: i32) -> (i32, i32) {
    %c0_i32 = arith.constant 0 : i32
    %c0_i32_0 = arith.constant 0 : i32
    %c0_i32_1 = arith.constant 0 : i32
    return %c0_i32, %c0_i32_0 : i32, i32
  }
  func.func @transform_3(%arg0: i32) -> (i32, i32) {
    %c0_i32 = arith.constant 0 : i32
    %c0_i32_0 = arith.constant 0 : i32
    %c0_i32_1 = arith.constant 0 : i32
    return %c0_i32, %c0_i32_0 : i32, i32
  }
}

</mosaic_0001>

<sc_bundles>
// kernel: sage_seg_sum_l1a.3.cloned.1.call-start
scs
__scs_entry_jumppad:
0x0: {  	(pc) =	sbr.rel $0x88, $3  }
0x1: {  	(tag) =	ssettag $0x0;
	lr =	simm.s32 $0x1  }
0x2: {  	[smem:$0x3F99] =	sst lr;
	_ =	strace $0xD0000000  }
0x3: {  	_ = 	snop  }
0x4: {  	_ = 	snop  }
0x5: {  	_ = 	snop  }
0x6: {  	_ = 	snop  }
0x7: {  	_ = 	snop  }
__scs_overlays_trampoline_lowered:
0x8: {  	[smem:$0x3FA8] =	sst s0  }
0x9: {  	[smem:$0x3FA9] =	sst s1  }
0xa: {  	[smem:$0x3FAA] =	sst s2  }
0xb: {  	[smem:$0x3FAB] =	sst s3  }
0xc: {  	[smem:$0x3FAC] =	sst s4  }
0xd: {  	[smem:$0x3FAD] =	sst s5  }
0xe: {  	[smem:$0x3FAE] =	sst s6  }
0xf: {  	[smem:$0x3FAF] =	sst s7  }
0x10: {  	[smem:$0x3FB0] =	sst s8  }
0x11: {  	[smem:$0x3FB1] =	sst s9;
	s0 =	simm.s32 @!p0 $0x0  }
0x12: {  	s1 =	sld [smem:$0x3F97];
	s0 =	simm.s32 @p0 $0x1  }
0x13: {  	[smem:$0x3FB2] =	sst s0;
	s0 =	simm.s32 @!p1 $0x0  }
0x14: {  	s2 =	sld [smem:$0x3F96];
	s0 =	simm.s32 @p1 $0x1  }
0x15: {  	[smem:$0x3FB3] =	sst s0;
	s0 =	simm.s32 @!p2 $0x0  }
0x16: {  	s3 =	sld [smem:$0x3FDB];
	s0 =	simm.s32 @p2 $0x1  }
0x17: {  	s4 =	simm.s32 $0x1BF5;
	[smem:$0x3FB5] =	sst s0  }
0x18: {  	s0 =	sld [smem:$0x3F98];
	_ =	swait.ge [sflag:s4], $0x0  }
0x19: {  	s7 =	sld [smem:$0x3F99]  }
0x1a: {  	s8 =	sadd.s32 $0xFFFFE003, lr  }
0x1b: {  	s9 =	sadd.s32 $0xFFFFFEF7, lr;
	s5 =	simm.s32 $0xFFFFFFFF;
	p2 =	slt.u32 s8, $0xFFFFF086  }
0x1c: {  	p1 =	slt.u32 s9, $0xF7A;
	s5 =	simm.s32 @!p2 $0x0  }
0x1d: {  	s5 =	simm.s32 @p1 $0x1;
	p0 =	seq.s32 s7, s2  }
0x1e: {  	s7 =	smul.u32 @!p0 $0xF7A, s2;
	p2 =	seq.s32 @!p0 s5, $0x0  }
0x1f: {  	s9 =	smul.u32 $0xF7A, s1;
	s8 =	simm.s32 @!p0 $0x1BF5;
	p2 =	por !p2, p0  }
0x20: {  	[sflag:s8] =	ssyncset.s32 @!p0 $0xFFFFF086;
	s6 =	sadd.s32 @!p0 s3, s7;
	s7 =	simm.s32 @!p0 $0x108  }
0x21: {  	s3 =	sadd.s32 s3, s9;
	s6 =	sadd.s32 @!p0 $0x88, s6;
	s7 =	simm.s32 @p2 $0x1082  }
0x22: {  	[simem:s7], [sflag:s8] =	dma.local @!p0 [hbm:s6], $0xF7A  }
0x23: {  	s9 =	sor.u32 $0xD0000000, s2;
	s6 =	simm.s32 $0x108;
	_ =	swait.ge @!p0 [sflag:s8], $0x0  }
0x24: {  	s3 =	sadd.s32 $0x88, s3;
	s6 =	simm.s32 @!p1 $0x1082;
	[sflag:s4] =	ssyncset.s32 $0xFFFFF086  }
0x25: {  	[simem:s6], [sflag:s4] =	dma.local [hbm:s3], $0xF7A  }
0x26: {  	[smem:$0x3F99] =	sst s1;
	(tag) =	ssettag s2;
	_ =	strace s9  }
0x27: {  	s1 =	sld [smem:$0x3FA9]  }
0x28: {  	s2 =	sld [smem:$0x3FAA]  }
0x29: {  	s4 =	sld [smem:$0x3FAC]  }
0x2a: {  	p0 =	seq.s32 s5, $0x0;
	s5 =	sld [smem:$0x3FAD]  }
0x2b: {  	s6 =	sld [smem:$0x3FAE]  }
0x2c: {  	s7 =	sld [smem:$0x3FAF]  }
0x2d: {  	s3 =	simm.s32 $0x108;
	s8 =	sld [smem:$0x3FB0]  }
0x2e: {  	s3 =	simm.s32 @!p0 $0x1082;
	s9 =	sld [smem:$0x3FB1]  }
0x2f: {  	lr =	sadd.s32 s0, s3;
	s0 =	sld [smem:$0x3FA8]  }
0x30: {  	s3 =	sld [smem:$0x3FAB]  }
0x31: {  	[smem:$0x3FB4] =	sst s10  }
0x32: {  	s10 =	sld [smem:$0x3FB2];
	_ =	sdelay $0x3  }
0x33: {  	p0 =	seq.s32 s10, $0x1;
	s10 =	sld [smem:$0x3FB4];
	_ =	sdelay $0x3  }
0x34: {  	[smem:$0x3FB4] =	sst s10  }
0x35: {  	s10 =	sld [smem:$0x3FB3];
	_ =	sdelay $0x3  }
0x36: {  	p1 =	seq.s32 s10, $0x1;
	s10 =	sld [smem:$0x3FB4];
	_ =	sdelay $0x3  }
0x37: {  	[smem:$0x3FB4] =	sst s10  }
0x38: {  	s10 =	sld [smem:$0x3FB5]  }
0x39: {  	_ = 	snop;
	(pc) =	sbr.ind lr, $3  }
0x3a: {  	_ = 	snop  }
0x3b: {  	_ = 	snop  }
0x3c: {  	p2 =	seq.s32 s10, $0x1;
	s10 =	sld [smem:$0x3FB4]  }
0x3d: {  	_ =	shalt  }
0x3e: {  	_ =	shalt  }
0x3f: {  	_ =	shalt  }
0x40: {  	_ =	shalt  }
0x41: {  	_ =	shalt  }
0x42: {  	_ =	shalt  }
0x43: {  	_ =	shalt  }
0x44: {  	_ =	shalt  }
0x45: {  	_ =	shalt  }
0x46: {  	_ =	shalt  }
0x47: {  	_ =	shalt  }
0x48: {  	_ =	shalt  }
0x49: {  	_ =	shalt  }
0x4a: {  	_ =	shalt  }
0x4b: {  	_ =	shalt  }
0x4c: {  	_ =	shalt  }
0x4d: {  	_ =	shalt  }
0x4e: {  	_ =	shalt  }
0x4f: {  	_ =	shalt  }
0x50: {  	_ =	shalt  }
0x51: {  	_ =	shalt  }
0x52: {  	_ =	shalt  }
0x53: {  	_ =	shalt  }
0x54: {  	_ =	shalt  }
0x55: {  	_ =	shalt  }
0x56: {  	_ =	shalt  }
0x57: {  	_ =	shalt  }
0x58: {  	_ =	shalt  }
0x59: {  	_ =	shalt  }
0x5a: {  	_ =	shalt  }
0x5b: {  	_ =	shalt  }
0x5c: {  	_ =	shalt  }
0x5d: {  	_ =	shalt  }
0x5e: {  	_ =	shalt  }
0x5f: {  	_ =	shalt  }
0x60: {  	_ =	shalt  }
0x61: {  	_ =	shalt  }
0x62: {  	_ =	shalt  }
0x63: {  	_ =	shalt  }
0x64: {  	_ =	shalt  }
0x65: {  	_ =	shalt  }
0x66: {  	_ =	shalt  }
0x67: {  	_ =	shalt  }
0x68: {  	_ =	shalt  }
0x69: {  	_ =	shalt  }
0x6a: {  	_ =	shalt  }
0x6b: {  	_ =	shalt  }
0x6c: {  	_ =	shalt  }
0x6d: {  	_ =	shalt  }
0x6e: {  	_ =	shalt  }
0x6f: {  	_ =	shalt  }
0x70: {  	_ =	shalt  }
0x71: {  	_ =	shalt  }
0x72: {  	_ =	shalt  }
0x73: {  	_ =	shalt  }
0x74: {  	_ =	shalt  }
0x75: {  	_ =	shalt  }
0x76: {  	_ =	shalt  }
0x77: {  	_ =	shalt  }
0x78: {  	_ =	shalt  }
0x79: {  	_ =	shalt  }
0x7a: {  	_ =	shalt  }
0x7b: {  	_ =	shalt  }
0x7c: {  	_ =	shalt  }
0x7d: {  	_ =	shalt  }
0x7e: {  	_ =	shalt  }
0x7f: {  	_ =	shalt  }
0x80: {  	_ =	shalt  }
0x81: {  	_ =	shalt  }
0x82: {  	_ =	shalt  }
0x83: {  	_ =	shalt  }
0x84: {  	_ =	shalt  }
0x85: {  	_ =	shalt  }
0x86: {  	_ =	shalt  }
0x87: {  	_ =	shalt  }
.Lfunc_end0:
.L_simem_size_0:
called_computation_lowered:
.L_overlay_start_0:
0x88: {  	s2 =	sld [smem:$0x3FD9]  }
0x89: {  	s3 =	sld [smem:$0x3FFE];
	_ =	sdelay $0x1  }
0x8a: {  	s1 =	srdreg.scid  }
0x8b: {  	s0 =	sand.u32 $0x1, s1  }
0x8c: {  	s16 =	sshll.u32 s0, $0xA;
	s2 =	sadd.s32 s3, s2  }
0x8d: {  	s2 =	sadd.s32 s2, s16  }
0x8e: {  	[smem:$0x3FC0] =	sst s2  }
0x8f: {  	_ = 	snop  }
0x90: {  	(tm) =	ssettm $0x1  }
0x91: {  	s17 =	sld [smem:$0x3FFB];
	_ =	sdelay $0x3  }
0x92: {  	_ =	strace s17  }
0x93: {  	s2 =	sld [smem:$0x3FFC];
	_ =	sdelay $0x3  }
0x94: {  	_ =	strace s2  }
0x95: {  	s2 =	sld [smem:$0x3FFD];
	_ =	sdelay $0x3  }
0x96: {  	_ =	strace s2  }
0x97: {  	_ =	strace $0x8FFFFFFF  }
0x98: {  	s18 =	sld [smem:$0x3FDB];
	_ =	sdelay $0x1  }
0x99: {  	s19 =	simm.s32 $_scs_section_size  }
0x9a: {  	s4 =	simm.s32 $_size__tile_overlayer_lowered;
	s5 =	simm.s32 $_tile_overlayer_lowered  }
0x9b: {  	s22 =	simm.s32 $0x1BFF;
	s21 =	sshll.u32 s5, $0x1;
	s2 =	sadd.s32 s19, s18  }
0x9c: {  	s6 =	simm.s32 $0x0;
	s20 =	sshll.u32 s4, $0x1;
	s4 =	sadd.s32 s21, s2  }
0x9d: {  	[timem:s6], [sflag:s22] =	dma.local [hbm:s4], s20  }
0x9e: {  	_ =	swait.ge [sflag:s22], s20  }
0x9f: {  	s3 =	ssub.s32 $0x0, s20;
	[sflag:s22] =	ssyncset.done $0x0  }
0xa0: {  	[sflag:s22] =	ssyncadd.s32 s3;
	_ =	sdelay $0x1  }
0xa1: {  	s23 =	simm.s32 $0x1B8B  }
0xa2: {  	_ =	swait.ge [sflag:s23], $0x1  }
0xa3: {  	[sflag:s23] =	ssyncset.done $0x0  }
0xa4: {  	s25 =	simm.s32 $0x1B8E;
	s24 =	sld [smem:$0x3FFE];
	[sflag:s23] =	ssyncadd.s32 $0xFFFFFFFF  }
0xa5: {  	s26 =	simm.s32 $execute0_lowered;
	[smem:$0x3FD2] =	sst s25  }
0xa6: {  	s4 =	sshll.u32 s26, $0x1;
	_ =	strace $0x80000046;
	[dreg:$0x1] =	wrdreg $0xFFFFFFFF  }
0xa7: {  	s28 =	simm.s32 $_size_execute0_lowered;
	s2 =	sadd.s32 s2, s4;
	[dreg:$0x0] =	wrdreg $0x0  }
0xa8: {  	s4 =	sshll.u32 s28, $0x1;
	[dreg:$0x2] =	wrdreg s2  }
0xa9: {  	[dreg:$0x3] =	wrdreg s4  }
0xaa: {  	[dreg:$0x4] =	wrdreg $0xC0  }
0xab: {  	_ =	task [dreg:s6], $0x5FFFF  }
0xac: {  	[dreg:$0x1] =	wrdreg $0xFFFFFFFF  }
0xad: {  	[dreg:$0x0] =	wrdreg $0x60  }
0xae: {  	[dreg:$0x2] =	wrdreg s24  }
0xaf: {  	[dreg:$0x3] =	wrdreg $0x118000  }
0xb0: {  	[dreg:$0x4] =	wrdreg $0x9  }
0xb1: {  	_ =	task.clear_ibuf [dreg:s6], $0x5FFFF;
	_ =	strace $0x90000046  }
0xb2: {  	s29 =	simm.s32 $0x9;
	_ =	strace $0x80000048  }
0xb3: {  	_ =	swait.ge [sflag:s29], $0x1  }
0xb4: {  	[sflag:s29] =	ssyncadd.s32 $0xFFFFFFFF  }
0xb5: {  	_ =	strace $0x90000048  }
0xb6: {  	_ =	sfence  }
0xb7: {  	s30 =	sld [smem:$0x0];
	_ =	sdelay $0x2  }
0xb8: {  	s31 =	sshll.u32 s1, $0xD;
	s1 =	sshrl.u32 s1, $0x2  }
0xb9: {  	s3 =	sand.u32 $0x4000, s31;
	s1 =	sadd.s32 s1, s30  }
0xba: {  	s0 =	sor.u32 s3, s0;
	s1 =	sshll.u32 s1, $0x11  }
0xbb: {  	s0 =	sor.u32 s1, s0  }
0xbc: {  	s0 =	sadd.s32 $0x8F2B, s0  }
0xbd: {  	[sflag:s0] =	ssyncadd.remote.s32 $0x1  }
0xbe: {  	_ =	sfence.sel $0xFFFF  }
0xbf: {  	[dreg:$0x0] =	wrdreg $0xFFFFFFFF;
	(pc) =	sbr.abs _section_cstart, $3  }
0xc0: {  	[dreg:$0x1] =	wrdreg $0xFFFFFFFF  }
0xc1: {  	_ =	task.clear_ibuf [dreg:s6], $0x2FFFF;
	_ =	strace $0x9FFFFFFF  }
0xc2: {  	(tm) =	ssettm $0x7FFFFFFF  }
0xc3: {  	_ =	shalt  }
tec
execute0_lowered:
.L_overlay_start_1:
0x0: {  	(tag) =	ssettag $0x1  }
0x1: {  	s0 =	srdreg.scid;
	s6 =	rddreg [dreg:$0x0]  }
0x2: {  	s10 =	stileid.u32;
	s2 =	rddreg [dreg:$0x1]  }
0x3: {  	s3 =	simm.s32 $0x0;
	s12 =	simm.s32 $0xB;
	s14 =	simm.s32 $0x80  }
0x4: {  	s15 =	simm.s32 $0x5000;
	s16 =	simm.s32 $0x7800;
	s18 =	simm.s32 $0xA000  }
0x5: {  	s20 =	simm.s32 $0xC800;
	s22 =	simm.s32 $0xF000;
	s23 =	simm.s32 $0x1  }
0x6: {  	s24 =	simm.s32 $0x2;
	s28 =	simm.s32 $0x5;
	s29 =	simm.s32 $0x6  }
0x7: {  	s30 =	simm.s32 $0x7;
	s31 =	simm.s32 $0x8;
	s17 =	simm.s32 $0x0  }
0x8: {  	s0 =	sand.u32 $0x1, s0;
	s1 =	sshll.u32 s10, $0x1;
	s7 =	smul.u32 $0xC580, s10  }
0x9: {  	[smem:$0x7FF] =	sst s3;
	s4 =	sadd.s32 $0x16000, s6;
	s26 =	sshll.u32 s10, $0x6  }
0xa: {  	s1 =	sor.u32 s0, s1;
	s5 =	smul.u32 $0xC5800, s0;
	s0 =	ssub.s32 $0x2, s0  }
0xb: {  	_ =	strace $0x80000047;
	s1 =	smul.u32 $0x2800, s1;
	s25 =	sshrl.u32 s0, $0x1  }
0xc: {  	s11 =	sadd.s32 s7, s2;
	s5 =	sadd.s32 s7, s5;
	s0 =	ssub.s32 s0, s25  }
0xd: {  	s11 =	sshrl.u32 s11, $0x3;
	s25 =	simm.s32 $0x3;
	s1 =	sshrl.u32 s1, $0x3  }
0xe: {  	s8 =	sshrl.u32 s5, $0x3;
	s5 =	sadd.s32 $0x2E800, s6;
	s10 =	smax.u32 s0, $0x1  }
0xf: {  	s0 =	simm.s32 $0xA;
	s1 =	sadd.s32 s1, s6;
	s9 =	sadd.s32 s8, s6  }
0x10: {  	s6 =	sor.u32 $0x1C0B, s26;
	s26 =	simm.s32 $0x4;
	s7 =	sadd.s32 $0x2000, s1  }
0x11: {  	s8 =	sadd.s32 $0xC000, s1;
	s9 =	sadd.s32 $0x30200, s9;
	s1 =	simm.s32 $0x9  }
.LBB2_1:
0x12: {  	[spmem:s11], [sflag:s6] =	dma.local [hbm:s5], $0x18B0  }
0x13: {  	_ =	swait.ge [sflag:s12], $0x18B0  }
0x14: {  	[sflag:s12] =	ssyncset.done $0x0  }
0x15: {  	[sflag:s12] =	ssyncadd.s32 $0xFFFFE750  }
0x16: {  	[tilespmem:s3], [sflag:$0xB] =	stream.linear.gather [hbm4b:s7+s3], $0x2800, $0x38;
	[tilespmem:$0x1DD80] =	vst v63  }
0x17: {  	_ =	swait.ge [sflag:s12], $0x2800  }
0x18: {  	[sflag:s12] =	ssyncset.done $0x0  }
0x19: {  	s13 =	simm.s32 $0x2800;
	[sflag:s12] =	ssyncadd.s32 $0xFFFFD800  }
0x1a: {  	[tilespmem:s13], [sflag:$0xB] =	stream.linear.gather [hbm4b:s8+s3], $0x2800, $0x38;
	[tilespmem:$0x1DD80] =	vst v63  }
0x1b: {  	_ =	swait.ge [sflag:s12], $0x2800  }
0x1c: {  	[sflag:s12] =	ssyncset.done $0x0  }
0x1d: {  	[sflag:s12] =	ssyncadd.s32 $0xFFFFD800  }
0x1e: {  	[bflag:$0x0] =	sbarrier.arrive $0xFFFF  }
0x1f: {  	[tilespmem:s15], [sflag:$0x1] =	stream.indirect.gather [hbm4b:s4+s14], $0x50, s3, s14, $0xb8;
	[tilespmem:$0x1DD80] =	vst v63  }
0x20: {  	_ = 	snop  }
0x21: {  	[tilespmem:s16], [sflag:$0x2] =	stream.indirect.gather [hbm4b:s4+s14], $0x50, s14, s14, $0xb8;
	[tilespmem:$0x1DD80] =	vst v63  }
0x22: {  	s21 =	simm.s32 $0x100  }
0x23: {  	[tilespmem:s18], [sflag:$0x3] =	stream.indirect.gather [hbm4b:s4+s14], $0x50, s21, s14, $0xb8;
	[tilespmem:$0x1DD80] =	vst v63  }
0x24: {  	s19 =	simm.s32 $0x180  }
0x25: {  	[tilespmem:s20], [sflag:$0x4] =	stream.indirect.gather [hbm4b:s4+s14], $0x50, s19, s14, $0xb8;
	[tilespmem:$0x1DD80] =	vst v63  }
0x26: {  	s21 =	simm.s32 $0x200  }
0x27: {  	[tilespmem:s22], [sflag:$0x5] =	stream.indirect.gather [hbm4b:s4+s14], $0x50, s21, s14, $0xb8;
	[tilespmem:$0x1DD80] =	vst v63  }
0x28: {  	_ =	swait.ge [sflag:s23], $0x2800  }
0x29: {  	[sflag:s23] =	ssyncset.done $0x0  }
0x2a: {  	s19 =	simm.s32 $0x2800;
	[sflag:s23] =	ssyncadd.s32 $0xFFFFD800  }
0x2b: {  	[spmem:s2] =	stream.indirect.scatter.add.f32 [tilespmem:s15], [sflag:$0x6], $0x50, s19, s14, $0xb8;
	[tilespmem:$0x1DD80] =	vst v63  }
0x2c: {  	_ =	swait.ge [sflag:s24], $0x2800  }
0x2d: {  	[sflag:s24] =	ssyncset.done $0x0  }
0x2e: {  	s13 =	simm.s32 $0x2880;
	[sflag:s24] =	ssyncadd.s32 $0xFFFFD800  }
0x2f: {  	[spmem:s2] =	stream.indirect.scatter.add.f32 [tilespmem:s16], [sflag:$0x7], $0x50, s13, s14, $0xb8;
	[tilespmem:$0x1DD80] =	vst v63  }
0x30: {  	_ =	swait.ge [sflag:s25], $0x2800  }
0x31: {  	[sflag:s25] =	ssyncset.done $0x0  }
0x32: {  	s21 =	simm.s32 $0x2900;
	[sflag:s25] =	ssyncadd.s32 $0xFFFFD800  }
0x33: {  	[spmem:s2] =	stream.indirect.scatter.add.f32 [tilespmem:s18], [sflag:$0x8], $0x50, s21, s14, $0xb8;
	[tilespmem:$0x1DD80] =	vst v63  }
0x34: {  	_ =	swait.ge [sflag:s26], $0x2800  }
0x35: {  	[sflag:s26] =	ssyncset.done $0x0  }
0x36: {  	s13 =	simm.s32 $0x2980;
	[sflag:s26] =	ssyncadd.s32 $0xFFFFD800  }
0x37: {  	[spmem:s2] =	stream.indirect.scatter.add.f32 [tilespmem:s20], [sflag:$0x9], $0x50, s13, s14, $0xb8;
	[tilespmem:$0x1DD80] =	vst v63  }
0x38: {  	_ =	swait.ge [sflag:s28], $0x2800  }
0x39: {  	[sflag:s28] =	ssyncset.done $0x0  }
0x3a: {  	s21 =	simm.s32 $0x2A00;
	[sflag:s28] =	ssyncadd.s32 $0xFFFFD800  }
0x3b: {  	[spmem:s2] =	stream.indirect.scatter.add.f32 [tilespmem:s22], [sflag:$0xA], $0x50, s21, s14, $0xb8;
	[tilespmem:$0x1DD80] =	vst v63  }
0x3c: {  	_ =	swait.ge [sflag:s29], $0x2800  }
0x3d: {  	[sflag:s29] =	ssyncset.done $0x0  }
0x3e: {  	s13 =	simm.s32 $0x280;
	[sflag:s29] =	ssyncadd.s32 $0xFFFFD800  }
0x3f: {  	[tilespmem:s15], [sflag:$0x1] =	stream.indirect.gather [hbm4b:s4+s14], $0x50, s13, s14, $0xb8;
	[tilespmem:$0x1DD80] =	vst v63  }
0x40: {  	_ =	swait.ge [sflag:s30], $0x2800  }
0x41: {  	[sflag:s30] =	ssyncset.done $0x0  }
0x42: {  	s21 =	simm.s32 $0x300;
	[sflag:s30] =	ssyncadd.s32 $0xFFFFD800  }
0x43: {  	[tilespmem:s16], [sflag:$0x2] =	stream.indirect.gather [hbm4b:s4+s14], $0x50, s21, s14, $0xb8;
	[tilespmem:$0x1DD80] =	vst v63  }
0x44: {  	_ =	swait.ge [sflag:s31], $0x2800  }
0x45: {  	[sflag:s31] =	ssyncset.done $0x0  }
0x46: {  	s13 =	simm.s32 $0x380;
	[sflag:s31] =	ssyncadd.s32 $0xFFFFD800  }
0x47: {  	[tilespmem:s18], [sflag:$0x3] =	stream.indirect.gather [hbm4b:s4+s14], $0x50, s13, s14, $0xb8;
	[tilespmem:$0x1DD80] =	vst v63  }
0x48: {  	_ =	swait.ge [sflag:s1], $0x2800  }
0x49: {  	[sflag:s1] =	ssyncset.done $0x0  }
0x4a: {  	s21 =	simm.s32 $0x400;
	[sflag:s1] =	ssyncadd.s32 $0xFFFFD800  }
0x4b: {  	[tilespmem:s20], [sflag:$0x4] =	stream.indirect.gather [hbm4b:s4+s14], $0x50, s21, s14, $0xb8;
	[tilespmem:$0x1DD80] =	vst v63  }
0x4c: {  	_ =	swait.ge [sflag:s0], $0x2800  }
0x4d: {  	[sflag:s0] =	ssyncset.done $0x0  }
0x4e: {  	s19 =	simm.s32 $0xA00;
	s21 =	simm.s32 $0x480;
	[sflag:s0] =	ssyncadd.s32 $0xFFFFD800  }
.LBB2_2:
0x4f: {  	[tilespmem:s22], [sflag:$0x5] =	stream.indirect.gather [hbm4b:s4+s14], $0x50, s21, s14, $0xb8;
	[tilespmem:$0x1DD80] =	vst v63  }
0x50: {  	s21 =	smov.u32 s19  }
0x51: {  	p0 =	sne.s32 s19, $0x8C00;
	s19 =	sadd.s32 $0xA00, s19;
	_ =	swait.ge [sflag:s23], $0x2800  }
0x52: {  	s21 =	sshra.s32 s21, $0x2;
	[sflag:s23] =	ssyncset.done $0x0  }
0x53: {  	s13 =	sadd.s32 $0x2800, s21;
	[sflag:s23] =	ssyncadd.s32 $0xFFFFD800  }
0x54: {  	[spmem:s2] =	stream.indirect.scatter.add.f32 [tilespmem:s15], [sflag:$0x6], $0x50, s13, s14, $0xb8;
	[tilespmem:$0x1DD80] =	vst v63  }
0x55: {  	_ =	swait.ge [sflag:s24], $0x2800  }
0x56: {  	[sflag:s24] =	ssyncset.done $0x0  }
0x57: {  	s13 =	sadd.s32 $0x2880, s21;
	[sflag:s24] =	ssyncadd.s32 $0xFFFFD800  }
0x58: {  	[spmem:s2] =	stream.indirect.scatter.add.f32 [tilespmem:s16], [sflag:$0x7], $0x50, s13, s14, $0xb8;
	[tilespmem:$0x1DD80] =	vst v63  }
0x59: {  	_ =	swait.ge [sflag:s25], $0x2800  }
0x5a: {  	[sflag:s25] =	ssyncset.done $0x0  }
0x5b: {  	s13 =	sadd.s32 $0x2900, s21;
	[sflag:s25] =	ssyncadd.s32 $0xFFFFD800  }
0x5c: {  	[spmem:s2] =	stream.indirect.scatter.add.f32 [tilespmem:s18], [sflag:$0x8], $0x50, s13, s14, $0xb8;
	[tilespmem:$0x1DD80] =	vst v63  }
0x5d: {  	_ =	swait.ge [sflag:s26], $0x2800  }
0x5e: {  	[sflag:s26] =	ssyncset.done $0x0  }
0x5f: {  	s13 =	sadd.s32 $0x2980, s21;
	[sflag:s26] =	ssyncadd.s32 $0xFFFFD800  }
0x60: {  	[spmem:s2] =	stream.indirect.scatter.add.f32 [tilespmem:s20], [sflag:$0x9], $0x50, s13, s14, $0xb8;
	[tilespmem:$0x1DD80] =	vst v63  }
0x61: {  	_ =	swait.ge [sflag:s28], $0x2800  }
0x62: {  	[sflag:s28] =	ssyncset.done $0x0  }
0x63: {  	s13 =	sadd.s32 $0x2A00, s21;
	[sflag:s28] =	ssyncadd.s32 $0xFFFFD800  }
0x64: {  	[spmem:s2] =	stream.indirect.scatter.add.f32 [tilespmem:s22], [sflag:$0xA], $0x50, s13, s14, $0xb8;
	[tilespmem:$0x1DD80] =	vst v63  }
0x65: {  	_ =	swait.ge [sflag:s29], $0x2800  }
0x66: {  	[sflag:s29] =	ssyncset.done $0x0  }
0x67: {  	s13 =	sadd.s32 $0x280, s21;
	[sflag:s29] =	ssyncadd.s32 $0xFFFFD800  }
0x68: {  	[tilespmem:s15], [sflag:$0x1] =	stream.indirect.gather [hbm4b:s4+s14], $0x50, s13, s14, $0xb8;
	[tilespmem:$0x1DD80] =	vst v63  }
0x69: {  	_ =	swait.ge [sflag:s30], $0x2800  }
0x6a: {  	[sflag:s30] =	ssyncset.done $0x0  }
0x6b: {  	s13 =	sadd.s32 $0x300, s21;
	[sflag:s30] =	ssyncadd.s32 $0xFFFFD800  }
0x6c: {  	[tilespmem:s16], [sflag:$0x2] =	stream.indirect.gather [hbm4b:s4+s14], $0x50, s13, s14, $0xb8;
	[tilespmem:$0x1DD80] =	vst v63  }
0x6d: {  	_ =	swait.ge [sflag:s31], $0x2800  }
0x6e: {  	[sflag:s31] =	ssyncset.done $0x0  }
0x6f: {  	s13 =	sadd.s32 $0x380, s21;
	[sflag:s31] =	ssyncadd.s32 $0xFFFFD800  }
0x70: {  	[tilespmem:s18], [sflag:$0x3] =	stream.indirect.gather [hbm4b:s4+s14], $0x50, s13, s14, $0xb8;
	[tilespmem:$0x1DD80] =	vst v63  }
0x71: {  	_ =	swait.ge [sflag:s1], $0x2800  }
0x72: {  	[sflag:s1] =	ssyncset.done $0x0  }
.Ltmp0:
0x73: {  	s13 =	sadd.s32 $0x400, s21;
	[sflag:s1] =	ssyncadd.s32 $0xFFFFD800;
	(pc) =	sbr.rel @p0 .LBB2_2-.Ltmp0, $4  }
0x74: {  	[tilespmem:s20], [sflag:$0x4] =	stream.indirect.gather [hbm4b:s4+s14], $0x50, s13, s14, $0xb8;
	[tilespmem:$0x1DD80] =	vst v63  }
0x75: {  	_ =	swait.ge [sflag:s0], $0x2800  }
0x76: {  	[sflag:s0] =	ssyncset.done $0x0  }
0x77: {  	s21 =	sadd.s32 $0x480, s21;
	[sflag:s0] =	ssyncadd.s32 $0xFFFFD800  }
0x78: {  	[tilespmem:s22], [sflag:$0x5] =	stream.indirect.gather [hbm4b:s4+s14], $0x50, s21, s14, $0xb8;
	[tilespmem:$0x1DD80] =	vst v63  }
0x79: {  	_ =	swait.ge [sflag:s23], $0x2800  }
0x7a: {  	[sflag:s23] =	ssyncset.done $0x0  }
0x7b: {  	s13 =	simm.s32 $0x4D80;
	[sflag:s23] =	ssyncadd.s32 $0xFFFFD800  }
0x7c: {  	[spmem:s2] =	stream.indirect.scatter.add.f32 [tilespmem:s15], [sflag:$0x6], $0x50, s13, s14, $0xb8;
	[tilespmem:$0x1DD80] =	vst v63  }
0x7d: {  	_ =	swait.ge [sflag:s24], $0x2800  }
0x7e: {  	[sflag:s24] =	ssyncset.done $0x0  }
0x7f: {  	s19 =	simm.s32 $0x4E00;
	[sflag:s24] =	ssyncadd.s32 $0xFFFFD800  }
0x80: {  	[spmem:s2] =	stream.indirect.scatter.add.f32 [tilespmem:s16], [sflag:$0x7], $0x50, s19, s14, $0xb8;
	[tilespmem:$0x1DD80] =	vst v63  }
0x81: {  	_ =	swait.ge [sflag:s25], $0x2800  }
0x82: {  	[sflag:s25] =	ssyncset.done $0x0  }
0x83: {  	s21 =	simm.s32 $0x4E80;
	[sflag:s25] =	ssyncadd.s32 $0xFFFFD800  }
0x84: {  	[spmem:s2] =	stream.indirect.scatter.add.f32 [tilespmem:s18], [sflag:$0x8], $0x50, s21, s14, $0xb8;
	[tilespmem:$0x1DD80] =	vst v63  }
0x85: {  	_ =	swait.ge [sflag:s26], $0x2800  }
0x86: {  	[sflag:s26] =	ssyncset.done $0x0  }
0x87: {  	s19 =	simm.s32 $0x4F00;
	[sflag:s26] =	ssyncadd.s32 $0xFFFFD800  }
0x88: {  	[spmem:s2] =	stream.indirect.scatter.add.f32 [tilespmem:s20], [sflag:$0x9], $0x50, s19, s14, $0xb8;
	[tilespmem:$0x1DD80] =	vst v63  }
0x89: {  	_ =	swait.ge [sflag:s28], $0x2800  }
0x8a: {  	[sflag:s28] =	ssyncset.done $0x0  }
0x8b: {  	s21 =	simm.s32 $0x4F80;
	[sflag:s28] =	ssyncadd.s32 $0xFFFFD800  }
0x8c: {  	[spmem:s2] =	stream.indirect.scatter.add.f32 [tilespmem:s22], [sflag:$0xA], $0x50, s21, s14, $0xb8;
	[tilespmem:$0x1DD80] =	vst v63  }
0x8d: {  	_ =	swait.ge [sflag:s29], $0x2800  }
0x8e: {  	[sflag:s29] =	ssyncset.done $0x0  }
0x8f: {  	[sflag:s29] =	ssyncadd.s32 $0xFFFFD800  }
0x90: {  	_ =	swait.ge [sflag:s30], $0x2800  }
0x91: {  	[sflag:s30] =	ssyncset.done $0x0  }
0x92: {  	[sflag:s30] =	ssyncadd.s32 $0xFFFFD800  }
0x93: {  	_ =	swait.ge [sflag:s31], $0x2800  }
0x94: {  	[sflag:s31] =	ssyncset.done $0x0  }
0x95: {  	[sflag:s31] =	ssyncadd.s32 $0xFFFFD800  }
0x96: {  	_ =	swait.ge [sflag:s1], $0x2800  }
0x97: {  	[sflag:s1] =	ssyncset.done $0x0  }
0x98: {  	[sflag:s1] =	ssyncadd.s32 $0xFFFFD800  }
0x99: {  	_ =	swait.ge [sflag:s0], $0x2800  }
0x9a: {  	s17 =	sadd.s32 $0x1, s17;
	[sflag:s0] =	ssyncset.done $0x0  }
0x9b: {  	p0 =	sne.s32 s17, s10;
	[sflag:s0] =	ssyncadd.s32 $0xFFFFD800  }
.Ltmp1:
0x9c: {  	[bflag:$0x0] =	sbarrier.arrive $0xFFFF;
	(pc) =	sbr.rel @p0 .LBB2_1-.Ltmp1, $4  }
0x9d: {  	[hbm:s9], [sflag:s6] =	dma.local [spmem:s11], $0x18B0  }
0x9e: {  	_ =	swait.ge [sflag:s12], $0x18B0  }
0x9f: {  	[sflag:s12] =	ssyncset.done $0x0  }
0xa0: {  	[sflag:s12] =	ssyncadd.s32 $0xFFFFE750  }
0xa1: {  	_ =	sfence.sel $0x180000  }
0xa2: {  	[bflag:$0x0] =	sbarrier.arrive $0xFFFF  }
0xa3: {  	_ =	strace $0x90000047  }
0xa4: {  	s0 =	stileid.u32;
	[bflag:$0x2] =	sbarrier.arrive $0xFFFF  }
0xa5: {  	p0 =	sne.s32 s0, $0x0;
	s0 =	rddreg [dreg:$0x2]  }
0xa6: {  	s0 =	sadd.s32 @!p0 $0x100000, s0  }
0xa7: {  	[sflag:s0] =	ssyncadd.tile.s32 @!p0 $0x1;
	_ =	shalt  }
.Lfunc_end2:
_tile_overlayer_lowered:
.L_overlay_start_2:
0xa8: {  	(tag) =	ssettag $0x2  }
0xa9: {  	s0 =	rddreg [dreg:$0x0];
	s2 =	stileid.u32  }
0xaa: {  	s1 =	rddreg [dreg:$0x1];
	p0 =	sne.s32 s2, $0x0  }
0xab: {  	s3 =	rddreg [dreg:$0x2];
	[bflag:$0x3] =	sbarrier.arrive $0xFFFF;
	s2 =	simm.s32 @!p0 $0x1C0B  }
0xac: {  	[timem:s3], [sflag:s2] =	dma.local @!p0 [hbm:s0], s1  }
0xad: {  	s0 =	simm.s32 @!p0 $0xB  }
0xae: {  	_ =	swait.ge @!p0 [sflag:s0], s1  }
0xaf: {  	s1 =	ssub.s32 @!p0 $0x0, s1;
	[sflag:s0] =	ssyncset.done @!p0 $0x0  }
0xb0: {  	[sflag:s0] =	ssyncadd.s32 @!p0 s1  }
0xb1: {  	[bflag:$0x3] =	sbarrier.arrive $0xFFFF  }
0xb2: {  	_ =	shalt  }

// kernel: sage_seg_sum_l1b.3.cloned.1.call-start
scs
__scs_entry_jumppad:
0x0: {  	(pc) =	sbr.rel $0x88, $3  }
0x1: {  	(tag) =	ssettag $0x0;
	lr =	simm.s32 $0x1  }
0x2: {  	[smem:$0x3F99] =	sst lr;
	_ =	strace $0xD0000000  }
0x3: {  	_ = 	snop  }
0x4: {  	_ = 	snop  }
0x5: {  	_ = 	snop  }
0x6: {  	_ = 	snop  }
0x7: {  	_ = 	snop  }
__scs_overlays_trampoline_lowered:
0x8: {  	[smem:$0x3FA8] =	sst s0  }
0x9: {  	[smem:$0x3FA9] =	sst s1  }
0xa: {  	[smem:$0x3FAA] =	sst s2  }
0xb: {  	[smem:$0x3FAB] =	sst s3  }
0xc: {  	[smem:$0x3FAC] =	sst s4  }
0xd: {  	[smem:$0x3FAD] =	sst s5  }
0xe: {  	[smem:$0x3FAE] =	sst s6  }
0xf: {  	[smem:$0x3FAF] =	sst s7  }
0x10: {  	[smem:$0x3FB0] =	sst s8  }
0x11: {  	[smem:$0x3FB1] =	sst s9;
	s0 =	simm.s32 @!p0 $0x0  }
0x12: {  	s1 =	sld [smem:$0x3F97];
	s0 =	simm.s32 @p0 $0x1  }
0x13: {  	[smem:$0x3FB2] =	sst s0;
	s0 =	simm.s32 @!p1 $0x0  }
0x14: {  	s2 =	sld [smem:$0x3F96];
	s0 =	simm.s32 @p1 $0x1  }
0x15: {  	[smem:$0x3FB3] =	sst s0;
	s0 =	simm.s32 @!p2 $0x0  }
0x16: {  	s3 =	sld [smem:$0x3FDB];
	s0 =	simm.s32 @p2 $0x1  }
0x17: {  	s4 =	simm.s32 $0x1BF5;
	[smem:$0x3FB5] =	sst s0  }
0x18: {  	s0 =	sld [smem:$0x3F98];
	_ =	swait.ge [sflag:s4], $0x0  }
0x19: {  	s7 =	sld [smem:$0x3F99]  }
0x1a: {  	s8 =	sadd.s32 $0xFFFFE003, lr  }
0x1b: {  	s9 =	sadd.s32 $0xFFFFFEF7, lr;
	s5 =	simm.s32 $0xFFFFFFFF;
	p2 =	slt.u32 s8, $0xFFFFF086  }
0x1c: {  	p1 =	slt.u32 s9, $0xF7A;
	s5 =	simm.s32 @!p2 $0x0  }
0x1d: {  	s5 =	simm.s32 @p1 $0x1;
	p0 =	seq.s32 s7, s2  }
0x1e: {  	s7 =	smul.u32 @!p0 $0xF7A, s2;
	p2 =	seq.s32 @!p0 s5, $0x0  }
0x1f: {  	s9 =	smul.u32 $0xF7A, s1;
	s8 =	simm.s32 @!p0 $0x1BF5;
	p2 =	por !p2, p0  }
0x20: {  	[sflag:s8] =	ssyncset.s32 @!p0 $0xFFFFF086;
	s6 =	sadd.s32 @!p0 s3, s7;
	s7 =	simm.s32 @!p0 $0x108  }
0x21: {  	s3 =	sadd.s32 s3, s9;
	s6 =	sadd.s32 @!p0 $0x88, s6;
	s7 =	simm.s32 @p2 $0x1082  }
0x22: {  	[simem:s7], [sflag:s8] =	dma.local @!p0 [hbm:s6], $0xF7A  }
0x23: {  	s9 =	sor.u32 $0xD0000000, s2;
	s6 =	simm.s32 $0x108;
	_ =	swait.ge @!p0 [sflag:s8], $0x0  }
0x24: {  	s3 =	sadd.s32 $0x88, s3;
	s6 =	simm.s32 @!p1 $0x1082;
	[sflag:s4] =	ssyncset.s32 $0xFFFFF086  }
0x25: {  	[simem:s6], [sflag:s4] =	dma.local [hbm:s3], $0xF7A  }
0x26: {  	[smem:$0x3F99] =	sst s1;
	(tag) =	ssettag s2;
	_ =	strace s9  }
0x27: {  	s1 =	sld [smem:$0x3FA9]  }
0x28: {  	s2 =	sld [smem:$0x3FAA]  }
0x29: {  	s4 =	sld [smem:$0x3FAC]  }
0x2a: {  	p0 =	seq.s32 s5, $0x0;
	s5 =	sld [smem:$0x3FAD]  }
0x2b: {  	s6 =	sld [smem:$0x3FAE]  }
0x2c: {  	s7 =	sld [smem:$0x3FAF]  }
0x2d: {  	s3 =	simm.s32 $0x108;
	s8 =	sld [smem:$0x3FB0]  }
0x2e: {  	s3 =	simm.s32 @!p0 $0x1082;
	s9 =	sld [smem:$0x3FB1]  }
0x2f: {  	lr =	sadd.s32 s0, s3;
	s0 =	sld [smem:$0x3FA8]  }
0x30: {  	s3 =	sld [smem:$0x3FAB]  }
0x31: {  	[smem:$0x3FB4] =	sst s10  }
0x32: {  	s10 =	sld [smem:$0x3FB2];
	_ =	sdelay $0x3  }
0x33: {  	p0 =	seq.s32 s10, $0x1;
	s10 =	sld [smem:$0x3FB4];
	_ =	sdelay $0x3  }
0x34: {  	[smem:$0x3FB4] =	sst s10  }
0x35: {  	s10 =	sld [smem:$0x3FB3];
	_ =	sdelay $0x3  }
0x36: {  	p1 =	seq.s32 s10, $0x1;
	s10 =	sld [smem:$0x3FB4];
	_ =	sdelay $0x3  }
0x37: {  	[smem:$0x3FB4] =	sst s10  }
0x38: {  	s10 =	sld [smem:$0x3FB5]  }
0x39: {  	_ = 	snop;
	(pc) =	sbr.ind lr, $3  }
0x3a: {  	_ = 	snop  }
0x3b: {  	_ = 	snop  }
0x3c: {  	p2 =	seq.s32 s10, $0x1;
	s10 =	sld [smem:$0x3FB4]  }
0x3d: {  	_ =	shalt  }
0x3e: {  	_ =	shalt  }
0x3f: {  	_ =	shalt  }
0x40: {  	_ =	shalt  }
0x41: {  	_ =	shalt  }
0x42: {  	_ =	shalt  }
0x43: {  	_ =	shalt  }
0x44: {  	_ =	shalt  }
0x45: {  	_ =	shalt  }
0x46: {  	_ =	shalt  }
0x47: {  	_ =	shalt  }
0x48: {  	_ =	shalt  }
0x49: {  	_ =	shalt  }
0x4a: {  	_ =	shalt  }
0x4b: {  	_ =	shalt  }
0x4c: {  	_ =	shalt  }
0x4d: {  	_ =	shalt  }
0x4e: {  	_ =	shalt  }
0x4f: {  	_ =	shalt  }
0x50: {  	_ =	shalt  }
0x51: {  	_ =	shalt  }
0x52: {  	_ =	shalt  }
0x53: {  	_ =	shalt  }
0x54: {  	_ =	shalt  }
0x55: {  	_ =	shalt  }
0x56: {  	_ =	shalt  }
0x57: {  	_ =	shalt  }
0x58: {  	_ =	shalt  }
0x59: {  	_ =	shalt  }
0x5a: {  	_ =	shalt  }
0x5b: {  	_ =	shalt  }
0x5c: {  	_ =	shalt  }
0x5d: {  	_ =	shalt  }
0x5e: {  	_ =	shalt  }
0x5f: {  	_ =	shalt  }
0x60: {  	_ =	shalt  }
0x61: {  	_ =	shalt  }
0x62: {  	_ =	shalt  }
0x63: {  	_ =	shalt  }
0x64: {  	_ =	shalt  }
0x65: {  	_ =	shalt  }
0x66: {  	_ =	shalt  }
0x67: {  	_ =	shalt  }
0x68: {  	_ =	shalt  }
0x69: {  	_ =	shalt  }
0x6a: {  	_ =	shalt  }
0x6b: {  	_ =	shalt  }
0x6c: {  	_ =	shalt  }
0x6d: {  	_ =	shalt  }
0x6e: {  	_ =	shalt  }
0x6f: {  	_ =	shalt  }
0x70: {  	_ =	shalt  }
0x71: {  	_ =	shalt  }
0x72: {  	_ =	shalt  }
0x73: {  	_ =	shalt  }
0x74: {  	_ =	shalt  }
0x75: {  	_ =	shalt  }
0x76: {  	_ =	shalt  }
0x77: {  	_ =	shalt  }
0x78: {  	_ =	shalt  }
0x79: {  	_ =	shalt  }
0x7a: {  	_ =	shalt  }
0x7b: {  	_ =	shalt  }
0x7c: {  	_ =	shalt  }
0x7d: {  	_ =	shalt  }
0x7e: {  	_ =	shalt  }
0x7f: {  	_ =	shalt  }
0x80: {  	_ =	shalt  }
0x81: {  	_ =	shalt  }
0x82: {  	_ =	shalt  }
0x83: {  	_ =	shalt  }
0x84: {  	_ =	shalt  }
0x85: {  	_ =	shalt  }
0x86: {  	_ =	shalt  }
0x87: {  	_ =	shalt  }
.Lfunc_end0:
.L_simem_size_0:
called_computation.1_lowered:
.L_overlay_start_0:
0x88: {  	s2 =	sld [smem:$0x3FD9]  }
0x89: {  	s3 =	sld [smem:$0x3FFE];
	_ =	sdelay $0x1  }
0x8a: {  	s1 =	srdreg.scid  }
0x8b: {  	s0 =	sand.u32 $0x1, s1  }
0x8c: {  	s16 =	sshll.u32 s0, $0xA;
	s2 =	sadd.s32 s3, s2  }
0x8d: {  	s2 =	sadd.s32 s2, s16  }
0x8e: {  	[smem:$0x3FC0] =	sst s2  }
0x8f: {  	_ = 	snop  }
0x90: {  	(tm) =	ssettm $0x1  }
0x91: {  	s17 =	sld [smem:$0x3FFB];
	_ =	sdelay $0x3  }
0x92: {  	_ =	strace s17  }
0x93: {  	s2 =	sld [smem:$0x3FFC];
	_ =	sdelay $0x3  }
0x94: {  	_ =	strace s2  }
0x95: {  	s2 =	sld [smem:$0x3FFD];
	_ =	sdelay $0x3  }
0x96: {  	_ =	strace s2  }
0x97: {  	_ =	strace $0x8FFFFFFF  }
0x98: {  	s18 =	sld [smem:$0x3FDB];
	_ =	sdelay $0x1  }
0x99: {  	s19 =	simm.s32 $_scs_section_size  }
0x9a: {  	s4 =	simm.s32 $_size__tile_overlayer_lowered;
	s5 =	simm.s32 $_tile_overlayer_lowered  }
0x9b: {  	s22 =	simm.s32 $0x1BFF;
	s21 =	sshll.u32 s5, $0x1;
	s2 =	sadd.s32 s19, s18  }
0x9c: {  	s6 =	simm.s32 $0x0;
	s20 =	sshll.u32 s4, $0x1;
	s4 =	sadd.s32 s21, s2  }
0x9d: {  	[timem:s6], [sflag:s22] =	dma.local [hbm:s4], s20  }
0x9e: {  	_ =	swait.ge [sflag:s22], s20  }
0x9f: {  	s3 =	ssub.s32 $0x0, s20;
	[sflag:s22] =	ssyncset.done $0x0  }
0xa0: {  	[sflag:s22] =	ssyncadd.s32 s3;
	_ =	sdelay $0x1  }
0xa1: {  	s23 =	simm.s32 $0x1B8B  }
0xa2: {  	_ =	swait.ge [sflag:s23], $0x1  }
0xa3: {  	[sflag:s23] =	ssyncset.done $0x0  }
0xa4: {  	s25 =	simm.s32 $0x1B8E;
	s24 =	sld [smem:$0x3FFE];
	[sflag:s23] =	ssyncadd.s32 $0xFFFFFFFF  }
0xa5: {  	s26 =	simm.s32 $execute0_lowered;
	[smem:$0x3FD2] =	sst s25  }
0xa6: {  	s4 =	sshll.u32 s26, $0x1;
	_ =	strace $0x80000049;
	[dreg:$0x1] =	wrdreg $0xFFFFFFFF  }
0xa7: {  	s28 =	simm.s32 $_size_execute0_lowered;
	s2 =	sadd.s32 s2, s4;
	[dreg:$0x0] =	wrdreg $0x0  }
0xa8: {  	s4 =	sshll.u32 s28, $0x1;
	[dreg:$0x2] =	wrdreg s2  }
0xa9: {  	[dreg:$0x3] =	wrdreg s4  }
0xaa: {  	[dreg:$0x4] =	wrdreg $0xC0  }
0xab: {  	_ =	task [dreg:s6], $0x5FFFF  }
0xac: {  	[dreg:$0x1] =	wrdreg $0xFFFFFFFF  }
0xad: {  	[dreg:$0x0] =	wrdreg $0x60  }
0xae: {  	[dreg:$0x2] =	wrdreg s24  }
0xaf: {  	[dreg:$0x3] =	wrdreg $0x150000  }
0xb0: {  	[dreg:$0x4] =	wrdreg $0x9  }
0xb1: {  	_ =	task.clear_ibuf [dreg:s6], $0x5FFFF;
	_ =	strace $0x90000049  }
0xb2: {  	s29 =	simm.s32 $0x9;
	_ =	strace $0x8000004B  }
0xb3: {  	_ =	swait.ge [sflag:s29], $0x1  }
0xb4: {  	[sflag:s29] =	ssyncadd.s32 $0xFFFFFFFF  }
0xb5: {  	_ =	strace $0x9000004B  }
0xb6: {  	_ =	sfence  }
0xb7: {  	s30 =	sld [smem:$0x0];
	_ =	sdelay $0x2  }
0xb8: {  	s31 =	sshll.u32 s1, $0xD;
	s1 =	sshrl.u32 s1, $0x2  }
0xb9: {  	s3 =	sand.u32 $0x4000, s31;
	s1 =	sadd.s32 s1, s30  }
0xba: {  	s0 =	sor.u32 s3, s0;
	s1 =	sshll.u32 s1, $0x11  }
0xbb: {  	s0 =	sor.u32 s1, s0  }
0xbc: {  	s0 =	sadd.s32 $0x8F2B, s0  }
0xbd: {  	[sflag:s0] =	ssyncadd.remote.s32 $0x1  }
0xbe: {  	_ =	sfence.sel $0xFFFF  }
0xbf: {  	[dreg:$0x0] =	wrdreg $0xFFFFFFFF;
	(pc) =	sbr.abs _section_cstart, $3  }
0xc0: {  	[dreg:$0x1] =	wrdreg $0xFFFFFFFF  }
0xc1: {  	_ =	task.clear_ibuf [dreg:s6], $0x2FFFF;
	_ =	strace $0x9FFFFFFF  }
0xc2: {  	(tm) =	ssettm $0x7FFFFFFF  }
0xc3: {  	_ =	shalt  }
tec
execute0_lowered:
.L_overlay_start_1:
0x0: {  	(tag) =	ssettag $0x1  }
0x1: {  	s0 =	srdreg.scid;
	s3 =	rddreg [dreg:$0x0]  }
0x2: {  	s7 =	stileid.u32;
	s2 =	rddreg [dreg:$0x1];
	s4 =	simm.s32 $0x0  }
0x3: {  	s14 =	simm.s32 $0x80;
	s15 =	simm.s32 $0x5000;
	s16 =	simm.s32 $0x7000  }
0x4: {  	s18 =	simm.s32 $0x9000;
	s20 =	simm.s32 $0xB000;
	s22 =	simm.s32 $0xD000  }
0x5: {  	s29 =	simm.s32 $0x13000;
	s30 =	simm.s32 $0x1;
	s31 =	simm.s32 $0x2  }
0x6: {  	s13 =	simm.s32 $0x5;
	s17 =	simm.s32 $0x6;
	s19 =	simm.s32 $0x7  }
0x7: {  	s21 =	simm.s32 $0x8;
	s23 =	simm.s32 $0x9;
	s28 =	simm.s32 $0xB  }
0x8: {  	s9 =	simm.s32 $0xF;
	s10 =	simm.s32 $0x10;
	s0 =	sand.u32 $0x1, s0  }
0x9: {  	s1 =	sshll.u32 s7, $0x1;
	s5 =	smul.u32 $0x9E00, s7;
	[smem:$0x7FF] =	sst s4  }
0xa: {  	s4 =	sadd.s32 $0x61800, s3;
	s8 =	sadd.s32 $0x16000, s3;
	s25 =	sshll.u32 s7, $0x6  }
0xb: {  	s7 =	simm.s32 $0xD;
	s1 =	sor.u32 s0, s1;
	s6 =	smul.u32 $0x9E000, s0  }
0xc: {  	_ =	strace $0x8000004A;
	s0 =	ssub.s32 $0x2, s0;
	[dreg:$0x3] =	wrdreg s8  }
0xd: {  	s11 =	sor.u32 $0x1C11, s25;
	s25 =	simm.s32 $0xA;
	s8 =	simm.s32 $0xE  }
0xe: {  	s1 =	smul.u32 $0x2800, s1;
	s24 =	sshrl.u32 s0, $0x1;
	[dreg:$0x4] =	wrdreg s11  }
0xf: {  	s6 =	sadd.s32 s5, s6;
	s0 =	ssub.s32 s0, s24;
	s5 =	sadd.s32 s5, s2  }
0x10: {  	s1 =	sshrl.u32 s1, $0x3;
	s6 =	sshrl.u32 s6, $0x3;
	s0 =	smax.u32 s0, $0x1  }
0x11: {  	s12 =	sshrl.u32 s5, $0x3;
	s1 =	sadd.s32 s1, s3;
	[dreg:$0x8] =	wrdreg s0  }
0x12: {  	s3 =	sadd.s32 s6, s3;
	s6 =	simm.s32 $0x0;
	[dreg:$0x9] =	wrdreg s12  }
0x13: {  	s24 =	simm.s32 $0xF000;
	s26 =	sadd.s32 $0x2000, s1;
	[dreg:$0xa] =	wrdreg s6  }
0x14: {  	s5 =	simm.s32 $0xC;
	s1 =	sadd.s32 $0xC000, s1;
	[dreg:$0x5] =	wrdreg s26  }
0x15: {  	s0 =	simm.s32 $0x4;
	s3 =	sadd.s32 $0x17400, s3;
	[dreg:$0x6] =	wrdreg s1  }
0x16: {  	[dreg:$0x7] =	wrdreg s3;
	s26 =	simm.s32 $0x11000;
	s1 =	simm.s32 $0x3  }
.LBB2_1:
0x17: {  	s3 =	simm.s32 $0x11;
	s6 =	rddreg [dreg:$0x3]  }
0x18: {  	[spmem:s12], [sflag:s11] =	dma.local [hbm:s6], $0x13C0  }
0x19: {  	_ =	swait.ge [sflag:s3], $0x13C0  }
0x1a: {  	[sflag:s3] =	ssyncset.done $0x0  }
0x1b: {  	s6 =	simm.s32 $0x0;
	s12 =	rddreg [dreg:$0x5];
	[sflag:s3] =	ssyncadd.s32 $0xFFFFEC40  }
0x1c: {  	[tilespmem:s6], [sflag:$0x11] =	stream.linear.gather [hbm4b:s12+s6], $0x2800, $0x38;
	[tilespmem:$0x1EE00] =	vst v63  }
0x1d: {  	_ =	swait.ge [sflag:s3], $0x2800  }
0x1e: {  	[sflag:s3] =	ssyncset.done $0x0  }
0x1f: {  	s12 =	simm.s32 $0x2800;
	s11 =	rddreg [dreg:$0x6];
	[sflag:s3] =	ssyncadd.s32 $0xFFFFD800  }
0x20: {  	[tilespmem:s12], [sflag:$0x11] =	stream.linear.gather [hbm4b:s11+s6], $0x2800, $0x38;
	[tilespmem:$0x1EE00] =	vst v63  }
0x21: {  	_ =	swait.ge [sflag:s3], $0x2800  }
0x22: {  	[sflag:s3] =	ssyncset.done $0x0  }
0x23: {  	[sflag:s3] =	ssyncadd.s32 $0xFFFFD800  }
0x24: {  	[bflag:$0x0] =	sbarrier.arrive $0xFFFF  }
0x25: {  	[tilespmem:s15], [sflag:$0x1] =	stream.indirect.gather [hbm4b:s4+s14], $0x40, s6, s14, $0xb8;
	[tilespmem:$0x1EE00] =	vst v63  }
0x26: {  	_ = 	snop  }
0x27: {  	[tilespmem:s16], [sflag:$0x2] =	stream.indirect.gather [hbm4b:s4+s14], $0x40, s14, s14, $0xb8;
	[tilespmem:$0x1EE00] =	vst v63  }
0x28: {  	s6 =	simm.s32 $0x100  }
0x29: {  	[tilespmem:s18], [sflag:$0x3] =	stream.indirect.gather [hbm4b:s4+s14], $0x40, s6, s14, $0xb8;
	[tilespmem:$0x1EE00] =	vst v63  }
0x2a: {  	s11 =	simm.s32 $0x180  }
0x2b: {  	[tilespmem:s20], [sflag:$0x4] =	stream.indirect.gather [hbm4b:s4+s14], $0x40, s11, s14, $0xb8;
	[tilespmem:$0x1EE00] =	vst v63  }
0x2c: {  	s12 =	simm.s32 $0x200  }
0x2d: {  	[tilespmem:s22], [sflag:$0x5] =	stream.indirect.gather [hbm4b:s4+s14], $0x40, s12, s14, $0xb8;
	[tilespmem:$0x1EE00] =	vst v63  }
0x2e: {  	s6 =	simm.s32 $0x280  }
0x2f: {  	[tilespmem:s24], [sflag:$0x6] =	stream.indirect.gather [hbm4b:s4+s14], $0x40, s6, s14, $0xb8;
	[tilespmem:$0x1EE00] =	vst v63  }
0x30: {  	s11 =	simm.s32 $0x300  }
0x31: {  	[tilespmem:s26], [sflag:$0x7] =	stream.indirect.gather [hbm4b:s4+s14], $0x40, s11, s14, $0xb8;
	[tilespmem:$0x1EE00] =	vst v63  }
0x32: {  	s12 =	simm.s32 $0x380  }
0x33: {  	[tilespmem:s29], [sflag:$0x8] =	stream.indirect.gather [hbm4b:s4+s14], $0x40, s12, s14, $0xb8;
	[tilespmem:$0x1EE00] =	vst v63  }
0x34: {  	_ =	swait.ge [sflag:s30], $0x2000  }
0x35: {  	[sflag:s30] =	ssyncset.done $0x0  }
0x36: {  	s3 =	simm.s32 $0x2800;
	[sflag:s30] =	ssyncadd.s32 $0xFFFFE000  }
0x37: {  	[spmem:s2] =	stream.indirect.scatter.add.f32 [tilespmem:s15], [sflag:$0x9], $0x40, s3, s14, $0xb8;
	[tilespmem:$0x1EE00] =	vst v63  }
0x38: {  	_ =	swait.ge [sflag:s31], $0x2000  }
0x39: {  	[sflag:s31] =	ssyncset.done $0x0  }
0x3a: {  	s11 =	simm.s32 $0x2880;
	[sflag:s31] =	ssyncadd.s32 $0xFFFFE000  }
0x3b: {  	[spmem:s2] =	stream.indirect.scatter.add.f32 [tilespmem:s16], [sflag:$0xA], $0x40, s11, s14, $0xb8;
	[tilespmem:$0x1EE00] =	vst v63  }
0x3c: {  	_ =	swait.ge [sflag:s1], $0x2000  }
0x3d: {  	[sflag:s1] =	ssyncset.done $0x0  }
0x3e: {  	s12 =	simm.s32 $0x2900;
	[sflag:s1] =	ssyncadd.s32 $0xFFFFE000  }
0x3f: {  	[spmem:s2] =	stream.indirect.scatter.add.f32 [tilespmem:s18], [sflag:$0xB], $0x40, s12, s14, $0xb8;
	[tilespmem:$0x1EE00] =	vst v63  }
0x40: {  	_ =	swait.ge [sflag:s0], $0x2000  }
0x41: {  	[sflag:s0] =	ssyncset.done $0x0  }
0x42: {  	s3 =	simm.s32 $0x2980;
	[sflag:s0] =	ssyncadd.s32 $0xFFFFE000  }
0x43: {  	[spmem:s2] =	stream.indirect.scatter.add.f32 [tilespmem:s20], [sflag:$0xC], $0x40, s3, s14, $0xb8;
	[tilespmem:$0x1EE00] =	vst v63  }
0x44: {  	_ =	swait.ge [sflag:s13], $0x2000  }
0x45: {  	[sflag:s13] =	ssyncset.done $0x0  }
0x46: {  	s11 =	simm.s32 $0x2A00;
	[sflag:s13] =	ssyncadd.s32 $0xFFFFE000  }
0x47: {  	[spmem:s2] =	stream.indirect.scatter.add.f32 [tilespmem:s22], [sflag:$0xD], $0x40, s11, s14, $0xb8;
	[tilespmem:$0x1EE00] =	vst v63  }
0x48: {  	_ =	swait.ge [sflag:s17], $0x2000  }
0x49: {  	[sflag:s17] =	ssyncset.done $0x0  }
0x4a: {  	s12 =	simm.s32 $0x2A80;
	[sflag:s17] =	ssyncadd.s32 $0xFFFFE000  }
0x4b: {  	[spmem:s2] =	stream.indirect.scatter.add.f32 [tilespmem:s24], [sflag:$0xE], $0x40, s12, s14, $0xb8;
	[tilespmem:$0x1EE00] =	vst v63  }
0x4c: {  	_ =	swait.ge [sflag:s19], $0x2000  }
0x4d: {  	[sflag:s19] =	ssyncset.done $0x0  }
0x4e: {  	s3 =	simm.s32 $0x2B00;
	[sflag:s19] =	ssyncadd.s32 $0xFFFFE000  }
0x4f: {  	[spmem:s2] =	stream.indirect.scatter.add.f32 [tilespmem:s26], [sflag:$0xF], $0x40, s3, s14, $0xb8;
	[tilespmem:$0x1EE00] =	vst v63  }
0x50: {  	_ =	swait.ge [sflag:s21], $0x2000  }
0x51: {  	[sflag:s21] =	ssyncset.done $0x0  }
0x52: {  	s11 =	simm.s32 $0x2B80;
	[sflag:s21] =	ssyncadd.s32 $0xFFFFE000  }
0x53: {  	[spmem:s2] =	stream.indirect.scatter.add.f32 [tilespmem:s29], [sflag:$0x10], $0x40, s11, s14, $0xb8;
	[tilespmem:$0x1EE00] =	vst v63  }
0x54: {  	_ =	swait.ge [sflag:s23], $0x2000  }
0x55: {  	[sflag:s23] =	ssyncset.done $0x0  }
0x56: {  	s12 =	simm.s32 $0x400;
	[sflag:s23] =	ssyncadd.s32 $0xFFFFE000  }
0x57: {  	[tilespmem:s15], [sflag:$0x1] =	stream.indirect.gather [hbm4b:s4+s14], $0x40, s12, s14, $0xb8;
	[tilespmem:$0x1EE00] =	vst v63  }
0x58: {  	_ =	swait.ge [sflag:s25], $0x2000  }
0x59: {  	[sflag:s25] =	ssyncset.done $0x0  }
0x5a: {  	s3 =	simm.s32 $0x480;
	[sflag:s25] =	ssyncadd.s32 $0xFFFFE000  }
0x5b: {  	[tilespmem:s16], [sflag:$0x2] =	stream.indirect.gather [hbm4b:s4+s14], $0x40, s3, s14, $0xb8;
	[tilespmem:$0x1EE00] =	vst v63  }
0x5c: {  	_ =	swait.ge [sflag:s28], $0x2000  }
0x5d: {  	[sflag:s28] =	ssyncset.done $0x0  }
0x5e: {  	s11 =	simm.s32 $0x500;
	[sflag:s28] =	ssyncadd.s32 $0xFFFFE000  }
0x5f: {  	[tilespmem:s18], [sflag:$0x3] =	stream.indirect.gather [hbm4b:s4+s14], $0x40, s11, s14, $0xb8;
	[tilespmem:$0x1EE00] =	vst v63  }
0x60: {  	_ =	swait.ge [sflag:s5], $0x2000  }
0x61: {  	[sflag:s5] =	ssyncset.done $0x0  }
0x62: {  	s12 =	simm.s32 $0x580;
	[sflag:s5] =	ssyncadd.s32 $0xFFFFE000  }
0x63: {  	[tilespmem:s20], [sflag:$0x4] =	stream.indirect.gather [hbm4b:s4+s14], $0x40, s12, s14, $0xb8;
	[tilespmem:$0x1EE00] =	vst v63  }
0x64: {  	_ =	swait.ge [sflag:s7], $0x2000  }
0x65: {  	[sflag:s7] =	ssyncset.done $0x0  }
0x66: {  	s3 =	simm.s32 $0x600;
	[sflag:s7] =	ssyncadd.s32 $0xFFFFE000  }
0x67: {  	[tilespmem:s22], [sflag:$0x5] =	stream.indirect.gather [hbm4b:s4+s14], $0x40, s3, s14, $0xb8;
	[tilespmem:$0x1EE00] =	vst v63  }
0x68: {  	_ =	swait.ge [sflag:s8], $0x2000  }
0x69: {  	[sflag:s8] =	ssyncset.done $0x0  }
0x6a: {  	s11 =	simm.s32 $0x680;
	[sflag:s8] =	ssyncadd.s32 $0xFFFFE000  }
0x6b: {  	[tilespmem:s24], [sflag:$0x6] =	stream.indirect.gather [hbm4b:s4+s14], $0x40, s11, s14, $0xb8;
	[tilespmem:$0x1EE00] =	vst v63  }
0x6c: {  	_ =	swait.ge [sflag:s9], $0x2000  }
0x6d: {  	[sflag:s9] =	ssyncset.done $0x0  }
0x6e: {  	s12 =	simm.s32 $0x700;
	[sflag:s9] =	ssyncadd.s32 $0xFFFFE000  }
0x6f: {  	[tilespmem:s26], [sflag:$0x7] =	stream.indirect.gather [hbm4b:s4+s14], $0x40, s12, s14, $0xb8;
	[tilespmem:$0x1EE00] =	vst v63  }
0x70: {  	_ =	swait.ge [sflag:s10], $0x2000  }
0x71: {  	[sflag:s10] =	ssyncset.done $0x0  }
0x72: {  	s6 =	simm.s32 $0x1000;
	s11 =	simm.s32 $0x780;
	[sflag:s10] =	ssyncadd.s32 $0xFFFFE000  }
.LBB2_2:
0x73: {  	[tilespmem:s29], [sflag:$0x8] =	stream.indirect.gather [hbm4b:s4+s14], $0x40, s11, s14, $0xb8;
	[tilespmem:$0x1EE00] =	vst v63  }
0x74: {  	s11 =	smov.u32 s6  }
0x75: {  	p0 =	sne.s32 s6, $0x8000;
	s6 =	sadd.s32 $0x1000, s6;
	_ =	swait.ge [sflag:s30], $0x2000  }
0x76: {  	s11 =	sshra.s32 s11, $0x2;
	[sflag:s30] =	ssyncset.done $0x0  }
0x77: {  	s12 =	sadd.s32 $0x2800, s11;
	[sflag:s30] =	ssyncadd.s32 $0xFFFFE000  }
0x78: {  	[spmem:s2] =	stream.indirect.scatter.add.f32 [tilespmem:s15], [sflag:$0x9], $0x40, s12, s14, $0xb8;
	[tilespmem:$0x1EE00] =	vst v63  }
0x79: {  	_ =	swait.ge [sflag:s31], $0x2000  }
0x7a: {  	[sflag:s31] =	ssyncset.done $0x0  }
0x7b: {  	s12 =	sadd.s32 $0x2880, s11;
	[sflag:s31] =	ssyncadd.s32 $0xFFFFE000  }
0x7c: {  	[spmem:s2] =	stream.indirect.scatter.add.f32 [tilespmem:s16], [sflag:$0xA], $0x40, s12, s14, $0xb8;
	[tilespmem:$0x1EE00] =	vst v63  }
0x7d: {  	_ =	swait.ge [sflag:s1], $0x2000  }
0x7e: {  	[sflag:s1] =	ssyncset.done $0x0  }
0x7f: {  	s12 =	sadd.s32 $0x2900, s11;
	[sflag:s1] =	ssyncadd.s32 $0xFFFFE000  }
0x80: {  	[spmem:s2] =	stream.indirect.scatter.add.f32 [tilespmem:s18], [sflag:$0xB], $0x40, s12, s14, $0xb8;
	[tilespmem:$0x1EE00] =	vst v63  }
0x81: {  	_ =	swait.ge [sflag:s0], $0x2000  }
0x82: {  	[sflag:s0] =	ssyncset.done $0x0  }
0x83: {  	s12 =	sadd.s32 $0x2980, s11;
	[sflag:s0] =	ssyncadd.s32 $0xFFFFE000  }
0x84: {  	[spmem:s2] =	stream.indirect.scatter.add.f32 [tilespmem:s20], [sflag:$0xC], $0x40, s12, s14, $0xb8;
	[tilespmem:$0x1EE00] =	vst v63  }
0x85: {  	_ =	swait.ge [sflag:s13], $0x2000  }
0x86: {  	[sflag:s13] =	ssyncset.done $0x0  }
0x87: {  	s12 =	sadd.s32 $0x2A00, s11;
	[sflag:s13] =	ssyncadd.s32 $0xFFFFE000  }
0x88: {  	[spmem:s2] =	stream.indirect.scatter.add.f32 [tilespmem:s22], [sflag:$0xD], $0x40, s12, s14, $0xb8;
	[tilespmem:$0x1EE00] =	vst v63  }
0x89: {  	_ =	swait.ge [sflag:s17], $0x2000  }
0x8a: {  	[sflag:s17] =	ssyncset.done $0x0  }
0x8b: {  	s12 =	sadd.s32 $0x2A80, s11;
	[sflag:s17] =	ssyncadd.s32 $0xFFFFE000  }
0x8c: {  	[spmem:s2] =	stream.indirect.scatter.add.f32 [tilespmem:s24], [sflag:$0xE], $0x40, s12, s14, $0xb8;
	[tilespmem:$0x1EE00] =	vst v63  }
0x8d: {  	_ =	swait.ge [sflag:s19], $0x2000  }
0x8e: {  	[sflag:s19] =	ssyncset.done $0x0  }
0x8f: {  	s12 =	sadd.s32 $0x2B00, s11;
	[sflag:s19] =	ssyncadd.s32 $0xFFFFE000  }
0x90: {  	[spmem:s2] =	stream.indirect.scatter.add.f32 [tilespmem:s26], [sflag:$0xF], $0x40, s12, s14, $0xb8;
	[tilespmem:$0x1EE00] =	vst v63  }
0x91: {  	_ =	swait.ge [sflag:s21], $0x2000  }
0x92: {  	[sflag:s21] =	ssyncset.done $0x0  }
0x93: {  	s12 =	sadd.s32 $0x2B80, s11;
	[sflag:s21] =	ssyncadd.s32 $0xFFFFE000  }
0x94: {  	[spmem:s2] =	stream.indirect.scatter.add.f32 [tilespmem:s29], [sflag:$0x10], $0x40, s12, s14, $0xb8;
	[tilespmem:$0x1EE00] =	vst v63  }
0x95: {  	_ =	swait.ge [sflag:s23], $0x2000  }
0x96: {  	[sflag:s23] =	ssyncset.done $0x0  }
0x97: {  	s12 =	sadd.s32 $0x400, s11;
	[sflag:s23] =	ssyncadd.s32 $0xFFFFE000  }
0x98: {  	[tilespmem:s15], [sflag:$0x1] =	stream.indirect.gather [hbm4b:s4+s14], $0x40, s12, s14, $0xb8;
	[tilespmem:$0x1EE00] =	vst v63  }
0x99: {  	_ =	swait.ge [sflag:s25], $0x2000  }
0x9a: {  	[sflag:s25] =	ssyncset.done $0x0  }
0x9b: {  	s12 =	sadd.s32 $0x480, s11;
	[sflag:s25] =	ssyncadd.s32 $0xFFFFE000  }
0x9c: {  	[tilespmem:s16], [sflag:$0x2] =	stream.indirect.gather [hbm4b:s4+s14], $0x40, s12, s14, $0xb8;
	[tilespmem:$0x1EE00] =	vst v63  }
0x9d: {  	_ =	swait.ge [sflag:s28], $0x2000  }
0x9e: {  	[sflag:s28] =	ssyncset.done $0x0  }
0x9f: {  	s12 =	sadd.s32 $0x500, s11;
	[sflag:s28] =	ssyncadd.s32 $0xFFFFE000  }
0xa0: {  	[tilespmem:s18], [sflag:$0x3] =	stream.indirect.gather [hbm4b:s4+s14], $0x40, s12, s14, $0xb8;
	[tilespmem:$0x1EE00] =	vst v63  }
0xa1: {  	_ =	swait.ge [sflag:s5], $0x2000  }
0xa2: {  	[sflag:s5] =	ssyncset.done $0x0  }
0xa3: {  	s12 =	sadd.s32 $0x580, s11;
	[sflag:s5] =	ssyncadd.s32 $0xFFFFE000  }
0xa4: {  	[tilespmem:s20], [sflag:$0x4] =	stream.indirect.gather [hbm4b:s4+s14], $0x40, s12, s14, $0xb8;
	[tilespmem:$0x1EE00] =	vst v63  }
0xa5: {  	_ =	swait.ge [sflag:s7], $0x2000  }
0xa6: {  	[sflag:s7] =	ssyncset.done $0x0  }
0xa7: {  	s12 =	sadd.s32 $0x600, s11;
	[sflag:s7] =	ssyncadd.s32 $0xFFFFE000  }
0xa8: {  	[tilespmem:s22], [sflag:$0x5] =	stream.indirect.gather [hbm4b:s4+s14], $0x40, s12, s14, $0xb8;
	[tilespmem:$0x1EE00] =	vst v63  }
0xa9: {  	_ =	swait.ge [sflag:s8], $0x2000  }
0xaa: {  	[sflag:s8] =	ssyncset.done $0x0  }
0xab: {  	s12 =	sadd.s32 $0x680, s11;
	[sflag:s8] =	ssyncadd.s32 $0xFFFFE000  }
0xac: {  	[tilespmem:s24], [sflag:$0x6] =	stream.indirect.gather [hbm4b:s4+s14], $0x40, s12, s14, $0xb8;
	[tilespmem:$0x1EE00] =	vst v63  }
0xad: {  	_ =	swait.ge [sflag:s9], $0x2000  }
0xae: {  	[sflag:s9] =	ssyncset.done $0x0  }
.Ltmp0:
0xaf: {  	s12 =	sadd.s32 $0x700, s11;
	[sflag:s9] =	ssyncadd.s32 $0xFFFFE000;
	(pc) =	sbr.rel @p0 .LBB2_2-.Ltmp0, $4  }
0xb0: {  	[tilespmem:s26], [sflag:$0x7] =	stream.indirect.gather [hbm4b:s4+s14], $0x40, s12, s14, $0xb8;
	[tilespmem:$0x1EE00] =	vst v63  }
0xb1: {  	_ =	swait.ge [sflag:s10], $0x2000  }
0xb2: {  	[sflag:s10] =	ssyncset.done $0x0  }
0xb3: {  	s11 =	sadd.s32 $0x780, s11;
	[sflag:s10] =	ssyncadd.s32 $0xFFFFE000  }
0xb4: {  	[tilespmem:s29], [sflag:$0x8] =	stream.indirect.gather [hbm4b:s4+s14], $0x40, s11, s14, $0xb8;
	[tilespmem:$0x1EE00] =	vst v63  }
0xb5: {  	_ =	swait.ge [sflag:s30], $0x2000  }
0xb6: {  	[sflag:s30] =	ssyncset.done $0x0  }
0xb7: {  	s3 =	simm.s32 $0x4C00;
	[sflag:s30] =	ssyncadd.s32 $0xFFFFE000  }
0xb8: {  	[spmem:s2] =	stream.indirect.scatter.add.f32 [tilespmem:s15], [sflag:$0x9], $0x40, s3, s14, $0xb8;
	[tilespmem:$0x1EE00] =	vst v63  }
0xb9: {  	_ =	swait.ge [sflag:s31], $0x2000  }
0xba: {  	[sflag:s31] =	ssyncset.done $0x0  }
0xbb: {  	s12 =	simm.s32 $0x4C80;
	[sflag:s31] =	ssyncadd.s32 $0xFFFFE000  }
0xbc: {  	[spmem:s2] =	stream.indirect.scatter.add.f32 [tilespmem:s16], [sflag:$0xA], $0x40, s12, s14, $0xb8;
	[tilespmem:$0x1EE00] =	vst v63  }
0xbd: {  	_ =	swait.ge [sflag:s1], $0x2000  }
0xbe: {  	[sflag:s1] =	ssyncset.done $0x0  }
0xbf: {  	s6 =	simm.s32 $0x4D00;
	[sflag:s1] =	ssyncadd.s32 $0xFFFFE000  }
0xc0: {  	[spmem:s2] =	stream.indirect.scatter.add.f32 [tilespmem:s18], [sflag:$0xB], $0x40, s6, s14, $0xb8;
	[tilespmem:$0x1EE00] =	vst v63  }
0xc1: {  	_ =	swait.ge [sflag:s0], $0x2000  }
0xc2: {  	[sflag:s0] =	ssyncset.done $0x0  }
0xc3: {  	s11 =	simm.s32 $0x4D80;
	[sflag:s0] =	ssyncadd.s32 $0xFFFFE000  }
0xc4: {  	[spmem:s2] =	stream.indirect.scatter.add.f32 [tilespmem:s20], [sflag:$0xC], $0x40, s11, s14, $0xb8;
	[tilespmem:$0x1EE00] =	vst v63  }
0xc5: {  	_ =	swait.ge [sflag:s13], $0x2000  }
0xc6: {  	[sflag:s13] =	ssyncset.done $0x0  }
0xc7: {  	s12 =	simm.s32 $0x4E00;
	[sflag:s13] =	ssyncadd.s32 $0xFFFFE000  }
0xc8: {  	[spmem:s2] =	stream.indirect.scatter.add.f32 [tilespmem:s22], [sflag:$0xD], $0x40, s12, s14, $0xb8;
	[tilespmem:$0x1EE00] =	vst v63  }
0xc9: {  	_ =	swait.ge [sflag:s17], $0x2000  }
0xca: {  	[sflag:s17] =	ssyncset.done $0x0  }
0xcb: {  	s6 =	simm.s32 $0x4E80;
	[sflag:s17] =	ssyncadd.s32 $0xFFFFE000  }
0xcc: {  	[spmem:s2] =	stream.indirect.scatter.add.f32 [tilespmem:s24], [sflag:$0xE], $0x40, s6, s14, $0xb8;
	[tilespmem:$0x1EE00] =	vst v63  }
0xcd: {  	_ =	swait.ge [sflag:s19], $0x2000  }
0xce: {  	[sflag:s19] =	ssyncset.done $0x0  }
0xcf: {  	s11 =	simm.s32 $0x4F00;
	[sflag:s19] =	ssyncadd.s32 $0xFFFFE000  }
0xd0: {  	[spmem:s2] =	stream.indirect.scatter.add.f32 [tilespmem:s26], [sflag:$0xF], $0x40, s11, s14, $0xb8;
	[tilespmem:$0x1EE00] =	vst v63  }
0xd1: {  	_ =	swait.ge [sflag:s21], $0x2000  }
0xd2: {  	[sflag:s21] =	ssyncset.done $0x0  }
0xd3: {  	s12 =	simm.s32 $0x4F80;
	[sflag:s21] =	ssyncadd.s32 $0xFFFFE000  }
0xd4: {  	[spmem:s2] =	stream.indirect.scatter.add.f32 [tilespmem:s29], [sflag:$0x10], $0x40, s12, s14, $0xb8;
	[tilespmem:$0x1EE00] =	vst v63  }
0xd5: {  	_ =	swait.ge [sflag:s23], $0x2000  }
0xd6: {  	[sflag:s23] =	ssyncset.done $0x0  }
0xd7: {  	[sflag:s23] =	ssyncadd.s32 $0xFFFFE000  }
0xd8: {  	_ =	swait.ge [sflag:s25], $0x2000  }
0xd9: {  	[sflag:s25] =	ssyncset.done $0x0  }
0xda: {  	[sflag:s25] =	ssyncadd.s32 $0xFFFFE000  }
0xdb: {  	_ =	swait.ge [sflag:s28], $0x2000  }
0xdc: {  	[sflag:s28] =	ssyncset.done $0x0  }
0xdd: {  	[sflag:s28] =	ssyncadd.s32 $0xFFFFE000  }
0xde: {  	_ =	swait.ge [sflag:s5], $0x2000  }
0xdf: {  	[sflag:s5] =	ssyncset.done $0x0  }
0xe0: {  	[sflag:s5] =	ssyncadd.s32 $0xFFFFE000  }
0xe1: {  	_ =	swait.ge [sflag:s7], $0x2000  }
0xe2: {  	[sflag:s7] =	ssyncset.done $0x0  }
0xe3: {  	[sflag:s7] =	ssyncadd.s32 $0xFFFFE000  }
0xe4: {  	_ =	swait.ge [sflag:s8], $0x2000  }
0xe5: {  	[sflag:s8] =	ssyncset.done $0x0  }
0xe6: {  	[sflag:s8] =	ssyncadd.s32 $0xFFFFE000  }
0xe7: {  	_ =	swait.ge [sflag:s9], $0x2000  }
0xe8: {  	[sflag:s9] =	ssyncset.done $0x0  }
0xe9: {  	[sflag:s9] =	ssyncadd.s32 $0xFFFFE000  }
0xea: {  	_ =	swait.ge [sflag:s10], $0x2000  }
0xeb: {  	[sflag:s10] =	ssyncset.done $0x0  }
0xec: {  	[sflag:s10] =	ssyncadd.s32 $0xFFFFE000  }
0xed: {  	[bflag:$0x0] =	sbarrier.arrive $0xFFFF  }
0xee: {  	s11 =	rddreg [dreg:$0x4]  }
0xef: {  	s6 =	rddreg [dreg:$0x7]  }
0xf0: {  	s12 =	rddreg [dreg:$0x9]  }
0xf1: {  	[hbm:s6], [sflag:s11] =	dma.local [spmem:s12], $0x13C0  }
0xf2: {  	s6 =	simm.s32 $0x11  }
0xf3: {  	_ =	swait.ge [sflag:s6], $0x13C0  }
0xf4: {  	s3 =	rddreg [dreg:$0xa]  }
0xf5: {  	[sflag:s6] =	ssyncset.done $0x0;
	s6 =	rddreg [dreg:$0x8];
	s3 =	sadd.s32 $0x1, s3  }
0xf6: {  	p0 =	sne.s32 s3, s6  }
.Ltmp1:
0xf7: {  	_ = 	snop;
	(pc) =	sbr.rel @p0 .LBB2_1-.Ltmp1, $3  }
0xf8: {  	_ =	sdelay $0x1  }
0xf9: {  	s6 =	simm.s32 $0x11  }
0xfa: {  	[dreg:$0xa] =	wrdreg s3;
	[sflag:s6] =	ssyncadd.s32 $0xFFFFEC40  }
0xfb: {  	_ =	sfence.sel $0x180000  }
0xfc: {  	[bflag:$0x0] =	sbarrier.arrive $0xFFFF  }
0xfd: {  	_ =	strace $0x9000004A  }
0xfe: {  	s0 =	stileid.u32;
	[bflag:$0x2] =	sbarrier.arrive $0xFFFF  }
0xff: {  	p0 =	sne.s32 s0, $0x0;
	s0 =	rddreg [dreg:$0x2]  }
0x100: {  	s0 =	sadd.s32 @!p0 $0x100000, s0  }
0x101: {  	[sflag:s0] =	ssyncadd.tile.s32 @!p0 $0x1;
	_ =	shalt  }
.Lfunc_end2:
_tile_overlayer_lowered:
.L_overlay_start_2:
0x102: {  	(tag) =	ssettag $0x2  }
0x103: {  	s0 =	rddreg [dreg:$0x0];
	s2 =	stileid.u32  }
0x104: {  	s1 =	rddreg [dreg:$0x1];
	p0 =	sne.s32 s2, $0x0  }
0x105: {  	s3 =	rddreg [dreg:$0x2];
	[bflag:$0x3] =	sbarrier.arrive $0xFFFF;
	s2 =	simm.s32 @!p0 $0x1C11  }
0x106: {  	[timem:s3], [sflag:s2] =	dma.local @!p0 [hbm:s0], s1  }
0x107: {  	s0 =	simm.s32 @!p0 $0x11  }
0x108: {  	_ =	swait.ge @!p0 [sflag:s0], s1  }
0x109: {  	s1 =	ssub.s32 @!p0 $0x0, s1;
	[sflag:s0] =	ssyncset.done @!p0 $0x0  }
0x10a: {  	[sflag:s0] =	ssyncadd.s32 @!p0 s1  }
0x10b: {  	[bflag:$0x3] =	sbarrier.arrive $0xFFFF  }
0x10c: {  	_ =	shalt  }

// kernel: sage_seg_sum_l2.3.cloned.1.call-start
scs
__scs_entry_jumppad:
0x0: {  	(pc) =	sbr.rel $0x88, $3  }
0x1: {  	(tag) =	ssettag $0x0;
	lr =	simm.s32 $0x1  }
0x2: {  	[smem:$0x3F99] =	sst lr;
	_ =	strace $0xD0000000  }
0x3: {  	_ = 	snop  }
0x4: {  	_ = 	snop  }
0x5: {  	_ = 	snop  }
0x6: {  	_ = 	snop  }
0x7: {  	_ = 	snop  }
__scs_overlays_trampoline_lowered:
0x8: {  	[smem:$0x3FA8] =	sst s0  }
0x9: {  	[smem:$0x3FA9] =	sst s1  }
0xa: {  	[smem:$0x3FAA] =	sst s2  }
0xb: {  	[smem:$0x3FAB] =	sst s3  }
0xc: {  	[smem:$0x3FAC] =	sst s4  }
0xd: {  	[smem:$0x3FAD] =	sst s5  }
0xe: {  	[smem:$0x3FAE] =	sst s6  }
0xf: {  	[smem:$0x3FAF] =	sst s7  }
0x10: {  	[smem:$0x3FB0] =	sst s8  }
0x11: {  	[smem:$0x3FB1] =	sst s9;
	s0 =	simm.s32 @!p0 $0x0  }
0x12: {  	s1 =	sld [smem:$0x3F97];
	s0 =	simm.s32 @p0 $0x1  }
0x13: {  	[smem:$0x3FB2] =	sst s0;
	s0 =	simm.s32 @!p1 $0x0  }
0x14: {  	s2 =	sld [smem:$0x3F96];
	s0 =	simm.s32 @p1 $0x1  }
0x15: {  	[smem:$0x3FB3] =	sst s0;
	s0 =	simm.s32 @!p2 $0x0  }
0x16: {  	s3 =	sld [smem:$0x3FDB];
	s0 =	simm.s32 @p2 $0x1  }
0x17: {  	s4 =	simm.s32 $0x1BF5;
	[smem:$0x3FB5] =	sst s0  }
0x18: {  	s0 =	sld [smem:$0x3F98];
	_ =	swait.ge [sflag:s4], $0x0  }
0x19: {  	s7 =	sld [smem:$0x3F99]  }
0x1a: {  	s8 =	sadd.s32 $0xFFFFE003, lr  }
0x1b: {  	s9 =	sadd.s32 $0xFFFFFEF7, lr;
	s5 =	simm.s32 $0xFFFFFFFF;
	p2 =	slt.u32 s8, $0xFFFFF086  }
0x1c: {  	p1 =	slt.u32 s9, $0xF7A;
	s5 =	simm.s32 @!p2 $0x0  }
0x1d: {  	s5 =	simm.s32 @p1 $0x1;
	p0 =	seq.s32 s7, s2  }
0x1e: {  	s7 =	smul.u32 @!p0 $0xF7A, s2;
	p2 =	seq.s32 @!p0 s5, $0x0  }
0x1f: {  	s9 =	smul.u32 $0xF7A, s1;
	s8 =	simm.s32 @!p0 $0x1BF5;
	p2 =	por !p2, p0  }
0x20: {  	[sflag:s8] =	ssyncset.s32 @!p0 $0xFFFFF086;
	s6 =	sadd.s32 @!p0 s3, s7;
	s7 =	simm.s32 @!p0 $0x108  }
0x21: {  	s3 =	sadd.s32 s3, s9;
	s6 =	sadd.s32 @!p0 $0x88, s6;
	s7 =	simm.s32 @p2 $0x1082  }
0x22: {  	[simem:s7], [sflag:s8] =	dma.local @!p0 [hbm:s6], $0xF7A  }
0x23: {  	s9 =	sor.u32 $0xD0000000, s2;
	s6 =	simm.s32 $0x108;
	_ =	swait.ge @!p0 [sflag:s8], $0x0  }
0x24: {  	s3 =	sadd.s32 $0x88, s3;
	s6 =	simm.s32 @!p1 $0x1082;
	[sflag:s4] =	ssyncset.s32 $0xFFFFF086  }
0x25: {  	[simem:s6], [sflag:s4] =	dma.local [hbm:s3], $0xF7A  }
0x26: {  	[smem:$0x3F99] =	sst s1;
	(tag) =	ssettag s2;
	_ =	strace s9  }
0x27: {  	s1 =	sld [smem:$0x3FA9]  }
0x28: {  	s2 =	sld [smem:$0x3FAA]  }
0x29: {  	s4 =	sld [smem:$0x3FAC]  }
0x2a: {  	p0 =	seq.s32 s5, $0x0;
	s5 =	sld [smem:$0x3FAD]  }
0x2b: {  	s6 =	sld [smem:$0x3FAE]  }
0x2c: {  	s7 =	sld [smem:$0x3FAF]  }
0x2d: {  	s3 =	simm.s32 $0x108;
	s8 =	sld [smem:$0x3FB0]  }
0x2e: {  	s3 =	simm.s32 @!p0 $0x1082;
	s9 =	sld [smem:$0x3FB1]  }
0x2f: {  	lr =	sadd.s32 s0, s3;
	s0 =	sld [smem:$0x3FA8]  }
0x30: {  	s3 =	sld [smem:$0x3FAB]  }
0x31: {  	[smem:$0x3FB4] =	sst s10  }
0x32: {  	s10 =	sld [smem:$0x3FB2];
	_ =	sdelay $0x3  }
0x33: {  	p0 =	seq.s32 s10, $0x1;
	s10 =	sld [smem:$0x3FB4];
	_ =	sdelay $0x3  }
0x34: {  	[smem:$0x3FB4] =	sst s10  }
0x35: {  	s10 =	sld [smem:$0x3FB3];
	_ =	sdelay $0x3  }
0x36: {  	p1 =	seq.s32 s10, $0x1;
	s10 =	sld [smem:$0x3FB4];
	_ =	sdelay $0x3  }
0x37: {  	[smem:$0x3FB4] =	sst s10  }
0x38: {  	s10 =	sld [smem:$0x3FB5]  }
0x39: {  	_ = 	snop;
	(pc) =	sbr.ind lr, $3  }
0x3a: {  	_ = 	snop  }
0x3b: {  	_ = 	snop  }
0x3c: {  	p2 =	seq.s32 s10, $0x1;
	s10 =	sld [smem:$0x3FB4]  }
0x3d: {  	_ =	shalt  }
0x3e: {  	_ =	shalt  }
0x3f: {  	_ =	shalt  }
0x40: {  	_ =	shalt  }
0x41: {  	_ =	shalt  }
0x42: {  	_ =	shalt  }
0x43: {  	_ =	shalt  }
0x44: {  	_ =	shalt  }
0x45: {  	_ =	shalt  }
0x46: {  	_ =	shalt  }
0x47: {  	_ =	shalt  }
0x48: {  	_ =	shalt  }
0x49: {  	_ =	shalt  }
0x4a: {  	_ =	shalt  }
0x4b: {  	_ =	shalt  }
0x4c: {  	_ =	shalt  }
0x4d: {  	_ =	shalt  }
0x4e: {  	_ =	shalt  }
0x4f: {  	_ =	shalt  }
0x50: {  	_ =	shalt  }
0x51: {  	_ =	shalt  }
0x52: {  	_ =	shalt  }
0x53: {  	_ =	shalt  }
0x54: {  	_ =	shalt  }
0x55: {  	_ =	shalt  }
0x56: {  	_ =	shalt  }
0x57: {  	_ =	shalt  }
0x58: {  	_ =	shalt  }
0x59: {  	_ =	shalt  }
0x5a: {  	_ =	shalt  }
0x5b: {  	_ =	shalt  }
0x5c: {  	_ =	shalt  }
0x5d: {  	_ =	shalt  }
0x5e: {  	_ =	shalt  }
0x5f: {  	_ =	shalt  }
0x60: {  	_ =	shalt  }
0x61: {  	_ =	shalt  }
0x62: {  	_ =	shalt  }
0x63: {  	_ =	shalt  }
0x64: {  	_ =	shalt  }
0x65: {  	_ =	shalt  }
0x66: {  	_ =	shalt  }
0x67: {  	_ =	shalt  }
0x68: {  	_ =	shalt  }
0x69: {  	_ =	shalt  }
0x6a: {  	_ =	shalt  }
0x6b: {  	_ =	shalt  }
0x6c: {  	_ =	shalt  }
0x6d: {  	_ =	shalt  }
0x6e: {  	_ =	shalt  }
0x6f: {  	_ =	shalt  }
0x70: {  	_ =	shalt  }
0x71: {  	_ =	shalt  }
0x72: {  	_ =	shalt  }
0x73: {  	_ =	shalt  }
0x74: {  	_ =	shalt  }
0x75: {  	_ =	shalt  }
0x76: {  	_ =	shalt  }
0x77: {  	_ =	shalt  }
0x78: {  	_ =	shalt  }
0x79: {  	_ =	shalt  }
0x7a: {  	_ =	shalt  }
0x7b: {  	_ =	shalt  }
0x7c: {  	_ =	shalt  }
0x7d: {  	_ =	shalt  }
0x7e: {  	_ =	shalt  }
0x7f: {  	_ =	shalt  }
0x80: {  	_ =	shalt  }
0x81: {  	_ =	shalt  }
0x82: {  	_ =	shalt  }
0x83: {  	_ =	shalt  }
0x84: {  	_ =	shalt  }
0x85: {  	_ =	shalt  }
0x86: {  	_ =	shalt  }
0x87: {  	_ =	shalt  }
.Lfunc_end0:
.L_simem_size_0:
called_computation.2_lowered:
.L_overlay_start_0:
0x88: {  	s2 =	sld [smem:$0x3FD9]  }
0x89: {  	s3 =	sld [smem:$0x3FFE];
	_ =	sdelay $0x1  }
0x8a: {  	s1 =	srdreg.scid  }
0x8b: {  	s0 =	sand.u32 $0x1, s1  }
0x8c: {  	s17 =	sshll.u32 s0, $0xA;
	s2 =	sadd.s32 s3, s2  }
0x8d: {  	s2 =	sadd.s32 s2, s17  }
0x8e: {  	[smem:$0x3FC0] =	sst s2  }
0x8f: {  	_ = 	snop  }
0x90: {  	s2 =	sld [smem:$0x3FD0];
	(tm) =	ssettm $0x1  }
0x91: {  	s18 =	sld [smem:$0x3FFB];
	_ =	sdelay $0x3  }
0x92: {  	_ =	strace s18  }
0x93: {  	s3 =	sld [smem:$0x3FFC];
	_ =	sdelay $0x3  }
0x94: {  	_ =	strace s3  }
0x95: {  	s3 =	sld [smem:$0x3FFD];
	_ =	sdelay $0x3  }
0x96: {  	_ =	strace s3  }
0x97: {  	_ =	strace $0x8FFFFFFF  }
0x98: {  	s19 =	sld [smem:$0x3FDB];
	_ =	sdelay $0x1  }
0x99: {  	s4 =	simm.s32 $_scs_section_size  }
0x9a: {  	s5 =	simm.s32 $_size__tile_overlayer_lowered;
	s6 =	simm.s32 $_tile_overlayer_lowered  }
0x9b: {  	s22 =	simm.s32 $0x1BFF;
	s21 =	sshll.u32 s6, $0x1;
	s3 =	sadd.s32 s4, s19  }
0x9c: {  	s7 =	simm.s32 $0x0;
	s20 =	sshll.u32 s5, $0x1;
	s5 =	sadd.s32 s21, s3  }
0x9d: {  	[timem:s7], [sflag:s22] =	dma.local [hbm:s5], s20  }
0x9e: {  	_ =	swait.ge [sflag:s22], s20  }
0x9f: {  	s4 =	ssub.s32 $0x0, s20;
	[sflag:s22] =	ssyncset.done $0x0  }
0xa0: {  	[sflag:s22] =	ssyncadd.s32 s4;
	_ =	sdelay $0x1  }
0xa1: {  	s23 =	simm.s32 $0x1B8B  }
0xa2: {  	_ =	swait.ge [sflag:s23], $0x1  }
0xa3: {  	[sflag:s23] =	ssyncset.done $0x0  }
0xa4: {  	s25 =	simm.s32 $0x1B8E;
	s24 =	sld [smem:$0x3FFE];
	[sflag:s23] =	ssyncadd.s32 $0xFFFFFFFF  }
0xa5: {  	s26 =	simm.s32 $execute0_lowered;
	[smem:$0x3FD2] =	sst s25  }
0xa6: {  	s5 =	sshll.u32 s26, $0x1;
	_ =	strace $0x8000004C;
	[dreg:$0x1] =	wrdreg $0xFFFFFFFF  }
0xa7: {  	s28 =	simm.s32 $_size_execute0_lowered;
	s3 =	sadd.s32 s3, s5;
	[dreg:$0x0] =	wrdreg $0x0  }
0xa8: {  	s5 =	sshll.u32 s28, $0x1;
	[dreg:$0x2] =	wrdreg s3  }
0xa9: {  	[dreg:$0x3] =	wrdreg s5  }
0xaa: {  	[dreg:$0x4] =	wrdreg $0xC0  }
0xab: {  	_ =	task [dreg:s7], $0x5FFFF  }
0xac: {  	[dreg:$0x1] =	wrdreg $0xFFFFFFFF  }
0xad: {  	[dreg:$0x0] =	wrdreg $0x60  }
0xae: {  	[dreg:$0x2] =	wrdreg s24  }
0xaf: {  	[dreg:$0x3] =	wrdreg s2  }
0xb0: {  	[dreg:$0x4] =	wrdreg $0xA0000  }
0xb1: {  	[dreg:$0x5] =	wrdreg $0x9  }
0xb2: {  	_ =	task.clear_ibuf [dreg:s7], $0x6FFFF;
	_ =	strace $0x9000004C  }
0xb3: {  	s29 =	simm.s32 $0x9;
	_ =	strace $0x8000004E  }
0xb4: {  	_ =	swait.ge [sflag:s29], $0x1  }
0xb5: {  	[sflag:s29] =	ssyncadd.s32 $0xFFFFFFFF  }
0xb6: {  	_ =	strace $0x9000004E  }
0xb7: {  	_ =	sfence  }
0xb8: {  	s30 =	sld [smem:$0x0];
	_ =	sdelay $0x2  }
0xb9: {  	s31 =	sshll.u32 s1, $0xD;
	s1 =	sshrl.u32 s1, $0x2  }
0xba: {  	s3 =	sand.u32 $0x4000, s31;
	s1 =	sadd.s32 s1, s30  }
0xbb: {  	s0 =	sor.u32 s3, s0;
	s1 =	sshll.u32 s1, $0x11  }
0xbc: {  	s0 =	sor.u32 s1, s0  }
0xbd: {  	s0 =	sadd.s32 $0x8F2B, s0  }
0xbe: {  	[sflag:s0] =	ssyncadd.remote.s32 $0x1  }
0xbf: {  	_ =	sfence.sel $0xFFFF  }
0xc0: {  	[dreg:$0x0] =	wrdreg $0xFFFFFFFF;
	(pc) =	sbr.abs _section_cstart, $3  }
0xc1: {  	[dreg:$0x1] =	wrdreg $0xFFFFFFFF  }
0xc2: {  	_ =	task.clear_ibuf [dreg:s7], $0x2FFFF;
	_ =	strace $0x9FFFFFFF  }
0xc3: {  	(tm) =	ssettm $0x7FFFFFFF  }
tec
execute0_lowered:
.L_overlay_start_1:
0x0: {  	(tag) =	ssettag $0x1  }
0x1: {  	s0 =	srdreg.scid;
	s1 =	rddreg [dreg:$0x0]  }
0x2: {  	s7 =	stileid.u32;
	s3 =	rddreg [dreg:$0x2];
	s5 =	simm.s32 $0x0  }
0x3: {  	s14 =	simm.s32 $0x80;
	s23 =	simm.s32 $0x6;
	s25 =	simm.s32 $0x7  }
0x4: {  	s28 =	simm.s32 $0x8;
	s30 =	simm.s32 $0x9;
	s8 =	simm.s32 $0xC  }
0x5: {  	s9 =	simm.s32 $0xD;
	s10 =	simm.s32 $0xE;
	s11 =	simm.s32 $0x11  }
0x6: {  	s12 =	simm.s32 $0x12;
	s15 =	simm.s32 $0x13;
	s16 =	simm.s32 $0x14  }
0x7: {  	s0 =	sand.u32 $0x1, s0;
	s2 =	sshll.u32 s7, $0x1;
	s4 =	smul.u32 $0x2780, s7  }
0x8: {  	[smem:$0x7FF] =	sst s5;
	s5 =	sadd.s32 $0x16000, s1;
	s7 =	sshll.u32 s7, $0x6  }
0x9: {  	s2 =	sor.u32 s0, s2;
	s6 =	smul.u32 $0x27800, s0;
	_ =	strace $0x8000004D  }
0xa: {  	s0 =	ssub.s32 $0x2, s0;
	s13 =	sor.u32 $0x1C15, s7;
	s7 =	simm.s32 $0xB  }
0xb: {  	s2 =	smul.u32 $0x2800, s2;
	s29 =	sshrl.u32 s0, $0x1;
	[dreg:$0x4] =	wrdreg s13  }
0xc: {  	s6 =	sadd.s32 s4, s6;
	s0 =	ssub.s32 s0, s29;
	s4 =	sadd.s32 s4, s3  }
0xd: {  	s2 =	sshrl.u32 s2, $0x3;
	s6 =	sshrl.u32 s6, $0x3;
	s0 =	smax.u32 s0, $0x1  }
0xe: {  	s20 =	sshrl.u32 s4, $0x3;
	s2 =	sadd.s32 s2, s1;
	[dreg:$0x8] =	wrdreg s0  }
0xf: {  	s4 =	simm.s32 $0xF;
	[dreg:$0x9] =	wrdreg s20;
	s31 =	sadd.s32 $0x2000, s2  }
0x10: {  	s1 =	sadd.s32 s6, s1;
	s2 =	sadd.s32 $0xC000, s2;
	[dreg:$0x5] =	wrdreg s31  }
0x11: {  	s6 =	simm.s32 $0x10;
	s1 =	sadd.s32 $0x1B000, s1;
	[dreg:$0x6] =	wrdreg s2  }
0x12: {  	s0 =	simm.s32 $0x0;
	[dreg:$0x7] =	wrdreg s1;
	s1 =	simm.s32 $0xA  }
.LBB2_1:
0x13: {  	[dreg:$0xa] =	wrdreg s0  }
0x14: {  	s22 =	simm.s32 $0x15;
	s18 =	rddreg [dreg:$0x1]  }
0x15: {  	[spmem:s20], [sflag:s13] =	dma.local [hbm:s18], $0x4F0  }
0x16: {  	_ =	swait.ge [sflag:s22], $0x4F0  }
0x17: {  	[sflag:s22] =	ssyncset.done $0x0  }
0x18: {  	s31 =	simm.s32 $0x0;
	s2 =	rddreg [dreg:$0x5];
	[sflag:s22] =	ssyncadd.s32 $0xFFFFFB10  }
0x19: {  	[tilespmem:s31], [sflag:$0x15] =	stream.linear.gather [hbm4b:s2+s31], $0x2800, $0x38;
	[tilespmem:$0xC780] =	vst v63  }
0x1a: {  	_ =	swait.ge [sflag:s22], $0x2800  }
0x1b: {  	[sflag:s22] =	ssyncset.done $0x0  }
0x1c: {  	s17 =	simm.s32 $0x2800;
	s13 =	rddreg [dreg:$0x6];
	[sflag:s22] =	ssyncadd.s32 $0xFFFFD800  }
0x1d: {  	[tilespmem:s17], [sflag:$0x15] =	stream.linear.gather [hbm4b:s13+s31], $0x2800, $0x38;
	[tilespmem:$0xC780] =	vst v63  }
0x1e: {  	_ =	swait.ge [sflag:s22], $0x2800  }
0x1f: {  	[sflag:s22] =	ssyncset.done $0x0  }
0x20: {  	[sflag:s22] =	ssyncadd.s32 $0xFFFFD800  }
0x21: {  	s20 =	simm.s32 $0x5000;
	[bflag:$0x0] =	sbarrier.arrive $0xFFFF  }
0x22: {  	[tilespmem:s20], [sflag:$0x1] =	stream.indirect.gather [hbm4b:s5+s14], $0x10, s31, s14, $0xb8;
	[tilespmem:$0xC780] =	vst v63  }
0x23: {  	s22 =	simm.s32 $0x5800  }
0x24: {  	[tilespmem:s22], [sflag:$0x2] =	stream.indirect.gather [hbm4b:s5+s14], $0x10, s14, s14, $0xb8;
	[tilespmem:$0xC780] =	vst v63  }
0x25: {  	s19 =	simm.s32 $0x100;
	s24 =	simm.s32 $0x6000  }
0x26: {  	[tilespmem:s24], [sflag:$0x3] =	stream.indirect.gather [hbm4b:s5+s14], $0x10, s19, s14, $0xb8;
	[tilespmem:$0xC780] =	vst v63  }
0x27: {  	s21 =	simm.s32 $0x180;
	s0 =	simm.s32 $0x6800  }
0x28: {  	[tilespmem:s0], [sflag:$0x4] =	stream.indirect.gather [hbm4b:s5+s14], $0x10, s21, s14, $0xb8;
	[tilespmem:$0xC780] =	vst v63  }
0x29: {  	s26 =	simm.s32 $0x200;
	s2 =	simm.s32 $0x7000  }
0x2a: {  	[tilespmem:s2], [sflag:$0x5] =	stream.indirect.gather [hbm4b:s5+s14], $0x10, s26, s14, $0xb8;
	[tilespmem:$0xC780] =	vst v63  }
0x2b: {  	s29 =	simm.s32 $0x280;
	s13 =	simm.s32 $0x7800  }
0x2c: {  	[tilespmem:s13], [sflag:$0x6] =	stream.indirect.gather [hbm4b:s5+s14], $0x10, s29, s14, $0xb8;
	[tilespmem:$0xC780] =	vst v63  }
0x2d: {  	s17 =	simm.s32 $0x8000;
	s31 =	simm.s32 $0x300  }
0x2e: {  	[tilespmem:s17], [sflag:$0x7] =	stream.indirect.gather [hbm4b:s5+s14], $0x10, s31, s14, $0xb8;
	[tilespmem:$0xC780] =	vst v63  }
0x2f: {  	s19 =	simm.s32 $0x380;
	s26 =	simm.s32 $0x8800  }
0x30: {  	[tilespmem:s26], [sflag:$0x8] =	stream.indirect.gather [hbm4b:s5+s14], $0x10, s19, s14, $0xb8;
	[tilespmem:$0xC780] =	vst v63  }
0x31: {  	s21 =	simm.s32 $0x400;
	s19 =	simm.s32 $0x9000  }
0x32: {  	[tilespmem:s19], [sflag:$0x9] =	stream.indirect.gather [hbm4b:s5+s14], $0x10, s21, s14, $0xb8;
	[tilespmem:$0xC780] =	vst v63  }
0x33: {  	s29 =	simm.s32 $0x480;
	s31 =	simm.s32 $0x1;
	s21 =	simm.s32 $0x9800  }
0x34: {  	[tilespmem:s21], [sflag:$0xA] =	stream.indirect.gather [hbm4b:s5+s14], $0x10, s29, s14, $0xb8;
	[tilespmem:$0xC780] =	vst v63  }
0x35: {  	_ =	swait.ge [sflag:s31], $0x800  }
0x36: {  	[sflag:s31] =	ssyncset.done $0x0  }
0x37: {  	s29 =	simm.s32 $0x2800;
	[sflag:s31] =	ssyncadd.s32 $0xFFFFF800;
	s31 =	simm.s32 $0x2  }
0x38: {  	[spmem:s3] =	stream.indirect.scatter.add.f32 [tilespmem:s20], [sflag:$0xB], $0x10, s29, s14, $0xb8;
	[tilespmem:$0xC780] =	vst v63  }
0x39: {  	_ =	swait.ge [sflag:s31], $0x800  }
0x3a: {  	[sflag:s31] =	ssyncset.done $0x0  }
0x3b: {  	s29 =	simm.s32 $0x2880;
	[sflag:s31] =	ssyncadd.s32 $0xFFFFF800;
	s31 =	simm.s32 $0x3  }
0x3c: {  	[spmem:s3] =	stream.indirect.scatter.add.f32 [tilespmem:s22], [sflag:$0xC], $0x10, s29, s14, $0xb8;
	[tilespmem:$0xC780] =	vst v63  }
0x3d: {  	_ =	swait.ge [sflag:s31], $0x800  }
0x3e: {  	[sflag:s31] =	ssyncset.done $0x0  }
0x3f: {  	s29 =	simm.s32 $0x2900;
	[sflag:s31] =	ssyncadd.s32 $0xFFFFF800;
	s31 =	simm.s32 $0x4  }
0x40: {  	[spmem:s3] =	stream.indirect.scatter.add.f32 [tilespmem:s24], [sflag:$0xD], $0x10, s29, s14, $0xb8;
	[tilespmem:$0xC780] =	vst v63  }
0x41: {  	_ =	swait.ge [sflag:s31], $0x800  }
0x42: {  	[sflag:s31] =	ssyncset.done $0x0  }
0x43: {  	s29 =	simm.s32 $0x2980;
	[sflag:s31] =	ssyncadd.s32 $0xFFFFF800;
	s31 =	simm.s32 $0x5  }
0x44: {  	[spmem:s3] =	stream.indirect.scatter.add.f32 [tilespmem:s0], [sflag:$0xE], $0x10, s29, s14, $0xb8;
	[tilespmem:$0xC780] =	vst v63  }
0x45: {  	_ =	swait.ge [sflag:s31], $0x800  }
0x46: {  	[sflag:s31] =	ssyncset.done $0x0  }
0x47: {  	s29 =	simm.s32 $0x2A00;
	[sflag:s31] =	ssyncadd.s32 $0xFFFFF800  }
0x48: {  	[spmem:s3] =	stream.indirect.scatter.add.f32 [tilespmem:s2], [sflag:$0xF], $0x10, s29, s14, $0xb8;
	[tilespmem:$0xC780] =	vst v63  }
0x49: {  	_ =	swait.ge [sflag:s23], $0x800  }
0x4a: {  	[sflag:s23] =	ssyncset.done $0x0  }
0x4b: {  	s31 =	simm.s32 $0x2A80;
	[sflag:s23] =	ssyncadd.s32 $0xFFFFF800  }
0x4c: {  	[spmem:s3] =	stream.indirect.scatter.add.f32 [tilespmem:s13], [sflag:$0x10], $0x10, s31, s14, $0xb8;
	[tilespmem:$0xC780] =	vst v63  }
0x4d: {  	_ =	swait.ge [sflag:s25], $0x800  }
0x4e: {  	[sflag:s25] =	ssyncset.done $0x0  }
0x4f: {  	s29 =	simm.s32 $0x2B00;
	[sflag:s25] =	ssyncadd.s32 $0xFFFFF800  }
0x50: {  	[spmem:s3] =	stream.indirect.scatter.add.f32 [tilespmem:s17], [sflag:$0x11], $0x10, s29, s14, $0xb8;
	[tilespmem:$0xC780] =	vst v63  }
0x51: {  	_ =	swait.ge [sflag:s28], $0x800  }
0x52: {  	[sflag:s28] =	ssyncset.done $0x0  }
0x53: {  	s31 =	simm.s32 $0x2B80;
	[sflag:s28] =	ssyncadd.s32 $0xFFFFF800  }
0x54: {  	[spmem:s3] =	stream.indirect.scatter.add.f32 [tilespmem:s26], [sflag:$0x12], $0x10, s31, s14, $0xb8;
	[tilespmem:$0xC780] =	vst v63  }
0x55: {  	_ =	swait.ge [sflag:s30], $0x800  }
0x56: {  	[sflag:s30] =	ssyncset.done $0x0  }
0x57: {  	s29 =	simm.s32 $0x2C00;
	[sflag:s30] =	ssyncadd.s32 $0xFFFFF800  }
0x58: {  	[spmem:s3] =	stream.indirect.scatter.add.f32 [tilespmem:s19], [sflag:$0x13], $0x10, s29, s14, $0xb8;
	[tilespmem:$0xC780] =	vst v63  }
0x59: {  	_ =	swait.ge [sflag:s1], $0x800  }
0x5a: {  	[sflag:s1] =	ssyncset.done $0x0  }
0x5b: {  	s31 =	simm.s32 $0x2C80;
	[sflag:s1] =	ssyncadd.s32 $0xFFFFF800  }
0x5c: {  	[spmem:s3] =	stream.indirect.scatter.add.f32 [tilespmem:s21], [sflag:$0x14], $0x10, s31, s14, $0xb8;
	[tilespmem:$0xC780] =	vst v63  }
0x5d: {  	_ =	swait.ge [sflag:s7], $0x800  }
0x5e: {  	[sflag:s7] =	ssyncset.done $0x0  }
0x5f: {  	s21 =	simm.s32 $0x500;
	[sflag:s7] =	ssyncadd.s32 $0xFFFFF800  }
0x60: {  	[tilespmem:s20], [sflag:$0x1] =	stream.indirect.gather [hbm4b:s5+s14], $0x10, s21, s14, $0xb8;
	[tilespmem:$0xC780] =	vst v63  }
0x61: {  	_ =	swait.ge [sflag:s8], $0x800  }
0x62: {  	[sflag:s8] =	ssyncset.done $0x0  }
0x63: {  	s29 =	simm.s32 $0x580;
	[sflag:s8] =	ssyncadd.s32 $0xFFFFF800  }
0x64: {  	[tilespmem:s22], [sflag:$0x2] =	stream.indirect.gather [hbm4b:s5+s14], $0x10, s29, s14, $0xb8;
	[tilespmem:$0xC780] =	vst v63  }
0x65: {  	_ =	swait.ge [sflag:s9], $0x800  }
0x66: {  	[sflag:s9] =	ssyncset.done $0x0  }
0x67: {  	s31 =	simm.s32 $0x600;
	[sflag:s9] =	ssyncadd.s32 $0xFFFFF800  }
0x68: {  	[tilespmem:s24], [sflag:$0x3] =	stream.indirect.gather [hbm4b:s5+s14], $0x10, s31, s14, $0xb8;
	[tilespmem:$0xC780] =	vst v63  }
0x69: {  	_ =	swait.ge [sflag:s10], $0x800  }
0x6a: {  	[sflag:s10] =	ssyncset.done $0x0  }
0x6b: {  	s20 =	simm.s32 $0x680;
	[sflag:s10] =	ssyncadd.s32 $0xFFFFF800  }
0x6c: {  	[tilespmem:s0], [sflag:$0x4] =	stream.indirect.gather [hbm4b:s5+s14], $0x10, s20, s14, $0xb8;
	[tilespmem:$0xC780] =	vst v63  }
0x6d: {  	_ =	swait.ge [sflag:s4], $0x800  }
0x6e: {  	[sflag:s4] =	ssyncset.done $0x0  }
0x6f: {  	s21 =	simm.s32 $0x700;
	[sflag:s4] =	ssyncadd.s32 $0xFFFFF800  }
0x70: {  	[tilespmem:s2], [sflag:$0x5] =	stream.indirect.gather [hbm4b:s5+s14], $0x10, s21, s14, $0xb8;
	[tilespmem:$0xC780] =	vst v63  }
0x71: {  	_ =	swait.ge [sflag:s6], $0x800  }
0x72: {  	[sflag:s6] =	ssyncset.done $0x0  }
0x73: {  	s22 =	simm.s32 $0x780;
	[sflag:s6] =	ssyncadd.s32 $0xFFFFF800  }
0x74: {  	[tilespmem:s13], [sflag:$0x6] =	stream.indirect.gather [hbm4b:s5+s14], $0x10, s22, s14, $0xb8;
	[tilespmem:$0xC780] =	vst v63  }
0x75: {  	_ =	swait.ge [sflag:s11], $0x800  }
0x76: {  	[sflag:s11] =	ssyncset.done $0x0  }
0x77: {  	s24 =	simm.s32 $0x800;
	[sflag:s11] =	ssyncadd.s32 $0xFFFFF800  }
0x78: {  	[tilespmem:s17], [sflag:$0x7] =	stream.indirect.gather [hbm4b:s5+s14], $0x10, s24, s14, $0xb8;
	[tilespmem:$0xC780] =	vst v63  }
0x79: {  	_ =	swait.ge [sflag:s12], $0x800  }
0x7a: {  	[sflag:s12] =	ssyncset.done $0x0  }
0x7b: {  	s29 =	simm.s32 $0x880;
	[sflag:s12] =	ssyncadd.s32 $0xFFFFF800  }
0x7c: {  	[tilespmem:s26], [sflag:$0x8] =	stream.indirect.gather [hbm4b:s5+s14], $0x10, s29, s14, $0xb8;
	[tilespmem:$0xC780] =	vst v63  }
0x7d: {  	_ =	swait.ge [sflag:s15], $0x800  }
0x7e: {  	[sflag:s15] =	ssyncset.done $0x0  }
0x7f: {  	s31 =	simm.s32 $0x900;
	[sflag:s15] =	ssyncadd.s32 $0xFFFFF800  }
0x80: {  	[tilespmem:s19], [sflag:$0x9] =	stream.indirect.gather [hbm4b:s5+s14], $0x10, s31, s14, $0xb8;
	[tilespmem:$0xC780] =	vst v63  }
0x81: {  	_ =	swait.ge [sflag:s16], $0x800  }
0x82: {  	[sflag:s16] =	ssyncset.done $0x0  }
0x83: {  	s18 =	simm.s32 $0x1400;
	s20 =	simm.s32 $0x980;
	[sflag:s16] =	ssyncadd.s32 $0xFFFFF800  }
.LBB2_2:
0x84: {  	s26 =	simm.s32 $0x9800  }
0x85: {  	[tilespmem:s26], [sflag:$0xA] =	stream.indirect.gather [hbm4b:s5+s14], $0x10, s20, s14, $0xb8;
	[tilespmem:$0xC780] =	vst v63  }
0x86: {  	s0 =	simm.s32 $0x1;
	s20 =	smov.u32 s18  }
0x87: {  	p0 =	sne.s32 s18, $0x7800;
	s18 =	sadd.s32 $0x1400, s18;
	_ =	swait.ge [sflag:s0], $0x800  }
0x88: {  	s24 =	simm.s32 $0x5000;
	s20 =	sshra.s32 s20, $0x2;
	[sflag:s0] =	ssyncset.done $0x0  }
0x89: {  	s22 =	sadd.s32 $0x2800, s20;
	[sflag:s0] =	ssyncadd.s32 $0xFFFFF800;
	s0 =	simm.s32 $0x2  }
0x8a: {  	[spmem:s3] =	stream.indirect.scatter.add.f32 [tilespmem:s24], [sflag:$0xB], $0x10, s22, s14, $0xb8;
	[tilespmem:$0xC780] =	vst v63  }
0x8b: {  	_ =	swait.ge [sflag:s0], $0x800  }
0x8c: {  	s29 =	simm.s32 $0x5800;
	[sflag:s0] =	ssyncset.done $0x0  }
0x8d: {  	s22 =	sadd.s32 $0x2880, s20;
	[sflag:s0] =	ssyncadd.s32 $0xFFFFF800;
	s0 =	simm.s32 $0x3  }
0x8e: {  	[spmem:s3] =	stream.indirect.scatter.add.f32 [tilespmem:s29], [sflag:$0xC], $0x10, s22, s14, $0xb8;
	[tilespmem:$0xC780] =	vst v63  }
0x8f: {  	_ =	swait.ge [sflag:s0], $0x800  }
0x90: {  	s31 =	simm.s32 $0x6000;
	[sflag:s0] =	ssyncset.done $0x0  }
0x91: {  	s22 =	sadd.s32 $0x2900, s20;
	[sflag:s0] =	ssyncadd.s32 $0xFFFFF800;
	s0 =	simm.s32 $0x4  }
0x92: {  	[spmem:s3] =	stream.indirect.scatter.add.f32 [tilespmem:s31], [sflag:$0xD], $0x10, s22, s14, $0xb8;
	[tilespmem:$0xC780] =	vst v63  }
0x93: {  	_ =	swait.ge [sflag:s0], $0x800  }
0x94: {  	s2 =	simm.s32 $0x5;
	[sflag:s0] =	ssyncset.done $0x0  }
0x95: {  	s22 =	sadd.s32 $0x2980, s20;
	[sflag:s0] =	ssyncadd.s32 $0xFFFFF800;
	s0 =	simm.s32 $0x6800  }
0x96: {  	[spmem:s3] =	stream.indirect.scatter.add.f32 [tilespmem:s0], [sflag:$0xE], $0x10, s22, s14, $0xb8;
	[tilespmem:$0xC780] =	vst v63  }
0x97: {  	_ =	swait.ge [sflag:s2], $0x800  }
0x98: {  	[sflag:s2] =	ssyncset.done $0x0  }
0x99: {  	s22 =	sadd.s32 $0x2A00, s20;
	[sflag:s2] =	ssyncadd.s32 $0xFFFFF800;
	s2 =	simm.s32 $0x7000  }
0x9a: {  	[spmem:s3] =	stream.indirect.scatter.add.f32 [tilespmem:s2], [sflag:$0xF], $0x10, s22, s14, $0xb8;
	[tilespmem:$0xC780] =	vst v63  }
0x9b: {  	_ =	swait.ge [sflag:s23], $0x800  }
0x9c: {  	[sflag:s23] =	ssyncset.done $0x0  }
0x9d: {  	s13 =	simm.s32 $0x7800;
	s22 =	sadd.s32 $0x2A80, s20;
	[sflag:s23] =	ssyncadd.s32 $0xFFFFF800  }
0x9e: {  	[spmem:s3] =	stream.indirect.scatter.add.f32 [tilespmem:s13], [sflag:$0x10], $0x10, s22, s14, $0xb8;
	[tilespmem:$0xC780] =	vst v63  }
0x9f: {  	_ =	swait.ge [sflag:s25], $0x800  }
0xa0: {  	[sflag:s25] =	ssyncset.done $0x0  }
0xa1: {  	s17 =	simm.s32 $0x8000;
	s22 =	sadd.s32 $0x2B00, s20;
	[sflag:s25] =	ssyncadd.s32 $0xFFFFF800  }
0xa2: {  	[spmem:s3] =	stream.indirect.scatter.add.f32 [tilespmem:s17], [sflag:$0x11], $0x10, s22, s14, $0xb8;
	[tilespmem:$0xC780] =	vst v63  }
0xa3: {  	_ =	swait.ge [sflag:s28], $0x800  }
0xa4: {  	[sflag:s28] =	ssyncset.done $0x0  }
0xa5: {  	s19 =	simm.s32 $0x8800;
	s22 =	sadd.s32 $0x2B80, s20;
	[sflag:s28] =	ssyncadd.s32 $0xFFFFF800  }
0xa6: {  	[spmem:s3] =	stream.indirect.scatter.add.f32 [tilespmem:s19], [sflag:$0x12], $0x10, s22, s14, $0xb8;
	[tilespmem:$0xC780] =	vst v63  }
0xa7: {  	_ =	swait.ge [sflag:s30], $0x800  }
0xa8: {  	[sflag:s30] =	ssyncset.done $0x0  }
0xa9: {  	s21 =	simm.s32 $0x9000;
	s22 =	sadd.s32 $0x2C00, s20;
	[sflag:s30] =	ssyncadd.s32 $0xFFFFF800  }
0xaa: {  	[spmem:s3] =	stream.indirect.scatter.add.f32 [tilespmem:s21], [sflag:$0x13], $0x10, s22, s14, $0xb8;
	[tilespmem:$0xC780] =	vst v63  }
0xab: {  	_ =	swait.ge [sflag:s1], $0x800  }
0xac: {  	[sflag:s1] =	ssyncset.done $0x0  }
0xad: {  	s22 =	sadd.s32 $0x2C80, s20;
	[sflag:s1] =	ssyncadd.s32 $0xFFFFF800  }
0xae: {  	[spmem:s3] =	stream.indirect.scatter.add.f32 [tilespmem:s26], [sflag:$0x14], $0x10, s22, s14, $0xb8;
	[tilespmem:$0xC780] =	vst v63  }
0xaf: {  	_ =	swait.ge [sflag:s7], $0x800  }
0xb0: {  	[sflag:s7] =	ssyncset.done $0x0  }
0xb1: {  	s22 =	sadd.s32 $0x500, s20;
	s26 =	simm.s32 $0x5000;
	[sflag:s7] =	ssyncadd.s32 $0xFFFFF800  }
0xb2: {  	[tilespmem:s24], [sflag:$0x1] =	stream.indirect.gather [hbm4b:s5+s14], $0x10, s22, s14, $0xb8;
	[tilespmem:$0xC780] =	vst v63  }
0xb3: {  	_ =	swait.ge [sflag:s8], $0x800  }
0xb4: {  	[sflag:s8] =	ssyncset.done $0x0  }
0xb5: {  	s22 =	sadd.s32 $0x580, s20;
	s24 =	simm.s32 $0x5800;
	[sflag:s8] =	ssyncadd.s32 $0xFFFFF800  }
0xb6: {  	[tilespmem:s29], [sflag:$0x2] =	stream.indirect.gather [hbm4b:s5+s14], $0x10, s22, s14, $0xb8;
	[tilespmem:$0xC780] =	vst v63  }
0xb7: {  	_ =	swait.ge [sflag:s9], $0x800  }
0xb8: {  	[sflag:s9] =	ssyncset.done $0x0  }
0xb9: {  	s22 =	sadd.s32 $0x600, s20;
	s29 =	simm.s32 $0x6000;
	[sflag:s9] =	ssyncadd.s32 $0xFFFFF800  }
0xba: {  	[tilespmem:s31], [sflag:$0x3] =	stream.indirect.gather [hbm4b:s5+s14], $0x10, s22, s14, $0xb8;
	[tilespmem:$0xC780] =	vst v63  }
0xbb: {  	_ =	swait.ge [sflag:s10], $0x800  }
0xbc: {  	[sflag:s10] =	ssyncset.done $0x0  }
0xbd: {  	s22 =	sadd.s32 $0x680, s20;
	s31 =	simm.s32 $0x6800;
	[sflag:s10] =	ssyncadd.s32 $0xFFFFF800  }
0xbe: {  	[tilespmem:s0], [sflag:$0x4] =	stream.indirect.gather [hbm4b:s5+s14], $0x10, s22, s14, $0xb8;
	[tilespmem:$0xC780] =	vst v63  }
0xbf: {  	_ =	swait.ge [sflag:s4], $0x800  }
0xc0: {  	[sflag:s4] =	ssyncset.done $0x0  }
0xc1: {  	s22 =	sadd.s32 $0x700, s20;
	s0 =	simm.s32 $0x7000;
	[sflag:s4] =	ssyncadd.s32 $0xFFFFF800  }
0xc2: {  	[tilespmem:s2], [sflag:$0x5] =	stream.indirect.gather [hbm4b:s5+s14], $0x10, s22, s14, $0xb8;
	[tilespmem:$0xC780] =	vst v63  }
0xc3: {  	_ =	swait.ge [sflag:s6], $0x800  }
0xc4: {  	[sflag:s6] =	ssyncset.done $0x0  }
0xc5: {  	s22 =	sadd.s32 $0x780, s20;
	s2 =	simm.s32 $0x7800;
	[sflag:s6] =	ssyncadd.s32 $0xFFFFF800  }
0xc6: {  	[tilespmem:s13], [sflag:$0x6] =	stream.indirect.gather [hbm4b:s5+s14], $0x10, s22, s14, $0xb8;
	[tilespmem:$0xC780] =	vst v63  }
0xc7: {  	_ =	swait.ge [sflag:s11], $0x800  }
0xc8: {  	[sflag:s11] =	ssyncset.done $0x0  }
0xc9: {  	s22 =	sadd.s32 $0x800, s20;
	s13 =	simm.s32 $0x8000;
	[sflag:s11] =	ssyncadd.s32 $0xFFFFF800  }
0xca: {  	[tilespmem:s17], [sflag:$0x7] =	stream.indirect.gather [hbm4b:s5+s14], $0x10, s22, s14, $0xb8;
	[tilespmem:$0xC780] =	vst v63  }
0xcb: {  	_ =	swait.ge [sflag:s12], $0x800  }
0xcc: {  	[sflag:s12] =	ssyncset.done $0x0  }
0xcd: {  	s22 =	sadd.s32 $0x880, s20;
	s17 =	simm.s32 $0x8800;
	[sflag:s12] =	ssyncadd.s32 $0xFFFFF800  }
0xce: {  	[tilespmem:s19], [sflag:$0x8] =	stream.indirect.gather [hbm4b:s5+s14], $0x10, s22, s14, $0xb8;
	[tilespmem:$0xC780] =	vst v63  }
0xcf: {  	_ =	swait.ge [sflag:s15], $0x800  }
0xd0: {  	s22 =	sadd.s32 $0x900, s20;
	[sflag:s15] =	ssyncset.done $0x0  }
.Ltmp0:
0xd1: {  	s19 =	simm.s32 $0x9000;
	[sflag:s15] =	ssyncadd.s32 $0xFFFFF800;
	(pc) =	sbr.rel @p0 .LBB2_2-.Ltmp0, $4  }
0xd2: {  	[tilespmem:s21], [sflag:$0x9] =	stream.indirect.gather [hbm4b:s5+s14], $0x10, s22, s14, $0xb8;
	[tilespmem:$0xC780] =	vst v63  }
0xd3: {  	_ =	swait.ge [sflag:s16], $0x800  }
0xd4: {  	[sflag:s16] =	ssyncset.done $0x0  }
0xd5: {  	s20 =	sadd.s32 $0x980, s20;
	[sflag:s16] =	ssyncadd.s32 $0xFFFFF800  }
0xd6: {  	s18 =	simm.s32 $0x9800;
	s21 =	simm.s32 $0x1  }
0xd7: {  	[tilespmem:s18], [sflag:$0xA] =	stream.indirect.gather [hbm4b:s5+s14], $0x10, s20, s14, $0xb8;
	[tilespmem:$0xC780] =	vst v63  }
0xd8: {  	_ =	swait.ge [sflag:s21], $0x800  }
0xd9: {  	[sflag:s21] =	ssyncset.done $0x0  }
0xda: {  	s22 =	simm.s32 $0x4B00;
	[sflag:s21] =	ssyncadd.s32 $0xFFFFF800;
	s21 =	simm.s32 $0x2  }
0xdb: {  	[spmem:s3] =	stream.indirect.scatter.add.f32 [tilespmem:s26], [sflag:$0xB], $0x10, s22, s14, $0xb8;
	[tilespmem:$0xC780] =	vst v63  }
0xdc: {  	_ =	swait.ge [sflag:s21], $0x800  }
0xdd: {  	[sflag:s21] =	ssyncset.done $0x0  }
0xde: {  	s22 =	simm.s32 $0x4B80;
	s26 =	simm.s32 $0x3;
	[sflag:s21] =	ssyncadd.s32 $0xFFFFF800  }
0xdf: {  	[spmem:s3] =	stream.indirect.scatter.add.f32 [tilespmem:s24], [sflag:$0xC], $0x10, s22, s14, $0xb8;
	[tilespmem:$0xC780] =	vst v63  }
0xe0: {  	_ =	swait.ge [sflag:s26], $0x800  }
0xe1: {  	[sflag:s26] =	ssyncset.done $0x0  }
0xe2: {  	s21 =	simm.s32 $0x4C00;
	s22 =	simm.s32 $0x4;
	[sflag:s26] =	ssyncadd.s32 $0xFFFFF800  }
0xe3: {  	[spmem:s3] =	stream.indirect.scatter.add.f32 [tilespmem:s29], [sflag:$0xD], $0x10, s21, s14, $0xb8;
	[tilespmem:$0xC780] =	vst v63  }
0xe4: {  	_ =	swait.ge [sflag:s22], $0x800  }
0xe5: {  	[sflag:s22] =	ssyncset.done $0x0  }
0xe6: {  	s24 =	simm.s32 $0x4C80;
	s26 =	simm.s32 $0x5;
	[sflag:s22] =	ssyncadd.s32 $0xFFFFF800  }
0xe7: {  	[spmem:s3] =	stream.indirect.scatter.add.f32 [tilespmem:s31], [sflag:$0xE], $0x10, s24, s14, $0xb8;
	[tilespmem:$0xC780] =	vst v63  }
0xe8: {  	_ =	swait.ge [sflag:s26], $0x800  }
0xe9: {  	[sflag:s26] =	ssyncset.done $0x0  }
0xea: {  	s29 =	simm.s32 $0x4D00;
	[sflag:s26] =	ssyncadd.s32 $0xFFFFF800  }
0xeb: {  	[spmem:s3] =	stream.indirect.scatter.add.f32 [tilespmem:s0], [sflag:$0xF], $0x10, s29, s14, $0xb8;
	[tilespmem:$0xC780] =	vst v63  }
0xec: {  	_ =	swait.ge [sflag:s23], $0x800  }
0xed: {  	[sflag:s23] =	ssyncset.done $0x0  }
0xee: {  	s31 =	simm.s32 $0x4D80;
	[sflag:s23] =	ssyncadd.s32 $0xFFFFF800  }
0xef: {  	[spmem:s3] =	stream.indirect.scatter.add.f32 [tilespmem:s2], [sflag:$0x10], $0x10, s31, s14, $0xb8;
	[tilespmem:$0xC780] =	vst v63  }
0xf0: {  	_ =	swait.ge [sflag:s25], $0x800  }
0xf1: {  	[sflag:s25] =	ssyncset.done $0x0  }
0xf2: {  	s2 =	simm.s32 $0x4E00;
	[sflag:s25] =	ssyncadd.s32 $0xFFFFF800  }
0xf3: {  	[spmem:s3] =	stream.indirect.scatter.add.f32 [tilespmem:s13], [sflag:$0x11], $0x10, s2, s14, $0xb8;
	[tilespmem:$0xC780] =	vst v63  }
0xf4: {  	_ =	swait.ge [sflag:s28], $0x800  }
0xf5: {  	[sflag:s28] =	ssyncset.done $0x0  }
0xf6: {  	s13 =	simm.s32 $0x4E80;
	[sflag:s28] =	ssyncadd.s32 $0xFFFFF800  }
0xf7: {  	[spmem:s3] =	stream.indirect.scatter.add.f32 [tilespmem:s17], [sflag:$0x12], $0x10, s13, s14, $0xb8;
	[tilespmem:$0xC780] =	vst v63  }
0xf8: {  	_ =	swait.ge [sflag:s30], $0x800  }
0xf9: {  	[sflag:s30] =	ssyncset.done $0x0  }
0xfa: {  	s20 =	simm.s32 $0x4F00;
	[sflag:s30] =	ssyncadd.s32 $0xFFFFF800  }
0xfb: {  	[spmem:s3] =	stream.indirect.scatter.add.f32 [tilespmem:s19], [sflag:$0x13], $0x10, s20, s14, $0xb8;
	[tilespmem:$0xC780] =	vst v63  }
0xfc: {  	_ =	swait.ge [sflag:s1], $0x800  }
0xfd: {  	[sflag:s1] =	ssyncset.done $0x0  }
0xfe: {  	s21 =	simm.s32 $0x4F80;
	[sflag:s1] =	ssyncadd.s32 $0xFFFFF800  }
0xff: {  	[spmem:s3] =	stream.indirect.scatter.add.f32 [tilespmem:s18], [sflag:$0x14], $0x10, s21, s14, $0xb8;
	[tilespmem:$0xC780] =	vst v63  }
0x100: {  	_ =	swait.ge [sflag:s7], $0x800  }
0x101: {  	[sflag:s7] =	ssyncset.done $0x0  }
0x102: {  	[sflag:s7] =	ssyncadd.s32 $0xFFFFF800  }
0x103: {  	_ =	swait.ge [sflag:s8], $0x800  }
0x104: {  	[sflag:s8] =	ssyncset.done $0x0  }
0x105: {  	[sflag:s8] =	ssyncadd.s32 $0xFFFFF800  }
0x106: {  	_ =	swait.ge [sflag:s9], $0x800  }
0x107: {  	[sflag:s9] =	ssyncset.done $0x0  }
0x108: {  	[sflag:s9] =	ssyncadd.s32 $0xFFFFF800  }
0x109: {  	_ =	swait.ge [sflag:s10], $0x800  }
0x10a: {  	[sflag:s10] =	ssyncset.done $0x0  }
0x10b: {  	[sflag:s10] =	ssyncadd.s32 $0xFFFFF800  }
0x10c: {  	_ =	swait.ge [sflag:s4], $0x800  }
0x10d: {  	[sflag:s4] =	ssyncset.done $0x0  }
0x10e: {  	[sflag:s4] =	ssyncadd.s32 $0xFFFFF800  }
0x10f: {  	_ =	swait.ge [sflag:s6], $0x800  }
0x110: {  	[sflag:s6] =	ssyncset.done $0x0  }
0x111: {  	[sflag:s6] =	ssyncadd.s32 $0xFFFFF800  }
0x112: {  	_ =	swait.ge [sflag:s11], $0x800  }
0x113: {  	[sflag:s11] =	ssyncset.done $0x0  }
0x114: {  	[sflag:s11] =	ssyncadd.s32 $0xFFFFF800  }
0x115: {  	_ =	swait.ge [sflag:s12], $0x800  }
0x116: {  	[sflag:s12] =	ssyncset.done $0x0  }
0x117: {  	[sflag:s12] =	ssyncadd.s32 $0xFFFFF800  }
0x118: {  	_ =	swait.ge [sflag:s15], $0x800  }
0x119: {  	[sflag:s15] =	ssyncset.done $0x0  }
0x11a: {  	[sflag:s15] =	ssyncadd.s32 $0xFFFFF800  }
0x11b: {  	_ =	swait.ge [sflag:s16], $0x800  }
0x11c: {  	[sflag:s16] =	ssyncset.done $0x0  }
0x11d: {  	[sflag:s16] =	ssyncadd.s32 $0xFFFFF800  }
0x11e: {  	[bflag:$0x0] =	sbarrier.arrive $0xFFFF  }
0x11f: {  	s13 =	rddreg [dreg:$0x4]  }
0x120: {  	s22 =	rddreg [dreg:$0x7]  }
0x121: {  	s24 =	simm.s32 $0x15;
	s20 =	rddreg [dreg:$0x9]  }
0x122: {  	[hbm:s22], [sflag:s13] =	dma.local [spmem:s20], $0x4F0  }
0x123: {  	_ =	swait.ge [sflag:s24], $0x4F0  }
0x124: {  	s26 =	rddreg [dreg:$0xa]  }
0x125: {  	s29 =	rddreg [dreg:$0x8];
	s0 =	sadd.s32 $0x1, s26  }
0x126: {  	p0 =	sne.s32 s0, s29  }
.Ltmp1:
0x127: {  	_ = 	snop;
	(pc) =	sbr.rel @p0 .LBB2_1-.Ltmp1, $3  }
0x128: {  	_ =	sdelay $0x1  }
0x129: {  	s31 =	simm.s32 $0x15;
	[sflag:s24] =	ssyncset.done $0x0  }
0x12a: {  	[sflag:s31] =	ssyncadd.s32 $0xFFFFFB10  }
0x12b: {  	_ =	sfence.sel $0x180000  }
0x12c: {  	[bflag:$0x0] =	sbarrier.arrive $0xFFFF  }
0x12d: {  	_ =	strace $0x9000004D  }
0x12e: {  	s0 =	stileid.u32;
	[bflag:$0x2] =	sbarrier.arrive $0xFFFF  }
0x12f: {  	p0 =	sne.s32 s0, $0x0;
	s0 =	rddreg [dreg:$0x3]  }
0x130: {  	s0 =	sadd.s32 @!p0 $0x100000, s0  }
0x131: {  	[sflag:s0] =	ssyncadd.tile.s32 @!p0 $0x1;
	_ =	shalt  }
.Lfunc_end2:
_tile_overlayer_lowered:
.L_overlay_start_2:
0x132: {  	(tag) =	ssettag $0x2  }
0x133: {  	s0 =	rddreg [dreg:$0x0];
	s2 =	stileid.u32  }
0x134: {  	s1 =	rddreg [dreg:$0x1];
	p0 =	sne.s32 s2, $0x0  }
0x135: {  	s3 =	rddreg [dreg:$0x2];
	[bflag:$0x3] =	sbarrier.arrive $0xFFFF;
	s2 =	simm.s32 @!p0 $0x1C15  }
0x136: {  	[timem:s3], [sflag:s2] =	dma.local @!p0 [hbm:s0], s1  }
0x137: {  	s0 =	simm.s32 @!p0 $0x15  }
0x138: {  	_ =	swait.ge @!p0 [sflag:s0], s1  }
0x139: {  	s1 =	ssub.s32 @!p0 $0x0, s1;
	[sflag:s0] =	ssyncset.done @!p0 $0x0  }
0x13a: {  	[sflag:s0] =	ssyncadd.s32 @!p0 s1  }
0x13b: {  	[bflag:$0x3] =	sbarrier.arrive $0xFFFF  }
0x13c: {  	_ =	shalt  }

</sc_bundles>
